<compile_context>
chip_gen: v7x
topology: tpu7x:2x2x1
jax: 0.10.2.dev20260603
libtpu: 0.0.44.dev20260713+nightly
codegen_flags: <defaults>
</compile_context>

<pallas_src>
import math

import jax
import jax.numpy as jnp
from jax import lax
from jax.experimental import pallas as pl
from jax.experimental.pallas import tpu as pltpu
import jax.experimental.pallas.tpu_sc as plsc

_N = 10000
_E = 320000
_D = 128
_H = 8
_DK = 16
_SCALE = 1.0 / math.sqrt(_DK)

_NC = 2
_NS = 16
_NW = _NC * _NS
_EPW = _E // _NW
_C = 40
_NCHUNK = _EPW // _C
_NPAD = 10240
_ROWS_PER_TILE = _NPAD // _NS
_DROWS = _NPAD // 16
_TROWS = _NPAD + _DROWS
_TROWS_PER_TILE = _TROWS // _NS


def _proj_body(x_ref, wq_ref, bq_ref, wk_ref, bk_ref, wv_ref, bv_ref,
               q_ref, kv_ref):
    xb = x_ref[...]
    q = jnp.dot(xb, wq_ref[...], preferred_element_type=jnp.float32)
    q = (q + bq_ref[...]) * _SCALE
    k = jnp.dot(xb, wk_ref[...], preferred_element_type=jnp.float32) + bk_ref[...]
    v = jnp.dot(xb, wv_ref[...], preferred_element_type=jnp.float32) + bv_ref[...]
    q_ref[...] = q
    kv_ref[...] = jnp.concatenate([k, v], axis=1)


def _proj(x, wq, bq, wk, bk, wv, bv):
    nb = 10
    br = _N // nb
    full = pl.BlockSpec((_D, _D), lambda i: (0, 0))
    bias = pl.BlockSpec((1, _D), lambda i: (0, 0))
    return pl.pallas_call(
        _proj_body,
        grid=(nb,),
        in_specs=[pl.BlockSpec((br, _D), lambda i: (i, 0)),
                  full, bias, full, bias, full, bias],
        out_specs=[pl.BlockSpec((br, _D), lambda i: (i, 0)),
                   pl.BlockSpec((br, 2 * _D), lambda i: (i, 0))],
        out_shape=[jax.ShapeDtypeStruct((_N, _D), jnp.float32),
                   jax.ShapeDtypeStruct((_N, 2 * _D), jnp.float32)],
    )(x, wq, bq, wk, bk, wv, bv)


def _edge_body(q_hbm, kv_hbm, src_hbm, dst_hbm, logits_hbm, acc_hbm,
               src_v, dst_v, ci_v, q_v, kv_v, lg_v, cb_v,
               table, si0, si1, sg0, sg1, slg, sct):
    cid = lax.axis_index("c")
    sid = lax.axis_index("s")
    wid = cid * _NS + sid
    lanes = lax.iota(jnp.int32, 16)
    zeros16 = jnp.zeros((16,), jnp.float32)
    si = (si0, si1)
    sg = (sg0, sg1)

    def _zc(t, _):
        i = t // (_D // 16)
        j = t % (_D // 16)
        cb_v[i, pl.ds(j * 16, 16)] = zeros16
        return 0
    lax.fori_loop(0, 2 * _C * (_D // 16), _zc, 0)
    tbase = sid * _TROWS_PER_TILE
    for r in range(_TROWS_PER_TILE // (2 * _C)):
        pltpu.sync_copy(cb_v, table.at[pl.ds(tbase + r * 2 * _C, 2 * _C)])
    pltpu.sync_copy(
        cb_v.at[pl.ds(0, _TROWS_PER_TILE % (2 * _C))],
        table.at[pl.ds(tbase + (_TROWS_PER_TILE // (2 * _C)) * 2 * _C,
                       _TROWS_PER_TILE % (2 * _C))])
    plsc.subcore_barrier()

    ebase = wid * _EPW
    hcol = (lanes & 7) * _DK
    high8 = lanes >= 8

    def issue_idx(c, p):
        off = ebase + c * _C
        pltpu.async_copy(src_hbm.at[pl.ds(off, _C)], src_v.at[p], si[p])
        pltpu.async_copy(dst_hbm.at[pl.ds(off, _C)], dst_v.at[p], si[p])

    def wait_idx(p):
        pltpu.make_async_copy(
            src_hbm.at[pl.ds(0, _C)], src_v.at[p], si[p]).wait()
        pltpu.make_async_copy(
            dst_hbm.at[pl.ds(0, _C)], dst_v.at[p], si[p]).wait()

    def issue_gather(p):
        pltpu.async_copy(q_hbm.at[src_v.at[p]], q_v.at[p], sg[p])
        pltpu.async_copy(kv_hbm.at[dst_v.at[p]], kv_v.at[p], sg[p])

    def wait_gather(p):
        pltpu.make_async_copy(q_hbm.at[src_v.at[p]], q_v.at[p], sg[p]).wait()
        pltpu.make_async_copy(
            kv_hbm.at[dst_v.at[p]], kv_v.at[p], sg[p]).wait()

    def wait_flush():
        pltpu.make_async_copy(
            lg_v, logits_hbm.at[pl.ds(0, _C * _H)], slg).wait()
        pltpu.make_async_copy(cb_v, table.at[ci_v], sct).wait()

    def compute_and_flush(c, p):
        for t in (0, 16, _C - 16):
            sv = src_v[p, pl.ds(t, 16)]
            ci_v[pl.ds(t, 16)] = sv
            ci_v[pl.ds(_C + t, 16)] = (
                lax.shift_right_logical(sv, 4) + _NPAD)

        @plsc.parallel_loop(0, _C // 2, unroll=1)
        def _pair(j):
            i0 = j * 2
            row = i0 + jnp.where(high8, 1, 0)
            pvec = jnp.full((16,), p, jnp.int32)
            a = [zeros16] * 4
            for d in range(_DK):
                gq = plsc.load_gather(q_v, [pvec, row, hcol + d])
                gk = plsc.load_gather(kv_v, [pvec, row, hcol + d])
                a[d % 4] = a[d % 4] + gq * gk
            lg = (a[0] + a[1]) + (a[2] + a[3])
            lg_v[pl.ds(j * 16, 16)] = lg
            ev = jnp.exp(lg)
            for h in range(_D // 16):
                cb_v[_C + i0, pl.ds(h * 16, 16)] = zeros16
                cb_v[_C + i0 + 1, pl.ds(h * 16, 16)] = zeros16
            sb = plsc.load_gather(ci_v, [row])
            dcol = (sb & 15) * _H + (lanes & 7)
            plsc.store_scatter(cb_v, [_C + row, dcol], ev)
            for ii in range(2):
                i = i0 + ii
                for h in range(8):
                    eb = jnp.take(ev, jnp.full((16,), ii * 8 + h, jnp.int32),
                                  mode="fill")
                    vv = kv_v[p, i, pl.ds(_D + h * 16, 16)]
                    cb_v[i, pl.ds(h * 16, 16)] = vv * eb

        off = ebase + c * _C
        pltpu.async_copy(lg_v, logits_hbm.at[pl.ds(off * _H, _C * _H)], slg)
        pltpu.async_copy(cb_v, table.at[ci_v], sct, add=True)

    issue_idx(0, 0)
    issue_idx(1, 1)
    wait_idx(0)
    issue_gather(0)

    def _super(g, _):
        c0 = g * 2
        wait_idx(1)
        issue_gather(1)
        @pl.when(g > 0)
        def _():
            wait_flush()
        wait_gather(0)
        @pl.when(g < (_NCHUNK // 2) - 1)
        def _():
            issue_idx(c0 + 2, 0)
        compute_and_flush(c0, 0)
        @pl.when(g < (_NCHUNK // 2) - 1)
        def _():
            wait_idx(0)
            issue_gather(0)
        wait_flush()
        wait_gather(1)
        @pl.when(g < (_NCHUNK // 2) - 1)
        def _():
            issue_idx(c0 + 3, 1)
        compute_and_flush(c0 + 1, 1)
        return 0
    lax.fori_loop(0, _NCHUNK // 2, _super, 0)
    wait_flush()

    plsc.subcore_barrier()
    pltpu.sync_copy(
        table.at[pl.ds(tbase, _TROWS_PER_TILE)],
        acc_hbm.at[cid, pl.ds(tbase, _TROWS_PER_TILE)])


def _make_edge():
    return pl.kernel(
        _edge_body,
        out_type=[jax.ShapeDtypeStruct((_E * _H,), jnp.float32),
                  jax.ShapeDtypeStruct((_NC, _TROWS, _D), jnp.float32)],
        mesh=plsc.VectorSubcoreMesh(core_axis_name="c", subcore_axis_name="s"),
        compiler_params=pltpu.CompilerParams(needs_layout_passes=False),
        scratch_types=[
            pltpu.VMEM((2, _C), jnp.int32),
            pltpu.VMEM((2, _C), jnp.int32),
            pltpu.VMEM((2 * _C,), jnp.int32),
            pltpu.VMEM((2, _C, _D), jnp.float32),
            pltpu.VMEM((2, _C, 2 * _D), jnp.float32),
            pltpu.VMEM((_C * _H,), jnp.float32),
            pltpu.VMEM((2 * _C, _D), jnp.float32),
            pltpu.VMEM_SHARED((_TROWS, _D), jnp.float32),
            pltpu.SemaphoreType.DMA,
            pltpu.SemaphoreType.DMA,
            pltpu.SemaphoreType.DMA,
            pltpu.SemaphoreType.DMA,
            pltpu.SemaphoreType.DMA,
            pltpu.SemaphoreType.DMA,
        ],
    )


def _out_body(a0_ref, a1_ref, den_ref, wo_ref, bo_ref, o_ref):
    attn = a0_ref[...] + a1_ref[...]
    den8 = den_ref[...]
    r_i = lax.broadcasted_iota(jnp.int32, (_H, _D), 0)
    c_i = lax.broadcasted_iota(jnp.int32, (_H, _D), 1)
    expand = jnp.where((c_i // _DK) == r_i, 1.0, 0.0)
    den = jnp.dot(den8, expand, preferred_element_type=jnp.float32)
    nz = den != 0.0
    attn = jnp.where(nz, attn / jnp.where(nz, den, 1.0), 0.0)
    o_ref[...] = (jnp.dot(attn, wo_ref[...], preferred_element_type=jnp.float32)
                  + bo_ref[...])


def _outproj(a0, a1, den, wo, bo):
    nb = 10
    br = _NPAD // nb
    return pl.pallas_call(
        _out_body,
        grid=(nb,),
        in_specs=[pl.BlockSpec((br, _D), lambda i: (i, 0)),
                  pl.BlockSpec((br, _D), lambda i: (i, 0)),
                  pl.BlockSpec((br, _H), lambda i: (i, 0)),
                  pl.BlockSpec((_D, _D), lambda i: (0, 0)),
                  pl.BlockSpec((1, _D), lambda i: (0, 0))],
        out_specs=pl.BlockSpec((br, _D), lambda i: (i, 0)),
        out_shape=jax.ShapeDtypeStruct((_NPAD, _D), jnp.float32),
    )(a0, a1, den, wo, bo)


def kernel(x, edge_index, Wq, bq, Wk, bk, Wv, bv, Wo, bo):
    q, kv = _proj(x, Wq, bq.reshape(1, _D), Wk, bk.reshape(1, _D),
                  Wv, bv.reshape(1, _D))
    logits_flat, accden = _make_edge()(q, kv, edge_index[0], edge_index[1])
    den = (accden[0, _NPAD:] + accden[1, _NPAD:]).reshape(_NPAD, _H)
    out = _outproj(accden[0, :_NPAD], accden[1, :_NPAD], den, Wo,
                   bo.reshape(1, _D))[:_N]
    logits = logits_flat.reshape(_E, _H, 1)
    return out, logits

# --- scband reference (transcript-rebuilt; emitter-appended) ---
"""Pipeline reference for scband-scatter-self-attention-13408887898530 (READ-ONLY COPY).

The authoritative reference and input builder live on the scoring server;
editing this copy changes nothing except your own understanding.
"""

import math
import jax, jax.numpy as jnp
import numpy as np

N = 10000
E = 320000
D = 128
H = 8
DK = D // H


def setup_inputs(seed: int = 0) -> dict:
    key = jax.random.key(seed)
    ks = jax.random.split(key, 10)
    x = jax.random.normal(ks[0], (N, D), dtype=jnp.float32)
    edge_index = jax.random.randint(ks[1], (2, E), 0, N, dtype=jnp.int32)
    # xavier_uniform bound for [D, D] linear
    b = math.sqrt(6.0 / (D + D))
    Wq = jax.random.uniform(ks[2], (D, D), minval=-b, maxval=b, dtype=jnp.float32)
    Wk = jax.random.uniform(ks[3], (D, D), minval=-b, maxval=b, dtype=jnp.float32)
    Wv = jax.random.uniform(ks[4], (D, D), minval=-b, maxval=b, dtype=jnp.float32)
    bq = jnp.zeros((D,), dtype=jnp.float32)
    bk = jnp.zeros((D,), dtype=jnp.float32)
    bv = jnp.zeros((D,), dtype=jnp.float32)
    bo_bound = 1.0 / math.sqrt(D)
    Wo = jax.random.uniform(ks[5], (D, D), minval=-bo_bound, maxval=bo_bound, dtype=jnp.float32)
    bo = jax.random.uniform(ks[6], (D,), minval=-bo_bound, maxval=bo_bound, dtype=jnp.float32)
    return {"x": x, "edge_index": edge_index, "Wq": Wq, "bq": bq, "Wk": Wk, "bk": bk, "Wv": Wv, "bv": bv, "Wo": Wo, "bo": bo}


def reference(x, edge_index, Wq, bq, Wk, bk, Wv, bv, Wo, bo):
    src = edge_index[0]
    dst = edge_index[1]
    n_edges = src.shape[0]
    n_nodes = x.shape[0]
    scale = 1.0 / math.sqrt(DK)
    # Projection: linear then gather then reshape to [E, H, DK]
    q = (x @ Wq + bq)[src].reshape(n_edges, H, DK)
    k = (x @ Wk + bk)[dst].reshape(n_edges, H, DK)
    v = (x @ Wv + bv)[dst].reshape(n_edges, H, DK)
    logits = scale * jnp.sum(q * k, axis=2, keepdims=True)  # [E, H, 1]
    # scatter_softmax over dim 0 grouped by src
    seg_max = jax.ops.segment_max(logits, src, num_segments=n_nodes)  # [N, H, 1]
    seg_max = jnp.where(jnp.isfinite(seg_max), seg_max, 0.0)
    ex = jnp.exp(logits - seg_max[src])
    denom = jax.ops.segment_sum(ex, src, num_segments=n_nodes)
    scores = ex / denom[src]
    # dropout p=0.0 -> identity
    self_att = jax.ops.segment_sum(scores * v, src, num_segments=n_nodes)  # [N, H, DK]
    self_att = self_att.reshape(n_nodes, H * DK)
    out = self_att @ Wo + bo
    return out, logits

if __name__ == "__main__":
    import jax
    _d = setup_inputs()
    print(jax.jit(kernel)(*tuple(_d.values())))

</pallas_src>

<mosaic_0001>
#map = affine_map<(d0, d1) -> (0, 0)>
#map1 = affine_map<(d0, d1) -> (0)>
#map2 = affine_map<(d0, d1) -> (0, 0, 0)>
module attributes {stable_mosaic.version = 14 : i64} {
  func.func @_edge_body(%arg0: i32, %arg1: i32, %arg2: memref<10000x128xf32, #tpu.memory_space<hbm>>, %arg3: memref<10000x256xf32, #tpu.memory_space<hbm>>, %arg4: memref<320000xi32, #tpu.memory_space<hbm>>, %arg5: memref<320000xi32, #tpu.memory_space<hbm>>, %arg6: memref<2560000xf32, #tpu.memory_space<hbm>>, %arg7: memref<2x10880x128xf32, #tpu.memory_space<hbm>>, %arg8: memref<2x40xi32, #tpu.memory_space<vmem>>, %arg9: memref<2x40xi32, #tpu.memory_space<vmem>>, %arg10: memref<80xi32, #tpu.memory_space<vmem>>, %arg11: memref<2x40x128xf32, #tpu.memory_space<vmem>>, %arg12: memref<2x40x256xf32, #tpu.memory_space<vmem>>, %arg13: memref<320xf32, #tpu.memory_space<vmem>>, %arg14: memref<80x128xf32, #tpu.memory_space<vmem>>, %arg15: memref<10880x128xf32, #tpu.memory_space<vmem_shared>>, %arg16: memref<!tpu.dma_semaphore, #tpu.memory_space<semaphore_mem>>, %arg17: memref<!tpu.dma_semaphore, #tpu.memory_space<semaphore_mem>>, %arg18: memref<!tpu.dma_semaphore, #tpu.memory_space<semaphore_mem>>, %arg19: memref<!tpu.dma_semaphore, #tpu.memory_space<semaphore_mem>>, %arg20: memref<!tpu.dma_semaphore, #tpu.memory_space<semaphore_mem>>, %arg21: memref<!tpu.dma_semaphore, #tpu.memory_space<semaphore_mem>>) attributes {dimension_semantics = [#tpu.dimension_semantics<core_parallel>, #tpu.dimension_semantics<subcore_parallel>], iteration_bounds = array<i64: 2, 16>, scalar_prefetch = 0 : i64, scratch_operands = 14 : i64, tpu.core_type = #tpu.core_type<sc_vector_subcore>, window_params = [{transform_indices = #map}, {transform_indices = #map}, {transform_indices = #map1}, {transform_indices = #map1}, {transform_indices = #map1}, {transform_indices = #map2}]} {
    %mul3A = arith.constant 16 : i32
    %mul3A_0 = arith.muli %arg0, %mul3A : i32
    %add3A = arith.addi %mul3A_0, %arg1 : i32
    %iota3A = tpu.iota {dimensions = array<i32: 0>} : vector<16xi32>
    %broadcast_in_dim3A = arith.constant 0.000000e+00 : f32
    %broadcast_in_dim3A_1 = vector.broadcast %broadcast_in_dim3A : f32 to vector<16xf32>
    %scan3A = arith.constant 0 : i32
    %scan3A_2 = arith.constant 0 : i32
    %scan3A_3 = arith.constant 640 : i32
    %scan3A_4 = arith.addi %scan3A_2, %scan3A_3 : i32
    %scan3A_5 = arith.constant 1 : i32
    %scan3A_6 = scf.for %scan3A_136 = %scan3A_2 to %scan3A_4 step %scan3A_5 iter_args(%scan3A_137 = %scan3A) -> (i32)  : i32 {
      %jit3A = arith.constant 8 : i32
      %div3A = arith.divsi %scan3A_136, %jit3A : i32
      %sign3A = arith.constant 0 : i32
      %sign3A_138 = arith.cmpi sgt, %scan3A_136, %sign3A : i32
      %sign3A_139 = arith.extui %sign3A_138 : i1 to i32
      %sign3A_140 = arith.constant 0 : i32
      %sign3A_141 = arith.cmpi slt, %scan3A_136, %sign3A_140 : i32
      %sign3A_142 = arith.extui %sign3A_141 : i1 to i32
      %sign3A_143 = arith.subi %sign3A_139, %sign3A_142 : i32
      %sign3A_144 = arith.constant 0 : i32
      %sign3A_145 = arith.cmpi sgt, %jit3A, %sign3A_144 : i32
      %sign3A_146 = arith.extui %sign3A_145 : i1 to i32
      %sign3A_147 = arith.constant 0 : i32
      %sign3A_148 = arith.cmpi slt, %jit3A, %sign3A_147 : i32
      %sign3A_149 = arith.extui %sign3A_148 : i1 to i32
      %sign3A_150 = arith.subi %sign3A_146, %sign3A_149 : i32
      %ne3A = arith.cmpi ne, %sign3A_143, %sign3A_150 : i32
      %rem3A = arith.remsi %scan3A_136, %jit3A : i32
      %ne3A_151 = arith.constant 0 : i32
      %ne3A_152 = arith.cmpi ne, %rem3A, %ne3A_151 : i32
      %and3A_153 = arith.andi %ne3A, %ne3A_152 : i1
      %sub3A = arith.constant 1 : i32
      %sub3A_154 = arith.subi %div3A, %sub3A : i32
      %select_n3A = arith.select %and3A_153, %sub3A_154, %div3A : i32
      %jit3A_155 = arith.constant 8 : i32
      %eq3A = arith.constant 0 : i32
      %eq3A_156 = arith.cmpi eq, %jit3A_155, %eq3A : i32
      %jit3A_157 = arith.constant 1 : i32
      %select_n3A_158 = arith.select %eq3A_156, %jit3A_157, %jit3A_155 : i32
      %rem3A_159 = arith.remsi %scan3A_136, %select_n3A_158 : i32
      %ne3A_160 = arith.constant 0 : i32
      %ne3A_161 = arith.cmpi ne, %rem3A_159, %ne3A_160 : i32
      %lt3A = arith.constant 0 : i32
      %lt3A_162 = arith.cmpi slt, %rem3A_159, %lt3A : i32
      %lt3A_163 = arith.constant 0 : i32
      %lt3A_164 = arith.cmpi slt, %select_n3A_158, %lt3A_163 : i32
      %ne3A_165 = arith.xori %lt3A_162, %lt3A_164 : i1
      %and3A_166 = arith.andi %ne3A_165, %ne3A_161 : i1
      %add3A_167 = arith.addi %rem3A_159, %select_n3A_158 : i32
      %select_n3A_168 = arith.select %and3A_166, %add3A_167, %rem3A_159 : i32
      %mul3A_169 = arith.constant 16 : i32
      %mul3A_170 = arith.muli %select_n3A_168, %mul3A_169 : i32
      %swap3A = arith.index_cast %select_n3A : i32 to index
      %swap3A_171 = arith.index_cast %mul3A_170 : i32 to index
      %swap3A_172 = tpu.vector_load %arg14[%swap3A, %swap3A_171] {strides = array<i32>} : memref<80x128xf32, #tpu.memory_space<vmem>>, vector<16xf32>,
      tpu.vector_store %arg14[%swap3A, %swap3A_171], %broadcast_in_dim3A_1 {strides = array<i32>} : memref<80x128xf32, #tpu.memory_space<vmem>>, vector<16xf32>,
      %scan3A_173 = arith.constant 0 : i32
      scf.yield %scan3A_173 : i32
    }
    %scan3A_7 = arith.constant 640 : i32
    %mul3A_8 = arith.constant 680 : i32
    %mul3A_9 = arith.muli %arg1, %mul3A_8 : i32
    %add3A_10 = arith.constant 0 : i32
    %add3A_11 = arith.addi %mul3A_9, %add3A_10 : i32
    "tpu.region"() ({
      %run_scoped3A = tpu.sem_alloc : memref<!tpu.dma_semaphore, #tpu.memory_space<semaphore_mem>>
      %dma_start3A_136 = arith.constant 0 : i32
      %dma_start3A_137 = tpu.memref_slice %arg15[%add3A_11, %dma_start3A_136] : memref<10880x128xf32, #tpu.memory_space<vmem_shared>> -> memref<80x128xf32, #tpu.memory_space<vmem_shared>>
      %dma_start3A_138 = arith.constant 0 : i32
      %dma_start3A_139 = tpu.memref_slice %arg15[%add3A_11, %dma_start3A_138] : memref<10880x128xf32, #tpu.memory_space<vmem_shared>> -> memref<80x128xf32, #tpu.memory_space<vmem_shared>>
      tpu.enqueue_dma source(%arg14 : memref<80x128xf32, #tpu.memory_space<vmem>>) target(%dma_start3A_139 : memref<80x128xf32, #tpu.memory_space<vmem_shared>>) target_semaphore(%run_scoped3A : memref<!tpu.dma_semaphore, #tpu.memory_space<semaphore_mem>>)
      %dma_wait3A_140 = arith.constant 0 : i32
      %dma_wait3A_141 = tpu.memref_slice %arg15[%add3A_11, %dma_wait3A_140] : memref<10880x128xf32, #tpu.memory_space<vmem_shared>> -> memref<80x128xf32, #tpu.memory_space<vmem_shared>>
      %dma_wait3A_142 = arith.constant 0 : i32
      %dma_wait3A_143 = tpu.memref_slice %arg15[%add3A_11, %dma_wait3A_142] : memref<10880x128xf32, #tpu.memory_space<vmem_shared>> -> memref<80x128xf32, #tpu.memory_space<vmem_shared>>
      tpu.wait_dma2 semaphore(%run_scoped3A : memref<!tpu.dma_semaphore, #tpu.memory_space<semaphore_mem>>) src(%arg14 : memref<80x128xf32, #tpu.memory_space<vmem>>) dst(%dma_wait3A_143 : memref<80x128xf32, #tpu.memory_space<vmem_shared>>)
      tpu.yield
    }) : () -> ()
    %add3A_12 = arith.constant 80 : i32
    %add3A_13 = arith.addi %mul3A_9, %add3A_12 : i32
    "tpu.region"() ({
      %run_scoped3A = tpu.sem_alloc : memref<!tpu.dma_semaphore, #tpu.memory_space<semaphore_mem>>
      %dma_start3A_136 = arith.constant 0 : i32
      %dma_start3A_137 = tpu.memref_slice %arg15[%add3A_13, %dma_start3A_136] : memref<10880x128xf32, #tpu.memory_space<vmem_shared>> -> memref<80x128xf32, #tpu.memory_space<vmem_shared>>
      %dma_start3A_138 = arith.constant 0 : i32
      %dma_start3A_139 = tpu.memref_slice %arg15[%add3A_13, %dma_start3A_138] : memref<10880x128xf32, #tpu.memory_space<vmem_shared>> -> memref<80x128xf32, #tpu.memory_space<vmem_shared>>
      tpu.enqueue_dma source(%arg14 : memref<80x128xf32, #tpu.memory_space<vmem>>) target(%dma_start3A_139 : memref<80x128xf32, #tpu.memory_space<vmem_shared>>) target_semaphore(%run_scoped3A : memref<!tpu.dma_semaphore, #tpu.memory_space<semaphore_mem>>)
      %dma_wait3A_140 = arith.constant 0 : i32
      %dma_wait3A_141 = tpu.memref_slice %arg15[%add3A_13, %dma_wait3A_140] : memref<10880x128xf32, #tpu.memory_space<vmem_shared>> -> memref<80x128xf32, #tpu.memory_space<vmem_shared>>
      %dma_wait3A_142 = arith.constant 0 : i32
      %dma_wait3A_143 = tpu.memref_slice %arg15[%add3A_13, %dma_wait3A_142] : memref<10880x128xf32, #tpu.memory_space<vmem_shared>> -> memref<80x128xf32, #tpu.memory_space<vmem_shared>>
      tpu.wait_dma2 semaphore(%run_scoped3A : memref<!tpu.dma_semaphore, #tpu.memory_space<semaphore_mem>>) src(%arg14 : memref<80x128xf32, #tpu.memory_space<vmem>>) dst(%dma_wait3A_143 : memref<80x128xf32, #tpu.memory_space<vmem_shared>>)
      tpu.yield
    }) : () -> ()
    %add3A_14 = arith.constant 160 : i32
    %add3A_15 = arith.addi %mul3A_9, %add3A_14 : i32
    "tpu.region"() ({
      %run_scoped3A = tpu.sem_alloc : memref<!tpu.dma_semaphore, #tpu.memory_space<semaphore_mem>>
      %dma_start3A_136 = arith.constant 0 : i32
      %dma_start3A_137 = tpu.memref_slice %arg15[%add3A_15, %dma_start3A_136] : memref<10880x128xf32, #tpu.memory_space<vmem_shared>> -> memref<80x128xf32, #tpu.memory_space<vmem_shared>>
      %dma_start3A_138 = arith.constant 0 : i32
      %dma_start3A_139 = tpu.memref_slice %arg15[%add3A_15, %dma_start3A_138] : memref<10880x128xf32, #tpu.memory_space<vmem_shared>> -> memref<80x128xf32, #tpu.memory_space<vmem_shared>>
      tpu.enqueue_dma source(%arg14 : memref<80x128xf32, #tpu.memory_space<vmem>>) target(%dma_start3A_139 : memref<80x128xf32, #tpu.memory_space<vmem_shared>>) target_semaphore(%run_scoped3A : memref<!tpu.dma_semaphore, #tpu.memory_space<semaphore_mem>>)
      %dma_wait3A_140 = arith.constant 0 : i32
      %dma_wait3A_141 = tpu.memref_slice %arg15[%add3A_15, %dma_wait3A_140] : memref<10880x128xf32, #tpu.memory_space<vmem_shared>> -> memref<80x128xf32, #tpu.memory_space<vmem_shared>>
      %dma_wait3A_142 = arith.constant 0 : i32
      %dma_wait3A_143 = tpu.memref_slice %arg15[%add3A_15, %dma_wait3A_142] : memref<10880x128xf32, #tpu.memory_space<vmem_shared>> -> memref<80x128xf32, #tpu.memory_space<vmem_shared>>
      tpu.wait_dma2 semaphore(%run_scoped3A : memref<!tpu.dma_semaphore, #tpu.memory_space<semaphore_mem>>) src(%arg14 : memref<80x128xf32, #tpu.memory_space<vmem>>) dst(%dma_wait3A_143 : memref<80x128xf32, #tpu.memory_space<vmem_shared>>)
      tpu.yield
    }) : () -> ()
    %add3A_16 = arith.constant 240 : i32
    %add3A_17 = arith.addi %mul3A_9, %add3A_16 : i32
    "tpu.region"() ({
      %run_scoped3A = tpu.sem_alloc : memref<!tpu.dma_semaphore, #tpu.memory_space<semaphore_mem>>
      %dma_start3A_136 = arith.constant 0 : i32
      %dma_start3A_137 = tpu.memref_slice %arg15[%add3A_17, %dma_start3A_136] : memref<10880x128xf32, #tpu.memory_space<vmem_shared>> -> memref<80x128xf32, #tpu.memory_space<vmem_shared>>
      %dma_start3A_138 = arith.constant 0 : i32
      %dma_start3A_139 = tpu.memref_slice %arg15[%add3A_17, %dma_start3A_138] : memref<10880x128xf32, #tpu.memory_space<vmem_shared>> -> memref<80x128xf32, #tpu.memory_space<vmem_shared>>
      tpu.enqueue_dma source(%arg14 : memref<80x128xf32, #tpu.memory_space<vmem>>) target(%dma_start3A_139 : memref<80x128xf32, #tpu.memory_space<vmem_shared>>) target_semaphore(%run_scoped3A : memref<!tpu.dma_semaphore, #tpu.memory_space<semaphore_mem>>)
      %dma_wait3A_140 = arith.constant 0 : i32
      %dma_wait3A_141 = tpu.memref_slice %arg15[%add3A_17, %dma_wait3A_140] : memref<10880x128xf32, #tpu.memory_space<vmem_shared>> -> memref<80x128xf32, #tpu.memory_space<vmem_shared>>
      %dma_wait3A_142 = arith.constant 0 : i32
      %dma_wait3A_143 = tpu.memref_slice %arg15[%add3A_17, %dma_wait3A_142] : memref<10880x128xf32, #tpu.memory_space<vmem_shared>> -> memref<80x128xf32, #tpu.memory_space<vmem_shared>>
      tpu.wait_dma2 semaphore(%run_scoped3A : memref<!tpu.dma_semaphore, #tpu.memory_space<semaphore_mem>>) src(%arg14 : memref<80x128xf32, #tpu.memory_space<vmem>>) dst(%dma_wait3A_143 : memref<80x128xf32, #tpu.memory_space<vmem_shared>>)
      tpu.yield
    }) : () -> ()
    %add3A_18 = arith.constant 320 : i32
    %add3A_19 = arith.addi %mul3A_9, %add3A_18 : i32
    "tpu.region"() ({
      %run_scoped3A = tpu.sem_alloc : memref<!tpu.dma_semaphore, #tpu.memory_space<semaphore_mem>>
      %dma_start3A_136 = arith.constant 0 : i32
      %dma_start3A_137 = tpu.memref_slice %arg15[%add3A_19, %dma_start3A_136] : memref<10880x128xf32, #tpu.memory_space<vmem_shared>> -> memref<80x128xf32, #tpu.memory_space<vmem_shared>>
      %dma_start3A_138 = arith.constant 0 : i32
      %dma_start3A_139 = tpu.memref_slice %arg15[%add3A_19, %dma_start3A_138] : memref<10880x128xf32, #tpu.memory_space<vmem_shared>> -> memref<80x128xf32, #tpu.memory_space<vmem_shared>>
      tpu.enqueue_dma source(%arg14 : memref<80x128xf32, #tpu.memory_space<vmem>>) target(%dma_start3A_139 : memref<80x128xf32, #tpu.memory_space<vmem_shared>>) target_semaphore(%run_scoped3A : memref<!tpu.dma_semaphore, #tpu.memory_space<semaphore_mem>>)
      %dma_wait3A_140 = arith.constant 0 : i32
      %dma_wait3A_141 = tpu.memref_slice %arg15[%add3A_19, %dma_wait3A_140] : memref<10880x128xf32, #tpu.memory_space<vmem_shared>> -> memref<80x128xf32, #tpu.memory_space<vmem_shared>>
      %dma_wait3A_142 = arith.constant 0 : i32
      %dma_wait3A_143 = tpu.memref_slice %arg15[%add3A_19, %dma_wait3A_142] : memref<10880x128xf32, #tpu.memory_space<vmem_shared>> -> memref<80x128xf32, #tpu.memory_space<vmem_shared>>
      tpu.wait_dma2 semaphore(%run_scoped3A : memref<!tpu.dma_semaphore, #tpu.memory_space<semaphore_mem>>) src(%arg14 : memref<80x128xf32, #tpu.memory_space<vmem>>) dst(%dma_wait3A_143 : memref<80x128xf32, #tpu.memory_space<vmem_shared>>)
      tpu.yield
    }) : () -> ()
    %add3A_20 = arith.constant 400 : i32
    %add3A_21 = arith.addi %mul3A_9, %add3A_20 : i32
    "tpu.region"() ({
      %run_scoped3A = tpu.sem_alloc : memref<!tpu.dma_semaphore, #tpu.memory_space<semaphore_mem>>
      %dma_start3A_136 = arith.constant 0 : i32
      %dma_start3A_137 = tpu.memref_slice %arg15[%add3A_21, %dma_start3A_136] : memref<10880x128xf32, #tpu.memory_space<vmem_shared>> -> memref<80x128xf32, #tpu.memory_space<vmem_shared>>
      %dma_start3A_138 = arith.constant 0 : i32
      %dma_start3A_139 = tpu.memref_slice %arg15[%add3A_21, %dma_start3A_138] : memref<10880x128xf32, #tpu.memory_space<vmem_shared>> -> memref<80x128xf32, #tpu.memory_space<vmem_shared>>
      tpu.enqueue_dma source(%arg14 : memref<80x128xf32, #tpu.memory_space<vmem>>) target(%dma_start3A_139 : memref<80x128xf32, #tpu.memory_space<vmem_shared>>) target_semaphore(%run_scoped3A : memref<!tpu.dma_semaphore, #tpu.memory_space<semaphore_mem>>)
      %dma_wait3A_140 = arith.constant 0 : i32
      %dma_wait3A_141 = tpu.memref_slice %arg15[%add3A_21, %dma_wait3A_140] : memref<10880x128xf32, #tpu.memory_space<vmem_shared>> -> memref<80x128xf32, #tpu.memory_space<vmem_shared>>
      %dma_wait3A_142 = arith.constant 0 : i32
      %dma_wait3A_143 = tpu.memref_slice %arg15[%add3A_21, %dma_wait3A_142] : memref<10880x128xf32, #tpu.memory_space<vmem_shared>> -> memref<80x128xf32, #tpu.memory_space<vmem_shared>>
      tpu.wait_dma2 semaphore(%run_scoped3A : memref<!tpu.dma_semaphore, #tpu.memory_space<semaphore_mem>>) src(%arg14 : memref<80x128xf32, #tpu.memory_space<vmem>>) dst(%dma_wait3A_143 : memref<80x128xf32, #tpu.memory_space<vmem_shared>>)
      tpu.yield
    }) : () -> ()
    %add3A_22 = arith.constant 480 : i32
    %add3A_23 = arith.addi %mul3A_9, %add3A_22 : i32
    "tpu.region"() ({
      %run_scoped3A = tpu.sem_alloc : memref<!tpu.dma_semaphore, #tpu.memory_space<semaphore_mem>>
      %dma_start3A_136 = arith.constant 0 : i32
      %dma_start3A_137 = tpu.memref_slice %arg15[%add3A_23, %dma_start3A_136] : memref<10880x128xf32, #tpu.memory_space<vmem_shared>> -> memref<80x128xf32, #tpu.memory_space<vmem_shared>>
      %dma_start3A_138 = arith.constant 0 : i32
      %dma_start3A_139 = tpu.memref_slice %arg15[%add3A_23, %dma_start3A_138] : memref<10880x128xf32, #tpu.memory_space<vmem_shared>> -> memref<80x128xf32, #tpu.memory_space<vmem_shared>>
      tpu.enqueue_dma source(%arg14 : memref<80x128xf32, #tpu.memory_space<vmem>>) target(%dma_start3A_139 : memref<80x128xf32, #tpu.memory_space<vmem_shared>>) target_semaphore(%run_scoped3A : memref<!tpu.dma_semaphore, #tpu.memory_space<semaphore_mem>>)
      %dma_wait3A_140 = arith.constant 0 : i32
      %dma_wait3A_141 = tpu.memref_slice %arg15[%add3A_23, %dma_wait3A_140] : memref<10880x128xf32, #tpu.memory_space<vmem_shared>> -> memref<80x128xf32, #tpu.memory_space<vmem_shared>>
      %dma_wait3A_142 = arith.constant 0 : i32
      %dma_wait3A_143 = tpu.memref_slice %arg15[%add3A_23, %dma_wait3A_142] : memref<10880x128xf32, #tpu.memory_space<vmem_shared>> -> memref<80x128xf32, #tpu.memory_space<vmem_shared>>
      tpu.wait_dma2 semaphore(%run_scoped3A : memref<!tpu.dma_semaphore, #tpu.memory_space<semaphore_mem>>) src(%arg14 : memref<80x128xf32, #tpu.memory_space<vmem>>) dst(%dma_wait3A_143 : memref<80x128xf32, #tpu.memory_space<vmem_shared>>)
      tpu.yield
    }) : () -> ()
    %add3A_24 = arith.constant 560 : i32
    %add3A_25 = arith.addi %mul3A_9, %add3A_24 : i32
    "tpu.region"() ({
      %run_scoped3A = tpu.sem_alloc : memref<!tpu.dma_semaphore, #tpu.memory_space<semaphore_mem>>
      %dma_start3A_136 = arith.constant 0 : i32
      %dma_start3A_137 = tpu.memref_slice %arg15[%add3A_25, %dma_start3A_136] : memref<10880x128xf32, #tpu.memory_space<vmem_shared>> -> memref<80x128xf32, #tpu.memory_space<vmem_shared>>
      %dma_start3A_138 = arith.constant 0 : i32
      %dma_start3A_139 = tpu.memref_slice %arg15[%add3A_25, %dma_start3A_138] : memref<10880x128xf32, #tpu.memory_space<vmem_shared>> -> memref<80x128xf32, #tpu.memory_space<vmem_shared>>
      tpu.enqueue_dma source(%arg14 : memref<80x128xf32, #tpu.memory_space<vmem>>) target(%dma_start3A_139 : memref<80x128xf32, #tpu.memory_space<vmem_shared>>) target_semaphore(%run_scoped3A : memref<!tpu.dma_semaphore, #tpu.memory_space<semaphore_mem>>)
      %dma_wait3A_140 = arith.constant 0 : i32
      %dma_wait3A_141 = tpu.memref_slice %arg15[%add3A_25, %dma_wait3A_140] : memref<10880x128xf32, #tpu.memory_space<vmem_shared>> -> memref<80x128xf32, #tpu.memory_space<vmem_shared>>
      %dma_wait3A_142 = arith.constant 0 : i32
      %dma_wait3A_143 = tpu.memref_slice %arg15[%add3A_25, %dma_wait3A_142] : memref<10880x128xf32, #tpu.memory_space<vmem_shared>> -> memref<80x128xf32, #tpu.memory_space<vmem_shared>>
      tpu.wait_dma2 semaphore(%run_scoped3A : memref<!tpu.dma_semaphore, #tpu.memory_space<semaphore_mem>>) src(%arg14 : memref<80x128xf32, #tpu.memory_space<vmem>>) dst(%dma_wait3A_143 : memref<80x128xf32, #tpu.memory_space<vmem_shared>>)
      tpu.yield
    }) : () -> ()
    %add3A_26 = arith.constant 640 : i32
    %add3A_27 = arith.addi %mul3A_9, %add3A_26 : i32
    "tpu.region"() ({
      %run_scoped3A = tpu.sem_alloc : memref<!tpu.dma_semaphore, #tpu.memory_space<semaphore_mem>>
      %dma_start3A_136 = arith.constant 0 : i32
      %dma_start3A_137 = arith.constant 0 : i32
      %dma_start3A_138 = tpu.memref_slice %arg14[%dma_start3A_136, %dma_start3A_137] : memref<80x128xf32, #tpu.memory_space<vmem>> -> memref<40x128xf32, #tpu.memory_space<vmem>>
      %dma_start3A_139 = arith.constant 0 : i32
      %dma_start3A_140 = tpu.memref_slice %arg15[%add3A_27, %dma_start3A_139] : memref<10880x128xf32, #tpu.memory_space<vmem_shared>> -> memref<40x128xf32, #tpu.memory_space<vmem_shared>>
      %dma_start3A_141 = arith.constant 0 : i32
      %dma_start3A_142 = tpu.memref_slice %arg15[%add3A_27, %dma_start3A_141] : memref<10880x128xf32, #tpu.memory_space<vmem_shared>> -> memref<40x128xf32, #tpu.memory_space<vmem_shared>>
      %dma_start3A_143 = arith.constant 0 : i32
      %dma_start3A_144 = arith.constant 0 : i32
      %dma_start3A_145 = tpu.memref_slice %arg14[%dma_start3A_143, %dma_start3A_144] : memref<80x128xf32, #tpu.memory_space<vmem>> -> memref<40x128xf32, #tpu.memory_space<vmem>>
      tpu.enqueue_dma source(%dma_start3A_145 : memref<40x128xf32, #tpu.memory_space<vmem>>) target(%dma_start3A_142 : memref<40x128xf32, #tpu.memory_space<vmem_shared>>) target_semaphore(%run_scoped3A : memref<!tpu.dma_semaphore, #tpu.memory_space<semaphore_mem>>)
      %dma_wait3A_146 = arith.constant 0 : i32
      %dma_wait3A_147 = arith.constant 0 : i32
      %dma_wait3A_148 = tpu.memref_slice %arg14[%dma_wait3A_146, %dma_wait3A_147] : memref<80x128xf32, #tpu.memory_space<vmem>> -> memref<40x128xf32, #tpu.memory_space<vmem>>
      %dma_wait3A_149 = arith.constant 0 : i32
      %dma_wait3A_150 = tpu.memref_slice %arg15[%add3A_27, %dma_wait3A_149] : memref<10880x128xf32, #tpu.memory_space<vmem_shared>> -> memref<40x128xf32, #tpu.memory_space<vmem_shared>>
      %dma_wait3A_151 = arith.constant 0 : i32
      %dma_wait3A_152 = tpu.memref_slice %arg15[%add3A_27, %dma_wait3A_151] : memref<10880x128xf32, #tpu.memory_space<vmem_shared>> -> memref<40x128xf32, #tpu.memory_space<vmem_shared>>
      %dma_wait3A_153 = arith.constant 0 : i32
      %dma_wait3A_154 = arith.constant 0 : i32
      %dma_wait3A_155 = tpu.memref_slice %arg14[%dma_wait3A_153, %dma_wait3A_154] : memref<80x128xf32, #tpu.memory_space<vmem>> -> memref<40x128xf32, #tpu.memory_space<vmem>>
      tpu.wait_dma2 semaphore(%run_scoped3A : memref<!tpu.dma_semaphore, #tpu.memory_space<semaphore_mem>>) src(%dma_wait3A_155 : memref<40x128xf32, #tpu.memory_space<vmem>>) dst(%dma_wait3A_152 : memref<40x128xf32, #tpu.memory_space<vmem_shared>>)
      tpu.yield
    }) : () -> ()
    %barrier3A = arith.constant 0 : index
    tpu.barrier barrier_id(%barrier3A)
    %mul3A_28 = arith.constant 10000 : i32
    %mul3A_29 = arith.muli %add3A, %mul3A_28 : i32
    %and3A = arith.constant 7 : i32
    %and3A_30 = vector.broadcast %and3A : i32 to vector<16xi32>
    %and3A_31 = arith.andi %iota3A, %and3A_30 : vector<16xi32>
    %mul3A_32 = arith.constant 16 : i32
    %mul3A_33 = vector.broadcast %mul3A_32 : i32 to vector<16xi32>
    %mul3A_34 = arith.muli %and3A_31, %mul3A_33 : vector<16xi32>
    %ge3A = arith.constant 8 : i32
    %ge3A_35 = vector.broadcast %ge3A : i32 to vector<16xi32>
    %ge3A_36 = arith.cmpi sge, %iota3A, %ge3A_35 : vector<16xi32>
    %add3A_37 = arith.constant 0 : i32
    %add3A_38 = arith.addi %mul3A_29, %add3A_37 : i32
    %dma_start3A = arith.constant 0 : i32
    %dma_start3A_39 = arith.constant 0 : i32
    %dma_start3A_40 = tpu.memref_slice %arg8[%dma_start3A, %dma_start3A_39] : memref<2x40xi32, #tpu.memory_space<vmem>> -> memref<1x40xi32, #tpu.memory_space<vmem>>
    %dma_start3A_41 = tpu.memref_squeeze %dma_start3A_40 : memref<1x40xi32, #tpu.memory_space<vmem>> -> memref<40xi32, #tpu.memory_space<vmem>>
    %dma_start3A_42 = tpu.memref_slice %arg4[%add3A_38] : memref<320000xi32, #tpu.memory_space<hbm>> -> memref<40xi32, #tpu.memory_space<hbm>>
    %dma_start3A_43 = arith.constant 0 : i32
    %dma_start3A_44 = tpu.memref_slice %arg8[%dma_start3A, %dma_start3A_43] : memref<2x40xi32, #tpu.memory_space<vmem>> -> memref<1x40xi32, #tpu.memory_space<vmem>>
    %dma_start3A_45 = tpu.memref_squeeze %dma_start3A_44 : memref<1x40xi32, #tpu.memory_space<vmem>> -> memref<40xi32, #tpu.memory_space<vmem>>
    %dma_start3A_46 = tpu.memref_slice %arg4[%add3A_38] : memref<320000xi32, #tpu.memory_space<hbm>> -> memref<40xi32, #tpu.memory_space<hbm>>
    tpu.enqueue_dma source(%dma_start3A_46 : memref<40xi32, #tpu.memory_space<hbm>>) target(%dma_start3A_45 : memref<40xi32, #tpu.memory_space<vmem>>) target_semaphore(%arg16 : memref<!tpu.dma_semaphore, #tpu.memory_space<semaphore_mem>>)
    %dma_start3A_47 = arith.constant 0 : i32
    %dma_start3A_48 = arith.constant 0 : i32
    %dma_start3A_49 = tpu.memref_slice %arg9[%dma_start3A_47, %dma_start3A_48] : memref<2x40xi32, #tpu.memory_space<vmem>> -> memref<1x40xi32, #tpu.memory_space<vmem>>
    %dma_start3A_50 = tpu.memref_squeeze %dma_start3A_49 : memref<1x40xi32, #tpu.memory_space<vmem>> -> memref<40xi32, #tpu.memory_space<vmem>>
    %dma_start3A_51 = tpu.memref_slice %arg5[%add3A_38] : memref<320000xi32, #tpu.memory_space<hbm>> -> memref<40xi32, #tpu.memory_space<hbm>>
    %dma_start3A_52 = arith.constant 0 : i32
    %dma_start3A_53 = tpu.memref_slice %arg9[%dma_start3A_47, %dma_start3A_52] : memref<2x40xi32, #tpu.memory_space<vmem>> -> memref<1x40xi32, #tpu.memory_space<vmem>>
    %dma_start3A_54 = tpu.memref_squeeze %dma_start3A_53 : memref<1x40xi32, #tpu.memory_space<vmem>> -> memref<40xi32, #tpu.memory_space<vmem>>
    %dma_start3A_55 = tpu.memref_slice %arg5[%add3A_38] : memref<320000xi32, #tpu.memory_space<hbm>> -> memref<40xi32, #tpu.memory_space<hbm>>
    tpu.enqueue_dma source(%dma_start3A_55 : memref<40xi32, #tpu.memory_space<hbm>>) target(%dma_start3A_54 : memref<40xi32, #tpu.memory_space<vmem>>) target_semaphore(%arg16 : memref<!tpu.dma_semaphore, #tpu.memory_space<semaphore_mem>>)
    %add3A_56 = arith.constant 40 : i32
    %add3A_57 = arith.addi %mul3A_29, %add3A_56 : i32
    %dma_start3A_58 = arith.constant 1 : i32
    %dma_start3A_59 = arith.constant 0 : i32
    %dma_start3A_60 = tpu.memref_slice %arg8[%dma_start3A_58, %dma_start3A_59] : memref<2x40xi32, #tpu.memory_space<vmem>> -> memref<1x40xi32, #tpu.memory_space<vmem>>
    %dma_start3A_61 = tpu.memref_squeeze %dma_start3A_60 : memref<1x40xi32, #tpu.memory_space<vmem>> -> memref<40xi32, #tpu.memory_space<vmem>>
    %dma_start3A_62 = tpu.memref_slice %arg4[%add3A_57] : memref<320000xi32, #tpu.memory_space<hbm>> -> memref<40xi32, #tpu.memory_space<hbm>>
    %dma_start3A_63 = arith.constant 0 : i32
    %dma_start3A_64 = tpu.memref_slice %arg8[%dma_start3A_58, %dma_start3A_63] : memref<2x40xi32, #tpu.memory_space<vmem>> -> memref<1x40xi32, #tpu.memory_space<vmem>>
    %dma_start3A_65 = tpu.memref_squeeze %dma_start3A_64 : memref<1x40xi32, #tpu.memory_space<vmem>> -> memref<40xi32, #tpu.memory_space<vmem>>
    %dma_start3A_66 = tpu.memref_slice %arg4[%add3A_57] : memref<320000xi32, #tpu.memory_space<hbm>> -> memref<40xi32, #tpu.memory_space<hbm>>
    tpu.enqueue_dma source(%dma_start3A_66 : memref<40xi32, #tpu.memory_space<hbm>>) target(%dma_start3A_65 : memref<40xi32, #tpu.memory_space<vmem>>) target_semaphore(%arg17 : memref<!tpu.dma_semaphore, #tpu.memory_space<semaphore_mem>>)
    %dma_start3A_67 = arith.constant 1 : i32
    %dma_start3A_68 = arith.constant 0 : i32
    %dma_start3A_69 = tpu.memref_slice %arg9[%dma_start3A_67, %dma_start3A_68] : memref<2x40xi32, #tpu.memory_space<vmem>> -> memref<1x40xi32, #tpu.memory_space<vmem>>
    %dma_start3A_70 = tpu.memref_squeeze %dma_start3A_69 : memref<1x40xi32, #tpu.memory_space<vmem>> -> memref<40xi32, #tpu.memory_space<vmem>>
    %dma_start3A_71 = tpu.memref_slice %arg5[%add3A_57] : memref<320000xi32, #tpu.memory_space<hbm>> -> memref<40xi32, #tpu.memory_space<hbm>>
    %dma_start3A_72 = arith.constant 0 : i32
    %dma_start3A_73 = tpu.memref_slice %arg9[%dma_start3A_67, %dma_start3A_72] : memref<2x40xi32, #tpu.memory_space<vmem>> -> memref<1x40xi32, #tpu.memory_space<vmem>>
    %dma_start3A_74 = tpu.memref_squeeze %dma_start3A_73 : memref<1x40xi32, #tpu.memory_space<vmem>> -> memref<40xi32, #tpu.memory_space<vmem>>
    %dma_start3A_75 = tpu.memref_slice %arg5[%add3A_57] : memref<320000xi32, #tpu.memory_space<hbm>> -> memref<40xi32, #tpu.memory_space<hbm>>
    tpu.enqueue_dma source(%dma_start3A_75 : memref<40xi32, #tpu.memory_space<hbm>>) target(%dma_start3A_74 : memref<40xi32, #tpu.memory_space<vmem>>) target_semaphore(%arg17 : memref<!tpu.dma_semaphore, #tpu.memory_space<semaphore_mem>>)
    %dma_wait3A = arith.constant 0 : i32
    %dma_wait3A_76 = arith.constant 0 : i32
    %dma_wait3A_77 = tpu.memref_slice %arg8[%dma_wait3A, %dma_wait3A_76] : memref<2x40xi32, #tpu.memory_space<vmem>> -> memref<1x40xi32, #tpu.memory_space<vmem>>
    %dma_wait3A_78 = tpu.memref_squeeze %dma_wait3A_77 : memref<1x40xi32, #tpu.memory_space<vmem>> -> memref<40xi32, #tpu.memory_space<vmem>>
    %dma_wait3A_79 = arith.constant 0 : i32
    %dma_wait3A_80 = tpu.memref_slice %arg4[%dma_wait3A_79] : memref<320000xi32, #tpu.memory_space<hbm>> -> memref<40xi32, #tpu.memory_space<hbm>>
    %dma_wait3A_81 = arith.constant 0 : i32
    %dma_wait3A_82 = tpu.memref_slice %arg8[%dma_wait3A, %dma_wait3A_81] : memref<2x40xi32, #tpu.memory_space<vmem>> -> memref<1x40xi32, #tpu.memory_space<vmem>>
    %dma_wait3A_83 = tpu.memref_squeeze %dma_wait3A_82 : memref<1x40xi32, #tpu.memory_space<vmem>> -> memref<40xi32, #tpu.memory_space<vmem>>
    %dma_wait3A_84 = arith.constant 0 : i32
    %dma_wait3A_85 = tpu.memref_slice %arg4[%dma_wait3A_84] : memref<320000xi32, #tpu.memory_space<hbm>> -> memref<40xi32, #tpu.memory_space<hbm>>
    tpu.wait_dma2 semaphore(%arg16 : memref<!tpu.dma_semaphore, #tpu.memory_space<semaphore_mem>>) src(%dma_wait3A_85 : memref<40xi32, #tpu.memory_space<hbm>>) dst(%dma_wait3A_83 : memref<40xi32, #tpu.memory_space<vmem>>)
    %dma_wait3A_86 = arith.constant 0 : i32
    %dma_wait3A_87 = arith.constant 0 : i32
    %dma_wait3A_88 = tpu.memref_slice %arg9[%dma_wait3A_86, %dma_wait3A_87] : memref<2x40xi32, #tpu.memory_space<vmem>> -> memref<1x40xi32, #tpu.memory_space<vmem>>
    %dma_wait3A_89 = tpu.memref_squeeze %dma_wait3A_88 : memref<1x40xi32, #tpu.memory_space<vmem>> -> memref<40xi32, #tpu.memory_space<vmem>>
    %dma_wait3A_90 = arith.constant 0 : i32
    %dma_wait3A_91 = tpu.memref_slice %arg5[%dma_wait3A_90] : memref<320000xi32, #tpu.memory_space<hbm>> -> memref<40xi32, #tpu.memory_space<hbm>>
    %dma_wait3A_92 = arith.constant 0 : i32
    %dma_wait3A_93 = tpu.memref_slice %arg9[%dma_wait3A_86, %dma_wait3A_92] : memref<2x40xi32, #tpu.memory_space<vmem>> -> memref<1x40xi32, #tpu.memory_space<vmem>>
    %dma_wait3A_94 = tpu.memref_squeeze %dma_wait3A_93 : memref<1x40xi32, #tpu.memory_space<vmem>> -> memref<40xi32, #tpu.memory_space<vmem>>
    %dma_wait3A_95 = arith.constant 0 : i32
    %dma_wait3A_96 = tpu.memref_slice %arg5[%dma_wait3A_95] : memref<320000xi32, #tpu.memory_space<hbm>> -> memref<40xi32, #tpu.memory_space<hbm>>
    tpu.wait_dma2 semaphore(%arg16 : memref<!tpu.dma_semaphore, #tpu.memory_space<semaphore_mem>>) src(%dma_wait3A_96 : memref<40xi32, #tpu.memory_space<hbm>>) dst(%dma_wait3A_94 : memref<40xi32, #tpu.memory_space<vmem>>)
    %dma_start3A_97 = arith.constant 0 : i32
    %dma_start3A_98 = arith.constant 0 : i32
    %dma_start3A_99 = arith.constant 0 : i32
    %dma_start3A_100 = arith.constant 0 : i32
    %dma_start3A_101 = tpu.memref_slice %arg11[%dma_start3A_98, %dma_start3A_99, %dma_start3A_100] : memref<2x40x128xf32, #tpu.memory_space<vmem>> -> memref<1x40x128xf32, #tpu.memory_space<vmem>>
    %dma_start3A_102 = tpu.memref_squeeze %dma_start3A_101 : memref<1x40x128xf32, #tpu.memory_space<vmem>> -> memref<40x128xf32, #tpu.memory_space<vmem>>
    %dma_start3A_103 = arith.constant 0 : i32
    %dma_start3A_104 = tpu.memref_slice %arg8[%dma_start3A_97, %dma_start3A_103] : memref<2x40xi32, #tpu.memory_space<vmem>> -> memref<1x40xi32, #tpu.memory_space<vmem>>
    %dma_start3A_105 = tpu.memref_squeeze %dma_start3A_104 : memref<1x40xi32, #tpu.memory_space<vmem>> -> memref<40xi32, #tpu.memory_space<vmem>>
    %dma_start3A_106 = arith.constant 0 : i32
    %dma_start3A_107 = arith.constant 0 : i32
    %dma_start3A_108 = tpu.memref_slice %arg2[%dma_start3A_106, %dma_start3A_107] : memref<10000x128xf32, #tpu.memory_space<hbm>> -> memref<10000x128xf32, #tpu.memory_space<hbm>>
    tpu.enqueue_indirect_dma source(%dma_start3A_108 : memref<10000x128xf32, #tpu.memory_space<hbm>>) target(%dma_start3A_102 : memref<40x128xf32, #tpu.memory_space<vmem>>) offsets(%dma_start3A_105 : memref<40xi32, #tpu.memory_space<vmem>>) semaphore(%arg18 : memref<!tpu.dma_semaphore, #tpu.memory_space<semaphore_mem>>)
    %dma_start3A_109 = arith.constant 0 : i32
    %dma_start3A_110 = arith.constant 0 : i32
    %dma_start3A_111 = arith.constant 0 : i32
    %dma_start3A_112 = arith.constant 0 : i32
    %dma_start3A_113 = tpu.memref_slice %arg12[%dma_start3A_110, %dma_start3A_111, %dma_start3A_112] : memref<2x40x256xf32, #tpu.memory_space<vmem>> -> memref<1x40x256xf32, #tpu.memory_space<vmem>>
    %dma_start3A_114 = tpu.memref_squeeze %dma_start3A_113 : memref<1x40x256xf32, #tpu.memory_space<vmem>> -> memref<40x256xf32, #tpu.memory_space<vmem>>
    %dma_start3A_115 = arith.constant 0 : i32
    %dma_start3A_116 = tpu.memref_slice %arg9[%dma_start3A_109, %dma_start3A_115] : memref<2x40xi32, #tpu.memory_space<vmem>> -> memref<1x40xi32, #tpu.memory_space<vmem>>
    %dma_start3A_117 = tpu.memref_squeeze %dma_start3A_116 : memref<1x40xi32, #tpu.memory_space<vmem>> -> memref<40xi32, #tpu.memory_space<vmem>>
    %dma_start3A_118 = arith.constant 0 : i32
    %dma_start3A_119 = arith.constant 0 : i32
    %dma_start3A_120 = tpu.memref_slice %arg3[%dma_start3A_118, %dma_start3A_119] : memref<10000x256xf32, #tpu.memory_space<hbm>> -> memref<10000x256xf32, #tpu.memory_space<hbm>>
    tpu.enqueue_indirect_dma source(%dma_start3A_120 : memref<10000x256xf32, #tpu.memory_space<hbm>>) target(%dma_start3A_114 : memref<40x256xf32, #tpu.memory_space<vmem>>) offsets(%dma_start3A_117 : memref<40xi32, #tpu.memory_space<vmem>>) semaphore(%arg18 : memref<!tpu.dma_semaphore, #tpu.memory_space<semaphore_mem>>)
    %scan3A_121 = arith.constant 0 : i32
    %scan3A_122 = arith.constant 0 : i32
    %scan3A_123 = arith.constant 125 : i32
    %scan3A_124 = arith.addi %scan3A_122, %scan3A_123 : i32
    %scan3A_125 = arith.constant 1 : i32
    %scan3A_126 = scf.for %scan3A_136 = %scan3A_122 to %scan3A_124 step %scan3A_125 iter_args(%scan3A_137 = %scan3A_121) -> (i32)  : i32 {
      %mul3A_138 = arith.constant 2 : i32
      %mul3A_139 = arith.muli %scan3A_136, %mul3A_138 : i32
      %dma_wait3A_140 = arith.constant 1 : i32
      %dma_wait3A_141 = arith.constant 0 : i32
      %dma_wait3A_142 = tpu.memref_slice %arg8[%dma_wait3A_140, %dma_wait3A_141] : memref<2x40xi32, #tpu.memory_space<vmem>> -> memref<1x40xi32, #tpu.memory_space<vmem>>
      %dma_wait3A_143 = tpu.memref_squeeze %dma_wait3A_142 : memref<1x40xi32, #tpu.memory_space<vmem>> -> memref<40xi32, #tpu.memory_space<vmem>>
      %dma_wait3A_144 = arith.constant 0 : i32
      %dma_wait3A_145 = tpu.memref_slice %arg4[%dma_wait3A_144] : memref<320000xi32, #tpu.memory_space<hbm>> -> memref<40xi32, #tpu.memory_space<hbm>>
      %dma_wait3A_146 = arith.constant 0 : i32
      %dma_wait3A_147 = tpu.memref_slice %arg8[%dma_wait3A_140, %dma_wait3A_146] : memref<2x40xi32, #tpu.memory_space<vmem>> -> memref<1x40xi32, #tpu.memory_space<vmem>>
      %dma_wait3A_148 = tpu.memref_squeeze %dma_wait3A_147 : memref<1x40xi32, #tpu.memory_space<vmem>> -> memref<40xi32, #tpu.memory_space<vmem>>
      %dma_wait3A_149 = arith.constant 0 : i32
      %dma_wait3A_150 = tpu.memref_slice %arg4[%dma_wait3A_149] : memref<320000xi32, #tpu.memory_space<hbm>> -> memref<40xi32, #tpu.memory_space<hbm>>
      tpu.wait_dma2 semaphore(%arg17 : memref<!tpu.dma_semaphore, #tpu.memory_space<semaphore_mem>>) src(%dma_wait3A_150 : memref<40xi32, #tpu.memory_space<hbm>>) dst(%dma_wait3A_148 : memref<40xi32, #tpu.memory_space<vmem>>)
      %dma_wait3A_151 = arith.constant 1 : i32
      %dma_wait3A_152 = arith.constant 0 : i32
      %dma_wait3A_153 = tpu.memref_slice %arg9[%dma_wait3A_151, %dma_wait3A_152] : memref<2x40xi32, #tpu.memory_space<vmem>> -> memref<1x40xi32, #tpu.memory_space<vmem>>
      %dma_wait3A_154 = tpu.memref_squeeze %dma_wait3A_153 : memref<1x40xi32, #tpu.memory_space<vmem>> -> memref<40xi32, #tpu.memory_space<vmem>>
      %dma_wait3A_155 = arith.constant 0 : i32
      %dma_wait3A_156 = tpu.memref_slice %arg5[%dma_wait3A_155] : memref<320000xi32, #tpu.memory_space<hbm>> -> memref<40xi32, #tpu.memory_space<hbm>>
      %dma_wait3A_157 = arith.constant 0 : i32
      %dma_wait3A_158 = tpu.memref_slice %arg9[%dma_wait3A_151, %dma_wait3A_157] : memref<2x40xi32, #tpu.memory_space<vmem>> -> memref<1x40xi32, #tpu.memory_space<vmem>>
      %dma_wait3A_159 = tpu.memref_squeeze %dma_wait3A_158 : memref<1x40xi32, #tpu.memory_space<vmem>> -> memref<40xi32, #tpu.memory_space<vmem>>
      %dma_wait3A_160 = arith.constant 0 : i32
      %dma_wait3A_161 = tpu.memref_slice %arg5[%dma_wait3A_160] : memref<320000xi32, #tpu.memory_space<hbm>> -> memref<40xi32, #tpu.memory_space<hbm>>
      tpu.wait_dma2 semaphore(%arg17 : memref<!tpu.dma_semaphore, #tpu.memory_space<semaphore_mem>>) src(%dma_wait3A_161 : memref<40xi32, #tpu.memory_space<hbm>>) dst(%dma_wait3A_159 : memref<40xi32, #tpu.memory_space<vmem>>)
      %dma_start3A_162 = arith.constant 1 : i32
      %dma_start3A_163 = arith.constant 1 : i32
      %dma_start3A_164 = arith.constant 0 : i32
      %dma_start3A_165 = arith.constant 0 : i32
      %dma_start3A_166 = tpu.memref_slice %arg11[%dma_start3A_163, %dma_start3A_164, %dma_start3A_165] : memref<2x40x128xf32, #tpu.memory_space<vmem>> -> memref<1x40x128xf32, #tpu.memory_space<vmem>>
      %dma_start3A_167 = tpu.memref_squeeze %dma_start3A_166 : memref<1x40x128xf32, #tpu.memory_space<vmem>> -> memref<40x128xf32, #tpu.memory_space<vmem>>
      %dma_start3A_168 = arith.constant 0 : i32
      %dma_start3A_169 = tpu.memref_slice %arg8[%dma_start3A_162, %dma_start3A_168] : memref<2x40xi32, #tpu.memory_space<vmem>> -> memref<1x40xi32, #tpu.memory_space<vmem>>
      %dma_start3A_170 = tpu.memref_squeeze %dma_start3A_169 : memref<1x40xi32, #tpu.memory_space<vmem>> -> memref<40xi32, #tpu.memory_space<vmem>>
      %dma_start3A_171 = arith.constant 0 : i32
      %dma_start3A_172 = arith.constant 0 : i32
      %dma_start3A_173 = tpu.memref_slice %arg2[%dma_start3A_171, %dma_start3A_172] : memref<10000x128xf32, #tpu.memory_space<hbm>> -> memref<10000x128xf32, #tpu.memory_space<hbm>>
      tpu.enqueue_indirect_dma source(%dma_start3A_173 : memref<10000x128xf32, #tpu.memory_space<hbm>>) target(%dma_start3A_167 : memref<40x128xf32, #tpu.memory_space<vmem>>) offsets(%dma_start3A_170 : memref<40xi32, #tpu.memory_space<vmem>>) semaphore(%arg19 : memref<!tpu.dma_semaphore, #tpu.memory_space<semaphore_mem>>)
      %dma_start3A_174 = arith.constant 1 : i32
      %dma_start3A_175 = arith.constant 1 : i32
      %dma_start3A_176 = arith.constant 0 : i32
      %dma_start3A_177 = arith.constant 0 : i32
      %dma_start3A_178 = tpu.memref_slice %arg12[%dma_start3A_175, %dma_start3A_176, %dma_start3A_177] : memref<2x40x256xf32, #tpu.memory_space<vmem>> -> memref<1x40x256xf32, #tpu.memory_space<vmem>>
      %dma_start3A_179 = tpu.memref_squeeze %dma_start3A_178 : memref<1x40x256xf32, #tpu.memory_space<vmem>> -> memref<40x256xf32, #tpu.memory_space<vmem>>
      %dma_start3A_180 = arith.constant 0 : i32
      %dma_start3A_181 = tpu.memref_slice %arg9[%dma_start3A_174, %dma_start3A_180] : memref<2x40xi32, #tpu.memory_space<vmem>> -> memref<1x40xi32, #tpu.memory_space<vmem>>
      %dma_start3A_182 = tpu.memref_squeeze %dma_start3A_181 : memref<1x40xi32, #tpu.memory_space<vmem>> -> memref<40xi32, #tpu.memory_space<vmem>>
      %dma_start3A_183 = arith.constant 0 : i32
      %dma_start3A_184 = arith.constant 0 : i32
      %dma_start3A_185 = tpu.memref_slice %arg3[%dma_start3A_183, %dma_start3A_184] : memref<10000x256xf32, #tpu.memory_space<hbm>> -> memref<10000x256xf32, #tpu.memory_space<hbm>>
      tpu.enqueue_indirect_dma source(%dma_start3A_185 : memref<10000x256xf32, #tpu.memory_space<hbm>>) target(%dma_start3A_179 : memref<40x256xf32, #tpu.memory_space<vmem>>) offsets(%dma_start3A_182 : memref<40xi32, #tpu.memory_space<vmem>>) semaphore(%arg19 : memref<!tpu.dma_semaphore, #tpu.memory_space<semaphore_mem>>)
      %gt3A = arith.constant 0 : i32
      %gt3A_186 = arith.cmpi sgt, %scan3A_136, %gt3A : i32
      %convert_element_type3A = arith.extui %gt3A_186 : i1 to i32
      %cond3A = arith.constant 0 : i32
      %cond3A_187 = arith.cmpi ne, %convert_element_type3A, %cond3A : i32
      scf.if %cond3A_187 {
        %dma_wait3A_366 = arith.constant 0 : i32
        %dma_wait3A_367 = tpu.memref_slice %arg6[%dma_wait3A_366] : memref<2560000xf32, #tpu.memory_space<hbm>> -> memref<320xf32, #tpu.memory_space<hbm>>
        %dma_wait3A_368 = arith.constant 0 : i32
        %dma_wait3A_369 = tpu.memref_slice %arg6[%dma_wait3A_368] : memref<2560000xf32, #tpu.memory_space<hbm>> -> memref<320xf32, #tpu.memory_space<hbm>>
        tpu.wait_dma2 semaphore(%arg20 : memref<!tpu.dma_semaphore, #tpu.memory_space<semaphore_mem>>) src(%arg13 : memref<320xf32, #tpu.memory_space<vmem>>) dst(%dma_wait3A_369 : memref<320xf32, #tpu.memory_space<hbm>>)
        %dma_wait3A_370 = arith.constant 0 : i32
        %dma_wait3A_371 = arith.constant 0 : i32
        %dma_wait3A_372 = tpu.memref_slice %arg15[%dma_wait3A_370, %dma_wait3A_371] : memref<10880x128xf32, #tpu.memory_space<vmem_shared>> -> memref<10880x128xf32, #tpu.memory_space<vmem_shared>>
        tpu.wait_indirect_dma semaphore(%arg21 : memref<!tpu.dma_semaphore, #tpu.memory_space<semaphore_mem>>) src(%arg14 : memref<80x128xf32, #tpu.memory_space<vmem>>) dst(%dma_wait3A_372 : memref<10880x128xf32, #tpu.memory_space<vmem_shared>>)
      } else {
      }
      %dma_wait3A_188 = arith.constant 0 : i32
      %dma_wait3A_189 = arith.constant 0 : i32
      %dma_wait3A_190 = arith.constant 0 : i32
      %dma_wait3A_191 = arith.constant 0 : i32
      %dma_wait3A_192 = tpu.memref_slice %arg11[%dma_wait3A_189, %dma_wait3A_190, %dma_wait3A_191] : memref<2x40x128xf32, #tpu.memory_space<vmem>> -> memref<1x40x128xf32, #tpu.memory_space<vmem>>
      %dma_wait3A_193 = tpu.memref_squeeze %dma_wait3A_192 : memref<1x40x128xf32, #tpu.memory_space<vmem>> -> memref<40x128xf32, #tpu.memory_space<vmem>>
      %dma_wait3A_194 = arith.constant 0 : i32
      %dma_wait3A_195 = tpu.memref_slice %arg8[%dma_wait3A_188, %dma_wait3A_194] : memref<2x40xi32, #tpu.memory_space<vmem>> -> memref<1x40xi32, #tpu.memory_space<vmem>>
      %dma_wait3A_196 = tpu.memref_squeeze %dma_wait3A_195 : memref<1x40xi32, #tpu.memory_space<vmem>> -> memref<40xi32, #tpu.memory_space<vmem>>
      %dma_wait3A_197 = arith.constant 0 : i32
      %dma_wait3A_198 = arith.constant 0 : i32
      %dma_wait3A_199 = tpu.memref_slice %arg2[%dma_wait3A_197, %dma_wait3A_198] : memref<10000x128xf32, #tpu.memory_space<hbm>> -> memref<10000x128xf32, #tpu.memory_space<hbm>>
      tpu.wait_indirect_dma semaphore(%arg18 : memref<!tpu.dma_semaphore, #tpu.memory_space<semaphore_mem>>) src(%dma_wait3A_199 : memref<10000x128xf32, #tpu.memory_space<hbm>>) dst(%dma_wait3A_193 : memref<40x128xf32, #tpu.memory_space<vmem>>)
      %dma_wait3A_200 = arith.constant 0 : i32
      %dma_wait3A_201 = arith.constant 0 : i32
      %dma_wait3A_202 = arith.constant 0 : i32
      %dma_wait3A_203 = arith.constant 0 : i32
      %dma_wait3A_204 = tpu.memref_slice %arg12[%dma_wait3A_201, %dma_wait3A_202, %dma_wait3A_203] : memref<2x40x256xf32, #tpu.memory_space<vmem>> -> memref<1x40x256xf32, #tpu.memory_space<vmem>>
      %dma_wait3A_205 = tpu.memref_squeeze %dma_wait3A_204 : memref<1x40x256xf32, #tpu.memory_space<vmem>> -> memref<40x256xf32, #tpu.memory_space<vmem>>
      %dma_wait3A_206 = arith.constant 0 : i32
      %dma_wait3A_207 = tpu.memref_slice %arg9[%dma_wait3A_200, %dma_wait3A_206] : memref<2x40xi32, #tpu.memory_space<vmem>> -> memref<1x40xi32, #tpu.memory_space<vmem>>
      %dma_wait3A_208 = tpu.memref_squeeze %dma_wait3A_207 : memref<1x40xi32, #tpu.memory_space<vmem>> -> memref<40xi32, #tpu.memory_space<vmem>>
      %dma_wait3A_209 = arith.constant 0 : i32
      %dma_wait3A_210 = arith.constant 0 : i32
      %dma_wait3A_211 = tpu.memref_slice %arg3[%dma_wait3A_209, %dma_wait3A_210] : memref<10000x256xf32, #tpu.memory_space<hbm>> -> memref<10000x256xf32, #tpu.memory_space<hbm>>
      tpu.wait_indirect_dma semaphore(%arg18 : memref<!tpu.dma_semaphore, #tpu.memory_space<semaphore_mem>>) src(%dma_wait3A_211 : memref<10000x256xf32, #tpu.memory_space<hbm>>) dst(%dma_wait3A_205 : memref<40x256xf32, #tpu.memory_space<vmem>>)
      %lt3A = arith.constant 124 : i32
      %lt3A_212 = arith.cmpi slt, %scan3A_136, %lt3A : i32
      %convert_element_type3A_213 = arith.extui %lt3A_212 : i1 to i32
      %cond3A_214 = arith.constant 0 : i32
      %cond3A_215 = arith.cmpi ne, %convert_element_type3A_213, %cond3A_214 : i32
      scf.if %cond3A_215 {
        %add3A_366 = arith.constant 2 : i32
        %add3A_367 = arith.addi %mul3A_139, %add3A_366 : i32
        %mul3A_368 = arith.constant 40 : i32
        %mul3A_369 = arith.muli %add3A_367, %mul3A_368 : i32
        %add3A_370 = arith.addi %mul3A_29, %mul3A_369 : i32
        %dma_start3A_371 = arith.constant 0 : i32
        %dma_start3A_372 = arith.constant 0 : i32
        %dma_start3A_373 = tpu.memref_slice %arg8[%dma_start3A_371, %dma_start3A_372] : memref<2x40xi32, #tpu.memory_space<vmem>> -> memref<1x40xi32, #tpu.memory_space<vmem>>
        %dma_start3A_374 = tpu.memref_squeeze %dma_start3A_373 : memref<1x40xi32, #tpu.memory_space<vmem>> -> memref<40xi32, #tpu.memory_space<vmem>>
        %dma_start3A_375 = tpu.memref_slice %arg4[%add3A_370] : memref<320000xi32, #tpu.memory_space<hbm>> -> memref<40xi32, #tpu.memory_space<hbm>>
        %dma_start3A_376 = arith.constant 0 : i32
        %dma_start3A_377 = tpu.memref_slice %arg8[%dma_start3A_371, %dma_start3A_376] : memref<2x40xi32, #tpu.memory_space<vmem>> -> memref<1x40xi32, #tpu.memory_space<vmem>>
        %dma_start3A_378 = tpu.memref_squeeze %dma_start3A_377 : memref<1x40xi32, #tpu.memory_space<vmem>> -> memref<40xi32, #tpu.memory_space<vmem>>
        %dma_start3A_379 = tpu.memref_slice %arg4[%add3A_370] : memref<320000xi32, #tpu.memory_space<hbm>> -> memref<40xi32, #tpu.memory_space<hbm>>
        tpu.enqueue_dma source(%dma_start3A_379 : memref<40xi32, #tpu.memory_space<hbm>>) target(%dma_start3A_378 : memref<40xi32, #tpu.memory_space<vmem>>) target_semaphore(%arg16 : memref<!tpu.dma_semaphore, #tpu.memory_space<semaphore_mem>>)
        %dma_start3A_380 = arith.constant 0 : i32
        %dma_start3A_381 = arith.constant 0 : i32
        %dma_start3A_382 = tpu.memref_slice %arg9[%dma_start3A_380, %dma_start3A_381] : memref<2x40xi32, #tpu.memory_space<vmem>> -> memref<1x40xi32, #tpu.memory_space<vmem>>
        %dma_start3A_383 = tpu.memref_squeeze %dma_start3A_382 : memref<1x40xi32, #tpu.memory_space<vmem>> -> memref<40xi32, #tpu.memory_space<vmem>>
        %dma_start3A_384 = tpu.memref_slice %arg5[%add3A_370] : memref<320000xi32, #tpu.memory_space<hbm>> -> memref<40xi32, #tpu.memory_space<hbm>>
        %dma_start3A_385 = arith.constant 0 : i32
        %dma_start3A_386 = tpu.memref_slice %arg9[%dma_start3A_380, %dma_start3A_385] : memref<2x40xi32, #tpu.memory_space<vmem>> -> memref<1x40xi32, #tpu.memory_space<vmem>>
        %dma_start3A_387 = tpu.memref_squeeze %dma_start3A_386 : memref<1x40xi32, #tpu.memory_space<vmem>> -> memref<40xi32, #tpu.memory_space<vmem>>
        %dma_start3A_388 = tpu.memref_slice %arg5[%add3A_370] : memref<320000xi32, #tpu.memory_space<hbm>> -> memref<40xi32, #tpu.memory_space<hbm>>
        tpu.enqueue_dma source(%dma_start3A_388 : memref<40xi32, #tpu.memory_space<hbm>>) target(%dma_start3A_387 : memref<40xi32, #tpu.memory_space<vmem>>) target_semaphore(%arg16 : memref<!tpu.dma_semaphore, #tpu.memory_space<semaphore_mem>>)
      } else {
      }
      %get3A = arith.constant 0 : i32
      %get3A_216 = arith.index_cast %get3A : i32 to index
      %get3A_217 = arith.constant 0 : index
      %get3A_218 = tpu.vector_load %arg8[%get3A_216, %get3A_217] {strides = array<i32>} : memref<2x40xi32, #tpu.memory_space<vmem>>, vector<16xi32>,
      %swap3A = arith.constant 0 : index
      %swap3A_219 = tpu.vector_load %arg10[%swap3A] {strides = array<i32>} : memref<80xi32, #tpu.memory_space<vmem>>, vector<16xi32>,
      tpu.vector_store %arg10[%swap3A], %get3A_218 {strides = array<i32>} : memref<80xi32, #tpu.memory_space<vmem>>, vector<16xi32>,
      %shift_right_logical3A = arith.constant 4 : i32
      %shift_right_logical3A_220 = vector.broadcast %shift_right_logical3A : i32 to vector<16xi32>
      %shift_right_logical3A_221 = arith.shrui %get3A_218, %shift_right_logical3A_220 : vector<16xi32>
      %add3A_222 = arith.constant 10240 : i32
      %add3A_223 = vector.broadcast %add3A_222 : i32 to vector<16xi32>
      %add3A_224 = arith.addi %shift_right_logical3A_221, %add3A_223 : vector<16xi32>
      %swap3A_225 = arith.constant 40 : index
      %swap3A_226 = tpu.vector_load %arg10[%swap3A_225] {strides = array<i32>} : memref<80xi32, #tpu.memory_space<vmem>>, vector<16xi32>,
      tpu.vector_store %arg10[%swap3A_225], %add3A_224 {strides = array<i32>} : memref<80xi32, #tpu.memory_space<vmem>>, vector<16xi32>,
      %get3A_227 = arith.constant 0 : i32
      %get3A_228 = arith.index_cast %get3A_227 : i32 to index
      %get3A_229 = arith.constant 16 : index
      %get3A_230 = tpu.vector_load %arg8[%get3A_228, %get3A_229] {strides = array<i32>} : memref<2x40xi32, #tpu.memory_space<vmem>>, vector<16xi32>,
      %swap3A_231 = arith.constant 16 : index
      %swap3A_232 = tpu.vector_load %arg10[%swap3A_231] {strides = array<i32>} : memref<80xi32, #tpu.memory_space<vmem>>, vector<16xi32>,
      tpu.vector_store %arg10[%swap3A_231], %get3A_230 {strides = array<i32>} : memref<80xi32, #tpu.memory_space<vmem>>, vector<16xi32>,
      %shift_right_logical3A_233 = arith.constant 4 : i32
      %shift_right_logical3A_234 = vector.broadcast %shift_right_logical3A_233 : i32 to vector<16xi32>
      %shift_right_logical3A_235 = arith.shrui %get3A_230, %shift_right_logical3A_234 : vector<16xi32>
      %add3A_236 = arith.constant 10240 : i32
      %add3A_237 = vector.broadcast %add3A_236 : i32 to vector<16xi32>
      %add3A_238 = arith.addi %shift_right_logical3A_235, %add3A_237 : vector<16xi32>
      %swap3A_239 = arith.constant 56 : index
      %swap3A_240 = tpu.vector_load %arg10[%swap3A_239] {strides = array<i32>} : memref<80xi32, #tpu.memory_space<vmem>>, vector<16xi32>,
      tpu.vector_store %arg10[%swap3A_239], %add3A_238 {strides = array<i32>} : memref<80xi32, #tpu.memory_space<vmem>>, vector<16xi32>,
      %get3A_241 = arith.constant 0 : i32
      %get3A_242 = arith.index_cast %get3A_241 : i32 to index
      %get3A_243 = arith.constant 24 : index
      %get3A_244 = tpu.vector_load %arg8[%get3A_242, %get3A_243] {strides = array<i32>} : memref<2x40xi32, #tpu.memory_space<vmem>>, vector<16xi32>,
      %swap3A_245 = arith.constant 24 : index
      %swap3A_246 = tpu.vector_load %arg10[%swap3A_245] {strides = array<i32>} : memref<80xi32, #tpu.memory_space<vmem>>, vector<16xi32>,
      tpu.vector_store %arg10[%swap3A_245], %get3A_244 {strides = array<i32>} : memref<80xi32, #tpu.memory_space<vmem>>, vector<16xi32>,
      %shift_right_logical3A_247 = arith.constant 4 : i32
      %shift_right_logical3A_248 = vector.broadcast %shift_right_logical3A_247 : i32 to vector<16xi32>
      %shift_right_logical3A_249 = arith.shrui %get3A_244, %shift_right_logical3A_248 : vector<16xi32>
      %add3A_250 = arith.constant 10240 : i32
      %add3A_251 = vector.broadcast %add3A_250 : i32 to vector<16xi32>
      %add3A_252 = arith.addi %shift_right_logical3A_249, %add3A_251 : vector<16xi32>
      %swap3A_253 = arith.constant 64 : index
      %swap3A_254 = tpu.vector_load %arg10[%swap3A_253] {strides = array<i32>} : memref<80xi32, #tpu.memory_space<vmem>>, vector<16xi32>,
      tpu.vector_store %arg10[%swap3A_253], %add3A_252 {strides = array<i32>} : memref<80xi32, #tpu.memory_space<vmem>>, vector<16xi32>,
      %parallel_loop3A = arith.constant 0 : i32
      %parallel_loop3A_255 = arith.constant 20 : i32
      %parallel_loop3A_256 = arith.constant 1 : i32
      scf.for %parallel_loop3A_366 = %parallel_loop3A to %parallel_loop3A_255 step %parallel_loop3A_256  : i32 {
        %parallel_loop3A_367 = arith.constant 2 : i32
        %parallel_loop3A_368 = arith.muli %parallel_loop3A_366, %parallel_loop3A_367 : i32
        %parallel_loop3A_369 = arith.constant 1 : i32
        %parallel_loop3A_370 = arith.constant 0 : i32
        %parallel_loop3A_371 = vector.broadcast %parallel_loop3A_369 : i32 to vector<16xi32>
        %parallel_loop3A_372 = vector.broadcast %parallel_loop3A_370 : i32 to vector<16xi32>
        %parallel_loop3A_373 = arith.select %ge3A_36, %parallel_loop3A_371, %parallel_loop3A_372 : vector<16xi1>, vector<16xi32>
        %parallel_loop3A_374 = vector.broadcast %parallel_loop3A_368 : i32 to vector<16xi32>
        %parallel_loop3A_375 = arith.addi %parallel_loop3A_374, %parallel_loop3A_373 : vector<16xi32>
        %parallel_loop3A_376 = arith.constant 0 : i32
        %parallel_loop3A_377 = vector.broadcast %parallel_loop3A_376 : i32 to vector<16xi32>
        %parallel_loop3A_378 = arith.constant 0 : i32
        %parallel_loop3A_379 = vector.broadcast %parallel_loop3A_378 : i32 to vector<16xi32>
        %parallel_loop3A_380 = arith.addi %mul3A_34, %parallel_loop3A_379 : vector<16xi32>
        %parallel_loop3A_381 = tpu.vector_load_idx %arg11[%parallel_loop3A_377, %parallel_loop3A_375, %parallel_loop3A_380] : memref<2x40x128xf32, #tpu.memory_space<vmem>>[vector<16xi32>, vector<16xi32>, vector<16xi32>], vector<16xf32>,
        %parallel_loop3A_382 = arith.constant 0 : i32
        %parallel_loop3A_383 = vector.broadcast %parallel_loop3A_382 : i32 to vector<16xi32>
        %parallel_loop3A_384 = arith.addi %mul3A_34, %parallel_loop3A_383 : vector<16xi32>
        %parallel_loop3A_385 = tpu.vector_load_idx %arg12[%parallel_loop3A_377, %parallel_loop3A_375, %parallel_loop3A_384] : memref<2x40x256xf32, #tpu.memory_space<vmem>>[vector<16xi32>, vector<16xi32>, vector<16xi32>], vector<16xf32>,
        %parallel_loop3A_386 = arith.mulf %parallel_loop3A_381, %parallel_loop3A_385 : vector<16xf32>
        %parallel_loop3A_387 = arith.addf %broadcast_in_dim3A_1, %parallel_loop3A_386 : vector<16xf32>
        %parallel_loop3A_388 = arith.constant 1 : i32
        %parallel_loop3A_389 = vector.broadcast %parallel_loop3A_388 : i32 to vector<16xi32>
        %parallel_loop3A_390 = arith.addi %mul3A_34, %parallel_loop3A_389 : vector<16xi32>
        %parallel_loop3A_391 = tpu.vector_load_idx %arg11[%parallel_loop3A_377, %parallel_loop3A_375, %parallel_loop3A_390] : memref<2x40x128xf32, #tpu.memory_space<vmem>>[vector<16xi32>, vector<16xi32>, vector<16xi32>], vector<16xf32>,
        %parallel_loop3A_392 = arith.constant 1 : i32
        %parallel_loop3A_393 = vector.broadcast %parallel_loop3A_392 : i32 to vector<16xi32>
        %parallel_loop3A_394 = arith.addi %mul3A_34, %parallel_loop3A_393 : vector<16xi32>
        %parallel_loop3A_395 = tpu.vector_load_idx %arg12[%parallel_loop3A_377, %parallel_loop3A_375, %parallel_loop3A_394] : memref<2x40x256xf32, #tpu.memory_space<vmem>>[vector<16xi32>, vector<16xi32>, vector<16xi32>], vector<16xf32>,
        %parallel_loop3A_396 = arith.mulf %parallel_loop3A_391, %parallel_loop3A_395 : vector<16xf32>
        %parallel_loop3A_397 = arith.addf %broadcast_in_dim3A_1, %parallel_loop3A_396 : vector<16xf32>
        %parallel_loop3A_398 = arith.constant 2 : i32
        %parallel_loop3A_399 = vector.broadcast %parallel_loop3A_398 : i32 to vector<16xi32>
        %parallel_loop3A_400 = arith.addi %mul3A_34, %parallel_loop3A_399 : vector<16xi32>
        %parallel_loop3A_401 = tpu.vector_load_idx %arg11[%parallel_loop3A_377, %parallel_loop3A_375, %parallel_loop3A_400] : memref<2x40x128xf32, #tpu.memory_space<vmem>>[vector<16xi32>, vector<16xi32>, vector<16xi32>], vector<16xf32>,
        %parallel_loop3A_402 = arith.constant 2 : i32
        %parallel_loop3A_403 = vector.broadcast %parallel_loop3A_402 : i32 to vector<16xi32>
        %parallel_loop3A_404 = arith.addi %mul3A_34, %parallel_loop3A_403 : vector<16xi32>
        %parallel_loop3A_405 = tpu.vector_load_idx %arg12[%parallel_loop3A_377, %parallel_loop3A_375, %parallel_loop3A_404] : memref<2x40x256xf32, #tpu.memory_space<vmem>>[vector<16xi32>, vector<16xi32>, vector<16xi32>], vector<16xf32>,
        %parallel_loop3A_406 = arith.mulf %parallel_loop3A_401, %parallel_loop3A_405 : vector<16xf32>
        %parallel_loop3A_407 = arith.addf %broadcast_in_dim3A_1, %parallel_loop3A_406 : vector<16xf32>
        %parallel_loop3A_408 = arith.constant 3 : i32
        %parallel_loop3A_409 = vector.broadcast %parallel_loop3A_408 : i32 to vector<16xi32>
        %parallel_loop3A_410 = arith.addi %mul3A_34, %parallel_loop3A_409 : vector<16xi32>
        %parallel_loop3A_411 = tpu.vector_load_idx %arg11[%parallel_loop3A_377, %parallel_loop3A_375, %parallel_loop3A_410] : memref<2x40x128xf32, #tpu.memory_space<vmem>>[vector<16xi32>, vector<16xi32>, vector<16xi32>], vector<16xf32>,
        %parallel_loop3A_412 = arith.constant 3 : i32
        %parallel_loop3A_413 = vector.broadcast %parallel_loop3A_412 : i32 to vector<16xi32>
        %parallel_loop3A_414 = arith.addi %mul3A_34, %parallel_loop3A_413 : vector<16xi32>
        %parallel_loop3A_415 = tpu.vector_load_idx %arg12[%parallel_loop3A_377, %parallel_loop3A_375, %parallel_loop3A_414] : memref<2x40x256xf32, #tpu.memory_space<vmem>>[vector<16xi32>, vector<16xi32>, vector<16xi32>], vector<16xf32>,
        %parallel_loop3A_416 = arith.mulf %parallel_loop3A_411, %parallel_loop3A_415 : vector<16xf32>
        %parallel_loop3A_417 = arith.addf %broadcast_in_dim3A_1, %parallel_loop3A_416 : vector<16xf32>
        %parallel_loop3A_418 = arith.constant 4 : i32
        %parallel_loop3A_419 = vector.broadcast %parallel_loop3A_418 : i32 to vector<16xi32>
        %parallel_loop3A_420 = arith.addi %mul3A_34, %parallel_loop3A_419 : vector<16xi32>
        %parallel_loop3A_421 = tpu.vector_load_idx %arg11[%parallel_loop3A_377, %parallel_loop3A_375, %parallel_loop3A_420] : memref<2x40x128xf32, #tpu.memory_space<vmem>>[vector<16xi32>, vector<16xi32>, vector<16xi32>], vector<16xf32>,
        %parallel_loop3A_422 = arith.constant 4 : i32
        %parallel_loop3A_423 = vector.broadcast %parallel_loop3A_422 : i32 to vector<16xi32>
        %parallel_loop3A_424 = arith.addi %mul3A_34, %parallel_loop3A_423 : vector<16xi32>
        %parallel_loop3A_425 = tpu.vector_load_idx %arg12[%parallel_loop3A_377, %parallel_loop3A_375, %parallel_loop3A_424] : memref<2x40x256xf32, #tpu.memory_space<vmem>>[vector<16xi32>, vector<16xi32>, vector<16xi32>], vector<16xf32>,
        %parallel_loop3A_426 = arith.mulf %parallel_loop3A_421, %parallel_loop3A_425 : vector<16xf32>
        %parallel_loop3A_427 = arith.addf %parallel_loop3A_387, %parallel_loop3A_426 : vector<16xf32>
        %parallel_loop3A_428 = arith.constant 5 : i32
        %parallel_loop3A_429 = vector.broadcast %parallel_loop3A_428 : i32 to vector<16xi32>
        %parallel_loop3A_430 = arith.addi %mul3A_34, %parallel_loop3A_429 : vector<16xi32>
        %parallel_loop3A_431 = tpu.vector_load_idx %arg11[%parallel_loop3A_377, %parallel_loop3A_375, %parallel_loop3A_430] : memref<2x40x128xf32, #tpu.memory_space<vmem>>[vector<16xi32>, vector<16xi32>, vector<16xi32>], vector<16xf32>,
        %parallel_loop3A_432 = arith.constant 5 : i32
        %parallel_loop3A_433 = vector.broadcast %parallel_loop3A_432 : i32 to vector<16xi32>
        %parallel_loop3A_434 = arith.addi %mul3A_34, %parallel_loop3A_433 : vector<16xi32>
        %parallel_loop3A_435 = tpu.vector_load_idx %arg12[%parallel_loop3A_377, %parallel_loop3A_375, %parallel_loop3A_434] : memref<2x40x256xf32, #tpu.memory_space<vmem>>[vector<16xi32>, vector<16xi32>, vector<16xi32>], vector<16xf32>,
        %parallel_loop3A_436 = arith.mulf %parallel_loop3A_431, %parallel_loop3A_435 : vector<16xf32>
        %parallel_loop3A_437 = arith.addf %parallel_loop3A_397, %parallel_loop3A_436 : vector<16xf32>
        %parallel_loop3A_438 = arith.constant 6 : i32
        %parallel_loop3A_439 = vector.broadcast %parallel_loop3A_438 : i32 to vector<16xi32>
        %parallel_loop3A_440 = arith.addi %mul3A_34, %parallel_loop3A_439 : vector<16xi32>
        %parallel_loop3A_441 = tpu.vector_load_idx %arg11[%parallel_loop3A_377, %parallel_loop3A_375, %parallel_loop3A_440] : memref<2x40x128xf32, #tpu.memory_space<vmem>>[vector<16xi32>, vector<16xi32>, vector<16xi32>], vector<16xf32>,
        %parallel_loop3A_442 = arith.constant 6 : i32
        %parallel_loop3A_443 = vector.broadcast %parallel_loop3A_442 : i32 to vector<16xi32>
        %parallel_loop3A_444 = arith.addi %mul3A_34, %parallel_loop3A_443 : vector<16xi32>
        %parallel_loop3A_445 = tpu.vector_load_idx %arg12[%parallel_loop3A_377, %parallel_loop3A_375, %parallel_loop3A_444] : memref<2x40x256xf32, #tpu.memory_space<vmem>>[vector<16xi32>, vector<16xi32>, vector<16xi32>], vector<16xf32>,
        %parallel_loop3A_446 = arith.mulf %parallel_loop3A_441, %parallel_loop3A_445 : vector<16xf32>
        %parallel_loop3A_447 = arith.addf %parallel_loop3A_407, %parallel_loop3A_446 : vector<16xf32>
        %parallel_loop3A_448 = arith.constant 7 : i32
        %parallel_loop3A_449 = vector.broadcast %parallel_loop3A_448 : i32 to vector<16xi32>
        %parallel_loop3A_450 = arith.addi %mul3A_34, %parallel_loop3A_449 : vector<16xi32>
        %parallel_loop3A_451 = tpu.vector_load_idx %arg11[%parallel_loop3A_377, %parallel_loop3A_375, %parallel_loop3A_450] : memref<2x40x128xf32, #tpu.memory_space<vmem>>[vector<16xi32>, vector<16xi32>, vector<16xi32>], vector<16xf32>,
        %parallel_loop3A_452 = arith.constant 7 : i32
        %parallel_loop3A_453 = vector.broadcast %parallel_loop3A_452 : i32 to vector<16xi32>
        %parallel_loop3A_454 = arith.addi %mul3A_34, %parallel_loop3A_453 : vector<16xi32>
        %parallel_loop3A_455 = tpu.vector_load_idx %arg12[%parallel_loop3A_377, %parallel_loop3A_375, %parallel_loop3A_454] : memref<2x40x256xf32, #tpu.memory_space<vmem>>[vector<16xi32>, vector<16xi32>, vector<16xi32>], vector<16xf32>,
        %parallel_loop3A_456 = arith.mulf %parallel_loop3A_451, %parallel_loop3A_455 : vector<16xf32>
        %parallel_loop3A_457 = arith.addf %parallel_loop3A_417, %parallel_loop3A_456 : vector<16xf32>
        %parallel_loop3A_458 = arith.constant 8 : i32
        %parallel_loop3A_459 = vector.broadcast %parallel_loop3A_458 : i32 to vector<16xi32>
        %parallel_loop3A_460 = arith.addi %mul3A_34, %parallel_loop3A_459 : vector<16xi32>
        %parallel_loop3A_461 = tpu.vector_load_idx %arg11[%parallel_loop3A_377, %parallel_loop3A_375, %parallel_loop3A_460] : memref<2x40x128xf32, #tpu.memory_space<vmem>>[vector<16xi32>, vector<16xi32>, vector<16xi32>], vector<16xf32>,
        %parallel_loop3A_462 = arith.constant 8 : i32
        %parallel_loop3A_463 = vector.broadcast %parallel_loop3A_462 : i32 to vector<16xi32>
        %parallel_loop3A_464 = arith.addi %mul3A_34, %parallel_loop3A_463 : vector<16xi32>
        %parallel_loop3A_465 = tpu.vector_load_idx %arg12[%parallel_loop3A_377, %parallel_loop3A_375, %parallel_loop3A_464] : memref<2x40x256xf32, #tpu.memory_space<vmem>>[vector<16xi32>, vector<16xi32>, vector<16xi32>], vector<16xf32>,
        %parallel_loop3A_466 = arith.mulf %parallel_loop3A_461, %parallel_loop3A_465 : vector<16xf32>
        %parallel_loop3A_467 = arith.addf %parallel_loop3A_427, %parallel_loop3A_466 : vector<16xf32>
        %parallel_loop3A_468 = arith.constant 9 : i32
        %parallel_loop3A_469 = vector.broadcast %parallel_loop3A_468 : i32 to vector<16xi32>
        %parallel_loop3A_470 = arith.addi %mul3A_34, %parallel_loop3A_469 : vector<16xi32>
        %parallel_loop3A_471 = tpu.vector_load_idx %arg11[%parallel_loop3A_377, %parallel_loop3A_375, %parallel_loop3A_470] : memref<2x40x128xf32, #tpu.memory_space<vmem>>[vector<16xi32>, vector<16xi32>, vector<16xi32>], vector<16xf32>,
        %parallel_loop3A_472 = arith.constant 9 : i32
        %parallel_loop3A_473 = vector.broadcast %parallel_loop3A_472 : i32 to vector<16xi32>
        %parallel_loop3A_474 = arith.addi %mul3A_34, %parallel_loop3A_473 : vector<16xi32>
        %parallel_loop3A_475 = tpu.vector_load_idx %arg12[%parallel_loop3A_377, %parallel_loop3A_375, %parallel_loop3A_474] : memref<2x40x256xf32, #tpu.memory_space<vmem>>[vector<16xi32>, vector<16xi32>, vector<16xi32>], vector<16xf32>,
        %parallel_loop3A_476 = arith.mulf %parallel_loop3A_471, %parallel_loop3A_475 : vector<16xf32>
        %parallel_loop3A_477 = arith.addf %parallel_loop3A_437, %parallel_loop3A_476 : vector<16xf32>
        %parallel_loop3A_478 = arith.constant 10 : i32
        %parallel_loop3A_479 = vector.broadcast %parallel_loop3A_478 : i32 to vector<16xi32>
        %parallel_loop3A_480 = arith.addi %mul3A_34, %parallel_loop3A_479 : vector<16xi32>
        %parallel_loop3A_481 = tpu.vector_load_idx %arg11[%parallel_loop3A_377, %parallel_loop3A_375, %parallel_loop3A_480] : memref<2x40x128xf32, #tpu.memory_space<vmem>>[vector<16xi32>, vector<16xi32>, vector<16xi32>], vector<16xf32>,
        %parallel_loop3A_482 = arith.constant 10 : i32
        %parallel_loop3A_483 = vector.broadcast %parallel_loop3A_482 : i32 to vector<16xi32>
        %parallel_loop3A_484 = arith.addi %mul3A_34, %parallel_loop3A_483 : vector<16xi32>
        %parallel_loop3A_485 = tpu.vector_load_idx %arg12[%parallel_loop3A_377, %parallel_loop3A_375, %parallel_loop3A_484] : memref<2x40x256xf32, #tpu.memory_space<vmem>>[vector<16xi32>, vector<16xi32>, vector<16xi32>], vector<16xf32>,
        %parallel_loop3A_486 = arith.mulf %parallel_loop3A_481, %parallel_loop3A_485 : vector<16xf32>
        %parallel_loop3A_487 = arith.addf %parallel_loop3A_447, %parallel_loop3A_486 : vector<16xf32>
        %parallel_loop3A_488 = arith.constant 11 : i32
        %parallel_loop3A_489 = vector.broadcast %parallel_loop3A_488 : i32 to vector<16xi32>
        %parallel_loop3A_490 = arith.addi %mul3A_34, %parallel_loop3A_489 : vector<16xi32>
        %parallel_loop3A_491 = tpu.vector_load_idx %arg11[%parallel_loop3A_377, %parallel_loop3A_375, %parallel_loop3A_490] : memref<2x40x128xf32, #tpu.memory_space<vmem>>[vector<16xi32>, vector<16xi32>, vector<16xi32>], vector<16xf32>,
        %parallel_loop3A_492 = arith.constant 11 : i32
        %parallel_loop3A_493 = vector.broadcast %parallel_loop3A_492 : i32 to vector<16xi32>
        %parallel_loop3A_494 = arith.addi %mul3A_34, %parallel_loop3A_493 : vector<16xi32>
        %parallel_loop3A_495 = tpu.vector_load_idx %arg12[%parallel_loop3A_377, %parallel_loop3A_375, %parallel_loop3A_494] : memref<2x40x256xf32, #tpu.memory_space<vmem>>[vector<16xi32>, vector<16xi32>, vector<16xi32>], vector<16xf32>,
        %parallel_loop3A_496 = arith.mulf %parallel_loop3A_491, %parallel_loop3A_495 : vector<16xf32>
        %parallel_loop3A_497 = arith.addf %parallel_loop3A_457, %parallel_loop3A_496 : vector<16xf32>
        %parallel_loop3A_498 = arith.constant 12 : i32
        %parallel_loop3A_499 = vector.broadcast %parallel_loop3A_498 : i32 to vector<16xi32>
        %parallel_loop3A_500 = arith.addi %mul3A_34, %parallel_loop3A_499 : vector<16xi32>
        %parallel_loop3A_501 = tpu.vector_load_idx %arg11[%parallel_loop3A_377, %parallel_loop3A_375, %parallel_loop3A_500] : memref<2x40x128xf32, #tpu.memory_space<vmem>>[vector<16xi32>, vector<16xi32>, vector<16xi32>], vector<16xf32>,
        %parallel_loop3A_502 = arith.constant 12 : i32
        %parallel_loop3A_503 = vector.broadcast %parallel_loop3A_502 : i32 to vector<16xi32>
        %parallel_loop3A_504 = arith.addi %mul3A_34, %parallel_loop3A_503 : vector<16xi32>
        %parallel_loop3A_505 = tpu.vector_load_idx %arg12[%parallel_loop3A_377, %parallel_loop3A_375, %parallel_loop3A_504] : memref<2x40x256xf32, #tpu.memory_space<vmem>>[vector<16xi32>, vector<16xi32>, vector<16xi32>], vector<16xf32>,
        %parallel_loop3A_506 = arith.mulf %parallel_loop3A_501, %parallel_loop3A_505 : vector<16xf32>
        %parallel_loop3A_507 = arith.addf %parallel_loop3A_467, %parallel_loop3A_506 : vector<16xf32>
        %parallel_loop3A_508 = arith.constant 13 : i32
        %parallel_loop3A_509 = vector.broadcast %parallel_loop3A_508 : i32 to vector<16xi32>
        %parallel_loop3A_510 = arith.addi %mul3A_34, %parallel_loop3A_509 : vector<16xi32>
        %parallel_loop3A_511 = tpu.vector_load_idx %arg11[%parallel_loop3A_377, %parallel_loop3A_375, %parallel_loop3A_510] : memref<2x40x128xf32, #tpu.memory_space<vmem>>[vector<16xi32>, vector<16xi32>, vector<16xi32>], vector<16xf32>,
        %parallel_loop3A_512 = arith.constant 13 : i32
        %parallel_loop3A_513 = vector.broadcast %parallel_loop3A_512 : i32 to vector<16xi32>
        %parallel_loop3A_514 = arith.addi %mul3A_34, %parallel_loop3A_513 : vector<16xi32>
        %parallel_loop3A_515 = tpu.vector_load_idx %arg12[%parallel_loop3A_377, %parallel_loop3A_375, %parallel_loop3A_514] : memref<2x40x256xf32, #tpu.memory_space<vmem>>[vector<16xi32>, vector<16xi32>, vector<16xi32>], vector<16xf32>,
        %parallel_loop3A_516 = arith.mulf %parallel_loop3A_511, %parallel_loop3A_515 : vector<16xf32>
        %parallel_loop3A_517 = arith.addf %parallel_loop3A_477, %parallel_loop3A_516 : vector<16xf32>
        %parallel_loop3A_518 = arith.constant 14 : i32
        %parallel_loop3A_519 = vector.broadcast %parallel_loop3A_518 : i32 to vector<16xi32>
        %parallel_loop3A_520 = arith.addi %mul3A_34, %parallel_loop3A_519 : vector<16xi32>
        %parallel_loop3A_521 = tpu.vector_load_idx %arg11[%parallel_loop3A_377, %parallel_loop3A_375, %parallel_loop3A_520] : memref<2x40x128xf32, #tpu.memory_space<vmem>>[vector<16xi32>, vector<16xi32>, vector<16xi32>], vector<16xf32>,
        %parallel_loop3A_522 = arith.constant 14 : i32
        %parallel_loop3A_523 = vector.broadcast %parallel_loop3A_522 : i32 to vector<16xi32>
        %parallel_loop3A_524 = arith.addi %mul3A_34, %parallel_loop3A_523 : vector<16xi32>
        %parallel_loop3A_525 = tpu.vector_load_idx %arg12[%parallel_loop3A_377, %parallel_loop3A_375, %parallel_loop3A_524] : memref<2x40x256xf32, #tpu.memory_space<vmem>>[vector<16xi32>, vector<16xi32>, vector<16xi32>], vector<16xf32>,
        %parallel_loop3A_526 = arith.mulf %parallel_loop3A_521, %parallel_loop3A_525 : vector<16xf32>
        %parallel_loop3A_527 = arith.addf %parallel_loop3A_487, %parallel_loop3A_526 : vector<16xf32>
        %parallel_loop3A_528 = arith.constant 15 : i32
        %parallel_loop3A_529 = vector.broadcast %parallel_loop3A_528 : i32 to vector<16xi32>
        %parallel_loop3A_530 = arith.addi %mul3A_34, %parallel_loop3A_529 : vector<16xi32>
        %parallel_loop3A_531 = tpu.vector_load_idx %arg11[%parallel_loop3A_377, %parallel_loop3A_375, %parallel_loop3A_530] : memref<2x40x128xf32, #tpu.memory_space<vmem>>[vector<16xi32>, vector<16xi32>, vector<16xi32>], vector<16xf32>,
        %parallel_loop3A_532 = arith.constant 15 : i32
        %parallel_loop3A_533 = vector.broadcast %parallel_loop3A_532 : i32 to vector<16xi32>
        %parallel_loop3A_534 = arith.addi %mul3A_34, %parallel_loop3A_533 : vector<16xi32>
        %parallel_loop3A_535 = tpu.vector_load_idx %arg12[%parallel_loop3A_377, %parallel_loop3A_375, %parallel_loop3A_534] : memref<2x40x256xf32, #tpu.memory_space<vmem>>[vector<16xi32>, vector<16xi32>, vector<16xi32>], vector<16xf32>,
        %parallel_loop3A_536 = arith.mulf %parallel_loop3A_531, %parallel_loop3A_535 : vector<16xf32>
        %parallel_loop3A_537 = arith.addf %parallel_loop3A_497, %parallel_loop3A_536 : vector<16xf32>
        %parallel_loop3A_538 = arith.addf %parallel_loop3A_507, %parallel_loop3A_517 : vector<16xf32>
        %parallel_loop3A_539 = arith.addf %parallel_loop3A_527, %parallel_loop3A_537 : vector<16xf32>
        %parallel_loop3A_540 = arith.addf %parallel_loop3A_538, %parallel_loop3A_539 : vector<16xf32>
        %parallel_loop3A_541 = arith.constant 16 : i32
        %parallel_loop3A_542 = arith.muli %parallel_loop3A_366, %parallel_loop3A_541 : i32
        %parallel_loop3A_543 = arith.index_cast %parallel_loop3A_542 : i32 to index
        %parallel_loop3A_544 = tpu.vector_load %arg13[%parallel_loop3A_543] {strides = array<i32>} : memref<320xf32, #tpu.memory_space<vmem>>, vector<16xf32>,
        tpu.vector_store %arg13[%parallel_loop3A_543], %parallel_loop3A_540 {strides = array<i32>} : memref<320xf32, #tpu.memory_space<vmem>>, vector<16xf32>,
        %parallel_loop3A_545 = math.exp %parallel_loop3A_540 : vector<16xf32>
        %parallel_loop3A_546 = arith.constant 40 : i32
        %parallel_loop3A_547 = arith.addi %parallel_loop3A_546, %parallel_loop3A_368 : i32
        %parallel_loop3A_548 = arith.index_cast %parallel_loop3A_547 : i32 to index
        %parallel_loop3A_549 = arith.constant 0 : index
        %parallel_loop3A_550 = tpu.vector_load %arg14[%parallel_loop3A_548, %parallel_loop3A_549] {strides = array<i32>} : memref<80x128xf32, #tpu.memory_space<vmem>>, vector<16xf32>,
        tpu.vector_store %arg14[%parallel_loop3A_548, %parallel_loop3A_549], %broadcast_in_dim3A_1 {strides = array<i32>} : memref<80x128xf32, #tpu.memory_space<vmem>>, vector<16xf32>,
        %parallel_loop3A_551 = arith.constant 40 : i32
        %parallel_loop3A_552 = arith.addi %parallel_loop3A_551, %parallel_loop3A_368 : i32
        %parallel_loop3A_553 = arith.constant 1 : i32
        %parallel_loop3A_554 = arith.addi %parallel_loop3A_552, %parallel_loop3A_553 : i32
        %parallel_loop3A_555 = arith.index_cast %parallel_loop3A_554 : i32 to index
        %parallel_loop3A_556 = arith.constant 0 : index
        %parallel_loop3A_557 = tpu.vector_load %arg14[%parallel_loop3A_555, %parallel_loop3A_556] {strides = array<i32>} : memref<80x128xf32, #tpu.memory_space<vmem>>, vector<16xf32>,
        tpu.vector_store %arg14[%parallel_loop3A_555, %parallel_loop3A_556], %broadcast_in_dim3A_1 {strides = array<i32>} : memref<80x128xf32, #tpu.memory_space<vmem>>, vector<16xf32>,
        %parallel_loop3A_558 = arith.constant 40 : i32
        %parallel_loop3A_559 = arith.addi %parallel_loop3A_558, %parallel_loop3A_368 : i32
        %parallel_loop3A_560 = arith.index_cast %parallel_loop3A_559 : i32 to index
        %parallel_loop3A_561 = arith.constant 16 : index
        %parallel_loop3A_562 = tpu.vector_load %arg14[%parallel_loop3A_560, %parallel_loop3A_561] {strides = array<i32>} : memref<80x128xf32, #tpu.memory_space<vmem>>, vector<16xf32>,
        tpu.vector_store %arg14[%parallel_loop3A_560, %parallel_loop3A_561], %broadcast_in_dim3A_1 {strides = array<i32>} : memref<80x128xf32, #tpu.memory_space<vmem>>, vector<16xf32>,
        %parallel_loop3A_563 = arith.constant 40 : i32
        %parallel_loop3A_564 = arith.addi %parallel_loop3A_563, %parallel_loop3A_368 : i32
        %parallel_loop3A_565 = arith.constant 1 : i32
        %parallel_loop3A_566 = arith.addi %parallel_loop3A_564, %parallel_loop3A_565 : i32
        %parallel_loop3A_567 = arith.index_cast %parallel_loop3A_566 : i32 to index
        %parallel_loop3A_568 = arith.constant 16 : index
        %parallel_loop3A_569 = tpu.vector_load %arg14[%parallel_loop3A_567, %parallel_loop3A_568] {strides = array<i32>} : memref<80x128xf32, #tpu.memory_space<vmem>>, vector<16xf32>,
        tpu.vector_store %arg14[%parallel_loop3A_567, %parallel_loop3A_568], %broadcast_in_dim3A_1 {strides = array<i32>} : memref<80x128xf32, #tpu.memory_space<vmem>>, vector<16xf32>,
        %parallel_loop3A_570 = arith.constant 40 : i32
        %parallel_loop3A_571 = arith.addi %parallel_loop3A_570, %parallel_loop3A_368 : i32
        %parallel_loop3A_572 = arith.index_cast %parallel_loop3A_571 : i32 to index
        %parallel_loop3A_573 = arith.constant 32 : index
        %parallel_loop3A_574 = tpu.vector_load %arg14[%parallel_loop3A_572, %parallel_loop3A_573] {strides = array<i32>} : memref<80x128xf32, #tpu.memory_space<vmem>>, vector<16xf32>,
        tpu.vector_store %arg14[%parallel_loop3A_572, %parallel_loop3A_573], %broadcast_in_dim3A_1 {strides = array<i32>} : memref<80x128xf32, #tpu.memory_space<vmem>>, vector<16xf32>,
        %parallel_loop3A_575 = arith.constant 40 : i32
        %parallel_loop3A_576 = arith.addi %parallel_loop3A_575, %parallel_loop3A_368 : i32
        %parallel_loop3A_577 = arith.constant 1 : i32
        %parallel_loop3A_578 = arith.addi %parallel_loop3A_576, %parallel_loop3A_577 : i32
        %parallel_loop3A_579 = arith.index_cast %parallel_loop3A_578 : i32 to index
        %parallel_loop3A_580 = arith.constant 32 : index
        %parallel_loop3A_581 = tpu.vector_load %arg14[%parallel_loop3A_579, %parallel_loop3A_580] {strides = array<i32>} : memref<80x128xf32, #tpu.memory_space<vmem>>, vector<16xf32>,
        tpu.vector_store %arg14[%parallel_loop3A_579, %parallel_loop3A_580], %broadcast_in_dim3A_1 {strides = array<i32>} : memref<80x128xf32, #tpu.memory_space<vmem>>, vector<16xf32>,
        %parallel_loop3A_582 = arith.constant 40 : i32
        %parallel_loop3A_583 = arith.addi %parallel_loop3A_582, %parallel_loop3A_368 : i32
        %parallel_loop3A_584 = arith.index_cast %parallel_loop3A_583 : i32 to index
        %parallel_loop3A_585 = arith.constant 48 : index
        %parallel_loop3A_586 = tpu.vector_load %arg14[%parallel_loop3A_584, %parallel_loop3A_585] {strides = array<i32>} : memref<80x128xf32, #tpu.memory_space<vmem>>, vector<16xf32>,
        tpu.vector_store %arg14[%parallel_loop3A_584, %parallel_loop3A_585], %broadcast_in_dim3A_1 {strides = array<i32>} : memref<80x128xf32, #tpu.memory_space<vmem>>, vector<16xf32>,
        %parallel_loop3A_587 = arith.constant 40 : i32
        %parallel_loop3A_588 = arith.addi %parallel_loop3A_587, %parallel_loop3A_368 : i32
        %parallel_loop3A_589 = arith.constant 1 : i32
        %parallel_loop3A_590 = arith.addi %parallel_loop3A_588, %parallel_loop3A_589 : i32
        %parallel_loop3A_591 = arith.index_cast %parallel_loop3A_590 : i32 to index
        %parallel_loop3A_592 = arith.constant 48 : index
        %parallel_loop3A_593 = tpu.vector_load %arg14[%parallel_loop3A_591, %parallel_loop3A_592] {strides = array<i32>} : memref<80x128xf32, #tpu.memory_space<vmem>>, vector<16xf32>,
        tpu.vector_store %arg14[%parallel_loop3A_591, %parallel_loop3A_592], %broadcast_in_dim3A_1 {strides = array<i32>} : memref<80x128xf32, #tpu.memory_space<vmem>>, vector<16xf32>,
        %parallel_loop3A_594 = arith.constant 40 : i32
        %parallel_loop3A_595 = arith.addi %parallel_loop3A_594, %parallel_loop3A_368 : i32
        %parallel_loop3A_596 = arith.index_cast %parallel_loop3A_595 : i32 to index
        %parallel_loop3A_597 = arith.constant 64 : index
        %parallel_loop3A_598 = tpu.vector_load %arg14[%parallel_loop3A_596, %parallel_loop3A_597] {strides = array<i32>} : memref<80x128xf32, #tpu.memory_space<vmem>>, vector<16xf32>,
        tpu.vector_store %arg14[%parallel_loop3A_596, %parallel_loop3A_597], %broadcast_in_dim3A_1 {strides = array<i32>} : memref<80x128xf32, #tpu.memory_space<vmem>>, vector<16xf32>,
        %parallel_loop3A_599 = arith.constant 40 : i32
        %parallel_loop3A_600 = arith.addi %parallel_loop3A_599, %parallel_loop3A_368 : i32
        %parallel_loop3A_601 = arith.constant 1 : i32
        %parallel_loop3A_602 = arith.addi %parallel_loop3A_600, %parallel_loop3A_601 : i32
        %parallel_loop3A_603 = arith.index_cast %parallel_loop3A_602 : i32 to index
        %parallel_loop3A_604 = arith.constant 64 : index
        %parallel_loop3A_605 = tpu.vector_load %arg14[%parallel_loop3A_603, %parallel_loop3A_604] {strides = array<i32>} : memref<80x128xf32, #tpu.memory_space<vmem>>, vector<16xf32>,
        tpu.vector_store %arg14[%parallel_loop3A_603, %parallel_loop3A_604], %broadcast_in_dim3A_1 {strides = array<i32>} : memref<80x128xf32, #tpu.memory_space<vmem>>, vector<16xf32>,
        %parallel_loop3A_606 = arith.constant 40 : i32
        %parallel_loop3A_607 = arith.addi %parallel_loop3A_606, %parallel_loop3A_368 : i32
        %parallel_loop3A_608 = arith.index_cast %parallel_loop3A_607 : i32 to index
        %parallel_loop3A_609 = arith.constant 80 : index
        %parallel_loop3A_610 = tpu.vector_load %arg14[%parallel_loop3A_608, %parallel_loop3A_609] {strides = array<i32>} : memref<80x128xf32, #tpu.memory_space<vmem>>, vector<16xf32>,
        tpu.vector_store %arg14[%parallel_loop3A_608, %parallel_loop3A_609], %broadcast_in_dim3A_1 {strides = array<i32>} : memref<80x128xf32, #tpu.memory_space<vmem>>, vector<16xf32>,
        %parallel_loop3A_611 = arith.constant 40 : i32
        %parallel_loop3A_612 = arith.addi %parallel_loop3A_611, %parallel_loop3A_368 : i32
        %parallel_loop3A_613 = arith.constant 1 : i32
        %parallel_loop3A_614 = arith.addi %parallel_loop3A_612, %parallel_loop3A_613 : i32
        %parallel_loop3A_615 = arith.index_cast %parallel_loop3A_614 : i32 to index
        %parallel_loop3A_616 = arith.constant 80 : index
        %parallel_loop3A_617 = tpu.vector_load %arg14[%parallel_loop3A_615, %parallel_loop3A_616] {strides = array<i32>} : memref<80x128xf32, #tpu.memory_space<vmem>>, vector<16xf32>,
        tpu.vector_store %arg14[%parallel_loop3A_615, %parallel_loop3A_616], %broadcast_in_dim3A_1 {strides = array<i32>} : memref<80x128xf32, #tpu.memory_space<vmem>>, vector<16xf32>,
        %parallel_loop3A_618 = arith.constant 40 : i32
        %parallel_loop3A_619 = arith.addi %parallel_loop3A_618, %parallel_loop3A_368 : i32
        %parallel_loop3A_620 = arith.index_cast %parallel_loop3A_619 : i32 to index
        %parallel_loop3A_621 = arith.constant 96 : index
        %parallel_loop3A_622 = tpu.vector_load %arg14[%parallel_loop3A_620, %parallel_loop3A_621] {strides = array<i32>} : memref<80x128xf32, #tpu.memory_space<vmem>>, vector<16xf32>,
        tpu.vector_store %arg14[%parallel_loop3A_620, %parallel_loop3A_621], %broadcast_in_dim3A_1 {strides = array<i32>} : memref<80x128xf32, #tpu.memory_space<vmem>>, vector<16xf32>,
        %parallel_loop3A_623 = arith.constant 40 : i32
        %parallel_loop3A_624 = arith.addi %parallel_loop3A_623, %parallel_loop3A_368 : i32
        %parallel_loop3A_625 = arith.constant 1 : i32
        %parallel_loop3A_626 = arith.addi %parallel_loop3A_624, %parallel_loop3A_625 : i32
        %parallel_loop3A_627 = arith.index_cast %parallel_loop3A_626 : i32 to index
        %parallel_loop3A_628 = arith.constant 96 : index
        %parallel_loop3A_629 = tpu.vector_load %arg14[%parallel_loop3A_627, %parallel_loop3A_628] {strides = array<i32>} : memref<80x128xf32, #tpu.memory_space<vmem>>, vector<16xf32>,
        tpu.vector_store %arg14[%parallel_loop3A_627, %parallel_loop3A_628], %broadcast_in_dim3A_1 {strides = array<i32>} : memref<80x128xf32, #tpu.memory_space<vmem>>, vector<16xf32>,
        %parallel_loop3A_630 = arith.constant 40 : i32
        %parallel_loop3A_631 = arith.addi %parallel_loop3A_630, %parallel_loop3A_368 : i32
        %parallel_loop3A_632 = arith.index_cast %parallel_loop3A_631 : i32 to index
        %parallel_loop3A_633 = arith.constant 112 : index
        %parallel_loop3A_634 = tpu.vector_load %arg14[%parallel_loop3A_632, %parallel_loop3A_633] {strides = array<i32>} : memref<80x128xf32, #tpu.memory_space<vmem>>, vector<16xf32>,
        tpu.vector_store %arg14[%parallel_loop3A_632, %parallel_loop3A_633], %broadcast_in_dim3A_1 {strides = array<i32>} : memref<80x128xf32, #tpu.memory_space<vmem>>, vector<16xf32>,
        %parallel_loop3A_635 = arith.constant 40 : i32
        %parallel_loop3A_636 = arith.addi %parallel_loop3A_635, %parallel_loop3A_368 : i32
        %parallel_loop3A_637 = arith.constant 1 : i32
        %parallel_loop3A_638 = arith.addi %parallel_loop3A_636, %parallel_loop3A_637 : i32
        %parallel_loop3A_639 = arith.index_cast %parallel_loop3A_638 : i32 to index
        %parallel_loop3A_640 = arith.constant 112 : index
        %parallel_loop3A_641 = tpu.vector_load %arg14[%parallel_loop3A_639, %parallel_loop3A_640] {strides = array<i32>} : memref<80x128xf32, #tpu.memory_space<vmem>>, vector<16xf32>,
        tpu.vector_store %arg14[%parallel_loop3A_639, %parallel_loop3A_640], %broadcast_in_dim3A_1 {strides = array<i32>} : memref<80x128xf32, #tpu.memory_space<vmem>>, vector<16xf32>,
        %parallel_loop3A_642 = tpu.vector_load_idx %arg10[%parallel_loop3A_375] : memref<80xi32, #tpu.memory_space<vmem>>[vector<16xi32>], vector<16xi32>,
        %parallel_loop3A_643 = arith.constant 15 : i32
        %parallel_loop3A_644 = vector.broadcast %parallel_loop3A_643 : i32 to vector<16xi32>
        %parallel_loop3A_645 = arith.andi %parallel_loop3A_642, %parallel_loop3A_644 : vector<16xi32>
        %parallel_loop3A_646 = arith.constant 8 : i32
        %parallel_loop3A_647 = vector.broadcast %parallel_loop3A_646 : i32 to vector<16xi32>
        %parallel_loop3A_648 = arith.muli %parallel_loop3A_645, %parallel_loop3A_647 : vector<16xi32>
        %parallel_loop3A_649 = arith.constant 7 : i32
        %parallel_loop3A_650 = vector.broadcast %parallel_loop3A_649 : i32 to vector<16xi32>
        %parallel_loop3A_651 = arith.andi %iota3A, %parallel_loop3A_650 : vector<16xi32>
        %parallel_loop3A_652 = arith.addi %parallel_loop3A_648, %parallel_loop3A_651 : vector<16xi32>
        %parallel_loop3A_653 = arith.constant 40 : i32
        %parallel_loop3A_654 = vector.broadcast %parallel_loop3A_653 : i32 to vector<16xi32>
        %parallel_loop3A_655 = arith.addi %parallel_loop3A_654, %parallel_loop3A_375 : vector<16xi32>
        tpu.vector_store_idx %arg14[%parallel_loop3A_655, %parallel_loop3A_652], %parallel_loop3A_545 : memref<80x128xf32, #tpu.memory_space<vmem>>[vector<16xi32>, vector<16xi32>], vector<16xf32>,
        %parallel_loop3A_656 = arith.constant 0 : i32
        %parallel_loop3A_657 = arith.addi %parallel_loop3A_368, %parallel_loop3A_656 : i32
        %parallel_loop3A_658 = arith.constant 0 : i32
        %parallel_loop3A_659 = vector.broadcast %parallel_loop3A_658 : i32 to vector<16xi32>
        %parallel_loop3A_660 = arith.constant 0 : i32
        %parallel_loop3A_661 = vector.broadcast %parallel_loop3A_660 : i32 to vector<16xi32>
        %parallel_loop3A_662 = arith.cmpi slt, %parallel_loop3A_659, %parallel_loop3A_661 : vector<16xi32>
        %parallel_loop3A_663 = arith.constant 16 : i32
        %parallel_loop3A_664 = vector.broadcast %parallel_loop3A_663 : i32 to vector<16xi32>
        %parallel_loop3A_665 = arith.addi %parallel_loop3A_659, %parallel_loop3A_664 : vector<16xi32>
        %parallel_loop3A_666 = arith.select %parallel_loop3A_662, %parallel_loop3A_665, %parallel_loop3A_659 : vector<16xi1>, vector<16xi32>
        %parallel_loop3A_667 = vector.shape_cast %parallel_loop3A_666 : vector<16xi32> to vector<16x1xi32>
        %parallel_loop3A_668 = vector.shape_cast %parallel_loop3A_667 : vector<16x1xi32> to vector<16xi32>
        %parallel_loop3A_669 = tpu.dynamic_gather %parallel_loop3A_545[%parallel_loop3A_668] in [0] : vector<16xf32>, vector<16xi32> -> vector<16xf32>
        %parallel_loop3A_670 = arith.constant 0 : i32
        %parallel_loop3A_671 = arith.index_cast %parallel_loop3A_670 : i32 to index
        %parallel_loop3A_672 = arith.index_cast %parallel_loop3A_657 : i32 to index
        %parallel_loop3A_673 = arith.constant 128 : index
        %parallel_loop3A_674 = tpu.vector_load %arg12[%parallel_loop3A_671, %parallel_loop3A_672, %parallel_loop3A_673] {strides = array<i32>} : memref<2x40x256xf32, #tpu.memory_space<vmem>>, vector<16xf32>,
        %parallel_loop3A_675 = arith.mulf %parallel_loop3A_674, %parallel_loop3A_669 : vector<16xf32>
        %parallel_loop3A_676 = arith.index_cast %parallel_loop3A_657 : i32 to index
        %parallel_loop3A_677 = arith.constant 0 : index
        %parallel_loop3A_678 = tpu.vector_load %arg14[%parallel_loop3A_676, %parallel_loop3A_677] {strides = array<i32>} : memref<80x128xf32, #tpu.memory_space<vmem>>, vector<16xf32>,
        tpu.vector_store %arg14[%parallel_loop3A_676, %parallel_loop3A_677], %parallel_loop3A_675 {strides = array<i32>} : memref<80x128xf32, #tpu.memory_space<vmem>>, vector<16xf32>,
        %parallel_loop3A_679 = arith.constant 1 : i32
        %parallel_loop3A_680 = vector.broadcast %parallel_loop3A_679 : i32 to vector<16xi32>
        %parallel_loop3A_681 = arith.constant 0 : i32
        %parallel_loop3A_682 = vector.broadcast %parallel_loop3A_681 : i32 to vector<16xi32>
        %parallel_loop3A_683 = arith.cmpi slt, %parallel_loop3A_680, %parallel_loop3A_682 : vector<16xi32>
        %parallel_loop3A_684 = arith.constant 16 : i32
        %parallel_loop3A_685 = vector.broadcast %parallel_loop3A_684 : i32 to vector<16xi32>
        %parallel_loop3A_686 = arith.addi %parallel_loop3A_680, %parallel_loop3A_685 : vector<16xi32>
        %parallel_loop3A_687 = arith.select %parallel_loop3A_683, %parallel_loop3A_686, %parallel_loop3A_680 : vector<16xi1>, vector<16xi32>
        %parallel_loop3A_688 = vector.shape_cast %parallel_loop3A_687 : vector<16xi32> to vector<16x1xi32>
        %parallel_loop3A_689 = vector.shape_cast %parallel_loop3A_688 : vector<16x1xi32> to vector<16xi32>
        %parallel_loop3A_690 = tpu.dynamic_gather %parallel_loop3A_545[%parallel_loop3A_689] in [0] : vector<16xf32>, vector<16xi32> -> vector<16xf32>
        %parallel_loop3A_691 = arith.constant 0 : i32
        %parallel_loop3A_692 = arith.index_cast %parallel_loop3A_691 : i32 to index
        %parallel_loop3A_693 = arith.index_cast %parallel_loop3A_657 : i32 to index
        %parallel_loop3A_694 = arith.constant 144 : index
        %parallel_loop3A_695 = tpu.vector_load %arg12[%parallel_loop3A_692, %parallel_loop3A_693, %parallel_loop3A_694] {strides = array<i32>} : memref<2x40x256xf32, #tpu.memory_space<vmem>>, vector<16xf32>,
        %parallel_loop3A_696 = arith.mulf %parallel_loop3A_695, %parallel_loop3A_690 : vector<16xf32>
        %parallel_loop3A_697 = arith.index_cast %parallel_loop3A_657 : i32 to index
        %parallel_loop3A_698 = arith.constant 16 : index
        %parallel_loop3A_699 = tpu.vector_load %arg14[%parallel_loop3A_697, %parallel_loop3A_698] {strides = array<i32>} : memref<80x128xf32, #tpu.memory_space<vmem>>, vector<16xf32>,
        tpu.vector_store %arg14[%parallel_loop3A_697, %parallel_loop3A_698], %parallel_loop3A_696 {strides = array<i32>} : memref<80x128xf32, #tpu.memory_space<vmem>>, vector<16xf32>,
        %parallel_loop3A_700 = arith.constant 2 : i32
        %parallel_loop3A_701 = vector.broadcast %parallel_loop3A_700 : i32 to vector<16xi32>
        %parallel_loop3A_702 = arith.constant 0 : i32
        %parallel_loop3A_703 = vector.broadcast %parallel_loop3A_702 : i32 to vector<16xi32>
        %parallel_loop3A_704 = arith.cmpi slt, %parallel_loop3A_701, %parallel_loop3A_703 : vector<16xi32>
        %parallel_loop3A_705 = arith.constant 16 : i32
        %parallel_loop3A_706 = vector.broadcast %parallel_loop3A_705 : i32 to vector<16xi32>
        %parallel_loop3A_707 = arith.addi %parallel_loop3A_701, %parallel_loop3A_706 : vector<16xi32>
        %parallel_loop3A_708 = arith.select %parallel_loop3A_704, %parallel_loop3A_707, %parallel_loop3A_701 : vector<16xi1>, vector<16xi32>
        %parallel_loop3A_709 = vector.shape_cast %parallel_loop3A_708 : vector<16xi32> to vector<16x1xi32>
        %parallel_loop3A_710 = vector.shape_cast %parallel_loop3A_709 : vector<16x1xi32> to vector<16xi32>
        %parallel_loop3A_711 = tpu.dynamic_gather %parallel_loop3A_545[%parallel_loop3A_710] in [0] : vector<16xf32>, vector<16xi32> -> vector<16xf32>
        %parallel_loop3A_712 = arith.constant 0 : i32
        %parallel_loop3A_713 = arith.index_cast %parallel_loop3A_712 : i32 to index
        %parallel_loop3A_714 = arith.index_cast %parallel_loop3A_657 : i32 to index
        %parallel_loop3A_715 = arith.constant 160 : index
        %parallel_loop3A_716 = tpu.vector_load %arg12[%parallel_loop3A_713, %parallel_loop3A_714, %parallel_loop3A_715] {strides = array<i32>} : memref<2x40x256xf32, #tpu.memory_space<vmem>>, vector<16xf32>,
        %parallel_loop3A_717 = arith.mulf %parallel_loop3A_716, %parallel_loop3A_711 : vector<16xf32>
        %parallel_loop3A_718 = arith.index_cast %parallel_loop3A_657 : i32 to index
        %parallel_loop3A_719 = arith.constant 32 : index
        %parallel_loop3A_720 = tpu.vector_load %arg14[%parallel_loop3A_718, %parallel_loop3A_719] {strides = array<i32>} : memref<80x128xf32, #tpu.memory_space<vmem>>, vector<16xf32>,
        tpu.vector_store %arg14[%parallel_loop3A_718, %parallel_loop3A_719], %parallel_loop3A_717 {strides = array<i32>} : memref<80x128xf32, #tpu.memory_space<vmem>>, vector<16xf32>,
        %parallel_loop3A_721 = arith.constant 3 : i32
        %parallel_loop3A_722 = vector.broadcast %parallel_loop3A_721 : i32 to vector<16xi32>
        %parallel_loop3A_723 = arith.constant 0 : i32
        %parallel_loop3A_724 = vector.broadcast %parallel_loop3A_723 : i32 to vector<16xi32>
        %parallel_loop3A_725 = arith.cmpi slt, %parallel_loop3A_722, %parallel_loop3A_724 : vector<16xi32>
        %parallel_loop3A_726 = arith.constant 16 : i32
        %parallel_loop3A_727 = vector.broadcast %parallel_loop3A_726 : i32 to vector<16xi32>
        %parallel_loop3A_728 = arith.addi %parallel_loop3A_722, %parallel_loop3A_727 : vector<16xi32>
        %parallel_loop3A_729 = arith.select %parallel_loop3A_725, %parallel_loop3A_728, %parallel_loop3A_722 : vector<16xi1>, vector<16xi32>
        %parallel_loop3A_730 = vector.shape_cast %parallel_loop3A_729 : vector<16xi32> to vector<16x1xi32>
        %parallel_loop3A_731 = vector.shape_cast %parallel_loop3A_730 : vector<16x1xi32> to vector<16xi32>
        %parallel_loop3A_732 = tpu.dynamic_gather %parallel_loop3A_545[%parallel_loop3A_731] in [0] : vector<16xf32>, vector<16xi32> -> vector<16xf32>
        %parallel_loop3A_733 = arith.constant 0 : i32
        %parallel_loop3A_734 = arith.index_cast %parallel_loop3A_733 : i32 to index
        %parallel_loop3A_735 = arith.index_cast %parallel_loop3A_657 : i32 to index
        %parallel_loop3A_736 = arith.constant 176 : index
        %parallel_loop3A_737 = tpu.vector_load %arg12[%parallel_loop3A_734, %parallel_loop3A_735, %parallel_loop3A_736] {strides = array<i32>} : memref<2x40x256xf32, #tpu.memory_space<vmem>>, vector<16xf32>,
        %parallel_loop3A_738 = arith.mulf %parallel_loop3A_737, %parallel_loop3A_732 : vector<16xf32>
        %parallel_loop3A_739 = arith.index_cast %parallel_loop3A_657 : i32 to index
        %parallel_loop3A_740 = arith.constant 48 : index
        %parallel_loop3A_741 = tpu.vector_load %arg14[%parallel_loop3A_739, %parallel_loop3A_740] {strides = array<i32>} : memref<80x128xf32, #tpu.memory_space<vmem>>, vector<16xf32>,
        tpu.vector_store %arg14[%parallel_loop3A_739, %parallel_loop3A_740], %parallel_loop3A_738 {strides = array<i32>} : memref<80x128xf32, #tpu.memory_space<vmem>>, vector<16xf32>,
        %parallel_loop3A_742 = arith.constant 4 : i32
        %parallel_loop3A_743 = vector.broadcast %parallel_loop3A_742 : i32 to vector<16xi32>
        %parallel_loop3A_744 = arith.constant 0 : i32
        %parallel_loop3A_745 = vector.broadcast %parallel_loop3A_744 : i32 to vector<16xi32>
        %parallel_loop3A_746 = arith.cmpi slt, %parallel_loop3A_743, %parallel_loop3A_745 : vector<16xi32>
        %parallel_loop3A_747 = arith.constant 16 : i32
        %parallel_loop3A_748 = vector.broadcast %parallel_loop3A_747 : i32 to vector<16xi32>
        %parallel_loop3A_749 = arith.addi %parallel_loop3A_743, %parallel_loop3A_748 : vector<16xi32>
        %parallel_loop3A_750 = arith.select %parallel_loop3A_746, %parallel_loop3A_749, %parallel_loop3A_743 : vector<16xi1>, vector<16xi32>
        %parallel_loop3A_751 = vector.shape_cast %parallel_loop3A_750 : vector<16xi32> to vector<16x1xi32>
        %parallel_loop3A_752 = vector.shape_cast %parallel_loop3A_751 : vector<16x1xi32> to vector<16xi32>
        %parallel_loop3A_753 = tpu.dynamic_gather %parallel_loop3A_545[%parallel_loop3A_752] in [0] : vector<16xf32>, vector<16xi32> -> vector<16xf32>
        %parallel_loop3A_754 = arith.constant 0 : i32
        %parallel_loop3A_755 = arith.index_cast %parallel_loop3A_754 : i32 to index
        %parallel_loop3A_756 = arith.index_cast %parallel_loop3A_657 : i32 to index
        %parallel_loop3A_757 = arith.constant 192 : index
        %parallel_loop3A_758 = tpu.vector_load %arg12[%parallel_loop3A_755, %parallel_loop3A_756, %parallel_loop3A_757] {strides = array<i32>} : memref<2x40x256xf32, #tpu.memory_space<vmem>>, vector<16xf32>,
        %parallel_loop3A_759 = arith.mulf %parallel_loop3A_758, %parallel_loop3A_753 : vector<16xf32>
        %parallel_loop3A_760 = arith.index_cast %parallel_loop3A_657 : i32 to index
        %parallel_loop3A_761 = arith.constant 64 : index
        %parallel_loop3A_762 = tpu.vector_load %arg14[%parallel_loop3A_760, %parallel_loop3A_761] {strides = array<i32>} : memref<80x128xf32, #tpu.memory_space<vmem>>, vector<16xf32>,
        tpu.vector_store %arg14[%parallel_loop3A_760, %parallel_loop3A_761], %parallel_loop3A_759 {strides = array<i32>} : memref<80x128xf32, #tpu.memory_space<vmem>>, vector<16xf32>,
        %parallel_loop3A_763 = arith.constant 5 : i32
        %parallel_loop3A_764 = vector.broadcast %parallel_loop3A_763 : i32 to vector<16xi32>
        %parallel_loop3A_765 = arith.constant 0 : i32
        %parallel_loop3A_766 = vector.broadcast %parallel_loop3A_765 : i32 to vector<16xi32>
        %parallel_loop3A_767 = arith.cmpi slt, %parallel_loop3A_764, %parallel_loop3A_766 : vector<16xi32>
        %parallel_loop3A_768 = arith.constant 16 : i32
        %parallel_loop3A_769 = vector.broadcast %parallel_loop3A_768 : i32 to vector<16xi32>
        %parallel_loop3A_770 = arith.addi %parallel_loop3A_764, %parallel_loop3A_769 : vector<16xi32>
        %parallel_loop3A_771 = arith.select %parallel_loop3A_767, %parallel_loop3A_770, %parallel_loop3A_764 : vector<16xi1>, vector<16xi32>
        %parallel_loop3A_772 = vector.shape_cast %parallel_loop3A_771 : vector<16xi32> to vector<16x1xi32>
        %parallel_loop3A_773 = vector.shape_cast %parallel_loop3A_772 : vector<16x1xi32> to vector<16xi32>
        %parallel_loop3A_774 = tpu.dynamic_gather %parallel_loop3A_545[%parallel_loop3A_773] in [0] : vector<16xf32>, vector<16xi32> -> vector<16xf32>
        %parallel_loop3A_775 = arith.constant 0 : i32
        %parallel_loop3A_776 = arith.index_cast %parallel_loop3A_775 : i32 to index
        %parallel_loop3A_777 = arith.index_cast %parallel_loop3A_657 : i32 to index
        %parallel_loop3A_778 = arith.constant 208 : index
        %parallel_loop3A_779 = tpu.vector_load %arg12[%parallel_loop3A_776, %parallel_loop3A_777, %parallel_loop3A_778] {strides = array<i32>} : memref<2x40x256xf32, #tpu.memory_space<vmem>>, vector<16xf32>,
        %parallel_loop3A_780 = arith.mulf %parallel_loop3A_779, %parallel_loop3A_774 : vector<16xf32>
        %parallel_loop3A_781 = arith.index_cast %parallel_loop3A_657 : i32 to index
        %parallel_loop3A_782 = arith.constant 80 : index
        %parallel_loop3A_783 = tpu.vector_load %arg14[%parallel_loop3A_781, %parallel_loop3A_782] {strides = array<i32>} : memref<80x128xf32, #tpu.memory_space<vmem>>, vector<16xf32>,
        tpu.vector_store %arg14[%parallel_loop3A_781, %parallel_loop3A_782], %parallel_loop3A_780 {strides = array<i32>} : memref<80x128xf32, #tpu.memory_space<vmem>>, vector<16xf32>,
        %parallel_loop3A_784 = arith.constant 6 : i32
        %parallel_loop3A_785 = vector.broadcast %parallel_loop3A_784 : i32 to vector<16xi32>
        %parallel_loop3A_786 = arith.constant 0 : i32
        %parallel_loop3A_787 = vector.broadcast %parallel_loop3A_786 : i32 to vector<16xi32>
        %parallel_loop3A_788 = arith.cmpi slt, %parallel_loop3A_785, %parallel_loop3A_787 : vector<16xi32>
        %parallel_loop3A_789 = arith.constant 16 : i32
        %parallel_loop3A_790 = vector.broadcast %parallel_loop3A_789 : i32 to vector<16xi32>
        %parallel_loop3A_791 = arith.addi %parallel_loop3A_785, %parallel_loop3A_790 : vector<16xi32>
        %parallel_loop3A_792 = arith.select %parallel_loop3A_788, %parallel_loop3A_791, %parallel_loop3A_785 : vector<16xi1>, vector<16xi32>
        %parallel_loop3A_793 = vector.shape_cast %parallel_loop3A_792 : vector<16xi32> to vector<16x1xi32>
        %parallel_loop3A_794 = vector.shape_cast %parallel_loop3A_793 : vector<16x1xi32> to vector<16xi32>
        %parallel_loop3A_795 = tpu.dynamic_gather %parallel_loop3A_545[%parallel_loop3A_794] in [0] : vector<16xf32>, vector<16xi32> -> vector<16xf32>
        %parallel_loop3A_796 = arith.constant 0 : i32
        %parallel_loop3A_797 = arith.index_cast %parallel_loop3A_796 : i32 to index
        %parallel_loop3A_798 = arith.index_cast %parallel_loop3A_657 : i32 to index
        %parallel_loop3A_799 = arith.constant 224 : index
        %parallel_loop3A_800 = tpu.vector_load %arg12[%parallel_loop3A_797, %parallel_loop3A_798, %parallel_loop3A_799] {strides = array<i32>} : memref<2x40x256xf32, #tpu.memory_space<vmem>>, vector<16xf32>,
        %parallel_loop3A_801 = arith.mulf %parallel_loop3A_800, %parallel_loop3A_795 : vector<16xf32>
        %parallel_loop3A_802 = arith.index_cast %parallel_loop3A_657 : i32 to index
        %parallel_loop3A_803 = arith.constant 96 : index
        %parallel_loop3A_804 = tpu.vector_load %arg14[%parallel_loop3A_802, %parallel_loop3A_803] {strides = array<i32>} : memref<80x128xf32, #tpu.memory_space<vmem>>, vector<16xf32>,
        tpu.vector_store %arg14[%parallel_loop3A_802, %parallel_loop3A_803], %parallel_loop3A_801 {strides = array<i32>} : memref<80x128xf32, #tpu.memory_space<vmem>>, vector<16xf32>,
        %parallel_loop3A_805 = arith.constant 7 : i32
        %parallel_loop3A_806 = vector.broadcast %parallel_loop3A_805 : i32 to vector<16xi32>
        %parallel_loop3A_807 = arith.constant 0 : i32
        %parallel_loop3A_808 = vector.broadcast %parallel_loop3A_807 : i32 to vector<16xi32>
        %parallel_loop3A_809 = arith.cmpi slt, %parallel_loop3A_806, %parallel_loop3A_808 : vector<16xi32>
        %parallel_loop3A_810 = arith.constant 16 : i32
        %parallel_loop3A_811 = vector.broadcast %parallel_loop3A_810 : i32 to vector<16xi32>
        %parallel_loop3A_812 = arith.addi %parallel_loop3A_806, %parallel_loop3A_811 : vector<16xi32>
        %parallel_loop3A_813 = arith.select %parallel_loop3A_809, %parallel_loop3A_812, %parallel_loop3A_806 : vector<16xi1>, vector<16xi32>
        %parallel_loop3A_814 = vector.shape_cast %parallel_loop3A_813 : vector<16xi32> to vector<16x1xi32>
        %parallel_loop3A_815 = vector.shape_cast %parallel_loop3A_814 : vector<16x1xi32> to vector<16xi32>
        %parallel_loop3A_816 = tpu.dynamic_gather %parallel_loop3A_545[%parallel_loop3A_815] in [0] : vector<16xf32>, vector<16xi32> -> vector<16xf32>
        %parallel_loop3A_817 = arith.constant 0 : i32
        %parallel_loop3A_818 = arith.index_cast %parallel_loop3A_817 : i32 to index
        %parallel_loop3A_819 = arith.index_cast %parallel_loop3A_657 : i32 to index
        %parallel_loop3A_820 = arith.constant 240 : index
        %parallel_loop3A_821 = tpu.vector_load %arg12[%parallel_loop3A_818, %parallel_loop3A_819, %parallel_loop3A_820] {strides = array<i32>} : memref<2x40x256xf32, #tpu.memory_space<vmem>>, vector<16xf32>,
        %parallel_loop3A_822 = arith.mulf %parallel_loop3A_821, %parallel_loop3A_816 : vector<16xf32>
        %parallel_loop3A_823 = arith.index_cast %parallel_loop3A_657 : i32 to index
        %parallel_loop3A_824 = arith.constant 112 : index
        %parallel_loop3A_825 = tpu.vector_load %arg14[%parallel_loop3A_823, %parallel_loop3A_824] {strides = array<i32>} : memref<80x128xf32, #tpu.memory_space<vmem>>, vector<16xf32>,
        tpu.vector_store %arg14[%parallel_loop3A_823, %parallel_loop3A_824], %parallel_loop3A_822 {strides = array<i32>} : memref<80x128xf32, #tpu.memory_space<vmem>>, vector<16xf32>,
        %parallel_loop3A_826 = arith.constant 1 : i32
        %parallel_loop3A_827 = arith.addi %parallel_loop3A_368, %parallel_loop3A_826 : i32
        %parallel_loop3A_828 = arith.constant 8 : i32
        %parallel_loop3A_829 = vector.broadcast %parallel_loop3A_828 : i32 to vector<16xi32>
        %parallel_loop3A_830 = arith.constant 0 : i32
        %parallel_loop3A_831 = vector.broadcast %parallel_loop3A_830 : i32 to vector<16xi32>
        %parallel_loop3A_832 = arith.cmpi slt, %parallel_loop3A_829, %parallel_loop3A_831 : vector<16xi32>
        %parallel_loop3A_833 = arith.constant 16 : i32
        %parallel_loop3A_834 = vector.broadcast %parallel_loop3A_833 : i32 to vector<16xi32>
        %parallel_loop3A_835 = arith.addi %parallel_loop3A_829, %parallel_loop3A_834 : vector<16xi32>
        %parallel_loop3A_836 = arith.select %parallel_loop3A_832, %parallel_loop3A_835, %parallel_loop3A_829 : vector<16xi1>, vector<16xi32>
        %parallel_loop3A_837 = vector.shape_cast %parallel_loop3A_836 : vector<16xi32> to vector<16x1xi32>
        %parallel_loop3A_838 = vector.shape_cast %parallel_loop3A_837 : vector<16x1xi32> to vector<16xi32>
        %parallel_loop3A_839 = tpu.dynamic_gather %parallel_loop3A_545[%parallel_loop3A_838] in [0] : vector<16xf32>, vector<16xi32> -> vector<16xf32>
        %parallel_loop3A_840 = arith.constant 0 : i32
        %parallel_loop3A_841 = arith.index_cast %parallel_loop3A_840 : i32 to index
        %parallel_loop3A_842 = arith.index_cast %parallel_loop3A_827 : i32 to index
        %parallel_loop3A_843 = arith.constant 128 : index
        %parallel_loop3A_844 = tpu.vector_load %arg12[%parallel_loop3A_841, %parallel_loop3A_842, %parallel_loop3A_843] {strides = array<i32>} : memref<2x40x256xf32, #tpu.memory_space<vmem>>, vector<16xf32>,
        %parallel_loop3A_845 = arith.mulf %parallel_loop3A_844, %parallel_loop3A_839 : vector<16xf32>
        %parallel_loop3A_846 = arith.index_cast %parallel_loop3A_827 : i32 to index
        %parallel_loop3A_847 = arith.constant 0 : index
        %parallel_loop3A_848 = tpu.vector_load %arg14[%parallel_loop3A_846, %parallel_loop3A_847] {strides = array<i32>} : memref<80x128xf32, #tpu.memory_space<vmem>>, vector<16xf32>,
        tpu.vector_store %arg14[%parallel_loop3A_846, %parallel_loop3A_847], %parallel_loop3A_845 {strides = array<i32>} : memref<80x128xf32, #tpu.memory_space<vmem>>, vector<16xf32>,
        %parallel_loop3A_849 = arith.constant 9 : i32
        %parallel_loop3A_850 = vector.broadcast %parallel_loop3A_849 : i32 to vector<16xi32>
        %parallel_loop3A_851 = arith.constant 0 : i32
        %parallel_loop3A_852 = vector.broadcast %parallel_loop3A_851 : i32 to vector<16xi32>
        %parallel_loop3A_853 = arith.cmpi slt, %parallel_loop3A_850, %parallel_loop3A_852 : vector<16xi32>
        %parallel_loop3A_854 = arith.constant 16 : i32
        %parallel_loop3A_855 = vector.broadcast %parallel_loop3A_854 : i32 to vector<16xi32>
        %parallel_loop3A_856 = arith.addi %parallel_loop3A_850, %parallel_loop3A_855 : vector<16xi32>
        %parallel_loop3A_857 = arith.select %parallel_loop3A_853, %parallel_loop3A_856, %parallel_loop3A_850 : vector<16xi1>, vector<16xi32>
        %parallel_loop3A_858 = vector.shape_cast %parallel_loop3A_857 : vector<16xi32> to vector<16x1xi32>
        %parallel_loop3A_859 = vector.shape_cast %parallel_loop3A_858 : vector<16x1xi32> to vector<16xi32>
        %parallel_loop3A_860 = tpu.dynamic_gather %parallel_loop3A_545[%parallel_loop3A_859] in [0] : vector<16xf32>, vector<16xi32> -> vector<16xf32>
        %parallel_loop3A_861 = arith.constant 0 : i32
        %parallel_loop3A_862 = arith.index_cast %parallel_loop3A_861 : i32 to index
        %parallel_loop3A_863 = arith.index_cast %parallel_loop3A_827 : i32 to index
        %parallel_loop3A_864 = arith.constant 144 : index
        %parallel_loop3A_865 = tpu.vector_load %arg12[%parallel_loop3A_862, %parallel_loop3A_863, %parallel_loop3A_864] {strides = array<i32>} : memref<2x40x256xf32, #tpu.memory_space<vmem>>, vector<16xf32>,
        %parallel_loop3A_866 = arith.mulf %parallel_loop3A_865, %parallel_loop3A_860 : vector<16xf32>
        %parallel_loop3A_867 = arith.index_cast %parallel_loop3A_827 : i32 to index
        %parallel_loop3A_868 = arith.constant 16 : index
        %parallel_loop3A_869 = tpu.vector_load %arg14[%parallel_loop3A_867, %parallel_loop3A_868] {strides = array<i32>} : memref<80x128xf32, #tpu.memory_space<vmem>>, vector<16xf32>,
        tpu.vector_store %arg14[%parallel_loop3A_867, %parallel_loop3A_868], %parallel_loop3A_866 {strides = array<i32>} : memref<80x128xf32, #tpu.memory_space<vmem>>, vector<16xf32>,
        %parallel_loop3A_870 = arith.constant 10 : i32
        %parallel_loop3A_871 = vector.broadcast %parallel_loop3A_870 : i32 to vector<16xi32>
        %parallel_loop3A_872 = arith.constant 0 : i32
        %parallel_loop3A_873 = vector.broadcast %parallel_loop3A_872 : i32 to vector<16xi32>
        %parallel_loop3A_874 = arith.cmpi slt, %parallel_loop3A_871, %parallel_loop3A_873 : vector<16xi32>
        %parallel_loop3A_875 = arith.constant 16 : i32
        %parallel_loop3A_876 = vector.broadcast %parallel_loop3A_875 : i32 to vector<16xi32>
        %parallel_loop3A_877 = arith.addi %parallel_loop3A_871, %parallel_loop3A_876 : vector<16xi32>
        %parallel_loop3A_878 = arith.select %parallel_loop3A_874, %parallel_loop3A_877, %parallel_loop3A_871 : vector<16xi1>, vector<16xi32>
        %parallel_loop3A_879 = vector.shape_cast %parallel_loop3A_878 : vector<16xi32> to vector<16x1xi32>
        %parallel_loop3A_880 = vector.shape_cast %parallel_loop3A_879 : vector<16x1xi32> to vector<16xi32>
        %parallel_loop3A_881 = tpu.dynamic_gather %parallel_loop3A_545[%parallel_loop3A_880] in [0] : vector<16xf32>, vector<16xi32> -> vector<16xf32>
        %parallel_loop3A_882 = arith.constant 0 : i32
        %parallel_loop3A_883 = arith.index_cast %parallel_loop3A_882 : i32 to index
        %parallel_loop3A_884 = arith.index_cast %parallel_loop3A_827 : i32 to index
        %parallel_loop3A_885 = arith.constant 160 : index
        %parallel_loop3A_886 = tpu.vector_load %arg12[%parallel_loop3A_883, %parallel_loop3A_884, %parallel_loop3A_885] {strides = array<i32>} : memref<2x40x256xf32, #tpu.memory_space<vmem>>, vector<16xf32>,
        %parallel_loop3A_887 = arith.mulf %parallel_loop3A_886, %parallel_loop3A_881 : vector<16xf32>
        %parallel_loop3A_888 = arith.index_cast %parallel_loop3A_827 : i32 to index
        %parallel_loop3A_889 = arith.constant 32 : index
        %parallel_loop3A_890 = tpu.vector_load %arg14[%parallel_loop3A_888, %parallel_loop3A_889] {strides = array<i32>} : memref<80x128xf32, #tpu.memory_space<vmem>>, vector<16xf32>,
        tpu.vector_store %arg14[%parallel_loop3A_888, %parallel_loop3A_889], %parallel_loop3A_887 {strides = array<i32>} : memref<80x128xf32, #tpu.memory_space<vmem>>, vector<16xf32>,
        %parallel_loop3A_891 = arith.constant 11 : i32
        %parallel_loop3A_892 = vector.broadcast %parallel_loop3A_891 : i32 to vector<16xi32>
        %parallel_loop3A_893 = arith.constant 0 : i32
        %parallel_loop3A_894 = vector.broadcast %parallel_loop3A_893 : i32 to vector<16xi32>
        %parallel_loop3A_895 = arith.cmpi slt, %parallel_loop3A_892, %parallel_loop3A_894 : vector<16xi32>
        %parallel_loop3A_896 = arith.constant 16 : i32
        %parallel_loop3A_897 = vector.broadcast %parallel_loop3A_896 : i32 to vector<16xi32>
        %parallel_loop3A_898 = arith.addi %parallel_loop3A_892, %parallel_loop3A_897 : vector<16xi32>
        %parallel_loop3A_899 = arith.select %parallel_loop3A_895, %parallel_loop3A_898, %parallel_loop3A_892 : vector<16xi1>, vector<16xi32>
        %parallel_loop3A_900 = vector.shape_cast %parallel_loop3A_899 : vector<16xi32> to vector<16x1xi32>
        %parallel_loop3A_901 = vector.shape_cast %parallel_loop3A_900 : vector<16x1xi32> to vector<16xi32>
        %parallel_loop3A_902 = tpu.dynamic_gather %parallel_loop3A_545[%parallel_loop3A_901] in [0] : vector<16xf32>, vector<16xi32> -> vector<16xf32>
        %parallel_loop3A_903 = arith.constant 0 : i32
        %parallel_loop3A_904 = arith.index_cast %parallel_loop3A_903 : i32 to index
        %parallel_loop3A_905 = arith.index_cast %parallel_loop3A_827 : i32 to index
        %parallel_loop3A_906 = arith.constant 176 : index
        %parallel_loop3A_907 = tpu.vector_load %arg12[%parallel_loop3A_904, %parallel_loop3A_905, %parallel_loop3A_906] {strides = array<i32>} : memref<2x40x256xf32, #tpu.memory_space<vmem>>, vector<16xf32>,
        %parallel_loop3A_908 = arith.mulf %parallel_loop3A_907, %parallel_loop3A_902 : vector<16xf32>
        %parallel_loop3A_909 = arith.index_cast %parallel_loop3A_827 : i32 to index
        %parallel_loop3A_910 = arith.constant 48 : index
        %parallel_loop3A_911 = tpu.vector_load %arg14[%parallel_loop3A_909, %parallel_loop3A_910] {strides = array<i32>} : memref<80x128xf32, #tpu.memory_space<vmem>>, vector<16xf32>,
        tpu.vector_store %arg14[%parallel_loop3A_909, %parallel_loop3A_910], %parallel_loop3A_908 {strides = array<i32>} : memref<80x128xf32, #tpu.memory_space<vmem>>, vector<16xf32>,
        %parallel_loop3A_912 = arith.constant 12 : i32
        %parallel_loop3A_913 = vector.broadcast %parallel_loop3A_912 : i32 to vector<16xi32>
        %parallel_loop3A_914 = arith.constant 0 : i32
        %parallel_loop3A_915 = vector.broadcast %parallel_loop3A_914 : i32 to vector<16xi32>
        %parallel_loop3A_916 = arith.cmpi slt, %parallel_loop3A_913, %parallel_loop3A_915 : vector<16xi32>
        %parallel_loop3A_917 = arith.constant 16 : i32
        %parallel_loop3A_918 = vector.broadcast %parallel_loop3A_917 : i32 to vector<16xi32>
        %parallel_loop3A_919 = arith.addi %parallel_loop3A_913, %parallel_loop3A_918 : vector<16xi32>
        %parallel_loop3A_920 = arith.select %parallel_loop3A_916, %parallel_loop3A_919, %parallel_loop3A_913 : vector<16xi1>, vector<16xi32>
        %parallel_loop3A_921 = vector.shape_cast %parallel_loop3A_920 : vector<16xi32> to vector<16x1xi32>
        %parallel_loop3A_922 = vector.shape_cast %parallel_loop3A_921 : vector<16x1xi32> to vector<16xi32>
        %parallel_loop3A_923 = tpu.dynamic_gather %parallel_loop3A_545[%parallel_loop3A_922] in [0] : vector<16xf32>, vector<16xi32> -> vector<16xf32>
        %parallel_loop3A_924 = arith.constant 0 : i32
        %parallel_loop3A_925 = arith.index_cast %parallel_loop3A_924 : i32 to index
        %parallel_loop3A_926 = arith.index_cast %parallel_loop3A_827 : i32 to index
        %parallel_loop3A_927 = arith.constant 192 : index
        %parallel_loop3A_928 = tpu.vector_load %arg12[%parallel_loop3A_925, %parallel_loop3A_926, %parallel_loop3A_927] {strides = array<i32>} : memref<2x40x256xf32, #tpu.memory_space<vmem>>, vector<16xf32>,
        %parallel_loop3A_929 = arith.mulf %parallel_loop3A_928, %parallel_loop3A_923 : vector<16xf32>
        %parallel_loop3A_930 = arith.index_cast %parallel_loop3A_827 : i32 to index
        %parallel_loop3A_931 = arith.constant 64 : index
        %parallel_loop3A_932 = tpu.vector_load %arg14[%parallel_loop3A_930, %parallel_loop3A_931] {strides = array<i32>} : memref<80x128xf32, #tpu.memory_space<vmem>>, vector<16xf32>,
        tpu.vector_store %arg14[%parallel_loop3A_930, %parallel_loop3A_931], %parallel_loop3A_929 {strides = array<i32>} : memref<80x128xf32, #tpu.memory_space<vmem>>, vector<16xf32>,
        %parallel_loop3A_933 = arith.constant 13 : i32
        %parallel_loop3A_934 = vector.broadcast %parallel_loop3A_933 : i32 to vector<16xi32>
        %parallel_loop3A_935 = arith.constant 0 : i32
        %parallel_loop3A_936 = vector.broadcast %parallel_loop3A_935 : i32 to vector<16xi32>
        %parallel_loop3A_937 = arith.cmpi slt, %parallel_loop3A_934, %parallel_loop3A_936 : vector<16xi32>
        %parallel_loop3A_938 = arith.constant 16 : i32
        %parallel_loop3A_939 = vector.broadcast %parallel_loop3A_938 : i32 to vector<16xi32>
        %parallel_loop3A_940 = arith.addi %parallel_loop3A_934, %parallel_loop3A_939 : vector<16xi32>
        %parallel_loop3A_941 = arith.select %parallel_loop3A_937, %parallel_loop3A_940, %parallel_loop3A_934 : vector<16xi1>, vector<16xi32>
        %parallel_loop3A_942 = vector.shape_cast %parallel_loop3A_941 : vector<16xi32> to vector<16x1xi32>
        %parallel_loop3A_943 = vector.shape_cast %parallel_loop3A_942 : vector<16x1xi32> to vector<16xi32>
        %parallel_loop3A_944 = tpu.dynamic_gather %parallel_loop3A_545[%parallel_loop3A_943] in [0] : vector<16xf32>, vector<16xi32> -> vector<16xf32>
        %parallel_loop3A_945 = arith.constant 0 : i32
        %parallel_loop3A_946 = arith.index_cast %parallel_loop3A_945 : i32 to index
        %parallel_loop3A_947 = arith.index_cast %parallel_loop3A_827 : i32 to index
        %parallel_loop3A_948 = arith.constant 208 : index
        %parallel_loop3A_949 = tpu.vector_load %arg12[%parallel_loop3A_946, %parallel_loop3A_947, %parallel_loop3A_948] {strides = array<i32>} : memref<2x40x256xf32, #tpu.memory_space<vmem>>, vector<16xf32>,
        %parallel_loop3A_950 = arith.mulf %parallel_loop3A_949, %parallel_loop3A_944 : vector<16xf32>
        %parallel_loop3A_951 = arith.index_cast %parallel_loop3A_827 : i32 to index
        %parallel_loop3A_952 = arith.constant 80 : index
        %parallel_loop3A_953 = tpu.vector_load %arg14[%parallel_loop3A_951, %parallel_loop3A_952] {strides = array<i32>} : memref<80x128xf32, #tpu.memory_space<vmem>>, vector<16xf32>,
        tpu.vector_store %arg14[%parallel_loop3A_951, %parallel_loop3A_952], %parallel_loop3A_950 {strides = array<i32>} : memref<80x128xf32, #tpu.memory_space<vmem>>, vector<16xf32>,
        %parallel_loop3A_954 = arith.constant 14 : i32
        %parallel_loop3A_955 = vector.broadcast %parallel_loop3A_954 : i32 to vector<16xi32>
        %parallel_loop3A_956 = arith.constant 0 : i32
        %parallel_loop3A_957 = vector.broadcast %parallel_loop3A_956 : i32 to vector<16xi32>
        %parallel_loop3A_958 = arith.cmpi slt, %parallel_loop3A_955, %parallel_loop3A_957 : vector<16xi32>
        %parallel_loop3A_959 = arith.constant 16 : i32
        %parallel_loop3A_960 = vector.broadcast %parallel_loop3A_959 : i32 to vector<16xi32>
        %parallel_loop3A_961 = arith.addi %parallel_loop3A_955, %parallel_loop3A_960 : vector<16xi32>
        %parallel_loop3A_962 = arith.select %parallel_loop3A_958, %parallel_loop3A_961, %parallel_loop3A_955 : vector<16xi1>, vector<16xi32>
        %parallel_loop3A_963 = vector.shape_cast %parallel_loop3A_962 : vector<16xi32> to vector<16x1xi32>
        %parallel_loop3A_964 = vector.shape_cast %parallel_loop3A_963 : vector<16x1xi32> to vector<16xi32>
        %parallel_loop3A_965 = tpu.dynamic_gather %parallel_loop3A_545[%parallel_loop3A_964] in [0] : vector<16xf32>, vector<16xi32> -> vector<16xf32>
        %parallel_loop3A_966 = arith.constant 0 : i32
        %parallel_loop3A_967 = arith.index_cast %parallel_loop3A_966 : i32 to index
        %parallel_loop3A_968 = arith.index_cast %parallel_loop3A_827 : i32 to index
        %parallel_loop3A_969 = arith.constant 224 : index
        %parallel_loop3A_970 = tpu.vector_load %arg12[%parallel_loop3A_967, %parallel_loop3A_968, %parallel_loop3A_969] {strides = array<i32>} : memref<2x40x256xf32, #tpu.memory_space<vmem>>, vector<16xf32>,
        %parallel_loop3A_971 = arith.mulf %parallel_loop3A_970, %parallel_loop3A_965 : vector<16xf32>
        %parallel_loop3A_972 = arith.index_cast %parallel_loop3A_827 : i32 to index
        %parallel_loop3A_973 = arith.constant 96 : index
        %parallel_loop3A_974 = tpu.vector_load %arg14[%parallel_loop3A_972, %parallel_loop3A_973] {strides = array<i32>} : memref<80x128xf32, #tpu.memory_space<vmem>>, vector<16xf32>,
        tpu.vector_store %arg14[%parallel_loop3A_972, %parallel_loop3A_973], %parallel_loop3A_971 {strides = array<i32>} : memref<80x128xf32, #tpu.memory_space<vmem>>, vector<16xf32>,
        %parallel_loop3A_975 = arith.constant 15 : i32
        %parallel_loop3A_976 = vector.broadcast %parallel_loop3A_975 : i32 to vector<16xi32>
        %parallel_loop3A_977 = arith.constant 0 : i32
        %parallel_loop3A_978 = vector.broadcast %parallel_loop3A_977 : i32 to vector<16xi32>
        %parallel_loop3A_979 = arith.cmpi slt, %parallel_loop3A_976, %parallel_loop3A_978 : vector<16xi32>
        %parallel_loop3A_980 = arith.constant 16 : i32
        %parallel_loop3A_981 = vector.broadcast %parallel_loop3A_980 : i32 to vector<16xi32>
        %parallel_loop3A_982 = arith.addi %parallel_loop3A_976, %parallel_loop3A_981 : vector<16xi32>
        %parallel_loop3A_983 = arith.select %parallel_loop3A_979, %parallel_loop3A_982, %parallel_loop3A_976 : vector<16xi1>, vector<16xi32>
        %parallel_loop3A_984 = vector.shape_cast %parallel_loop3A_983 : vector<16xi32> to vector<16x1xi32>
        %parallel_loop3A_985 = vector.shape_cast %parallel_loop3A_984 : vector<16x1xi32> to vector<16xi32>
        %parallel_loop3A_986 = tpu.dynamic_gather %parallel_loop3A_545[%parallel_loop3A_985] in [0] : vector<16xf32>, vector<16xi32> -> vector<16xf32>
        %parallel_loop3A_987 = arith.constant 0 : i32
        %parallel_loop3A_988 = arith.index_cast %parallel_loop3A_987 : i32 to index
        %parallel_loop3A_989 = arith.index_cast %parallel_loop3A_827 : i32 to index
        %parallel_loop3A_990 = arith.constant 240 : index
        %parallel_loop3A_991 = tpu.vector_load %arg12[%parallel_loop3A_988, %parallel_loop3A_989, %parallel_loop3A_990] {strides = array<i32>} : memref<2x40x256xf32, #tpu.memory_space<vmem>>, vector<16xf32>,
        %parallel_loop3A_992 = arith.mulf %parallel_loop3A_991, %parallel_loop3A_986 : vector<16xf32>
        %parallel_loop3A_993 = arith.index_cast %parallel_loop3A_827 : i32 to index
        %parallel_loop3A_994 = arith.constant 112 : index
        %parallel_loop3A_995 = tpu.vector_load %arg14[%parallel_loop3A_993, %parallel_loop3A_994] {strides = array<i32>} : memref<80x128xf32, #tpu.memory_space<vmem>>, vector<16xf32>,
        tpu.vector_store %arg14[%parallel_loop3A_993, %parallel_loop3A_994], %parallel_loop3A_992 {strides = array<i32>} : memref<80x128xf32, #tpu.memory_space<vmem>>, vector<16xf32>,
      } {sc.loop_unroll_factor = 1 : i64, sc.parallel_access}
      %mul3A_257 = arith.constant 40 : i32
      %mul3A_258 = arith.muli %mul3A_139, %mul3A_257 : i32
      %add3A_259 = arith.addi %mul3A_29, %mul3A_258 : i32
      %mul3A_260 = arith.constant 8 : i32
      %mul3A_261 = arith.muli %add3A_259, %mul3A_260 : i32
      %dma_start3A_262 = tpu.memref_slice %arg6[%mul3A_261] : memref<2560000xf32, #tpu.memory_space<hbm>> -> memref<320xf32, #tpu.memory_space<hbm>>
      %dma_start3A_263 = tpu.memref_slice %arg6[%mul3A_261] : memref<2560000xf32, #tpu.memory_space<hbm>> -> memref<320xf32, #tpu.memory_space<hbm>>
      tpu.enqueue_dma source(%arg13 : memref<320xf32, #tpu.memory_space<vmem>>) target(%dma_start3A_263 : memref<320xf32, #tpu.memory_space<hbm>>) target_semaphore(%arg20 : memref<!tpu.dma_semaphore, #tpu.memory_space<semaphore_mem>>)
      %dma_start3A_264 = arith.constant 0 : i32
      %dma_start3A_265 = arith.constant 0 : i32
      %dma_start3A_266 = tpu.memref_slice %arg15[%dma_start3A_264, %dma_start3A_265] : memref<10880x128xf32, #tpu.memory_space<vmem_shared>> -> memref<10880x128xf32, #tpu.memory_space<vmem_shared>>
      tpu.enqueue_indirect_dma source(%arg14 : memref<80x128xf32, #tpu.memory_space<vmem>>) target(%dma_start3A_266 : memref<10880x128xf32, #tpu.memory_space<vmem_shared>>) offsets(%arg10 : memref<80xi32, #tpu.memory_space<vmem>>) semaphore(%arg21 : memref<!tpu.dma_semaphore, #tpu.memory_space<semaphore_mem>>) {add = true}
      %lt3A_267 = arith.constant 124 : i32
      %lt3A_268 = arith.cmpi slt, %scan3A_136, %lt3A_267 : i32
      %convert_element_type3A_269 = arith.extui %lt3A_268 : i1 to i32
      %cond3A_270 = arith.constant 0 : i32
      %cond3A_271 = arith.cmpi ne, %convert_element_type3A_269, %cond3A_270 : i32
      scf.if %cond3A_271 {
        %dma_wait3A_366 = arith.constant 0 : i32
        %dma_wait3A_367 = arith.constant 0 : i32
        %dma_wait3A_368 = tpu.memref_slice %arg8[%dma_wait3A_366, %dma_wait3A_367] : memref<2x40xi32, #tpu.memory_space<vmem>> -> memref<1x40xi32, #tpu.memory_space<vmem>>
        %dma_wait3A_369 = tpu.memref_squeeze %dma_wait3A_368 : memref<1x40xi32, #tpu.memory_space<vmem>> -> memref<40xi32, #tpu.memory_space<vmem>>
        %dma_wait3A_370 = arith.constant 0 : i32
        %dma_wait3A_371 = tpu.memref_slice %arg4[%dma_wait3A_370] : memref<320000xi32, #tpu.memory_space<hbm>> -> memref<40xi32, #tpu.memory_space<hbm>>
        %dma_wait3A_372 = arith.constant 0 : i32
        %dma_wait3A_373 = tpu.memref_slice %arg8[%dma_wait3A_366, %dma_wait3A_372] : memref<2x40xi32, #tpu.memory_space<vmem>> -> memref<1x40xi32, #tpu.memory_space<vmem>>
        %dma_wait3A_374 = tpu.memref_squeeze %dma_wait3A_373 : memref<1x40xi32, #tpu.memory_space<vmem>> -> memref<40xi32, #tpu.memory_space<vmem>>
        %dma_wait3A_375 = arith.constant 0 : i32
        %dma_wait3A_376 = tpu.memref_slice %arg4[%dma_wait3A_375] : memref<320000xi32, #tpu.memory_space<hbm>> -> memref<40xi32, #tpu.memory_space<hbm>>
        tpu.wait_dma2 semaphore(%arg16 : memref<!tpu.dma_semaphore, #tpu.memory_space<semaphore_mem>>) src(%dma_wait3A_376 : memref<40xi32, #tpu.memory_space<hbm>>) dst(%dma_wait3A_374 : memref<40xi32, #tpu.memory_space<vmem>>)
        %dma_wait3A_377 = arith.constant 0 : i32
        %dma_wait3A_378 = arith.constant 0 : i32
        %dma_wait3A_379 = tpu.memref_slice %arg9[%dma_wait3A_377, %dma_wait3A_378] : memref<2x40xi32, #tpu.memory_space<vmem>> -> memref<1x40xi32, #tpu.memory_space<vmem>>
        %dma_wait3A_380 = tpu.memref_squeeze %dma_wait3A_379 : memref<1x40xi32, #tpu.memory_space<vmem>> -> memref<40xi32, #tpu.memory_space<vmem>>
        %dma_wait3A_381 = arith.constant 0 : i32
        %dma_wait3A_382 = tpu.memref_slice %arg5[%dma_wait3A_381] : memref<320000xi32, #tpu.memory_space<hbm>> -> memref<40xi32, #tpu.memory_space<hbm>>
        %dma_wait3A_383 = arith.constant 0 : i32
        %dma_wait3A_384 = tpu.memref_slice %arg9[%dma_wait3A_377, %dma_wait3A_383] : memref<2x40xi32, #tpu.memory_space<vmem>> -> memref<1x40xi32, #tpu.memory_space<vmem>>
        %dma_wait3A_385 = tpu.memref_squeeze %dma_wait3A_384 : memref<1x40xi32, #tpu.memory_space<vmem>> -> memref<40xi32, #tpu.memory_space<vmem>>
        %dma_wait3A_386 = arith.constant 0 : i32
        %dma_wait3A_387 = tpu.memref_slice %arg5[%dma_wait3A_386] : memref<320000xi32, #tpu.memory_space<hbm>> -> memref<40xi32, #tpu.memory_space<hbm>>
        tpu.wait_dma2 semaphore(%arg16 : memref<!tpu.dma_semaphore, #tpu.memory_space<semaphore_mem>>) src(%dma_wait3A_387 : memref<40xi32, #tpu.memory_space<hbm>>) dst(%dma_wait3A_385 : memref<40xi32, #tpu.memory_space<vmem>>)
        %dma_start3A_388 = arith.constant 0 : i32
        %dma_start3A_389 = arith.constant 0 : i32
        %dma_start3A_390 = arith.constant 0 : i32
        %dma_start3A_391 = arith.constant 0 : i32
        %dma_start3A_392 = tpu.memref_slice %arg11[%dma_start3A_389, %dma_start3A_390, %dma_start3A_391] : memref<2x40x128xf32, #tpu.memory_space<vmem>> -> memref<1x40x128xf32, #tpu.memory_space<vmem>>
        %dma_start3A_393 = tpu.memref_squeeze %dma_start3A_392 : memref<1x40x128xf32, #tpu.memory_space<vmem>> -> memref<40x128xf32, #tpu.memory_space<vmem>>
        %dma_start3A_394 = arith.constant 0 : i32
        %dma_start3A_395 = tpu.memref_slice %arg8[%dma_start3A_388, %dma_start3A_394] : memref<2x40xi32, #tpu.memory_space<vmem>> -> memref<1x40xi32, #tpu.memory_space<vmem>>
        %dma_start3A_396 = tpu.memref_squeeze %dma_start3A_395 : memref<1x40xi32, #tpu.memory_space<vmem>> -> memref<40xi32, #tpu.memory_space<vmem>>
        %dma_start3A_397 = arith.constant 0 : i32
        %dma_start3A_398 = arith.constant 0 : i32
        %dma_start3A_399 = tpu.memref_slice %arg2[%dma_start3A_397, %dma_start3A_398] : memref<10000x128xf32, #tpu.memory_space<hbm>> -> memref<10000x128xf32, #tpu.memory_space<hbm>>
        tpu.enqueue_indirect_dma source(%dma_start3A_399 : memref<10000x128xf32, #tpu.memory_space<hbm>>) target(%dma_start3A_393 : memref<40x128xf32, #tpu.memory_space<vmem>>) offsets(%dma_start3A_396 : memref<40xi32, #tpu.memory_space<vmem>>) semaphore(%arg18 : memref<!tpu.dma_semaphore, #tpu.memory_space<semaphore_mem>>)
        %dma_start3A_400 = arith.constant 0 : i32
        %dma_start3A_401 = arith.constant 0 : i32
        %dma_start3A_402 = arith.constant 0 : i32
        %dma_start3A_403 = arith.constant 0 : i32
        %dma_start3A_404 = tpu.memref_slice %arg12[%dma_start3A_401, %dma_start3A_402, %dma_start3A_403] : memref<2x40x256xf32, #tpu.memory_space<vmem>> -> memref<1x40x256xf32, #tpu.memory_space<vmem>>
        %dma_start3A_405 = tpu.memref_squeeze %dma_start3A_404 : memref<1x40x256xf32, #tpu.memory_space<vmem>> -> memref<40x256xf32, #tpu.memory_space<vmem>>
        %dma_start3A_406 = arith.constant 0 : i32
        %dma_start3A_407 = tpu.memref_slice %arg9[%dma_start3A_400, %dma_start3A_406] : memref<2x40xi32, #tpu.memory_space<vmem>> -> memref<1x40xi32, #tpu.memory_space<vmem>>
        %dma_start3A_408 = tpu.memref_squeeze %dma_start3A_407 : memref<1x40xi32, #tpu.memory_space<vmem>> -> memref<40xi32, #tpu.memory_space<vmem>>
        %dma_start3A_409 = arith.constant 0 : i32
        %dma_start3A_410 = arith.constant 0 : i32
        %dma_start3A_411 = tpu.memref_slice %arg3[%dma_start3A_409, %dma_start3A_410] : memref<10000x256xf32, #tpu.memory_space<hbm>> -> memref<10000x256xf32, #tpu.memory_space<hbm>>
        tpu.enqueue_indirect_dma source(%dma_start3A_411 : memref<10000x256xf32, #tpu.memory_space<hbm>>) target(%dma_start3A_405 : memref<40x256xf32, #tpu.memory_space<vmem>>) offsets(%dma_start3A_408 : memref<40xi32, #tpu.memory_space<vmem>>) semaphore(%arg18 : memref<!tpu.dma_semaphore, #tpu.memory_space<semaphore_mem>>)
      } else {
      }
      %dma_wait3A_272 = arith.constant 0 : i32
      %dma_wait3A_273 = tpu.memref_slice %arg6[%dma_wait3A_272] : memref<2560000xf32, #tpu.memory_space<hbm>> -> memref<320xf32, #tpu.memory_space<hbm>>
      %dma_wait3A_274 = arith.constant 0 : i32
      %dma_wait3A_275 = tpu.memref_slice %arg6[%dma_wait3A_274] : memref<2560000xf32, #tpu.memory_space<hbm>> -> memref<320xf32, #tpu.memory_space<hbm>>
      tpu.wait_dma2 semaphore(%arg20 : memref<!tpu.dma_semaphore, #tpu.memory_space<semaphore_mem>>) src(%arg13 : memref<320xf32, #tpu.memory_space<vmem>>) dst(%dma_wait3A_275 : memref<320xf32, #tpu.memory_space<hbm>>)
      %dma_wait3A_276 = arith.constant 0 : i32
      %dma_wait3A_277 = arith.constant 0 : i32
      %dma_wait3A_278 = tpu.memref_slice %arg15[%dma_wait3A_276, %dma_wait3A_277] : memref<10880x128xf32, #tpu.memory_space<vmem_shared>> -> memref<10880x128xf32, #tpu.memory_space<vmem_shared>>
      tpu.wait_indirect_dma semaphore(%arg21 : memref<!tpu.dma_semaphore, #tpu.memory_space<semaphore_mem>>) src(%arg14 : memref<80x128xf32, #tpu.memory_space<vmem>>) dst(%dma_wait3A_278 : memref<10880x128xf32, #tpu.memory_space<vmem_shared>>)
      %dma_wait3A_279 = arith.constant 1 : i32
      %dma_wait3A_280 = arith.constant 1 : i32
      %dma_wait3A_281 = arith.constant 0 : i32
      %dma_wait3A_282 = arith.constant 0 : i32
      %dma_wait3A_283 = tpu.memref_slice %arg11[%dma_wait3A_280, %dma_wait3A_281, %dma_wait3A_282] : memref<2x40x128xf32, #tpu.memory_space<vmem>> -> memref<1x40x128xf32, #tpu.memory_space<vmem>>
      %dma_wait3A_284 = tpu.memref_squeeze %dma_wait3A_283 : memref<1x40x128xf32, #tpu.memory_space<vmem>> -> memref<40x128xf32, #tpu.memory_space<vmem>>
      %dma_wait3A_285 = arith.constant 0 : i32
      %dma_wait3A_286 = tpu.memref_slice %arg8[%dma_wait3A_279, %dma_wait3A_285] : memref<2x40xi32, #tpu.memory_space<vmem>> -> memref<1x40xi32, #tpu.memory_space<vmem>>
      %dma_wait3A_287 = tpu.memref_squeeze %dma_wait3A_286 : memref<1x40xi32, #tpu.memory_space<vmem>> -> memref<40xi32, #tpu.memory_space<vmem>>
      %dma_wait3A_288 = arith.constant 0 : i32
      %dma_wait3A_289 = arith.constant 0 : i32
      %dma_wait3A_290 = tpu.memref_slice %arg2[%dma_wait3A_288, %dma_wait3A_289] : memref<10000x128xf32, #tpu.memory_space<hbm>> -> memref<10000x128xf32, #tpu.memory_space<hbm>>
      tpu.wait_indirect_dma semaphore(%arg19 : memref<!tpu.dma_semaphore, #tpu.memory_space<semaphore_mem>>) src(%dma_wait3A_290 : memref<10000x128xf32, #tpu.memory_space<hbm>>) dst(%dma_wait3A_284 : memref<40x128xf32, #tpu.memory_space<vmem>>)
      %dma_wait3A_291 = arith.constant 1 : i32
      %dma_wait3A_292 = arith.constant 1 : i32
      %dma_wait3A_293 = arith.constant 0 : i32
      %dma_wait3A_294 = arith.constant 0 : i32
      %dma_wait3A_295 = tpu.memref_slice %arg12[%dma_wait3A_292, %dma_wait3A_293, %dma_wait3A_294] : memref<2x40x256xf32, #tpu.memory_space<vmem>> -> memref<1x40x256xf32, #tpu.memory_space<vmem>>
      %dma_wait3A_296 = tpu.memref_squeeze %dma_wait3A_295 : memref<1x40x256xf32, #tpu.memory_space<vmem>> -> memref<40x256xf32, #tpu.memory_space<vmem>>
      %dma_wait3A_297 = arith.constant 0 : i32
      %dma_wait3A_298 = tpu.memref_slice %arg9[%dma_wait3A_291, %dma_wait3A_297] : memref<2x40xi32, #tpu.memory_space<vmem>> -> memref<1x40xi32, #tpu.memory_space<vmem>>
      %dma_wait3A_299 = tpu.memref_squeeze %dma_wait3A_298 : memref<1x40xi32, #tpu.memory_space<vmem>> -> memref<40xi32, #tpu.memory_space<vmem>>
      %dma_wait3A_300 = arith.constant 0 : i32
      %dma_wait3A_301 = arith.constant 0 : i32
      %dma_wait3A_302 = tpu.memref_slice %arg3[%dma_wait3A_300, %dma_wait3A_301] : memref<10000x256xf32, #tpu.memory_space<hbm>> -> memref<10000x256xf32, #tpu.memory_space<hbm>>
      tpu.wait_indirect_dma semaphore(%arg19 : memref<!tpu.dma_semaphore, #tpu.memory_space<semaphore_mem>>) src(%dma_wait3A_302 : memref<10000x256xf32, #tpu.memory_space<hbm>>) dst(%dma_wait3A_296 : memref<40x256xf32, #tpu.memory_space<vmem>>)
      %lt3A_303 = arith.constant 124 : i32
      %lt3A_304 = arith.cmpi slt, %scan3A_136, %lt3A_303 : i32
      %convert_element_type3A_305 = arith.extui %lt3A_304 : i1 to i32
      %cond3A_306 = arith.constant 0 : i32
      %cond3A_307 = arith.cmpi ne, %convert_element_type3A_305, %cond3A_306 : i32
      scf.if %cond3A_307 {
        %add3A_366 = arith.constant 3 : i32
        %add3A_367 = arith.addi %mul3A_139, %add3A_366 : i32
        %mul3A_368 = arith.constant 40 : i32
        %mul3A_369 = arith.muli %add3A_367, %mul3A_368 : i32
        %add3A_370 = arith.addi %mul3A_29, %mul3A_369 : i32
        %dma_start3A_371 = arith.constant 1 : i32
        %dma_start3A_372 = arith.constant 0 : i32
        %dma_start3A_373 = tpu.memref_slice %arg8[%dma_start3A_371, %dma_start3A_372] : memref<2x40xi32, #tpu.memory_space<vmem>> -> memref<1x40xi32, #tpu.memory_space<vmem>>
        %dma_start3A_374 = tpu.memref_squeeze %dma_start3A_373 : memref<1x40xi32, #tpu.memory_space<vmem>> -> memref<40xi32, #tpu.memory_space<vmem>>
        %dma_start3A_375 = tpu.memref_slice %arg4[%add3A_370] : memref<320000xi32, #tpu.memory_space<hbm>> -> memref<40xi32, #tpu.memory_space<hbm>>
        %dma_start3A_376 = arith.constant 0 : i32
        %dma_start3A_377 = tpu.memref_slice %arg8[%dma_start3A_371, %dma_start3A_376] : memref<2x40xi32, #tpu.memory_space<vmem>> -> memref<1x40xi32, #tpu.memory_space<vmem>>
        %dma_start3A_378 = tpu.memref_squeeze %dma_start3A_377 : memref<1x40xi32, #tpu.memory_space<vmem>> -> memref<40xi32, #tpu.memory_space<vmem>>
        %dma_start3A_379 = tpu.memref_slice %arg4[%add3A_370] : memref<320000xi32, #tpu.memory_space<hbm>> -> memref<40xi32, #tpu.memory_space<hbm>>
        tpu.enqueue_dma source(%dma_start3A_379 : memref<40xi32, #tpu.memory_space<hbm>>) target(%dma_start3A_378 : memref<40xi32, #tpu.memory_space<vmem>>) target_semaphore(%arg17 : memref<!tpu.dma_semaphore, #tpu.memory_space<semaphore_mem>>)
        %dma_start3A_380 = arith.constant 1 : i32
        %dma_start3A_381 = arith.constant 0 : i32
        %dma_start3A_382 = tpu.memref_slice %arg9[%dma_start3A_380, %dma_start3A_381] : memref<2x40xi32, #tpu.memory_space<vmem>> -> memref<1x40xi32, #tpu.memory_space<vmem>>
        %dma_start3A_383 = tpu.memref_squeeze %dma_start3A_382 : memref<1x40xi32, #tpu.memory_space<vmem>> -> memref<40xi32, #tpu.memory_space<vmem>>
        %dma_start3A_384 = tpu.memref_slice %arg5[%add3A_370] : memref<320000xi32, #tpu.memory_space<hbm>> -> memref<40xi32, #tpu.memory_space<hbm>>
        %dma_start3A_385 = arith.constant 0 : i32
        %dma_start3A_386 = tpu.memref_slice %arg9[%dma_start3A_380, %dma_start3A_385] : memref<2x40xi32, #tpu.memory_space<vmem>> -> memref<1x40xi32, #tpu.memory_space<vmem>>
        %dma_start3A_387 = tpu.memref_squeeze %dma_start3A_386 : memref<1x40xi32, #tpu.memory_space<vmem>> -> memref<40xi32, #tpu.memory_space<vmem>>
        %dma_start3A_388 = tpu.memref_slice %arg5[%add3A_370] : memref<320000xi32, #tpu.memory_space<hbm>> -> memref<40xi32, #tpu.memory_space<hbm>>
        tpu.enqueue_dma source(%dma_start3A_388 : memref<40xi32, #tpu.memory_space<hbm>>) target(%dma_start3A_387 : memref<40xi32, #tpu.memory_space<vmem>>) target_semaphore(%arg17 : memref<!tpu.dma_semaphore, #tpu.memory_space<semaphore_mem>>)
      } else {
      }
      %add3A_308 = arith.constant 1 : i32
      %add3A_309 = arith.addi %mul3A_139, %add3A_308 : i32
      %get3A_310 = arith.constant 1 : i32
      %get3A_311 = arith.index_cast %get3A_310 : i32 to index
      %get3A_312 = arith.constant 0 : index
      %get3A_313 = tpu.vector_load %arg8[%get3A_311, %get3A_312] {strides = array<i32>} : memref<2x40xi32, #tpu.memory_space<vmem>>, vector<16xi32>,
      %swap3A_314 = arith.constant 0 : index
      %swap3A_315 = tpu.vector_load %arg10[%swap3A_314] {strides = array<i32>} : memref<80xi32, #tpu.memory_space<vmem>>, vector<16xi32>,
      tpu.vector_store %arg10[%swap3A_314], %get3A_313 {strides = array<i32>} : memref<80xi32, #tpu.memory_space<vmem>>, vector<16xi32>,
      %shift_right_logical3A_316 = arith.constant 4 : i32
      %shift_right_logical3A_317 = vector.broadcast %shift_right_logical3A_316 : i32 to vector<16xi32>
      %shift_right_logical3A_318 = arith.shrui %get3A_313, %shift_right_logical3A_317 : vector<16xi32>
      %add3A_319 = arith.constant 10240 : i32
      %add3A_320 = vector.broadcast %add3A_319 : i32 to vector<16xi32>
      %add3A_321 = arith.addi %shift_right_logical3A_318, %add3A_320 : vector<16xi32>
      %swap3A_322 = arith.constant 40 : index
      %swap3A_323 = tpu.vector_load %arg10[%swap3A_322] {strides = array<i32>} : memref<80xi32, #tpu.memory_space<vmem>>, vector<16xi32>,
      tpu.vector_store %arg10[%swap3A_322], %add3A_321 {strides = array<i32>} : memref<80xi32, #tpu.memory_space<vmem>>, vector<16xi32>,
      %get3A_324 = arith.constant 1 : i32
      %get3A_325 = arith.index_cast %get3A_324 : i32 to index
      %get3A_326 = arith.constant 16 : index
      %get3A_327 = tpu.vector_load %arg8[%get3A_325, %get3A_326] {strides = array<i32>} : memref<2x40xi32, #tpu.memory_space<vmem>>, vector<16xi32>,
      %swap3A_328 = arith.constant 16 : index
      %swap3A_329 = tpu.vector_load %arg10[%swap3A_328] {strides = array<i32>} : memref<80xi32, #tpu.memory_space<vmem>>, vector<16xi32>,
      tpu.vector_store %arg10[%swap3A_328], %get3A_327 {strides = array<i32>} : memref<80xi32, #tpu.memory_space<vmem>>, vector<16xi32>,
      %shift_right_logical3A_330 = arith.constant 4 : i32
      %shift_right_logical3A_331 = vector.broadcast %shift_right_logical3A_330 : i32 to vector<16xi32>
      %shift_right_logical3A_332 = arith.shrui %get3A_327, %shift_right_logical3A_331 : vector<16xi32>
      %add3A_333 = arith.constant 10240 : i32
      %add3A_334 = vector.broadcast %add3A_333 : i32 to vector<16xi32>
      %add3A_335 = arith.addi %shift_right_logical3A_332, %add3A_334 : vector<16xi32>
      %swap3A_336 = arith.constant 56 : index
      %swap3A_337 = tpu.vector_load %arg10[%swap3A_336] {strides = array<i32>} : memref<80xi32, #tpu.memory_space<vmem>>, vector<16xi32>,
      tpu.vector_store %arg10[%swap3A_336], %add3A_335 {strides = array<i32>} : memref<80xi32, #tpu.memory_space<vmem>>, vector<16xi32>,
      %get3A_338 = arith.constant 1 : i32
      %get3A_339 = arith.index_cast %get3A_338 : i32 to index
      %get3A_340 = arith.constant 24 : index
      %get3A_341 = tpu.vector_load %arg8[%get3A_339, %get3A_340] {strides = array<i32>} : memref<2x40xi32, #tpu.memory_space<vmem>>, vector<16xi32>,
      %swap3A_342 = arith.constant 24 : index
      %swap3A_343 = tpu.vector_load %arg10[%swap3A_342] {strides = array<i32>} : memref<80xi32, #tpu.memory_space<vmem>>, vector<16xi32>,
      tpu.vector_store %arg10[%swap3A_342], %get3A_341 {strides = array<i32>} : memref<80xi32, #tpu.memory_space<vmem>>, vector<16xi32>,
      %shift_right_logical3A_344 = arith.constant 4 : i32
      %shift_right_logical3A_345 = vector.broadcast %shift_right_logical3A_344 : i32 to vector<16xi32>
      %shift_right_logical3A_346 = arith.shrui %get3A_341, %shift_right_logical3A_345 : vector<16xi32>
      %add3A_347 = arith.constant 10240 : i32
      %add3A_348 = vector.broadcast %add3A_347 : i32 to vector<16xi32>
      %add3A_349 = arith.addi %shift_right_logical3A_346, %add3A_348 : vector<16xi32>
      %swap3A_350 = arith.constant 64 : index
      %swap3A_351 = tpu.vector_load %arg10[%swap3A_350] {strides = array<i32>} : memref<80xi32, #tpu.memory_space<vmem>>, vector<16xi32>,
      tpu.vector_store %arg10[%swap3A_350], %add3A_349 {strides = array<i32>} : memref<80xi32, #tpu.memory_space<vmem>>, vector<16xi32>,
      %parallel_loop3A_352 = arith.constant 0 : i32
      %parallel_loop3A_353 = arith.constant 20 : i32
      %parallel_loop3A_354 = arith.constant 1 : i32
      scf.for %parallel_loop3A_366 = %parallel_loop3A_352 to %parallel_loop3A_353 step %parallel_loop3A_354  : i32 {
        %parallel_loop3A_367 = arith.constant 2 : i32
        %parallel_loop3A_368 = arith.muli %parallel_loop3A_366, %parallel_loop3A_367 : i32
        %parallel_loop3A_369 = arith.constant 1 : i32
        %parallel_loop3A_370 = arith.constant 0 : i32
        %parallel_loop3A_371 = vector.broadcast %parallel_loop3A_369 : i32 to vector<16xi32>
        %parallel_loop3A_372 = vector.broadcast %parallel_loop3A_370 : i32 to vector<16xi32>
        %parallel_loop3A_373 = arith.select %ge3A_36, %parallel_loop3A_371, %parallel_loop3A_372 : vector<16xi1>, vector<16xi32>
        %parallel_loop3A_374 = vector.broadcast %parallel_loop3A_368 : i32 to vector<16xi32>
        %parallel_loop3A_375 = arith.addi %parallel_loop3A_374, %parallel_loop3A_373 : vector<16xi32>
        %parallel_loop3A_376 = arith.constant 1 : i32
        %parallel_loop3A_377 = vector.broadcast %parallel_loop3A_376 : i32 to vector<16xi32>
        %parallel_loop3A_378 = arith.constant 0 : i32
        %parallel_loop3A_379 = vector.broadcast %parallel_loop3A_378 : i32 to vector<16xi32>
        %parallel_loop3A_380 = arith.addi %mul3A_34, %parallel_loop3A_379 : vector<16xi32>
        %parallel_loop3A_381 = tpu.vector_load_idx %arg11[%parallel_loop3A_377, %parallel_loop3A_375, %parallel_loop3A_380] : memref<2x40x128xf32, #tpu.memory_space<vmem>>[vector<16xi32>, vector<16xi32>, vector<16xi32>], vector<16xf32>,
        %parallel_loop3A_382 = arith.constant 0 : i32
        %parallel_loop3A_383 = vector.broadcast %parallel_loop3A_382 : i32 to vector<16xi32>
        %parallel_loop3A_384 = arith.addi %mul3A_34, %parallel_loop3A_383 : vector<16xi32>
        %parallel_loop3A_385 = tpu.vector_load_idx %arg12[%parallel_loop3A_377, %parallel_loop3A_375, %parallel_loop3A_384] : memref<2x40x256xf32, #tpu.memory_space<vmem>>[vector<16xi32>, vector<16xi32>, vector<16xi32>], vector<16xf32>,
        %parallel_loop3A_386 = arith.mulf %parallel_loop3A_381, %parallel_loop3A_385 : vector<16xf32>
        %parallel_loop3A_387 = arith.addf %broadcast_in_dim3A_1, %parallel_loop3A_386 : vector<16xf32>
        %parallel_loop3A_388 = arith.constant 1 : i32
        %parallel_loop3A_389 = vector.broadcast %parallel_loop3A_388 : i32 to vector<16xi32>
        %parallel_loop3A_390 = arith.addi %mul3A_34, %parallel_loop3A_389 : vector<16xi32>
        %parallel_loop3A_391 = tpu.vector_load_idx %arg11[%parallel_loop3A_377, %parallel_loop3A_375, %parallel_loop3A_390] : memref<2x40x128xf32, #tpu.memory_space<vmem>>[vector<16xi32>, vector<16xi32>, vector<16xi32>], vector<16xf32>,
        %parallel_loop3A_392 = arith.constant 1 : i32
        %parallel_loop3A_393 = vector.broadcast %parallel_loop3A_392 : i32 to vector<16xi32>
        %parallel_loop3A_394 = arith.addi %mul3A_34, %parallel_loop3A_393 : vector<16xi32>
        %parallel_loop3A_395 = tpu.vector_load_idx %arg12[%parallel_loop3A_377, %parallel_loop3A_375, %parallel_loop3A_394] : memref<2x40x256xf32, #tpu.memory_space<vmem>>[vector<16xi32>, vector<16xi32>, vector<16xi32>], vector<16xf32>,
        %parallel_loop3A_396 = arith.mulf %parallel_loop3A_391, %parallel_loop3A_395 : vector<16xf32>
        %parallel_loop3A_397 = arith.addf %broadcast_in_dim3A_1, %parallel_loop3A_396 : vector<16xf32>
        %parallel_loop3A_398 = arith.constant 2 : i32
        %parallel_loop3A_399 = vector.broadcast %parallel_loop3A_398 : i32 to vector<16xi32>
        %parallel_loop3A_400 = arith.addi %mul3A_34, %parallel_loop3A_399 : vector<16xi32>
        %parallel_loop3A_401 = tpu.vector_load_idx %arg11[%parallel_loop3A_377, %parallel_loop3A_375, %parallel_loop3A_400] : memref<2x40x128xf32, #tpu.memory_space<vmem>>[vector<16xi32>, vector<16xi32>, vector<16xi32>], vector<16xf32>,
        %parallel_loop3A_402 = arith.constant 2 : i32
        %parallel_loop3A_403 = vector.broadcast %parallel_loop3A_402 : i32 to vector<16xi32>
        %parallel_loop3A_404 = arith.addi %mul3A_34, %parallel_loop3A_403 : vector<16xi32>
        %parallel_loop3A_405 = tpu.vector_load_idx %arg12[%parallel_loop3A_377, %parallel_loop3A_375, %parallel_loop3A_404] : memref<2x40x256xf32, #tpu.memory_space<vmem>>[vector<16xi32>, vector<16xi32>, vector<16xi32>], vector<16xf32>,
        %parallel_loop3A_406 = arith.mulf %parallel_loop3A_401, %parallel_loop3A_405 : vector<16xf32>
        %parallel_loop3A_407 = arith.addf %broadcast_in_dim3A_1, %parallel_loop3A_406 : vector<16xf32>
        %parallel_loop3A_408 = arith.constant 3 : i32
        %parallel_loop3A_409 = vector.broadcast %parallel_loop3A_408 : i32 to vector<16xi32>
        %parallel_loop3A_410 = arith.addi %mul3A_34, %parallel_loop3A_409 : vector<16xi32>
        %parallel_loop3A_411 = tpu.vector_load_idx %arg11[%parallel_loop3A_377, %parallel_loop3A_375, %parallel_loop3A_410] : memref<2x40x128xf32, #tpu.memory_space<vmem>>[vector<16xi32>, vector<16xi32>, vector<16xi32>], vector<16xf32>,
        %parallel_loop3A_412 = arith.constant 3 : i32
        %parallel_loop3A_413 = vector.broadcast %parallel_loop3A_412 : i32 to vector<16xi32>
        %parallel_loop3A_414 = arith.addi %mul3A_34, %parallel_loop3A_413 : vector<16xi32>
        %parallel_loop3A_415 = tpu.vector_load_idx %arg12[%parallel_loop3A_377, %parallel_loop3A_375, %parallel_loop3A_414] : memref<2x40x256xf32, #tpu.memory_space<vmem>>[vector<16xi32>, vector<16xi32>, vector<16xi32>], vector<16xf32>,
        %parallel_loop3A_416 = arith.mulf %parallel_loop3A_411, %parallel_loop3A_415 : vector<16xf32>
        %parallel_loop3A_417 = arith.addf %broadcast_in_dim3A_1, %parallel_loop3A_416 : vector<16xf32>
        %parallel_loop3A_418 = arith.constant 4 : i32
        %parallel_loop3A_419 = vector.broadcast %parallel_loop3A_418 : i32 to vector<16xi32>
        %parallel_loop3A_420 = arith.addi %mul3A_34, %parallel_loop3A_419 : vector<16xi32>
        %parallel_loop3A_421 = tpu.vector_load_idx %arg11[%parallel_loop3A_377, %parallel_loop3A_375, %parallel_loop3A_420] : memref<2x40x128xf32, #tpu.memory_space<vmem>>[vector<16xi32>, vector<16xi32>, vector<16xi32>], vector<16xf32>,
        %parallel_loop3A_422 = arith.constant 4 : i32
        %parallel_loop3A_423 = vector.broadcast %parallel_loop3A_422 : i32 to vector<16xi32>
        %parallel_loop3A_424 = arith.addi %mul3A_34, %parallel_loop3A_423 : vector<16xi32>
        %parallel_loop3A_425 = tpu.vector_load_idx %arg12[%parallel_loop3A_377, %parallel_loop3A_375, %parallel_loop3A_424] : memref<2x40x256xf32, #tpu.memory_space<vmem>>[vector<16xi32>, vector<16xi32>, vector<16xi32>], vector<16xf32>,
        %parallel_loop3A_426 = arith.mulf %parallel_loop3A_421, %parallel_loop3A_425 : vector<16xf32>
        %parallel_loop3A_427 = arith.addf %parallel_loop3A_387, %parallel_loop3A_426 : vector<16xf32>
        %parallel_loop3A_428 = arith.constant 5 : i32
        %parallel_loop3A_429 = vector.broadcast %parallel_loop3A_428 : i32 to vector<16xi32>
        %parallel_loop3A_430 = arith.addi %mul3A_34, %parallel_loop3A_429 : vector<16xi32>
        %parallel_loop3A_431 = tpu.vector_load_idx %arg11[%parallel_loop3A_377, %parallel_loop3A_375, %parallel_loop3A_430] : memref<2x40x128xf32, #tpu.memory_space<vmem>>[vector<16xi32>, vector<16xi32>, vector<16xi32>], vector<16xf32>,
        %parallel_loop3A_432 = arith.constant 5 : i32
        %parallel_loop3A_433 = vector.broadcast %parallel_loop3A_432 : i32 to vector<16xi32>
        %parallel_loop3A_434 = arith.addi %mul3A_34, %parallel_loop3A_433 : vector<16xi32>
        %parallel_loop3A_435 = tpu.vector_load_idx %arg12[%parallel_loop3A_377, %parallel_loop3A_375, %parallel_loop3A_434] : memref<2x40x256xf32, #tpu.memory_space<vmem>>[vector<16xi32>, vector<16xi32>, vector<16xi32>], vector<16xf32>,
        %parallel_loop3A_436 = arith.mulf %parallel_loop3A_431, %parallel_loop3A_435 : vector<16xf32>
        %parallel_loop3A_437 = arith.addf %parallel_loop3A_397, %parallel_loop3A_436 : vector<16xf32>
        %parallel_loop3A_438 = arith.constant 6 : i32
        %parallel_loop3A_439 = vector.broadcast %parallel_loop3A_438 : i32 to vector<16xi32>
        %parallel_loop3A_440 = arith.addi %mul3A_34, %parallel_loop3A_439 : vector<16xi32>
        %parallel_loop3A_441 = tpu.vector_load_idx %arg11[%parallel_loop3A_377, %parallel_loop3A_375, %parallel_loop3A_440] : memref<2x40x128xf32, #tpu.memory_space<vmem>>[vector<16xi32>, vector<16xi32>, vector<16xi32>], vector<16xf32>,
        %parallel_loop3A_442 = arith.constant 6 : i32
        %parallel_loop3A_443 = vector.broadcast %parallel_loop3A_442 : i32 to vector<16xi32>
        %parallel_loop3A_444 = arith.addi %mul3A_34, %parallel_loop3A_443 : vector<16xi32>
        %parallel_loop3A_445 = tpu.vector_load_idx %arg12[%parallel_loop3A_377, %parallel_loop3A_375, %parallel_loop3A_444] : memref<2x40x256xf32, #tpu.memory_space<vmem>>[vector<16xi32>, vector<16xi32>, vector<16xi32>], vector<16xf32>,
        %parallel_loop3A_446 = arith.mulf %parallel_loop3A_441, %parallel_loop3A_445 : vector<16xf32>
        %parallel_loop3A_447 = arith.addf %parallel_loop3A_407, %parallel_loop3A_446 : vector<16xf32>
        %parallel_loop3A_448 = arith.constant 7 : i32
        %parallel_loop3A_449 = vector.broadcast %parallel_loop3A_448 : i32 to vector<16xi32>
        %parallel_loop3A_450 = arith.addi %mul3A_34, %parallel_loop3A_449 : vector<16xi32>
        %parallel_loop3A_451 = tpu.vector_load_idx %arg11[%parallel_loop3A_377, %parallel_loop3A_375, %parallel_loop3A_450] : memref<2x40x128xf32, #tpu.memory_space<vmem>>[vector<16xi32>, vector<16xi32>, vector<16xi32>], vector<16xf32>,
        %parallel_loop3A_452 = arith.constant 7 : i32
        %parallel_loop3A_453 = vector.broadcast %parallel_loop3A_452 : i32 to vector<16xi32>
        %parallel_loop3A_454 = arith.addi %mul3A_34, %parallel_loop3A_453 : vector<16xi32>
        %parallel_loop3A_455 = tpu.vector_load_idx %arg12[%parallel_loop3A_377, %parallel_loop3A_375, %parallel_loop3A_454] : memref<2x40x256xf32, #tpu.memory_space<vmem>>[vector<16xi32>, vector<16xi32>, vector<16xi32>], vector<16xf32>,
        %parallel_loop3A_456 = arith.mulf %parallel_loop3A_451, %parallel_loop3A_455 : vector<16xf32>
        %parallel_loop3A_457 = arith.addf %parallel_loop3A_417, %parallel_loop3A_456 : vector<16xf32>
        %parallel_loop3A_458 = arith.constant 8 : i32
        %parallel_loop3A_459 = vector.broadcast %parallel_loop3A_458 : i32 to vector<16xi32>
        %parallel_loop3A_460 = arith.addi %mul3A_34, %parallel_loop3A_459 : vector<16xi32>
        %parallel_loop3A_461 = tpu.vector_load_idx %arg11[%parallel_loop3A_377, %parallel_loop3A_375, %parallel_loop3A_460] : memref<2x40x128xf32, #tpu.memory_space<vmem>>[vector<16xi32>, vector<16xi32>, vector<16xi32>], vector<16xf32>,
        %parallel_loop3A_462 = arith.constant 8 : i32
        %parallel_loop3A_463 = vector.broadcast %parallel_loop3A_462 : i32 to vector<16xi32>
        %parallel_loop3A_464 = arith.addi %mul3A_34, %parallel_loop3A_463 : vector<16xi32>
        %parallel_loop3A_465 = tpu.vector_load_idx %arg12[%parallel_loop3A_377, %parallel_loop3A_375, %parallel_loop3A_464] : memref<2x40x256xf32, #tpu.memory_space<vmem>>[vector<16xi32>, vector<16xi32>, vector<16xi32>], vector<16xf32>,
        %parallel_loop3A_466 = arith.mulf %parallel_loop3A_461, %parallel_loop3A_465 : vector<16xf32>
        %parallel_loop3A_467 = arith.addf %parallel_loop3A_427, %parallel_loop3A_466 : vector<16xf32>
        %parallel_loop3A_468 = arith.constant 9 : i32
        %parallel_loop3A_469 = vector.broadcast %parallel_loop3A_468 : i32 to vector<16xi32>
        %parallel_loop3A_470 = arith.addi %mul3A_34, %parallel_loop3A_469 : vector<16xi32>
        %parallel_loop3A_471 = tpu.vector_load_idx %arg11[%parallel_loop3A_377, %parallel_loop3A_375, %parallel_loop3A_470] : memref<2x40x128xf32, #tpu.memory_space<vmem>>[vector<16xi32>, vector<16xi32>, vector<16xi32>], vector<16xf32>,
        %parallel_loop3A_472 = arith.constant 9 : i32
        %parallel_loop3A_473 = vector.broadcast %parallel_loop3A_472 : i32 to vector<16xi32>
        %parallel_loop3A_474 = arith.addi %mul3A_34, %parallel_loop3A_473 : vector<16xi32>
        %parallel_loop3A_475 = tpu.vector_load_idx %arg12[%parallel_loop3A_377, %parallel_loop3A_375, %parallel_loop3A_474] : memref<2x40x256xf32, #tpu.memory_space<vmem>>[vector<16xi32>, vector<16xi32>, vector<16xi32>], vector<16xf32>,
        %parallel_loop3A_476 = arith.mulf %parallel_loop3A_471, %parallel_loop3A_475 : vector<16xf32>
        %parallel_loop3A_477 = arith.addf %parallel_loop3A_437, %parallel_loop3A_476 : vector<16xf32>
        %parallel_loop3A_478 = arith.constant 10 : i32
        %parallel_loop3A_479 = vector.broadcast %parallel_loop3A_478 : i32 to vector<16xi32>
        %parallel_loop3A_480 = arith.addi %mul3A_34, %parallel_loop3A_479 : vector<16xi32>
        %parallel_loop3A_481 = tpu.vector_load_idx %arg11[%parallel_loop3A_377, %parallel_loop3A_375, %parallel_loop3A_480] : memref<2x40x128xf32, #tpu.memory_space<vmem>>[vector<16xi32>, vector<16xi32>, vector<16xi32>], vector<16xf32>,
        %parallel_loop3A_482 = arith.constant 10 : i32
        %parallel_loop3A_483 = vector.broadcast %parallel_loop3A_482 : i32 to vector<16xi32>
        %parallel_loop3A_484 = arith.addi %mul3A_34, %parallel_loop3A_483 : vector<16xi32>
        %parallel_loop3A_485 = tpu.vector_load_idx %arg12[%parallel_loop3A_377, %parallel_loop3A_375, %parallel_loop3A_484] : memref<2x40x256xf32, #tpu.memory_space<vmem>>[vector<16xi32>, vector<16xi32>, vector<16xi32>], vector<16xf32>,
        %parallel_loop3A_486 = arith.mulf %parallel_loop3A_481, %parallel_loop3A_485 : vector<16xf32>
        %parallel_loop3A_487 = arith.addf %parallel_loop3A_447, %parallel_loop3A_486 : vector<16xf32>
        %parallel_loop3A_488 = arith.constant 11 : i32
        %parallel_loop3A_489 = vector.broadcast %parallel_loop3A_488 : i32 to vector<16xi32>
        %parallel_loop3A_490 = arith.addi %mul3A_34, %parallel_loop3A_489 : vector<16xi32>
        %parallel_loop3A_491 = tpu.vector_load_idx %arg11[%parallel_loop3A_377, %parallel_loop3A_375, %parallel_loop3A_490] : memref<2x40x128xf32, #tpu.memory_space<vmem>>[vector<16xi32>, vector<16xi32>, vector<16xi32>], vector<16xf32>,
        %parallel_loop3A_492 = arith.constant 11 : i32
        %parallel_loop3A_493 = vector.broadcast %parallel_loop3A_492 : i32 to vector<16xi32>
        %parallel_loop3A_494 = arith.addi %mul3A_34, %parallel_loop3A_493 : vector<16xi32>
        %parallel_loop3A_495 = tpu.vector_load_idx %arg12[%parallel_loop3A_377, %parallel_loop3A_375, %parallel_loop3A_494] : memref<2x40x256xf32, #tpu.memory_space<vmem>>[vector<16xi32>, vector<16xi32>, vector<16xi32>], vector<16xf32>,
        %parallel_loop3A_496 = arith.mulf %parallel_loop3A_491, %parallel_loop3A_495 : vector<16xf32>
        %parallel_loop3A_497 = arith.addf %parallel_loop3A_457, %parallel_loop3A_496 : vector<16xf32>
        %parallel_loop3A_498 = arith.constant 12 : i32
        %parallel_loop3A_499 = vector.broadcast %parallel_loop3A_498 : i32 to vector<16xi32>
        %parallel_loop3A_500 = arith.addi %mul3A_34, %parallel_loop3A_499 : vector<16xi32>
        %parallel_loop3A_501 = tpu.vector_load_idx %arg11[%parallel_loop3A_377, %parallel_loop3A_375, %parallel_loop3A_500] : memref<2x40x128xf32, #tpu.memory_space<vmem>>[vector<16xi32>, vector<16xi32>, vector<16xi32>], vector<16xf32>,
        %parallel_loop3A_502 = arith.constant 12 : i32
        %parallel_loop3A_503 = vector.broadcast %parallel_loop3A_502 : i32 to vector<16xi32>
        %parallel_loop3A_504 = arith.addi %mul3A_34, %parallel_loop3A_503 : vector<16xi32>
        %parallel_loop3A_505 = tpu.vector_load_idx %arg12[%parallel_loop3A_377, %parallel_loop3A_375, %parallel_loop3A_504] : memref<2x40x256xf32, #tpu.memory_space<vmem>>[vector<16xi32>, vector<16xi32>, vector<16xi32>], vector<16xf32>,
        %parallel_loop3A_506 = arith.mulf %parallel_loop3A_501, %parallel_loop3A_505 : vector<16xf32>
        %parallel_loop3A_507 = arith.addf %parallel_loop3A_467, %parallel_loop3A_506 : vector<16xf32>
        %parallel_loop3A_508 = arith.constant 13 : i32
        %parallel_loop3A_509 = vector.broadcast %parallel_loop3A_508 : i32 to vector<16xi32>
        %parallel_loop3A_510 = arith.addi %mul3A_34, %parallel_loop3A_509 : vector<16xi32>
        %parallel_loop3A_511 = tpu.vector_load_idx %arg11[%parallel_loop3A_377, %parallel_loop3A_375, %parallel_loop3A_510] : memref<2x40x128xf32, #tpu.memory_space<vmem>>[vector<16xi32>, vector<16xi32>, vector<16xi32>], vector<16xf32>,
        %parallel_loop3A_512 = arith.constant 13 : i32
        %parallel_loop3A_513 = vector.broadcast %parallel_loop3A_512 : i32 to vector<16xi32>
        %parallel_loop3A_514 = arith.addi %mul3A_34, %parallel_loop3A_513 : vector<16xi32>
        %parallel_loop3A_515 = tpu.vector_load_idx %arg12[%parallel_loop3A_377, %parallel_loop3A_375, %parallel_loop3A_514] : memref<2x40x256xf32, #tpu.memory_space<vmem>>[vector<16xi32>, vector<16xi32>, vector<16xi32>], vector<16xf32>,
        %parallel_loop3A_516 = arith.mulf %parallel_loop3A_511, %parallel_loop3A_515 : vector<16xf32>
        %parallel_loop3A_517 = arith.addf %parallel_loop3A_477, %parallel_loop3A_516 : vector<16xf32>
        %parallel_loop3A_518 = arith.constant 14 : i32
        %parallel_loop3A_519 = vector.broadcast %parallel_loop3A_518 : i32 to vector<16xi32>
        %parallel_loop3A_520 = arith.addi %mul3A_34, %parallel_loop3A_519 : vector<16xi32>
        %parallel_loop3A_521 = tpu.vector_load_idx %arg11[%parallel_loop3A_377, %parallel_loop3A_375, %parallel_loop3A_520] : memref<2x40x128xf32, #tpu.memory_space<vmem>>[vector<16xi32>, vector<16xi32>, vector<16xi32>], vector<16xf32>,
        %parallel_loop3A_522 = arith.constant 14 : i32
        %parallel_loop3A_523 = vector.broadcast %parallel_loop3A_522 : i32 to vector<16xi32>
        %parallel_loop3A_524 = arith.addi %mul3A_34, %parallel_loop3A_523 : vector<16xi32>
        %parallel_loop3A_525 = tpu.vector_load_idx %arg12[%parallel_loop3A_377, %parallel_loop3A_375, %parallel_loop3A_524] : memref<2x40x256xf32, #tpu.memory_space<vmem>>[vector<16xi32>, vector<16xi32>, vector<16xi32>], vector<16xf32>,
        %parallel_loop3A_526 = arith.mulf %parallel_loop3A_521, %parallel_loop3A_525 : vector<16xf32>
        %parallel_loop3A_527 = arith.addf %parallel_loop3A_487, %parallel_loop3A_526 : vector<16xf32>
        %parallel_loop3A_528 = arith.constant 15 : i32
        %parallel_loop3A_529 = vector.broadcast %parallel_loop3A_528 : i32 to vector<16xi32>
        %parallel_loop3A_530 = arith.addi %mul3A_34, %parallel_loop3A_529 : vector<16xi32>
        %parallel_loop3A_531 = tpu.vector_load_idx %arg11[%parallel_loop3A_377, %parallel_loop3A_375, %parallel_loop3A_530] : memref<2x40x128xf32, #tpu.memory_space<vmem>>[vector<16xi32>, vector<16xi32>, vector<16xi32>], vector<16xf32>,
        %parallel_loop3A_532 = arith.constant 15 : i32
        %parallel_loop3A_533 = vector.broadcast %parallel_loop3A_532 : i32 to vector<16xi32>
        %parallel_loop3A_534 = arith.addi %mul3A_34, %parallel_loop3A_533 : vector<16xi32>
        %parallel_loop3A_535 = tpu.vector_load_idx %arg12[%parallel_loop3A_377, %parallel_loop3A_375, %parallel_loop3A_534] : memref<2x40x256xf32, #tpu.memory_space<vmem>>[vector<16xi32>, vector<16xi32>, vector<16xi32>], vector<16xf32>,
        %parallel_loop3A_536 = arith.mulf %parallel_loop3A_531, %parallel_loop3A_535 : vector<16xf32>
        %parallel_loop3A_537 = arith.addf %parallel_loop3A_497, %parallel_loop3A_536 : vector<16xf32>
        %parallel_loop3A_538 = arith.addf %parallel_loop3A_507, %parallel_loop3A_517 : vector<16xf32>
        %parallel_loop3A_539 = arith.addf %parallel_loop3A_527, %parallel_loop3A_537 : vector<16xf32>
        %parallel_loop3A_540 = arith.addf %parallel_loop3A_538, %parallel_loop3A_539 : vector<16xf32>
        %parallel_loop3A_541 = arith.constant 16 : i32
        %parallel_loop3A_542 = arith.muli %parallel_loop3A_366, %parallel_loop3A_541 : i32
        %parallel_loop3A_543 = arith.index_cast %parallel_loop3A_542 : i32 to index
        %parallel_loop3A_544 = tpu.vector_load %arg13[%parallel_loop3A_543] {strides = array<i32>} : memref<320xf32, #tpu.memory_space<vmem>>, vector<16xf32>,
        tpu.vector_store %arg13[%parallel_loop3A_543], %parallel_loop3A_540 {strides = array<i32>} : memref<320xf32, #tpu.memory_space<vmem>>, vector<16xf32>,
        %parallel_loop3A_545 = math.exp %parallel_loop3A_540 : vector<16xf32>
        %parallel_loop3A_546 = arith.constant 40 : i32
        %parallel_loop3A_547 = arith.addi %parallel_loop3A_546, %parallel_loop3A_368 : i32
        %parallel_loop3A_548 = arith.index_cast %parallel_loop3A_547 : i32 to index
        %parallel_loop3A_549 = arith.constant 0 : index
        %parallel_loop3A_550 = tpu.vector_load %arg14[%parallel_loop3A_548, %parallel_loop3A_549] {strides = array<i32>} : memref<80x128xf32, #tpu.memory_space<vmem>>, vector<16xf32>,
        tpu.vector_store %arg14[%parallel_loop3A_548, %parallel_loop3A_549], %broadcast_in_dim3A_1 {strides = array<i32>} : memref<80x128xf32, #tpu.memory_space<vmem>>, vector<16xf32>,
        %parallel_loop3A_551 = arith.constant 40 : i32
        %parallel_loop3A_552 = arith.addi %parallel_loop3A_551, %parallel_loop3A_368 : i32
        %parallel_loop3A_553 = arith.constant 1 : i32
        %parallel_loop3A_554 = arith.addi %parallel_loop3A_552, %parallel_loop3A_553 : i32
        %parallel_loop3A_555 = arith.index_cast %parallel_loop3A_554 : i32 to index
        %parallel_loop3A_556 = arith.constant 0 : index
        %parallel_loop3A_557 = tpu.vector_load %arg14[%parallel_loop3A_555, %parallel_loop3A_556] {strides = array<i32>} : memref<80x128xf32, #tpu.memory_space<vmem>>, vector<16xf32>,
        tpu.vector_store %arg14[%parallel_loop3A_555, %parallel_loop3A_556], %broadcast_in_dim3A_1 {strides = array<i32>} : memref<80x128xf32, #tpu.memory_space<vmem>>, vector<16xf32>,
        %parallel_loop3A_558 = arith.constant 40 : i32
        %parallel_loop3A_559 = arith.addi %parallel_loop3A_558, %parallel_loop3A_368 : i32
        %parallel_loop3A_560 = arith.index_cast %parallel_loop3A_559 : i32 to index
        %parallel_loop3A_561 = arith.constant 16 : index
        %parallel_loop3A_562 = tpu.vector_load %arg14[%parallel_loop3A_560, %parallel_loop3A_561] {strides = array<i32>} : memref<80x128xf32, #tpu.memory_space<vmem>>, vector<16xf32>,
        tpu.vector_store %arg14[%parallel_loop3A_560, %parallel_loop3A_561], %broadcast_in_dim3A_1 {strides = array<i32>} : memref<80x128xf32, #tpu.memory_space<vmem>>, vector<16xf32>,
        %parallel_loop3A_563 = arith.constant 40 : i32
        %parallel_loop3A_564 = arith.addi %parallel_loop3A_563, %parallel_loop3A_368 : i32
        %parallel_loop3A_565 = arith.constant 1 : i32
        %parallel_loop3A_566 = arith.addi %parallel_loop3A_564, %parallel_loop3A_565 : i32
        %parallel_loop3A_567 = arith.index_cast %parallel_loop3A_566 : i32 to index
        %parallel_loop3A_568 = arith.constant 16 : index
        %parallel_loop3A_569 = tpu.vector_load %arg14[%parallel_loop3A_567, %parallel_loop3A_568] {strides = array<i32>} : memref<80x128xf32, #tpu.memory_space<vmem>>, vector<16xf32>,
        tpu.vector_store %arg14[%parallel_loop3A_567, %parallel_loop3A_568], %broadcast_in_dim3A_1 {strides = array<i32>} : memref<80x128xf32, #tpu.memory_space<vmem>>, vector<16xf32>,
        %parallel_loop3A_570 = arith.constant 40 : i32
        %parallel_loop3A_571 = arith.addi %parallel_loop3A_570, %parallel_loop3A_368 : i32
        %parallel_loop3A_572 = arith.index_cast %parallel_loop3A_571 : i32 to index
        %parallel_loop3A_573 = arith.constant 32 : index
        %parallel_loop3A_574 = tpu.vector_load %arg14[%parallel_loop3A_572, %parallel_loop3A_573] {strides = array<i32>} : memref<80x128xf32, #tpu.memory_space<vmem>>, vector<16xf32>,
        tpu.vector_store %arg14[%parallel_loop3A_572, %parallel_loop3A_573], %broadcast_in_dim3A_1 {strides = array<i32>} : memref<80x128xf32, #tpu.memory_space<vmem>>, vector<16xf32>,
        %parallel_loop3A_575 = arith.constant 40 : i32
        %parallel_loop3A_576 = arith.addi %parallel_loop3A_575, %parallel_loop3A_368 : i32
        %parallel_loop3A_577 = arith.constant 1 : i32
        %parallel_loop3A_578 = arith.addi %parallel_loop3A_576, %parallel_loop3A_577 : i32
        %parallel_loop3A_579 = arith.index_cast %parallel_loop3A_578 : i32 to index
        %parallel_loop3A_580 = arith.constant 32 : index
        %parallel_loop3A_581 = tpu.vector_load %arg14[%parallel_loop3A_579, %parallel_loop3A_580] {strides = array<i32>} : memref<80x128xf32, #tpu.memory_space<vmem>>, vector<16xf32>,
        tpu.vector_store %arg14[%parallel_loop3A_579, %parallel_loop3A_580], %broadcast_in_dim3A_1 {strides = array<i32>} : memref<80x128xf32, #tpu.memory_space<vmem>>, vector<16xf32>,
        %parallel_loop3A_582 = arith.constant 40 : i32
        %parallel_loop3A_583 = arith.addi %parallel_loop3A_582, %parallel_loop3A_368 : i32
        %parallel_loop3A_584 = arith.index_cast %parallel_loop3A_583 : i32 to index
        %parallel_loop3A_585 = arith.constant 48 : index
        %parallel_loop3A_586 = tpu.vector_load %arg14[%parallel_loop3A_584, %parallel_loop3A_585] {strides = array<i32>} : memref<80x128xf32, #tpu.memory_space<vmem>>, vector<16xf32>,
        tpu.vector_store %arg14[%parallel_loop3A_584, %parallel_loop3A_585], %broadcast_in_dim3A_1 {strides = array<i32>} : memref<80x128xf32, #tpu.memory_space<vmem>>, vector<16xf32>,
        %parallel_loop3A_587 = arith.constant 40 : i32
        %parallel_loop3A_588 = arith.addi %parallel_loop3A_587, %parallel_loop3A_368 : i32
        %parallel_loop3A_589 = arith.constant 1 : i32
        %parallel_loop3A_590 = arith.addi %parallel_loop3A_588, %parallel_loop3A_589 : i32
        %parallel_loop3A_591 = arith.index_cast %parallel_loop3A_590 : i32 to index
        %parallel_loop3A_592 = arith.constant 48 : index
        %parallel_loop3A_593 = tpu.vector_load %arg14[%parallel_loop3A_591, %parallel_loop3A_592] {strides = array<i32>} : memref<80x128xf32, #tpu.memory_space<vmem>>, vector<16xf32>,
        tpu.vector_store %arg14[%parallel_loop3A_591, %parallel_loop3A_592], %broadcast_in_dim3A_1 {strides = array<i32>} : memref<80x128xf32, #tpu.memory_space<vmem>>, vector<16xf32>,
        %parallel_loop3A_594 = arith.constant 40 : i32
        %parallel_loop3A_595 = arith.addi %parallel_loop3A_594, %parallel_loop3A_368 : i32
        %parallel_loop3A_596 = arith.index_cast %parallel_loop3A_595 : i32 to index
        %parallel_loop3A_597 = arith.constant 64 : index
        %parallel_loop3A_598 = tpu.vector_load %arg14[%parallel_loop3A_596, %parallel_loop3A_597] {strides = array<i32>} : memref<80x128xf32, #tpu.memory_space<vmem>>, vector<16xf32>,
        tpu.vector_store %arg14[%parallel_loop3A_596, %parallel_loop3A_597], %broadcast_in_dim3A_1 {strides = array<i32>} : memref<80x128xf32, #tpu.memory_space<vmem>>, vector<16xf32>,
        %parallel_loop3A_599 = arith.constant 40 : i32
        %parallel_loop3A_600 = arith.addi %parallel_loop3A_599, %parallel_loop3A_368 : i32
        %parallel_loop3A_601 = arith.constant 1 : i32
        %parallel_loop3A_602 = arith.addi %parallel_loop3A_600, %parallel_loop3A_601 : i32
        %parallel_loop3A_603 = arith.index_cast %parallel_loop3A_602 : i32 to index
        %parallel_loop3A_604 = arith.constant 64 : index
        %parallel_loop3A_605 = tpu.vector_load %arg14[%parallel_loop3A_603, %parallel_loop3A_604] {strides = array<i32>} : memref<80x128xf32, #tpu.memory_space<vmem>>, vector<16xf32>,
        tpu.vector_store %arg14[%parallel_loop3A_603, %parallel_loop3A_604], %broadcast_in_dim3A_1 {strides = array<i32>} : memref<80x128xf32, #tpu.memory_space<vmem>>, vector<16xf32>,
        %parallel_loop3A_606 = arith.constant 40 : i32
        %parallel_loop3A_607 = arith.addi %parallel_loop3A_606, %parallel_loop3A_368 : i32
        %parallel_loop3A_608 = arith.index_cast %parallel_loop3A_607 : i32 to index
        %parallel_loop3A_609 = arith.constant 80 : index
        %parallel_loop3A_610 = tpu.vector_load %arg14[%parallel_loop3A_608, %parallel_loop3A_609] {strides = array<i32>} : memref<80x128xf32, #tpu.memory_space<vmem>>, vector<16xf32>,
        tpu.vector_store %arg14[%parallel_loop3A_608, %parallel_loop3A_609], %broadcast_in_dim3A_1 {strides = array<i32>} : memref<80x128xf32, #tpu.memory_space<vmem>>, vector<16xf32>,
        %parallel_loop3A_611 = arith.constant 40 : i32
        %parallel_loop3A_612 = arith.addi %parallel_loop3A_611, %parallel_loop3A_368 : i32
        %parallel_loop3A_613 = arith.constant 1 : i32
        %parallel_loop3A_614 = arith.addi %parallel_loop3A_612, %parallel_loop3A_613 : i32
        %parallel_loop3A_615 = arith.index_cast %parallel_loop3A_614 : i32 to index
        %parallel_loop3A_616 = arith.constant 80 : index
        %parallel_loop3A_617 = tpu.vector_load %arg14[%parallel_loop3A_615, %parallel_loop3A_616] {strides = array<i32>} : memref<80x128xf32, #tpu.memory_space<vmem>>, vector<16xf32>,
        tpu.vector_store %arg14[%parallel_loop3A_615, %parallel_loop3A_616], %broadcast_in_dim3A_1 {strides = array<i32>} : memref<80x128xf32, #tpu.memory_space<vmem>>, vector<16xf32>,
        %parallel_loop3A_618 = arith.constant 40 : i32
        %parallel_loop3A_619 = arith.addi %parallel_loop3A_618, %parallel_loop3A_368 : i32
        %parallel_loop3A_620 = arith.index_cast %parallel_loop3A_619 : i32 to index
        %parallel_loop3A_621 = arith.constant 96 : index
        %parallel_loop3A_622 = tpu.vector_load %arg14[%parallel_loop3A_620, %parallel_loop3A_621] {strides = array<i32>} : memref<80x128xf32, #tpu.memory_space<vmem>>, vector<16xf32>,
        tpu.vector_store %arg14[%parallel_loop3A_620, %parallel_loop3A_621], %broadcast_in_dim3A_1 {strides = array<i32>} : memref<80x128xf32, #tpu.memory_space<vmem>>, vector<16xf32>,
        %parallel_loop3A_623 = arith.constant 40 : i32
        %parallel_loop3A_624 = arith.addi %parallel_loop3A_623, %parallel_loop3A_368 : i32
        %parallel_loop3A_625 = arith.constant 1 : i32
        %parallel_loop3A_626 = arith.addi %parallel_loop3A_624, %parallel_loop3A_625 : i32
        %parallel_loop3A_627 = arith.index_cast %parallel_loop3A_626 : i32 to index
        %parallel_loop3A_628 = arith.constant 96 : index
        %parallel_loop3A_629 = tpu.vector_load %arg14[%parallel_loop3A_627, %parallel_loop3A_628] {strides = array<i32>} : memref<80x128xf32, #tpu.memory_space<vmem>>, vector<16xf32>,
        tpu.vector_store %arg14[%parallel_loop3A_627, %parallel_loop3A_628], %broadcast_in_dim3A_1 {strides = array<i32>} : memref<80x128xf32, #tpu.memory_space<vmem>>, vector<16xf32>,
        %parallel_loop3A_630 = arith.constant 40 : i32
        %parallel_loop3A_631 = arith.addi %parallel_loop3A_630, %parallel_loop3A_368 : i32
        %parallel_loop3A_632 = arith.index_cast %parallel_loop3A_631 : i32 to index
        %parallel_loop3A_633 = arith.constant 112 : index
        %parallel_loop3A_634 = tpu.vector_load %arg14[%parallel_loop3A_632, %parallel_loop3A_633] {strides = array<i32>} : memref<80x128xf32, #tpu.memory_space<vmem>>, vector<16xf32>,
        tpu.vector_store %arg14[%parallel_loop3A_632, %parallel_loop3A_633], %broadcast_in_dim3A_1 {strides = array<i32>} : memref<80x128xf32, #tpu.memory_space<vmem>>, vector<16xf32>,
        %parallel_loop3A_635 = arith.constant 40 : i32
        %parallel_loop3A_636 = arith.addi %parallel_loop3A_635, %parallel_loop3A_368 : i32
        %parallel_loop3A_637 = arith.constant 1 : i32
        %parallel_loop3A_638 = arith.addi %parallel_loop3A_636, %parallel_loop3A_637 : i32
        %parallel_loop3A_639 = arith.index_cast %parallel_loop3A_638 : i32 to index
        %parallel_loop3A_640 = arith.constant 112 : index
        %parallel_loop3A_641 = tpu.vector_load %arg14[%parallel_loop3A_639, %parallel_loop3A_640] {strides = array<i32>} : memref<80x128xf32, #tpu.memory_space<vmem>>, vector<16xf32>,
        tpu.vector_store %arg14[%parallel_loop3A_639, %parallel_loop3A_640], %broadcast_in_dim3A_1 {strides = array<i32>} : memref<80x128xf32, #tpu.memory_space<vmem>>, vector<16xf32>,
        %parallel_loop3A_642 = tpu.vector_load_idx %arg10[%parallel_loop3A_375] : memref<80xi32, #tpu.memory_space<vmem>>[vector<16xi32>], vector<16xi32>,
        %parallel_loop3A_643 = arith.constant 15 : i32
        %parallel_loop3A_644 = vector.broadcast %parallel_loop3A_643 : i32 to vector<16xi32>
        %parallel_loop3A_645 = arith.andi %parallel_loop3A_642, %parallel_loop3A_644 : vector<16xi32>
        %parallel_loop3A_646 = arith.constant 8 : i32
        %parallel_loop3A_647 = vector.broadcast %parallel_loop3A_646 : i32 to vector<16xi32>
        %parallel_loop3A_648 = arith.muli %parallel_loop3A_645, %parallel_loop3A_647 : vector<16xi32>
        %parallel_loop3A_649 = arith.constant 7 : i32
        %parallel_loop3A_650 = vector.broadcast %parallel_loop3A_649 : i32 to vector<16xi32>
        %parallel_loop3A_651 = arith.andi %iota3A, %parallel_loop3A_650 : vector<16xi32>
        %parallel_loop3A_652 = arith.addi %parallel_loop3A_648, %parallel_loop3A_651 : vector<16xi32>
        %parallel_loop3A_653 = arith.constant 40 : i32
        %parallel_loop3A_654 = vector.broadcast %parallel_loop3A_653 : i32 to vector<16xi32>
        %parallel_loop3A_655 = arith.addi %parallel_loop3A_654, %parallel_loop3A_375 : vector<16xi32>
        tpu.vector_store_idx %arg14[%parallel_loop3A_655, %parallel_loop3A_652], %parallel_loop3A_545 : memref<80x128xf32, #tpu.memory_space<vmem>>[vector<16xi32>, vector<16xi32>], vector<16xf32>,
        %parallel_loop3A_656 = arith.constant 0 : i32
        %parallel_loop3A_657 = arith.addi %parallel_loop3A_368, %parallel_loop3A_656 : i32
        %parallel_loop3A_658 = arith.constant 0 : i32
        %parallel_loop3A_659 = vector.broadcast %parallel_loop3A_658 : i32 to vector<16xi32>
        %parallel_loop3A_660 = arith.constant 0 : i32
        %parallel_loop3A_661 = vector.broadcast %parallel_loop3A_660 : i32 to vector<16xi32>
        %parallel_loop3A_662 = arith.cmpi slt, %parallel_loop3A_659, %parallel_loop3A_661 : vector<16xi32>
        %parallel_loop3A_663 = arith.constant 16 : i32
        %parallel_loop3A_664 = vector.broadcast %parallel_loop3A_663 : i32 to vector<16xi32>
        %parallel_loop3A_665 = arith.addi %parallel_loop3A_659, %parallel_loop3A_664 : vector<16xi32>
        %parallel_loop3A_666 = arith.select %parallel_loop3A_662, %parallel_loop3A_665, %parallel_loop3A_659 : vector<16xi1>, vector<16xi32>
        %parallel_loop3A_667 = vector.shape_cast %parallel_loop3A_666 : vector<16xi32> to vector<16x1xi32>
        %parallel_loop3A_668 = vector.shape_cast %parallel_loop3A_667 : vector<16x1xi32> to vector<16xi32>
        %parallel_loop3A_669 = tpu.dynamic_gather %parallel_loop3A_545[%parallel_loop3A_668] in [0] : vector<16xf32>, vector<16xi32> -> vector<16xf32>
        %parallel_loop3A_670 = arith.constant 1 : i32
        %parallel_loop3A_671 = arith.index_cast %parallel_loop3A_670 : i32 to index
        %parallel_loop3A_672 = arith.index_cast %parallel_loop3A_657 : i32 to index
        %parallel_loop3A_673 = arith.constant 128 : index
        %parallel_loop3A_674 = tpu.vector_load %arg12[%parallel_loop3A_671, %parallel_loop3A_672, %parallel_loop3A_673] {strides = array<i32>} : memref<2x40x256xf32, #tpu.memory_space<vmem>>, vector<16xf32>,
        %parallel_loop3A_675 = arith.mulf %parallel_loop3A_674, %parallel_loop3A_669 : vector<16xf32>
        %parallel_loop3A_676 = arith.index_cast %parallel_loop3A_657 : i32 to index
        %parallel_loop3A_677 = arith.constant 0 : index
        %parallel_loop3A_678 = tpu.vector_load %arg14[%parallel_loop3A_676, %parallel_loop3A_677] {strides = array<i32>} : memref<80x128xf32, #tpu.memory_space<vmem>>, vector<16xf32>,
        tpu.vector_store %arg14[%parallel_loop3A_676, %parallel_loop3A_677], %parallel_loop3A_675 {strides = array<i32>} : memref<80x128xf32, #tpu.memory_space<vmem>>, vector<16xf32>,
        %parallel_loop3A_679 = arith.constant 1 : i32
        %parallel_loop3A_680 = vector.broadcast %parallel_loop3A_679 : i32 to vector<16xi32>
        %parallel_loop3A_681 = arith.constant 0 : i32
        %parallel_loop3A_682 = vector.broadcast %parallel_loop3A_681 : i32 to vector<16xi32>
        %parallel_loop3A_683 = arith.cmpi slt, %parallel_loop3A_680, %parallel_loop3A_682 : vector<16xi32>
        %parallel_loop3A_684 = arith.constant 16 : i32
        %parallel_loop3A_685 = vector.broadcast %parallel_loop3A_684 : i32 to vector<16xi32>
        %parallel_loop3A_686 = arith.addi %parallel_loop3A_680, %parallel_loop3A_685 : vector<16xi32>
        %parallel_loop3A_687 = arith.select %parallel_loop3A_683, %parallel_loop3A_686, %parallel_loop3A_680 : vector<16xi1>, vector<16xi32>
        %parallel_loop3A_688 = vector.shape_cast %parallel_loop3A_687 : vector<16xi32> to vector<16x1xi32>
        %parallel_loop3A_689 = vector.shape_cast %parallel_loop3A_688 : vector<16x1xi32> to vector<16xi32>
        %parallel_loop3A_690 = tpu.dynamic_gather %parallel_loop3A_545[%parallel_loop3A_689] in [0] : vector<16xf32>, vector<16xi32> -> vector<16xf32>
        %parallel_loop3A_691 = arith.constant 1 : i32
        %parallel_loop3A_692 = arith.index_cast %parallel_loop3A_691 : i32 to index
        %parallel_loop3A_693 = arith.index_cast %parallel_loop3A_657 : i32 to index
        %parallel_loop3A_694 = arith.constant 144 : index
        %parallel_loop3A_695 = tpu.vector_load %arg12[%parallel_loop3A_692, %parallel_loop3A_693, %parallel_loop3A_694] {strides = array<i32>} : memref<2x40x256xf32, #tpu.memory_space<vmem>>, vector<16xf32>,
        %parallel_loop3A_696 = arith.mulf %parallel_loop3A_695, %parallel_loop3A_690 : vector<16xf32>
        %parallel_loop3A_697 = arith.index_cast %parallel_loop3A_657 : i32 to index
        %parallel_loop3A_698 = arith.constant 16 : index
        %parallel_loop3A_699 = tpu.vector_load %arg14[%parallel_loop3A_697, %parallel_loop3A_698] {strides = array<i32>} : memref<80x128xf32, #tpu.memory_space<vmem>>, vector<16xf32>,
        tpu.vector_store %arg14[%parallel_loop3A_697, %parallel_loop3A_698], %parallel_loop3A_696 {strides = array<i32>} : memref<80x128xf32, #tpu.memory_space<vmem>>, vector<16xf32>,
        %parallel_loop3A_700 = arith.constant 2 : i32
        %parallel_loop3A_701 = vector.broadcast %parallel_loop3A_700 : i32 to vector<16xi32>
        %parallel_loop3A_702 = arith.constant 0 : i32
        %parallel_loop3A_703 = vector.broadcast %parallel_loop3A_702 : i32 to vector<16xi32>
        %parallel_loop3A_704 = arith.cmpi slt, %parallel_loop3A_701, %parallel_loop3A_703 : vector<16xi32>
        %parallel_loop3A_705 = arith.constant 16 : i32
        %parallel_loop3A_706 = vector.broadcast %parallel_loop3A_705 : i32 to vector<16xi32>
        %parallel_loop3A_707 = arith.addi %parallel_loop3A_701, %parallel_loop3A_706 : vector<16xi32>
        %parallel_loop3A_708 = arith.select %parallel_loop3A_704, %parallel_loop3A_707, %parallel_loop3A_701 : vector<16xi1>, vector<16xi32>
        %parallel_loop3A_709 = vector.shape_cast %parallel_loop3A_708 : vector<16xi32> to vector<16x1xi32>
        %parallel_loop3A_710 = vector.shape_cast %parallel_loop3A_709 : vector<16x1xi32> to vector<16xi32>
        %parallel_loop3A_711 = tpu.dynamic_gather %parallel_loop3A_545[%parallel_loop3A_710] in [0] : vector<16xf32>, vector<16xi32> -> vector<16xf32>
        %parallel_loop3A_712 = arith.constant 1 : i32
        %parallel_loop3A_713 = arith.index_cast %parallel_loop3A_712 : i32 to index
        %parallel_loop3A_714 = arith.index_cast %parallel_loop3A_657 : i32 to index
        %parallel_loop3A_715 = arith.constant 160 : index
        %parallel_loop3A_716 = tpu.vector_load %arg12[%parallel_loop3A_713, %parallel_loop3A_714, %parallel_loop3A_715] {strides = array<i32>} : memref<2x40x256xf32, #tpu.memory_space<vmem>>, vector<16xf32>,
        %parallel_loop3A_717 = arith.mulf %parallel_loop3A_716, %parallel_loop3A_711 : vector<16xf32>
        %parallel_loop3A_718 = arith.index_cast %parallel_loop3A_657 : i32 to index
        %parallel_loop3A_719 = arith.constant 32 : index
        %parallel_loop3A_720 = tpu.vector_load %arg14[%parallel_loop3A_718, %parallel_loop3A_719] {strides = array<i32>} : memref<80x128xf32, #tpu.memory_space<vmem>>, vector<16xf32>,
        tpu.vector_store %arg14[%parallel_loop3A_718, %parallel_loop3A_719], %parallel_loop3A_717 {strides = array<i32>} : memref<80x128xf32, #tpu.memory_space<vmem>>, vector<16xf32>,
        %parallel_loop3A_721 = arith.constant 3 : i32
        %parallel_loop3A_722 = vector.broadcast %parallel_loop3A_721 : i32 to vector<16xi32>
        %parallel_loop3A_723 = arith.constant 0 : i32
        %parallel_loop3A_724 = vector.broadcast %parallel_loop3A_723 : i32 to vector<16xi32>
        %parallel_loop3A_725 = arith.cmpi slt, %parallel_loop3A_722, %parallel_loop3A_724 : vector<16xi32>
        %parallel_loop3A_726 = arith.constant 16 : i32
        %parallel_loop3A_727 = vector.broadcast %parallel_loop3A_726 : i32 to vector<16xi32>
        %parallel_loop3A_728 = arith.addi %parallel_loop3A_722, %parallel_loop3A_727 : vector<16xi32>
        %parallel_loop3A_729 = arith.select %parallel_loop3A_725, %parallel_loop3A_728, %parallel_loop3A_722 : vector<16xi1>, vector<16xi32>
        %parallel_loop3A_730 = vector.shape_cast %parallel_loop3A_729 : vector<16xi32> to vector<16x1xi32>
        %parallel_loop3A_731 = vector.shape_cast %parallel_loop3A_730 : vector<16x1xi32> to vector<16xi32>
        %parallel_loop3A_732 = tpu.dynamic_gather %parallel_loop3A_545[%parallel_loop3A_731] in [0] : vector<16xf32>, vector<16xi32> -> vector<16xf32>
        %parallel_loop3A_733 = arith.constant 1 : i32
        %parallel_loop3A_734 = arith.index_cast %parallel_loop3A_733 : i32 to index
        %parallel_loop3A_735 = arith.index_cast %parallel_loop3A_657 : i32 to index
        %parallel_loop3A_736 = arith.constant 176 : index
        %parallel_loop3A_737 = tpu.vector_load %arg12[%parallel_loop3A_734, %parallel_loop3A_735, %parallel_loop3A_736] {strides = array<i32>} : memref<2x40x256xf32, #tpu.memory_space<vmem>>, vector<16xf32>,
        %parallel_loop3A_738 = arith.mulf %parallel_loop3A_737, %parallel_loop3A_732 : vector<16xf32>
        %parallel_loop3A_739 = arith.index_cast %parallel_loop3A_657 : i32 to index
        %parallel_loop3A_740 = arith.constant 48 : index
        %parallel_loop3A_741 = tpu.vector_load %arg14[%parallel_loop3A_739, %parallel_loop3A_740] {strides = array<i32>} : memref<80x128xf32, #tpu.memory_space<vmem>>, vector<16xf32>,
        tpu.vector_store %arg14[%parallel_loop3A_739, %parallel_loop3A_740], %parallel_loop3A_738 {strides = array<i32>} : memref<80x128xf32, #tpu.memory_space<vmem>>, vector<16xf32>,
        %parallel_loop3A_742 = arith.constant 4 : i32
        %parallel_loop3A_743 = vector.broadcast %parallel_loop3A_742 : i32 to vector<16xi32>
        %parallel_loop3A_744 = arith.constant 0 : i32
        %parallel_loop3A_745 = vector.broadcast %parallel_loop3A_744 : i32 to vector<16xi32>
        %parallel_loop3A_746 = arith.cmpi slt, %parallel_loop3A_743, %parallel_loop3A_745 : vector<16xi32>
        %parallel_loop3A_747 = arith.constant 16 : i32
        %parallel_loop3A_748 = vector.broadcast %parallel_loop3A_747 : i32 to vector<16xi32>
        %parallel_loop3A_749 = arith.addi %parallel_loop3A_743, %parallel_loop3A_748 : vector<16xi32>
        %parallel_loop3A_750 = arith.select %parallel_loop3A_746, %parallel_loop3A_749, %parallel_loop3A_743 : vector<16xi1>, vector<16xi32>
        %parallel_loop3A_751 = vector.shape_cast %parallel_loop3A_750 : vector<16xi32> to vector<16x1xi32>
        %parallel_loop3A_752 = vector.shape_cast %parallel_loop3A_751 : vector<16x1xi32> to vector<16xi32>
        %parallel_loop3A_753 = tpu.dynamic_gather %parallel_loop3A_545[%parallel_loop3A_752] in [0] : vector<16xf32>, vector<16xi32> -> vector<16xf32>
        %parallel_loop3A_754 = arith.constant 1 : i32
        %parallel_loop3A_755 = arith.index_cast %parallel_loop3A_754 : i32 to index
        %parallel_loop3A_756 = arith.index_cast %parallel_loop3A_657 : i32 to index
        %parallel_loop3A_757 = arith.constant 192 : index
        %parallel_loop3A_758 = tpu.vector_load %arg12[%parallel_loop3A_755, %parallel_loop3A_756, %parallel_loop3A_757] {strides = array<i32>} : memref<2x40x256xf32, #tpu.memory_space<vmem>>, vector<16xf32>,
        %parallel_loop3A_759 = arith.mulf %parallel_loop3A_758, %parallel_loop3A_753 : vector<16xf32>
        %parallel_loop3A_760 = arith.index_cast %parallel_loop3A_657 : i32 to index
        %parallel_loop3A_761 = arith.constant 64 : index
        %parallel_loop3A_762 = tpu.vector_load %arg14[%parallel_loop3A_760, %parallel_loop3A_761] {strides = array<i32>} : memref<80x128xf32, #tpu.memory_space<vmem>>, vector<16xf32>,
        tpu.vector_store %arg14[%parallel_loop3A_760, %parallel_loop3A_761], %parallel_loop3A_759 {strides = array<i32>} : memref<80x128xf32, #tpu.memory_space<vmem>>, vector<16xf32>,
        %parallel_loop3A_763 = arith.constant 5 : i32
        %parallel_loop3A_764 = vector.broadcast %parallel_loop3A_763 : i32 to vector<16xi32>
        %parallel_loop3A_765 = arith.constant 0 : i32
        %parallel_loop3A_766 = vector.broadcast %parallel_loop3A_765 : i32 to vector<16xi32>
        %parallel_loop3A_767 = arith.cmpi slt, %parallel_loop3A_764, %parallel_loop3A_766 : vector<16xi32>
        %parallel_loop3A_768 = arith.constant 16 : i32
        %parallel_loop3A_769 = vector.broadcast %parallel_loop3A_768 : i32 to vector<16xi32>
        %parallel_loop3A_770 = arith.addi %parallel_loop3A_764, %parallel_loop3A_769 : vector<16xi32>
        %parallel_loop3A_771 = arith.select %parallel_loop3A_767, %parallel_loop3A_770, %parallel_loop3A_764 : vector<16xi1>, vector<16xi32>
        %parallel_loop3A_772 = vector.shape_cast %parallel_loop3A_771 : vector<16xi32> to vector<16x1xi32>
        %parallel_loop3A_773 = vector.shape_cast %parallel_loop3A_772 : vector<16x1xi32> to vector<16xi32>
        %parallel_loop3A_774 = tpu.dynamic_gather %parallel_loop3A_545[%parallel_loop3A_773] in [0] : vector<16xf32>, vector<16xi32> -> vector<16xf32>
        %parallel_loop3A_775 = arith.constant 1 : i32
        %parallel_loop3A_776 = arith.index_cast %parallel_loop3A_775 : i32 to index
        %parallel_loop3A_777 = arith.index_cast %parallel_loop3A_657 : i32 to index
        %parallel_loop3A_778 = arith.constant 208 : index
        %parallel_loop3A_779 = tpu.vector_load %arg12[%parallel_loop3A_776, %parallel_loop3A_777, %parallel_loop3A_778] {strides = array<i32>} : memref<2x40x256xf32, #tpu.memory_space<vmem>>, vector<16xf32>,
        %parallel_loop3A_780 = arith.mulf %parallel_loop3A_779, %parallel_loop3A_774 : vector<16xf32>
        %parallel_loop3A_781 = arith.index_cast %parallel_loop3A_657 : i32 to index
        %parallel_loop3A_782 = arith.constant 80 : index
        %parallel_loop3A_783 = tpu.vector_load %arg14[%parallel_loop3A_781, %parallel_loop3A_782] {strides = array<i32>} : memref<80x128xf32, #tpu.memory_space<vmem>>, vector<16xf32>,
        tpu.vector_store %arg14[%parallel_loop3A_781, %parallel_loop3A_782], %parallel_loop3A_780 {strides = array<i32>} : memref<80x128xf32, #tpu.memory_space<vmem>>, vector<16xf32>,
        %parallel_loop3A_784 = arith.constant 6 : i32
        %parallel_loop3A_785 = vector.broadcast %parallel_loop3A_784 : i32 to vector<16xi32>
        %parallel_loop3A_786 = arith.constant 0 : i32
        %parallel_loop3A_787 = vector.broadcast %parallel_loop3A_786 : i32 to vector<16xi32>
        %parallel_loop3A_788 = arith.cmpi slt, %parallel_loop3A_785, %parallel_loop3A_787 : vector<16xi32>
        %parallel_loop3A_789 = arith.constant 16 : i32
        %parallel_loop3A_790 = vector.broadcast %parallel_loop3A_789 : i32 to vector<16xi32>
        %parallel_loop3A_791 = arith.addi %parallel_loop3A_785, %parallel_loop3A_790 : vector<16xi32>
        %parallel_loop3A_792 = arith.select %parallel_loop3A_788, %parallel_loop3A_791, %parallel_loop3A_785 : vector<16xi1>, vector<16xi32>
        %parallel_loop3A_793 = vector.shape_cast %parallel_loop3A_792 : vector<16xi32> to vector<16x1xi32>
        %parallel_loop3A_794 = vector.shape_cast %parallel_loop3A_793 : vector<16x1xi32> to vector<16xi32>
        %parallel_loop3A_795 = tpu.dynamic_gather %parallel_loop3A_545[%parallel_loop3A_794] in [0] : vector<16xf32>, vector<16xi32> -> vector<16xf32>
        %parallel_loop3A_796 = arith.constant 1 : i32
        %parallel_loop3A_797 = arith.index_cast %parallel_loop3A_796 : i32 to index
        %parallel_loop3A_798 = arith.index_cast %parallel_loop3A_657 : i32 to index
        %parallel_loop3A_799 = arith.constant 224 : index
        %parallel_loop3A_800 = tpu.vector_load %arg12[%parallel_loop3A_797, %parallel_loop3A_798, %parallel_loop3A_799] {strides = array<i32>} : memref<2x40x256xf32, #tpu.memory_space<vmem>>, vector<16xf32>,
        %parallel_loop3A_801 = arith.mulf %parallel_loop3A_800, %parallel_loop3A_795 : vector<16xf32>
        %parallel_loop3A_802 = arith.index_cast %parallel_loop3A_657 : i32 to index
        %parallel_loop3A_803 = arith.constant 96 : index
        %parallel_loop3A_804 = tpu.vector_load %arg14[%parallel_loop3A_802, %parallel_loop3A_803] {strides = array<i32>} : memref<80x128xf32, #tpu.memory_space<vmem>>, vector<16xf32>,
        tpu.vector_store %arg14[%parallel_loop3A_802, %parallel_loop3A_803], %parallel_loop3A_801 {strides = array<i32>} : memref<80x128xf32, #tpu.memory_space<vmem>>, vector<16xf32>,
        %parallel_loop3A_805 = arith.constant 7 : i32
        %parallel_loop3A_806 = vector.broadcast %parallel_loop3A_805 : i32 to vector<16xi32>
        %parallel_loop3A_807 = arith.constant 0 : i32
        %parallel_loop3A_808 = vector.broadcast %parallel_loop3A_807 : i32 to vector<16xi32>
        %parallel_loop3A_809 = arith.cmpi slt, %parallel_loop3A_806, %parallel_loop3A_808 : vector<16xi32>
        %parallel_loop3A_810 = arith.constant 16 : i32
        %parallel_loop3A_811 = vector.broadcast %parallel_loop3A_810 : i32 to vector<16xi32>
        %parallel_loop3A_812 = arith.addi %parallel_loop3A_806, %parallel_loop3A_811 : vector<16xi32>
        %parallel_loop3A_813 = arith.select %parallel_loop3A_809, %parallel_loop3A_812, %parallel_loop3A_806 : vector<16xi1>, vector<16xi32>
        %parallel_loop3A_814 = vector.shape_cast %parallel_loop3A_813 : vector<16xi32> to vector<16x1xi32>
        %parallel_loop3A_815 = vector.shape_cast %parallel_loop3A_814 : vector<16x1xi32> to vector<16xi32>
        %parallel_loop3A_816 = tpu.dynamic_gather %parallel_loop3A_545[%parallel_loop3A_815] in [0] : vector<16xf32>, vector<16xi32> -> vector<16xf32>
        %parallel_loop3A_817 = arith.constant 1 : i32
        %parallel_loop3A_818 = arith.index_cast %parallel_loop3A_817 : i32 to index
        %parallel_loop3A_819 = arith.index_cast %parallel_loop3A_657 : i32 to index
        %parallel_loop3A_820 = arith.constant 240 : index
        %parallel_loop3A_821 = tpu.vector_load %arg12[%parallel_loop3A_818, %parallel_loop3A_819, %parallel_loop3A_820] {strides = array<i32>} : memref<2x40x256xf32, #tpu.memory_space<vmem>>, vector<16xf32>,
        %parallel_loop3A_822 = arith.mulf %parallel_loop3A_821, %parallel_loop3A_816 : vector<16xf32>
        %parallel_loop3A_823 = arith.index_cast %parallel_loop3A_657 : i32 to index
        %parallel_loop3A_824 = arith.constant 112 : index
        %parallel_loop3A_825 = tpu.vector_load %arg14[%parallel_loop3A_823, %parallel_loop3A_824] {strides = array<i32>} : memref<80x128xf32, #tpu.memory_space<vmem>>, vector<16xf32>,
        tpu.vector_store %arg14[%parallel_loop3A_823, %parallel_loop3A_824], %parallel_loop3A_822 {strides = array<i32>} : memref<80x128xf32, #tpu.memory_space<vmem>>, vector<16xf32>,
        %parallel_loop3A_826 = arith.constant 1 : i32
        %parallel_loop3A_827 = arith.addi %parallel_loop3A_368, %parallel_loop3A_826 : i32
        %parallel_loop3A_828 = arith.constant 8 : i32
        %parallel_loop3A_829 = vector.broadcast %parallel_loop3A_828 : i32 to vector<16xi32>
        %parallel_loop3A_830 = arith.constant 0 : i32
        %parallel_loop3A_831 = vector.broadcast %parallel_loop3A_830 : i32 to vector<16xi32>
        %parallel_loop3A_832 = arith.cmpi slt, %parallel_loop3A_829, %parallel_loop3A_831 : vector<16xi32>
        %parallel_loop3A_833 = arith.constant 16 : i32
        %parallel_loop3A_834 = vector.broadcast %parallel_loop3A_833 : i32 to vector<16xi32>
        %parallel_loop3A_835 = arith.addi %parallel_loop3A_829, %parallel_loop3A_834 : vector<16xi32>
        %parallel_loop3A_836 = arith.select %parallel_loop3A_832, %parallel_loop3A_835, %parallel_loop3A_829 : vector<16xi1>, vector<16xi32>
        %parallel_loop3A_837 = vector.shape_cast %parallel_loop3A_836 : vector<16xi32> to vector<16x1xi32>
        %parallel_loop3A_838 = vector.shape_cast %parallel_loop3A_837 : vector<16x1xi32> to vector<16xi32>
        %parallel_loop3A_839 = tpu.dynamic_gather %parallel_loop3A_545[%parallel_loop3A_838] in [0] : vector<16xf32>, vector<16xi32> -> vector<16xf32>
        %parallel_loop3A_840 = arith.constant 1 : i32
        %parallel_loop3A_841 = arith.index_cast %parallel_loop3A_840 : i32 to index
        %parallel_loop3A_842 = arith.index_cast %parallel_loop3A_827 : i32 to index
        %parallel_loop3A_843 = arith.constant 128 : index
        %parallel_loop3A_844 = tpu.vector_load %arg12[%parallel_loop3A_841, %parallel_loop3A_842, %parallel_loop3A_843] {strides = array<i32>} : memref<2x40x256xf32, #tpu.memory_space<vmem>>, vector<16xf32>,
        %parallel_loop3A_845 = arith.mulf %parallel_loop3A_844, %parallel_loop3A_839 : vector<16xf32>
        %parallel_loop3A_846 = arith.index_cast %parallel_loop3A_827 : i32 to index
        %parallel_loop3A_847 = arith.constant 0 : index
        %parallel_loop3A_848 = tpu.vector_load %arg14[%parallel_loop3A_846, %parallel_loop3A_847] {strides = array<i32>} : memref<80x128xf32, #tpu.memory_space<vmem>>, vector<16xf32>,
        tpu.vector_store %arg14[%parallel_loop3A_846, %parallel_loop3A_847], %parallel_loop3A_845 {strides = array<i32>} : memref<80x128xf32, #tpu.memory_space<vmem>>, vector<16xf32>,
        %parallel_loop3A_849 = arith.constant 9 : i32
        %parallel_loop3A_850 = vector.broadcast %parallel_loop3A_849 : i32 to vector<16xi32>
        %parallel_loop3A_851 = arith.constant 0 : i32
        %parallel_loop3A_852 = vector.broadcast %parallel_loop3A_851 : i32 to vector<16xi32>
        %parallel_loop3A_853 = arith.cmpi slt, %parallel_loop3A_850, %parallel_loop3A_852 : vector<16xi32>
        %parallel_loop3A_854 = arith.constant 16 : i32
        %parallel_loop3A_855 = vector.broadcast %parallel_loop3A_854 : i32 to vector<16xi32>
        %parallel_loop3A_856 = arith.addi %parallel_loop3A_850, %parallel_loop3A_855 : vector<16xi32>
        %parallel_loop3A_857 = arith.select %parallel_loop3A_853, %parallel_loop3A_856, %parallel_loop3A_850 : vector<16xi1>, vector<16xi32>
        %parallel_loop3A_858 = vector.shape_cast %parallel_loop3A_857 : vector<16xi32> to vector<16x1xi32>
        %parallel_loop3A_859 = vector.shape_cast %parallel_loop3A_858 : vector<16x1xi32> to vector<16xi32>
        %parallel_loop3A_860 = tpu.dynamic_gather %parallel_loop3A_545[%parallel_loop3A_859] in [0] : vector<16xf32>, vector<16xi32> -> vector<16xf32>
        %parallel_loop3A_861 = arith.constant 1 : i32
        %parallel_loop3A_862 = arith.index_cast %parallel_loop3A_861 : i32 to index
        %parallel_loop3A_863 = arith.index_cast %parallel_loop3A_827 : i32 to index
        %parallel_loop3A_864 = arith.constant 144 : index
        %parallel_loop3A_865 = tpu.vector_load %arg12[%parallel_loop3A_862, %parallel_loop3A_863, %parallel_loop3A_864] {strides = array<i32>} : memref<2x40x256xf32, #tpu.memory_space<vmem>>, vector<16xf32>,
        %parallel_loop3A_866 = arith.mulf %parallel_loop3A_865, %parallel_loop3A_860 : vector<16xf32>
        %parallel_loop3A_867 = arith.index_cast %parallel_loop3A_827 : i32 to index
        %parallel_loop3A_868 = arith.constant 16 : index
        %parallel_loop3A_869 = tpu.vector_load %arg14[%parallel_loop3A_867, %parallel_loop3A_868] {strides = array<i32>} : memref<80x128xf32, #tpu.memory_space<vmem>>, vector<16xf32>,
        tpu.vector_store %arg14[%parallel_loop3A_867, %parallel_loop3A_868], %parallel_loop3A_866 {strides = array<i32>} : memref<80x128xf32, #tpu.memory_space<vmem>>, vector<16xf32>,
        %parallel_loop3A_870 = arith.constant 10 : i32
        %parallel_loop3A_871 = vector.broadcast %parallel_loop3A_870 : i32 to vector<16xi32>
        %parallel_loop3A_872 = arith.constant 0 : i32
        %parallel_loop3A_873 = vector.broadcast %parallel_loop3A_872 : i32 to vector<16xi32>
        %parallel_loop3A_874 = arith.cmpi slt, %parallel_loop3A_871, %parallel_loop3A_873 : vector<16xi32>
        %parallel_loop3A_875 = arith.constant 16 : i32
        %parallel_loop3A_876 = vector.broadcast %parallel_loop3A_875 : i32 to vector<16xi32>
        %parallel_loop3A_877 = arith.addi %parallel_loop3A_871, %parallel_loop3A_876 : vector<16xi32>
        %parallel_loop3A_878 = arith.select %parallel_loop3A_874, %parallel_loop3A_877, %parallel_loop3A_871 : vector<16xi1>, vector<16xi32>
        %parallel_loop3A_879 = vector.shape_cast %parallel_loop3A_878 : vector<16xi32> to vector<16x1xi32>
        %parallel_loop3A_880 = vector.shape_cast %parallel_loop3A_879 : vector<16x1xi32> to vector<16xi32>
        %parallel_loop3A_881 = tpu.dynamic_gather %parallel_loop3A_545[%parallel_loop3A_880] in [0] : vector<16xf32>, vector<16xi32> -> vector<16xf32>
        %parallel_loop3A_882 = arith.constant 1 : i32
        %parallel_loop3A_883 = arith.index_cast %parallel_loop3A_882 : i32 to index
        %parallel_loop3A_884 = arith.index_cast %parallel_loop3A_827 : i32 to index
        %parallel_loop3A_885 = arith.constant 160 : index
        %parallel_loop3A_886 = tpu.vector_load %arg12[%parallel_loop3A_883, %parallel_loop3A_884, %parallel_loop3A_885] {strides = array<i32>} : memref<2x40x256xf32, #tpu.memory_space<vmem>>, vector<16xf32>,
        %parallel_loop3A_887 = arith.mulf %parallel_loop3A_886, %parallel_loop3A_881 : vector<16xf32>
        %parallel_loop3A_888 = arith.index_cast %parallel_loop3A_827 : i32 to index
        %parallel_loop3A_889 = arith.constant 32 : index
        %parallel_loop3A_890 = tpu.vector_load %arg14[%parallel_loop3A_888, %parallel_loop3A_889] {strides = array<i32>} : memref<80x128xf32, #tpu.memory_space<vmem>>, vector<16xf32>,
        tpu.vector_store %arg14[%parallel_loop3A_888, %parallel_loop3A_889], %parallel_loop3A_887 {strides = array<i32>} : memref<80x128xf32, #tpu.memory_space<vmem>>, vector<16xf32>,
        %parallel_loop3A_891 = arith.constant 11 : i32
        %parallel_loop3A_892 = vector.broadcast %parallel_loop3A_891 : i32 to vector<16xi32>
        %parallel_loop3A_893 = arith.constant 0 : i32
        %parallel_loop3A_894 = vector.broadcast %parallel_loop3A_893 : i32 to vector<16xi32>
        %parallel_loop3A_895 = arith.cmpi slt, %parallel_loop3A_892, %parallel_loop3A_894 : vector<16xi32>
        %parallel_loop3A_896 = arith.constant 16 : i32
        %parallel_loop3A_897 = vector.broadcast %parallel_loop3A_896 : i32 to vector<16xi32>
        %parallel_loop3A_898 = arith.addi %parallel_loop3A_892, %parallel_loop3A_897 : vector<16xi32>
        %parallel_loop3A_899 = arith.select %parallel_loop3A_895, %parallel_loop3A_898, %parallel_loop3A_892 : vector<16xi1>, vector<16xi32>
        %parallel_loop3A_900 = vector.shape_cast %parallel_loop3A_899 : vector<16xi32> to vector<16x1xi32>
        %parallel_loop3A_901 = vector.shape_cast %parallel_loop3A_900 : vector<16x1xi32> to vector<16xi32>
        %parallel_loop3A_902 = tpu.dynamic_gather %parallel_loop3A_545[%parallel_loop3A_901] in [0] : vector<16xf32>, vector<16xi32> -> vector<16xf32>
        %parallel_loop3A_903 = arith.constant 1 : i32
        %parallel_loop3A_904 = arith.index_cast %parallel_loop3A_903 : i32 to index
        %parallel_loop3A_905 = arith.index_cast %parallel_loop3A_827 : i32 to index
        %parallel_loop3A_906 = arith.constant 176 : index
        %parallel_loop3A_907 = tpu.vector_load %arg12[%parallel_loop3A_904, %parallel_loop3A_905, %parallel_loop3A_906] {strides = array<i32>} : memref<2x40x256xf32, #tpu.memory_space<vmem>>, vector<16xf32>,
        %parallel_loop3A_908 = arith.mulf %parallel_loop3A_907, %parallel_loop3A_902 : vector<16xf32>
        %parallel_loop3A_909 = arith.index_cast %parallel_loop3A_827 : i32 to index
        %parallel_loop3A_910 = arith.constant 48 : index
        %parallel_loop3A_911 = tpu.vector_load %arg14[%parallel_loop3A_909, %parallel_loop3A_910] {strides = array<i32>} : memref<80x128xf32, #tpu.memory_space<vmem>>, vector<16xf32>,
        tpu.vector_store %arg14[%parallel_loop3A_909, %parallel_loop3A_910], %parallel_loop3A_908 {strides = array<i32>} : memref<80x128xf32, #tpu.memory_space<vmem>>, vector<16xf32>,
        %parallel_loop3A_912 = arith.constant 12 : i32
        %parallel_loop3A_913 = vector.broadcast %parallel_loop3A_912 : i32 to vector<16xi32>
        %parallel_loop3A_914 = arith.constant 0 : i32
        %parallel_loop3A_915 = vector.broadcast %parallel_loop3A_914 : i32 to vector<16xi32>
        %parallel_loop3A_916 = arith.cmpi slt, %parallel_loop3A_913, %parallel_loop3A_915 : vector<16xi32>
        %parallel_loop3A_917 = arith.constant 16 : i32
        %parallel_loop3A_918 = vector.broadcast %parallel_loop3A_917 : i32 to vector<16xi32>
        %parallel_loop3A_919 = arith.addi %parallel_loop3A_913, %parallel_loop3A_918 : vector<16xi32>
        %parallel_loop3A_920 = arith.select %parallel_loop3A_916, %parallel_loop3A_919, %parallel_loop3A_913 : vector<16xi1>, vector<16xi32>
        %parallel_loop3A_921 = vector.shape_cast %parallel_loop3A_920 : vector<16xi32> to vector<16x1xi32>
        %parallel_loop3A_922 = vector.shape_cast %parallel_loop3A_921 : vector<16x1xi32> to vector<16xi32>
        %parallel_loop3A_923 = tpu.dynamic_gather %parallel_loop3A_545[%parallel_loop3A_922] in [0] : vector<16xf32>, vector<16xi32> -> vector<16xf32>
        %parallel_loop3A_924 = arith.constant 1 : i32
        %parallel_loop3A_925 = arith.index_cast %parallel_loop3A_924 : i32 to index
        %parallel_loop3A_926 = arith.index_cast %parallel_loop3A_827 : i32 to index
        %parallel_loop3A_927 = arith.constant 192 : index
        %parallel_loop3A_928 = tpu.vector_load %arg12[%parallel_loop3A_925, %parallel_loop3A_926, %parallel_loop3A_927] {strides = array<i32>} : memref<2x40x256xf32, #tpu.memory_space<vmem>>, vector<16xf32>,
        %parallel_loop3A_929 = arith.mulf %parallel_loop3A_928, %parallel_loop3A_923 : vector<16xf32>
        %parallel_loop3A_930 = arith.index_cast %parallel_loop3A_827 : i32 to index
        %parallel_loop3A_931 = arith.constant 64 : index
        %parallel_loop3A_932 = tpu.vector_load %arg14[%parallel_loop3A_930, %parallel_loop3A_931] {strides = array<i32>} : memref<80x128xf32, #tpu.memory_space<vmem>>, vector<16xf32>,
        tpu.vector_store %arg14[%parallel_loop3A_930, %parallel_loop3A_931], %parallel_loop3A_929 {strides = array<i32>} : memref<80x128xf32, #tpu.memory_space<vmem>>, vector<16xf32>,
        %parallel_loop3A_933 = arith.constant 13 : i32
        %parallel_loop3A_934 = vector.broadcast %parallel_loop3A_933 : i32 to vector<16xi32>
        %parallel_loop3A_935 = arith.constant 0 : i32
        %parallel_loop3A_936 = vector.broadcast %parallel_loop3A_935 : i32 to vector<16xi32>
        %parallel_loop3A_937 = arith.cmpi slt, %parallel_loop3A_934, %parallel_loop3A_936 : vector<16xi32>
        %parallel_loop3A_938 = arith.constant 16 : i32
        %parallel_loop3A_939 = vector.broadcast %parallel_loop3A_938 : i32 to vector<16xi32>
        %parallel_loop3A_940 = arith.addi %parallel_loop3A_934, %parallel_loop3A_939 : vector<16xi32>
        %parallel_loop3A_941 = arith.select %parallel_loop3A_937, %parallel_loop3A_940, %parallel_loop3A_934 : vector<16xi1>, vector<16xi32>
        %parallel_loop3A_942 = vector.shape_cast %parallel_loop3A_941 : vector<16xi32> to vector<16x1xi32>
        %parallel_loop3A_943 = vector.shape_cast %parallel_loop3A_942 : vector<16x1xi32> to vector<16xi32>
        %parallel_loop3A_944 = tpu.dynamic_gather %parallel_loop3A_545[%parallel_loop3A_943] in [0] : vector<16xf32>, vector<16xi32> -> vector<16xf32>
        %parallel_loop3A_945 = arith.constant 1 : i32
        %parallel_loop3A_946 = arith.index_cast %parallel_loop3A_945 : i32 to index
        %parallel_loop3A_947 = arith.index_cast %parallel_loop3A_827 : i32 to index
        %parallel_loop3A_948 = arith.constant 208 : index
        %parallel_loop3A_949 = tpu.vector_load %arg12[%parallel_loop3A_946, %parallel_loop3A_947, %parallel_loop3A_948] {strides = array<i32>} : memref<2x40x256xf32, #tpu.memory_space<vmem>>, vector<16xf32>,
        %parallel_loop3A_950 = arith.mulf %parallel_loop3A_949, %parallel_loop3A_944 : vector<16xf32>
        %parallel_loop3A_951 = arith.index_cast %parallel_loop3A_827 : i32 to index
        %parallel_loop3A_952 = arith.constant 80 : index
        %parallel_loop3A_953 = tpu.vector_load %arg14[%parallel_loop3A_951, %parallel_loop3A_952] {strides = array<i32>} : memref<80x128xf32, #tpu.memory_space<vmem>>, vector<16xf32>,
        tpu.vector_store %arg14[%parallel_loop3A_951, %parallel_loop3A_952], %parallel_loop3A_950 {strides = array<i32>} : memref<80x128xf32, #tpu.memory_space<vmem>>, vector<16xf32>,
        %parallel_loop3A_954 = arith.constant 14 : i32
        %parallel_loop3A_955 = vector.broadcast %parallel_loop3A_954 : i32 to vector<16xi32>
        %parallel_loop3A_956 = arith.constant 0 : i32
        %parallel_loop3A_957 = vector.broadcast %parallel_loop3A_956 : i32 to vector<16xi32>
        %parallel_loop3A_958 = arith.cmpi slt, %parallel_loop3A_955, %parallel_loop3A_957 : vector<16xi32>
        %parallel_loop3A_959 = arith.constant 16 : i32
        %parallel_loop3A_960 = vector.broadcast %parallel_loop3A_959 : i32 to vector<16xi32>
        %parallel_loop3A_961 = arith.addi %parallel_loop3A_955, %parallel_loop3A_960 : vector<16xi32>
        %parallel_loop3A_962 = arith.select %parallel_loop3A_958, %parallel_loop3A_961, %parallel_loop3A_955 : vector<16xi1>, vector<16xi32>
        %parallel_loop3A_963 = vector.shape_cast %parallel_loop3A_962 : vector<16xi32> to vector<16x1xi32>
        %parallel_loop3A_964 = vector.shape_cast %parallel_loop3A_963 : vector<16x1xi32> to vector<16xi32>
        %parallel_loop3A_965 = tpu.dynamic_gather %parallel_loop3A_545[%parallel_loop3A_964] in [0] : vector<16xf32>, vector<16xi32> -> vector<16xf32>
        %parallel_loop3A_966 = arith.constant 1 : i32
        %parallel_loop3A_967 = arith.index_cast %parallel_loop3A_966 : i32 to index
        %parallel_loop3A_968 = arith.index_cast %parallel_loop3A_827 : i32 to index
        %parallel_loop3A_969 = arith.constant 224 : index
        %parallel_loop3A_970 = tpu.vector_load %arg12[%parallel_loop3A_967, %parallel_loop3A_968, %parallel_loop3A_969] {strides = array<i32>} : memref<2x40x256xf32, #tpu.memory_space<vmem>>, vector<16xf32>,
        %parallel_loop3A_971 = arith.mulf %parallel_loop3A_970, %parallel_loop3A_965 : vector<16xf32>
        %parallel_loop3A_972 = arith.index_cast %parallel_loop3A_827 : i32 to index
        %parallel_loop3A_973 = arith.constant 96 : index
        %parallel_loop3A_974 = tpu.vector_load %arg14[%parallel_loop3A_972, %parallel_loop3A_973] {strides = array<i32>} : memref<80x128xf32, #tpu.memory_space<vmem>>, vector<16xf32>,
        tpu.vector_store %arg14[%parallel_loop3A_972, %parallel_loop3A_973], %parallel_loop3A_971 {strides = array<i32>} : memref<80x128xf32, #tpu.memory_space<vmem>>, vector<16xf32>,
        %parallel_loop3A_975 = arith.constant 15 : i32
        %parallel_loop3A_976 = vector.broadcast %parallel_loop3A_975 : i32 to vector<16xi32>
        %parallel_loop3A_977 = arith.constant 0 : i32
        %parallel_loop3A_978 = vector.broadcast %parallel_loop3A_977 : i32 to vector<16xi32>
        %parallel_loop3A_979 = arith.cmpi slt, %parallel_loop3A_976, %parallel_loop3A_978 : vector<16xi32>
        %parallel_loop3A_980 = arith.constant 16 : i32
        %parallel_loop3A_981 = vector.broadcast %parallel_loop3A_980 : i32 to vector<16xi32>
        %parallel_loop3A_982 = arith.addi %parallel_loop3A_976, %parallel_loop3A_981 : vector<16xi32>
        %parallel_loop3A_983 = arith.select %parallel_loop3A_979, %parallel_loop3A_982, %parallel_loop3A_976 : vector<16xi1>, vector<16xi32>
        %parallel_loop3A_984 = vector.shape_cast %parallel_loop3A_983 : vector<16xi32> to vector<16x1xi32>
        %parallel_loop3A_985 = vector.shape_cast %parallel_loop3A_984 : vector<16x1xi32> to vector<16xi32>
        %parallel_loop3A_986 = tpu.dynamic_gather %parallel_loop3A_545[%parallel_loop3A_985] in [0] : vector<16xf32>, vector<16xi32> -> vector<16xf32>
        %parallel_loop3A_987 = arith.constant 1 : i32
        %parallel_loop3A_988 = arith.index_cast %parallel_loop3A_987 : i32 to index
        %parallel_loop3A_989 = arith.index_cast %parallel_loop3A_827 : i32 to index
        %parallel_loop3A_990 = arith.constant 240 : index
        %parallel_loop3A_991 = tpu.vector_load %arg12[%parallel_loop3A_988, %parallel_loop3A_989, %parallel_loop3A_990] {strides = array<i32>} : memref<2x40x256xf32, #tpu.memory_space<vmem>>, vector<16xf32>,
        %parallel_loop3A_992 = arith.mulf %parallel_loop3A_991, %parallel_loop3A_986 : vector<16xf32>
        %parallel_loop3A_993 = arith.index_cast %parallel_loop3A_827 : i32 to index
        %parallel_loop3A_994 = arith.constant 112 : index
        %parallel_loop3A_995 = tpu.vector_load %arg14[%parallel_loop3A_993, %parallel_loop3A_994] {strides = array<i32>} : memref<80x128xf32, #tpu.memory_space<vmem>>, vector<16xf32>,
        tpu.vector_store %arg14[%parallel_loop3A_993, %parallel_loop3A_994], %parallel_loop3A_992 {strides = array<i32>} : memref<80x128xf32, #tpu.memory_space<vmem>>, vector<16xf32>,
      } {sc.loop_unroll_factor = 1 : i64, sc.parallel_access}
      %mul3A_355 = arith.constant 40 : i32
      %mul3A_356 = arith.muli %add3A_309, %mul3A_355 : i32
      %add3A_357 = arith.addi %mul3A_29, %mul3A_356 : i32
      %mul3A_358 = arith.constant 8 : i32
      %mul3A_359 = arith.muli %add3A_357, %mul3A_358 : i32
      %dma_start3A_360 = tpu.memref_slice %arg6[%mul3A_359] : memref<2560000xf32, #tpu.memory_space<hbm>> -> memref<320xf32, #tpu.memory_space<hbm>>
      %dma_start3A_361 = tpu.memref_slice %arg6[%mul3A_359] : memref<2560000xf32, #tpu.memory_space<hbm>> -> memref<320xf32, #tpu.memory_space<hbm>>
      tpu.enqueue_dma source(%arg13 : memref<320xf32, #tpu.memory_space<vmem>>) target(%dma_start3A_361 : memref<320xf32, #tpu.memory_space<hbm>>) target_semaphore(%arg20 : memref<!tpu.dma_semaphore, #tpu.memory_space<semaphore_mem>>)
      %dma_start3A_362 = arith.constant 0 : i32
      %dma_start3A_363 = arith.constant 0 : i32
      %dma_start3A_364 = tpu.memref_slice %arg15[%dma_start3A_362, %dma_start3A_363] : memref<10880x128xf32, #tpu.memory_space<vmem_shared>> -> memref<10880x128xf32, #tpu.memory_space<vmem_shared>>
      tpu.enqueue_indirect_dma source(%arg14 : memref<80x128xf32, #tpu.memory_space<vmem>>) target(%dma_start3A_364 : memref<10880x128xf32, #tpu.memory_space<vmem_shared>>) offsets(%arg10 : memref<80xi32, #tpu.memory_space<vmem>>) semaphore(%arg21 : memref<!tpu.dma_semaphore, #tpu.memory_space<semaphore_mem>>) {add = true}
      %scan3A_365 = arith.constant 0 : i32
      scf.yield %scan3A_365 : i32
    }
    %scan3A_127 = arith.constant 125 : i32
    %dma_wait3A_128 = arith.constant 0 : i32
    %dma_wait3A_129 = tpu.memref_slice %arg6[%dma_wait3A_128] : memref<2560000xf32, #tpu.memory_space<hbm>> -> memref<320xf32, #tpu.memory_space<hbm>>
    %dma_wait3A_130 = arith.constant 0 : i32
    %dma_wait3A_131 = tpu.memref_slice %arg6[%dma_wait3A_130] : memref<2560000xf32, #tpu.memory_space<hbm>> -> memref<320xf32, #tpu.memory_space<hbm>>
    tpu.wait_dma2 semaphore(%arg20 : memref<!tpu.dma_semaphore, #tpu.memory_space<semaphore_mem>>) src(%arg13 : memref<320xf32, #tpu.memory_space<vmem>>) dst(%dma_wait3A_131 : memref<320xf32, #tpu.memory_space<hbm>>)
    %dma_wait3A_132 = arith.constant 0 : i32
    %dma_wait3A_133 = arith.constant 0 : i32
    %dma_wait3A_134 = tpu.memref_slice %arg15[%dma_wait3A_132, %dma_wait3A_133] : memref<10880x128xf32, #tpu.memory_space<vmem_shared>> -> memref<10880x128xf32, #tpu.memory_space<vmem_shared>>
    tpu.wait_indirect_dma semaphore(%arg21 : memref<!tpu.dma_semaphore, #tpu.memory_space<semaphore_mem>>) src(%arg14 : memref<80x128xf32, #tpu.memory_space<vmem>>) dst(%dma_wait3A_134 : memref<10880x128xf32, #tpu.memory_space<vmem_shared>>)
    %barrier3A_135 = arith.constant 0 : index
    tpu.barrier barrier_id(%barrier3A_135)
    "tpu.region"() ({
      %run_scoped3A = tpu.sem_alloc : memref<!tpu.dma_semaphore, #tpu.memory_space<semaphore_mem>>
      %dma_start3A_136 = arith.constant 0 : i32
      %dma_start3A_137 = tpu.memref_slice %arg7[%arg0, %mul3A_9, %dma_start3A_136] : memref<2x10880x128xf32, #tpu.memory_space<hbm>> -> memref<1x680x128xf32, #tpu.memory_space<hbm>>
      %dma_start3A_138 = tpu.memref_squeeze %dma_start3A_137 : memref<1x680x128xf32, #tpu.memory_space<hbm>> -> memref<680x128xf32, #tpu.memory_space<hbm>>
      %dma_start3A_139 = arith.constant 0 : i32
      %dma_start3A_140 = tpu.memref_slice %arg15[%mul3A_9, %dma_start3A_139] : memref<10880x128xf32, #tpu.memory_space<vmem_shared>> -> memref<680x128xf32, #tpu.memory_space<vmem_shared>>
      tpu.enqueue_dma source(%dma_start3A_140 : memref<680x128xf32, #tpu.memory_space<vmem_shared>>) target(%dma_start3A_138 : memref<680x128xf32, #tpu.memory_space<hbm>>) target_semaphore(%run_scoped3A : memref<!tpu.dma_semaphore, #tpu.memory_space<semaphore_mem>>)
      %dma_wait3A_141 = arith.constant 0 : i32
      %dma_wait3A_142 = tpu.memref_slice %arg7[%arg0, %mul3A_9, %dma_wait3A_141] : memref<2x10880x128xf32, #tpu.memory_space<hbm>> -> memref<1x680x128xf32, #tpu.memory_space<hbm>>
      %dma_wait3A_143 = tpu.memref_squeeze %dma_wait3A_142 : memref<1x680x128xf32, #tpu.memory_space<hbm>> -> memref<680x128xf32, #tpu.memory_space<hbm>>
      %dma_wait3A_144 = arith.constant 0 : i32
      %dma_wait3A_145 = tpu.memref_slice %arg15[%mul3A_9, %dma_wait3A_144] : memref<10880x128xf32, #tpu.memory_space<vmem_shared>> -> memref<680x128xf32, #tpu.memory_space<vmem_shared>>
      tpu.wait_dma2 semaphore(%run_scoped3A : memref<!tpu.dma_semaphore, #tpu.memory_space<semaphore_mem>>) src(%dma_wait3A_145 : memref<680x128xf32, #tpu.memory_space<vmem_shared>>) dst(%dma_wait3A_143 : memref<680x128xf32, #tpu.memory_space<hbm>>)
      tpu.yield
    }) : () -> ()
    return
  }
}

module attributes {stable_mosaic.version = 14 : i64} {
  func.func @_proj_body(%arg0: i32, %arg1: memref<1000x128xf32, #tpu.memory_space<vmem>>, %arg2: memref<128x128xf32, #tpu.memory_space<vmem>>, %arg3: memref<1x128xf32, #tpu.memory_space<vmem>>, %arg4: memref<128x128xf32, #tpu.memory_space<vmem>>, %arg5: memref<1x128xf32, #tpu.memory_space<vmem>>, %arg6: memref<128x128xf32, #tpu.memory_space<vmem>>, %arg7: memref<1x128xf32, #tpu.memory_space<vmem>>, %arg8: memref<1000x128xf32, #tpu.memory_space<vmem>>, %arg9: memref<1000x256xf32, #tpu.memory_space<vmem>>) attributes {dimension_semantics = [#tpu.dimension_semantics<arbitrary>], iteration_bounds = array<i64: 10>, scalar_prefetch = 0 : i64, scratch_operands = 0 : i64, tpu.core_type = #tpu.core_type<tc>, window_params = [{transform_indices = @transform_0, window_bounds = array<i64: 1000, 128>}, {pipeline_mode = #tpu.pipeline_mode<synchronous>, transform_indices = @transform_1, window_bounds = array<i64: 128, 128>}, {pipeline_mode = #tpu.pipeline_mode<synchronous>, transform_indices = @transform_2, window_bounds = array<i64: 1, 128>}, {pipeline_mode = #tpu.pipeline_mode<synchronous>, transform_indices = @transform_3, window_bounds = array<i64: 128, 128>}, {pipeline_mode = #tpu.pipeline_mode<synchronous>, transform_indices = @transform_4, window_bounds = array<i64: 1, 128>}, {pipeline_mode = #tpu.pipeline_mode<synchronous>, transform_indices = @transform_5, window_bounds = array<i64: 128, 128>}, {pipeline_mode = #tpu.pipeline_mode<synchronous>, transform_indices = @transform_6, window_bounds = array<i64: 1, 128>}, {transform_indices = @transform_7, window_bounds = array<i64: 1000, 128>}, {transform_indices = @transform_8, window_bounds = array<i64: 1000, 256>}]} {
    %get3A = arith.constant 0 : index
    %get3A_0 = arith.constant 0 : index
    %get3A_1 = vector.load %arg1[%get3A, %get3A_0] : memref<1000x128xf32, #tpu.memory_space<vmem>>, vector<1000x128xf32>
    %get3A_2 = arith.constant 0 : index
    %get3A_3 = arith.constant 0 : index
    %get3A_4 = vector.load %arg2[%get3A_2, %get3A_3] : memref<128x128xf32, #tpu.memory_space<vmem>>, vector<128x128xf32>
    %dot_general3A = arith.constant dense<0.000000e+00> : vector<1000x128xf32>
    %dot_general3A_5 = tpu.matmul %get3A_1, %get3A_4, %dot_general3A {dimension_numbers = #tpu.dot_dimension_numbers<[1], [0], [0], [1], [0, 0, 1, 1], [], []>, transpose_lhs_hint = false} : vector<1000x128xf32>, vector<128x128xf32>, vector<1000x128xf32> -> vector<1000x128xf32>
    %get3A_6 = arith.constant 0 : index
    %get3A_7 = arith.constant 0 : index
    %get3A_8 = vector.load %arg3[%get3A_6, %get3A_7] : memref<1x128xf32, #tpu.memory_space<vmem>>, vector<1x128xf32>
    %add3A = vector.broadcast %get3A_8 : vector<1x128xf32> to vector<1000x128xf32>
    %add3A_9 = arith.addf %dot_general3A_5, %add3A : vector<1000x128xf32>
    %mul3A = arith.constant 2.500000e-01 : f32
    %mul3A_10 = vector.broadcast %mul3A : f32 to vector<1000x128xf32>
    %mul3A_11 = arith.mulf %add3A_9, %mul3A_10 : vector<1000x128xf32>
    %get3A_12 = arith.constant 0 : index
    %get3A_13 = arith.constant 0 : index
    %get3A_14 = vector.load %arg4[%get3A_12, %get3A_13] : memref<128x128xf32, #tpu.memory_space<vmem>>, vector<128x128xf32>
    %dot_general3A_15 = arith.constant dense<0.000000e+00> : vector<1000x128xf32>
    %dot_general3A_16 = tpu.matmul %get3A_1, %get3A_14, %dot_general3A_15 {dimension_numbers = #tpu.dot_dimension_numbers<[1], [0], [0], [1], [0, 0, 1, 1], [], []>, transpose_lhs_hint = false} : vector<1000x128xf32>, vector<128x128xf32>, vector<1000x128xf32> -> vector<1000x128xf32>
    %get3A_17 = arith.constant 0 : index
    %get3A_18 = arith.constant 0 : index
    %get3A_19 = vector.load %arg5[%get3A_17, %get3A_18] : memref<1x128xf32, #tpu.memory_space<vmem>>, vector<1x128xf32>
    %add3A_20 = vector.broadcast %get3A_19 : vector<1x128xf32> to vector<1000x128xf32>
    %add3A_21 = arith.addf %dot_general3A_16, %add3A_20 : vector<1000x128xf32>
    %get3A_22 = arith.constant 0 : index
    %get3A_23 = arith.constant 0 : index
    %get3A_24 = vector.load %arg6[%get3A_22, %get3A_23] : memref<128x128xf32, #tpu.memory_space<vmem>>, vector<128x128xf32>
    %dot_general3A_25 = arith.constant dense<0.000000e+00> : vector<1000x128xf32>
    %dot_general3A_26 = tpu.matmul %get3A_1, %get3A_24, %dot_general3A_25 {dimension_numbers = #tpu.dot_dimension_numbers<[1], [0], [0], [1], [0, 0, 1, 1], [], []>, transpose_lhs_hint = false} : vector<1000x128xf32>, vector<128x128xf32>, vector<1000x128xf32> -> vector<1000x128xf32>
    %get3A_27 = arith.constant 0 : index
    %get3A_28 = arith.constant 0 : index
    %get3A_29 = vector.load %arg7[%get3A_27, %get3A_28] : memref<1x128xf32, #tpu.memory_space<vmem>>, vector<1x128xf32>
    %add3A_30 = vector.broadcast %get3A_29 : vector<1x128xf32> to vector<1000x128xf32>
    %add3A_31 = arith.addf %dot_general3A_26, %add3A_30 : vector<1000x128xf32>
    %swap3A = arith.constant 0 : index
    %swap3A_32 = arith.constant 0 : index
    %swap3A_33 = vector.load %arg8[%swap3A, %swap3A_32] : memref<1000x128xf32, #tpu.memory_space<vmem>>, vector<1000x128xf32>
    tpu.vector_store %arg8[%swap3A, %swap3A_32], %mul3A_11 {strides = array<i32>} : memref<1000x128xf32, #tpu.memory_space<vmem>>, vector<1000x128xf32>,
    %concatenate3A = tpu.concatenate %add3A_21, %add3A_31 in 1 : vector<1000x128xf32>, vector<1000x128xf32> -> vector<1000x256xf32>
    %swap3A_34 = arith.constant 0 : index
    %swap3A_35 = arith.constant 0 : index
    %swap3A_36 = vector.load %arg9[%swap3A_34, %swap3A_35] : memref<1000x256xf32, #tpu.memory_space<vmem>>, vector<1000x256xf32>
    tpu.vector_store %arg9[%swap3A_34, %swap3A_35], %concatenate3A {strides = array<i32>} : memref<1000x256xf32, #tpu.memory_space<vmem>>, vector<1000x256xf32>,
    return
  }
  func.func @transform_0(%arg0: i32) -> (i32, i32) {
    %c0_i32 = arith.constant 0 : i32
    %c0_i32_0 = arith.constant 0 : i32
    return %arg0, %c0_i32 : i32, i32
  }
  func.func @transform_1(%arg0: i32) -> (i32, i32) {
    %c0_i32 = arith.constant 0 : i32
    %c0_i32_0 = arith.constant 0 : i32
    %c0_i32_1 = arith.constant 0 : i32
    return %c0_i32, %c0_i32_0 : i32, i32
  }
  func.func @transform_2(%arg0: i32) -> (i32, i32) {
    %c0_i32 = arith.constant 0 : i32
    %c0_i32_0 = arith.constant 0 : i32
    %c0_i32_1 = arith.constant 0 : i32
    return %c0_i32, %c0_i32_0 : i32, i32
  }
  func.func @transform_3(%arg0: i32) -> (i32, i32) {
    %c0_i32 = arith.constant 0 : i32
    %c0_i32_0 = arith.constant 0 : i32
    %c0_i32_1 = arith.constant 0 : i32
    return %c0_i32, %c0_i32_0 : i32, i32
  }
  func.func @transform_4(%arg0: i32) -> (i32, i32) {
    %c0_i32 = arith.constant 0 : i32
    %c0_i32_0 = arith.constant 0 : i32
    %c0_i32_1 = arith.constant 0 : i32
    return %c0_i32, %c0_i32_0 : i32, i32
  }
  func.func @transform_5(%arg0: i32) -> (i32, i32) {
    %c0_i32 = arith.constant 0 : i32
    %c0_i32_0 = arith.constant 0 : i32
    %c0_i32_1 = arith.constant 0 : i32
    return %c0_i32, %c0_i32_0 : i32, i32
  }
  func.func @transform_6(%arg0: i32) -> (i32, i32) {
    %c0_i32 = arith.constant 0 : i32
    %c0_i32_0 = arith.constant 0 : i32
    %c0_i32_1 = arith.constant 0 : i32
    return %c0_i32, %c0_i32_0 : i32, i32
  }
  func.func @transform_7(%arg0: i32) -> (i32, i32) {
    %c0_i32 = arith.constant 0 : i32
    %c0_i32_0 = arith.constant 0 : i32
    return %arg0, %c0_i32 : i32, i32
  }
  func.func @transform_8(%arg0: i32) -> (i32, i32) {
    %c0_i32 = arith.constant 0 : i32
    %c0_i32_0 = arith.constant 0 : i32
    return %arg0, %c0_i32 : i32, i32
  }
}

module attributes {stable_mosaic.version = 14 : i64} {
  func.func @_out_body(%arg0: i32, %arg1: memref<1024x128xf32, #tpu.memory_space<vmem>>, %arg2: memref<1024x128xf32, #tpu.memory_space<vmem>>, %arg3: memref<1024x8xf32, #tpu.memory_space<vmem>>, %arg4: memref<128x128xf32, #tpu.memory_space<vmem>>, %arg5: memref<1x128xf32, #tpu.memory_space<vmem>>, %arg6: memref<1024x128xf32, #tpu.memory_space<vmem>>) attributes {dimension_semantics = [#tpu.dimension_semantics<arbitrary>], iteration_bounds = array<i64: 10>, scalar_prefetch = 0 : i64, scratch_operands = 0 : i64, tpu.core_type = #tpu.core_type<tc>, window_params = [{transform_indices = @transform_0, window_bounds = array<i64: 1024, 128>}, {transform_indices = @transform_1, window_bounds = array<i64: 1024, 128>}, {transform_indices = @transform_2, window_bounds = array<i64: 1024, 8>}, {pipeline_mode = #tpu.pipeline_mode<synchronous>, transform_indices = @transform_3, window_bounds = array<i64: 128, 128>}, {pipeline_mode = #tpu.pipeline_mode<synchronous>, transform_indices = @transform_4, window_bounds = array<i64: 1, 128>}, {transform_indices = @transform_5, window_bounds = array<i64: 1024, 128>}]} {
    %get3A = arith.constant 0 : index
    %get3A_0 = arith.constant 0 : index
    %get3A_1 = vector.load %arg1[%get3A, %get3A_0] : memref<1024x128xf32, #tpu.memory_space<vmem>>, vector<1024x128xf32>
    %get3A_2 = arith.constant 0 : index
    %get3A_3 = arith.constant 0 : index
    %get3A_4 = vector.load %arg2[%get3A_2, %get3A_3] : memref<1024x128xf32, #tpu.memory_space<vmem>>, vector<1024x128xf32>
    %add3A = arith.addf %get3A_1, %get3A_4 : vector<1024x128xf32>
    %get3A_5 = arith.constant 0 : index
    %get3A_6 = arith.constant 0 : index
    %get3A_7 = vector.load %arg3[%get3A_5, %get3A_6] : memref<1024x8xf32, #tpu.memory_space<vmem>>, vector<1024x8xf32>
    %iota3A = tpu.iota {dimensions = array<i32: 0>} : vector<8x128xi32>
    %iota3A_8 = tpu.iota {dimensions = array<i32: 1>} : vector<8x128xi32>
    %jit3A = arith.constant 16 : i32
    %div3A = vector.broadcast %jit3A : i32 to vector<8x128xi32>
    %div3A_9 = arith.divsi %iota3A_8, %div3A : vector<8x128xi32>
    %sign3A = arith.constant 0 : i32
    %sign3A_10 = vector.broadcast %sign3A : i32 to vector<8x128xi32>
    %sign3A_11 = arith.cmpi sgt, %iota3A_8, %sign3A_10 : vector<8x128xi32>
    %sign3A_12 = arith.extui %sign3A_11 : vector<8x128xi1> to vector<8x128xi32>
    %sign3A_13 = arith.constant 0 : i32
    %sign3A_14 = vector.broadcast %sign3A_13 : i32 to vector<8x128xi32>
    %sign3A_15 = arith.cmpi slt, %iota3A_8, %sign3A_14 : vector<8x128xi32>
    %sign3A_16 = arith.extui %sign3A_15 : vector<8x128xi1> to vector<8x128xi32>
    %sign3A_17 = arith.subi %sign3A_12, %sign3A_16 : vector<8x128xi32>
    %sign3A_18 = arith.constant 0 : i32
    %sign3A_19 = arith.cmpi sgt, %jit3A, %sign3A_18 : i32
    %sign3A_20 = arith.extui %sign3A_19 : i1 to i32
    %sign3A_21 = arith.constant 0 : i32
    %sign3A_22 = arith.cmpi slt, %jit3A, %sign3A_21 : i32
    %sign3A_23 = arith.extui %sign3A_22 : i1 to i32
    %sign3A_24 = arith.subi %sign3A_20, %sign3A_23 : i32
    %ne3A = vector.broadcast %sign3A_24 : i32 to vector<8x128xi32>
    %ne3A_25 = arith.cmpi ne, %sign3A_17, %ne3A : vector<8x128xi32>
    %rem3A = vector.broadcast %jit3A : i32 to vector<8x128xi32>
    %rem3A_26 = arith.remsi %iota3A_8, %rem3A : vector<8x128xi32>
    %ne3A_27 = arith.constant 0 : i32
    %ne3A_28 = vector.broadcast %ne3A_27 : i32 to vector<8x128xi32>
    %ne3A_29 = arith.cmpi ne, %rem3A_26, %ne3A_28 : vector<8x128xi32>
    %and3A = arith.andi %ne3A_25, %ne3A_29 : vector<8x128xi1>
    %sub3A = arith.constant 1 : i32
    %sub3A_30 = vector.broadcast %sub3A : i32 to vector<8x128xi32>
    %sub3A_31 = arith.subi %div3A_9, %sub3A_30 : vector<8x128xi32>
    %select_n3A = arith.select %and3A, %sub3A_31, %div3A_9 : vector<8x128xi1>, vector<8x128xi32>
    %eq3A = arith.cmpi eq, %select_n3A, %iota3A : vector<8x128xi32>
    %jit3A_32 = arith.constant 1.000000e+00 : f32
    %jit3A_33 = arith.constant 0.000000e+00 : f32
    %broadcast_in_dim3A = vector.broadcast %jit3A_32 : f32 to vector<8x128xf32>
    %broadcast_in_dim3A_34 = vector.broadcast %jit3A_33 : f32 to vector<8x128xf32>
    %select_n3A_35 = arith.select %eq3A, %broadcast_in_dim3A, %broadcast_in_dim3A_34 : vector<8x128xi1>, vector<8x128xf32>
    %dot_general3A = arith.constant dense<0.000000e+00> : vector<1024x128xf32>
    %dot_general3A_36 = tpu.matmul %get3A_7, %select_n3A_35, %dot_general3A {dimension_numbers = #tpu.dot_dimension_numbers<[1], [0], [0], [1], [0, 0, 1, 1], [], []>, transpose_lhs_hint = false} : vector<1024x8xf32>, vector<8x128xf32>, vector<1024x128xf32> -> vector<1024x128xf32>
    %ne3A_37 = arith.constant 0.000000e+00 : f32
    %ne3A_38 = vector.broadcast %ne3A_37 : f32 to vector<1024x128xf32>
    %ne3A_39 = arith.cmpf one, %dot_general3A_36, %ne3A_38 : vector<1024x128xf32>
    %jit3A_40 = arith.constant 1.000000e+00 : f32
    %broadcast_in_dim3A_41 = vector.broadcast %jit3A_40 : f32 to vector<1024x128xf32>
    %select_n3A_42 = arith.select %ne3A_39, %dot_general3A_36, %broadcast_in_dim3A_41 : vector<1024x128xi1>, vector<1024x128xf32>
    %div3A_43 = arith.divf %add3A, %select_n3A_42 : vector<1024x128xf32>
    %jit3A_44 = arith.constant 0.000000e+00 : f32
    %broadcast_in_dim3A_45 = vector.broadcast %jit3A_44 : f32 to vector<1024x128xf32>
    %select_n3A_46 = arith.select %ne3A_39, %div3A_43, %broadcast_in_dim3A_45 : vector<1024x128xi1>, vector<1024x128xf32>
    %get3A_47 = arith.constant 0 : index
    %get3A_48 = arith.constant 0 : index
    %get3A_49 = vector.load %arg4[%get3A_47, %get3A_48] : memref<128x128xf32, #tpu.memory_space<vmem>>, vector<128x128xf32>
    %dot_general3A_50 = arith.constant dense<0.000000e+00> : vector<1024x128xf32>
    %dot_general3A_51 = tpu.matmul %select_n3A_46, %get3A_49, %dot_general3A_50 {dimension_numbers = #tpu.dot_dimension_numbers<[1], [0], [0], [1], [0, 0, 1, 1], [], []>, transpose_lhs_hint = false} : vector<1024x128xf32>, vector<128x128xf32>, vector<1024x128xf32> -> vector<1024x128xf32>
    %get3A_52 = arith.constant 0 : index
    %get3A_53 = arith.constant 0 : index
    %get3A_54 = vector.load %arg5[%get3A_52, %get3A_53] : memref<1x128xf32, #tpu.memory_space<vmem>>, vector<1x128xf32>
    %add3A_55 = vector.broadcast %get3A_54 : vector<1x128xf32> to vector<1024x128xf32>
    %add3A_56 = arith.addf %dot_general3A_51, %add3A_55 : vector<1024x128xf32>
    %swap3A = arith.constant 0 : index
    %swap3A_57 = arith.constant 0 : index
    %swap3A_58 = vector.load %arg6[%swap3A, %swap3A_57] : memref<1024x128xf32, #tpu.memory_space<vmem>>, vector<1024x128xf32>
    tpu.vector_store %arg6[%swap3A, %swap3A_57], %add3A_56 {strides = array<i32>} : memref<1024x128xf32, #tpu.memory_space<vmem>>, vector<1024x128xf32>,
    return
  }
  func.func @transform_0(%arg0: i32) -> (i32, i32) {
    %c0_i32 = arith.constant 0 : i32
    %c0_i32_0 = arith.constant 0 : i32
    return %arg0, %c0_i32 : i32, i32
  }
  func.func @transform_1(%arg0: i32) -> (i32, i32) {
    %c0_i32 = arith.constant 0 : i32
    %c0_i32_0 = arith.constant 0 : i32
    return %arg0, %c0_i32 : i32, i32
  }
  func.func @transform_2(%arg0: i32) -> (i32, i32) {
    %c0_i32 = arith.constant 0 : i32
    %c0_i32_0 = arith.constant 0 : i32
    return %arg0, %c0_i32 : i32, i32
  }
  func.func @transform_3(%arg0: i32) -> (i32, i32) {
    %c0_i32 = arith.constant 0 : i32
    %c0_i32_0 = arith.constant 0 : i32
    %c0_i32_1 = arith.constant 0 : i32
    return %c0_i32, %c0_i32_0 : i32, i32
  }
  func.func @transform_4(%arg0: i32) -> (i32, i32) {
    %c0_i32 = arith.constant 0 : i32
    %c0_i32_0 = arith.constant 0 : i32
    %c0_i32_1 = arith.constant 0 : i32
    return %c0_i32, %c0_i32_0 : i32, i32
  }
  func.func @transform_5(%arg0: i32) -> (i32, i32) {
    %c0_i32 = arith.constant 0 : i32
    %c0_i32_0 = arith.constant 0 : i32
    return %arg0, %c0_i32 : i32, i32
  }
}

</mosaic_0001>

<sc_bundles>
// kernel: kernel.5.cloned.1.call-start
scs
__scs_entry_jumppad:
0x0: {  	(pc) =	sbr.rel $0x88, $3  }
0x1: {  	(tag) =	ssettag $0x0;
	lr =	simm.s32 $0x1  }
0x2: {  	[smem:$0x3F97] =	sst lr;
	_ =	strace $0xD0000000  }
0x3: {  	_ = 	snop  }
0x4: {  	_ = 	snop  }
0x5: {  	_ = 	snop  }
0x6: {  	_ = 	snop  }
0x7: {  	_ = 	snop  }
__scs_overlays_trampoline_lowered:
0x8: {  	[smem:$0x3FA6] =	sst s0  }
0x9: {  	[smem:$0x3FA7] =	sst s1  }
0xa: {  	[smem:$0x3FA8] =	sst s2  }
0xb: {  	[smem:$0x3FA9] =	sst s3  }
0xc: {  	[smem:$0x3FAA] =	sst s4  }
0xd: {  	[smem:$0x3FAB] =	sst s5  }
0xe: {  	[smem:$0x3FAC] =	sst s6  }
0xf: {  	[smem:$0x3FAD] =	sst s7  }
0x10: {  	[smem:$0x3FAE] =	sst s8  }
0x11: {  	[smem:$0x3FAF] =	sst s9;
	s0 =	simm.s32 @!p0 $0x0  }
0x12: {  	s1 =	sld [smem:$0x3F95];
	s0 =	simm.s32 @p0 $0x1  }
0x13: {  	[smem:$0x3FB0] =	sst s0;
	s0 =	simm.s32 @!p1 $0x0  }
0x14: {  	s2 =	sld [smem:$0x3F94];
	s0 =	simm.s32 @p1 $0x1  }
0x15: {  	[smem:$0x3FB1] =	sst s0;
	s0 =	simm.s32 @!p2 $0x0  }
0x16: {  	s3 =	sld [smem:$0x3FDB];
	s0 =	simm.s32 @p2 $0x1  }
0x17: {  	s4 =	simm.s32 $0x1BF5;
	[smem:$0x3FB3] =	sst s0  }
0x18: {  	s0 =	sld [smem:$0x3F96];
	_ =	swait.ge [sflag:s4], $0x0  }
0x19: {  	s7 =	sld [smem:$0x3F97]  }
0x1a: {  	s8 =	sadd.s32 $0xFFFFE003, lr  }
0x1b: {  	s9 =	sadd.s32 $0xFFFFFEF7, lr;
	s5 =	simm.s32 $0xFFFFFFFF;
	p2 =	slt.u32 s8, $0xFFFFF086  }
0x1c: {  	p1 =	slt.u32 s9, $0xF7A;
	s5 =	simm.s32 @!p2 $0x0  }
0x1d: {  	s5 =	simm.s32 @p1 $0x1;
	p0 =	seq.s32 s7, s2  }
0x1e: {  	s7 =	smul.u32 @!p0 $0xF7A, s2;
	p2 =	seq.s32 @!p0 s5, $0x0  }
0x1f: {  	s9 =	smul.u32 $0xF7A, s1;
	s8 =	simm.s32 @!p0 $0x1BF5;
	p2 =	por !p2, p0  }
0x20: {  	[sflag:s8] =	ssyncset.s32 @!p0 $0xFFFFF086;
	s6 =	sadd.s32 @!p0 s3, s7;
	s7 =	simm.s32 @!p0 $0x108  }
0x21: {  	s3 =	sadd.s32 s3, s9;
	s6 =	sadd.s32 @!p0 $0x88, s6;
	s7 =	simm.s32 @p2 $0x1082  }
0x22: {  	[simem:s7], [sflag:s8] =	dma.local @!p0 [hbm:s6], $0xF7A  }
0x23: {  	s9 =	sor.u32 $0xD0000000, s2;
	s6 =	simm.s32 $0x108;
	_ =	swait.ge @!p0 [sflag:s8], $0x0  }
0x24: {  	s3 =	sadd.s32 $0x88, s3;
	s6 =	simm.s32 @!p1 $0x1082;
	[sflag:s4] =	ssyncset.s32 $0xFFFFF086  }
0x25: {  	[simem:s6], [sflag:s4] =	dma.local [hbm:s3], $0xF7A  }
0x26: {  	[smem:$0x3F97] =	sst s1;
	(tag) =	ssettag s2;
	_ =	strace s9  }
0x27: {  	s1 =	sld [smem:$0x3FA7]  }
0x28: {  	s2 =	sld [smem:$0x3FA8]  }
0x29: {  	s4 =	sld [smem:$0x3FAA]  }
0x2a: {  	p0 =	seq.s32 s5, $0x0;
	s5 =	sld [smem:$0x3FAB]  }
0x2b: {  	s6 =	sld [smem:$0x3FAC]  }
0x2c: {  	s7 =	sld [smem:$0x3FAD]  }
0x2d: {  	s3 =	simm.s32 $0x108;
	s8 =	sld [smem:$0x3FAE]  }
0x2e: {  	s3 =	simm.s32 @!p0 $0x1082;
	s9 =	sld [smem:$0x3FAF]  }
0x2f: {  	lr =	sadd.s32 s0, s3;
	s0 =	sld [smem:$0x3FA6]  }
0x30: {  	s3 =	sld [smem:$0x3FA9]  }
0x31: {  	[smem:$0x3FB2] =	sst s10  }
0x32: {  	s10 =	sld [smem:$0x3FB0];
	_ =	sdelay $0x3  }
0x33: {  	p0 =	seq.s32 s10, $0x1;
	s10 =	sld [smem:$0x3FB2];
	_ =	sdelay $0x3  }
0x34: {  	[smem:$0x3FB2] =	sst s10  }
0x35: {  	s10 =	sld [smem:$0x3FB1];
	_ =	sdelay $0x3  }
0x36: {  	p1 =	seq.s32 s10, $0x1;
	s10 =	sld [smem:$0x3FB2];
	_ =	sdelay $0x3  }
0x37: {  	[smem:$0x3FB2] =	sst s10  }
0x38: {  	s10 =	sld [smem:$0x3FB3]  }
0x39: {  	_ = 	snop;
	(pc) =	sbr.ind lr, $3  }
0x3a: {  	_ = 	snop  }
0x3b: {  	_ = 	snop  }
0x3c: {  	p2 =	seq.s32 s10, $0x1;
	s10 =	sld [smem:$0x3FB2]  }
0x3d: {  	_ =	shalt  }
0x3e: {  	_ =	shalt  }
0x3f: {  	_ =	shalt  }
0x40: {  	_ =	shalt  }
0x41: {  	_ =	shalt  }
0x42: {  	_ =	shalt  }
0x43: {  	_ =	shalt  }
0x44: {  	_ =	shalt  }
0x45: {  	_ =	shalt  }
0x46: {  	_ =	shalt  }
0x47: {  	_ =	shalt  }
0x48: {  	_ =	shalt  }
0x49: {  	_ =	shalt  }
0x4a: {  	_ =	shalt  }
0x4b: {  	_ =	shalt  }
0x4c: {  	_ =	shalt  }
0x4d: {  	_ =	shalt  }
0x4e: {  	_ =	shalt  }
0x4f: {  	_ =	shalt  }
0x50: {  	_ =	shalt  }
0x51: {  	_ =	shalt  }
0x52: {  	_ =	shalt  }
0x53: {  	_ =	shalt  }
0x54: {  	_ =	shalt  }
0x55: {  	_ =	shalt  }
0x56: {  	_ =	shalt  }
0x57: {  	_ =	shalt  }
0x58: {  	_ =	shalt  }
0x59: {  	_ =	shalt  }
0x5a: {  	_ =	shalt  }
0x5b: {  	_ =	shalt  }
0x5c: {  	_ =	shalt  }
0x5d: {  	_ =	shalt  }
0x5e: {  	_ =	shalt  }
0x5f: {  	_ =	shalt  }
0x60: {  	_ =	shalt  }
0x61: {  	_ =	shalt  }
0x62: {  	_ =	shalt  }
0x63: {  	_ =	shalt  }
0x64: {  	_ =	shalt  }
0x65: {  	_ =	shalt  }
0x66: {  	_ =	shalt  }
0x67: {  	_ =	shalt  }
0x68: {  	_ =	shalt  }
0x69: {  	_ =	shalt  }
0x6a: {  	_ =	shalt  }
0x6b: {  	_ =	shalt  }
0x6c: {  	_ =	shalt  }
0x6d: {  	_ =	shalt  }
0x6e: {  	_ =	shalt  }
0x6f: {  	_ =	shalt  }
0x70: {  	_ =	shalt  }
0x71: {  	_ =	shalt  }
0x72: {  	_ =	shalt  }
0x73: {  	_ =	shalt  }
0x74: {  	_ =	shalt  }
0x75: {  	_ =	shalt  }
0x76: {  	_ =	shalt  }
0x77: {  	_ =	shalt  }
0x78: {  	_ =	shalt  }
0x79: {  	_ =	shalt  }
0x7a: {  	_ =	shalt  }
0x7b: {  	_ =	shalt  }
0x7c: {  	_ =	shalt  }
0x7d: {  	_ =	shalt  }
0x7e: {  	_ =	shalt  }
0x7f: {  	_ =	shalt  }
0x80: {  	_ =	shalt  }
0x81: {  	_ =	shalt  }
0x82: {  	_ =	shalt  }
0x83: {  	_ =	shalt  }
0x84: {  	_ =	shalt  }
0x85: {  	_ =	shalt  }
0x86: {  	_ =	shalt  }
0x87: {  	_ =	shalt  }
.Lfunc_end0:
.L_simem_size_0:
called_computation_lowered:
.L_overlay_start_0:
0x88: {  	s2 =	sld [smem:$0x3FD9]  }
0x89: {  	s3 =	sld [smem:$0x3FFE];
	_ =	sdelay $0x1  }
0x8a: {  	s1 =	srdreg.scid  }
0x8b: {  	s0 =	sand.u32 $0x1, s1  }
0x8c: {  	s14 =	sshll.u32 s0, $0xA;
	s2 =	sadd.s32 s3, s2  }
0x8d: {  	s2 =	sadd.s32 s2, s14  }
0x8e: {  	[smem:$0x3FBE] =	sst s2  }
0x8f: {  	_ = 	snop  }
0x90: {  	s2 =	sld [smem:$0x3FD0];
	_ =	sdelay $0x2  }
0x91: {  	s15 =	simm.s32 $0xA;
	s4 =	simm.s32 $0x10  }
0x92: {  	[smem:s4], [sflag:s15] =	dma.local [hbm:s2], $0x1  }
0x93: {  	_ =	swait.eq [sflag:s15], $0x1  }
0x94: {  	[sflag:s15] =	ssyncset.done $0x0  }
0x95: {  	s16 =	sld [smem:$0x10];
	[sflag:s15] =	ssyncadd.s32 $0xFFFFFFFF  }
0x96: {  	s17 =	sld [smem:$0x11];
	(tm) =	ssettm $0x1  }
0x97: {  	s18 =	sld [smem:$0x3FFB];
	_ =	sdelay $0x3  }
0x98: {  	_ =	strace s18  }
0x99: {  	s4 =	sld [smem:$0x3FFC];
	_ =	sdelay $0x3  }
0x9a: {  	_ =	strace s4  }
0x9b: {  	s4 =	sld [smem:$0x3FFD];
	_ =	sdelay $0x3  }
0x9c: {  	_ =	strace s4  }
0x9d: {  	_ =	strace $0x8FFFFFFF  }
0x9e: {  	s19 =	sld [smem:$0x3FDB];
	_ =	sdelay $0x1  }
0x9f: {  	s5 =	simm.s32 $_scs_section_size  }
0xa0: {  	s6 =	simm.s32 $_size__tile_overlayer_lowered;
	s7 =	simm.s32 $_tile_overlayer_lowered  }
0xa1: {  	s22 =	simm.s32 $0x1BFF;
	s21 =	sshll.u32 s7, $0x1;
	s4 =	sadd.s32 s5, s19  }
0xa2: {  	s8 =	simm.s32 $0x0;
	s20 =	sshll.u32 s6, $0x1;
	s6 =	sadd.s32 s21, s4  }
0xa3: {  	[timem:s8], [sflag:s22] =	dma.local [hbm:s6], s20  }
0xa4: {  	_ =	swait.ge [sflag:s22], s20  }
0xa5: {  	s5 =	ssub.s32 $0x0, s20;
	[sflag:s22] =	ssyncset.done $0x0  }
0xa6: {  	[sflag:s22] =	ssyncadd.s32 s5;
	_ =	sdelay $0x1  }
0xa7: {  	s23 =	simm.s32 $0x1B8B  }
0xa8: {  	_ =	swait.ge [sflag:s23], $0x1  }
0xa9: {  	[sflag:s23] =	ssyncset.done $0x0  }
0xaa: {  	s25 =	simm.s32 $0x1B8E;
	s24 =	sld [smem:$0x3FFE];
	[sflag:s23] =	ssyncadd.s32 $0xFFFFFFFF  }
0xab: {  	s26 =	simm.s32 $execute0_lowered;
	[smem:$0x3FD2] =	sst s25  }
0xac: {  	s6 =	sshll.u32 s26, $0x1;
	_ =	strace $0x80000046;
	[dreg:$0x1] =	wrdreg $0xFFFFFFFF  }
0xad: {  	s28 =	simm.s32 $_size_execute0_lowered;
	s4 =	sadd.s32 s4, s6;
	[dreg:$0x0] =	wrdreg $0x0  }
0xae: {  	s6 =	sshll.u32 s28, $0x1;
	[dreg:$0x2] =	wrdreg s4  }
0xaf: {  	[dreg:$0x3] =	wrdreg s6  }
0xb0: {  	[dreg:$0x4] =	wrdreg $0xC0  }
0xb1: {  	_ =	task [dreg:s8], $0x5FFFF  }
0xb2: {  	[dreg:$0x1] =	wrdreg $0xFFFFFFFF  }
0xb3: {  	[dreg:$0x0] =	wrdreg $0x60  }
0xb4: {  	[dreg:$0x2] =	wrdreg s16  }
0xb5: {  	[dreg:$0x3] =	wrdreg s17  }
0xb6: {  	[dreg:$0x4] =	wrdreg s24  }
0xb7: {  	[dreg:$0x5] =	wrdreg $0xA4000  }
0xb8: {  	[dreg:$0x6] =	wrdreg $0x9  }
0xb9: {  	_ =	task.clear_ibuf [dreg:s8], $0x7FFFF;
	_ =	strace $0x90000046  }
0xba: {  	s29 =	simm.s32 $0x9;
	_ =	strace $0x80000048  }
0xbb: {  	_ =	swait.ge [sflag:s29], $0x1  }
0xbc: {  	[sflag:s29] =	ssyncadd.s32 $0xFFFFFFFF  }
0xbd: {  	_ =	strace $0x90000048  }
0xbe: {  	_ =	sfence  }
0xbf: {  	s30 =	sld [smem:$0x0];
	_ =	sdelay $0x2  }
0xc0: {  	s31 =	sshll.u32 s1, $0xD;
	s1 =	sshrl.u32 s1, $0x2  }
0xc1: {  	s3 =	sand.u32 $0x4000, s31;
	s1 =	sadd.s32 s1, s30  }
0xc2: {  	s0 =	sor.u32 s3, s0;
	s1 =	sshll.u32 s1, $0x11  }
0xc3: {  	s0 =	sor.u32 s1, s0  }
0xc4: {  	s0 =	sadd.s32 $0x8F2B, s0  }
0xc5: {  	[sflag:s0] =	ssyncadd.remote.s32 $0x1  }
0xc6: {  	_ =	sfence.sel $0xFFFF  }
0xc7: {  	[dreg:$0x0] =	wrdreg $0xFFFFFFFF;
	(pc) =	sbr.abs _section_cstart, $3  }
0xc8: {  	[dreg:$0x1] =	wrdreg $0xFFFFFFFF  }
0xc9: {  	_ =	task.clear_ibuf [dreg:s8], $0x2FFFF;
	_ =	strace $0x9FFFFFFF  }
0xca: {  	(tm) =	ssettm $0x7FFFFFFF  }
0xcb: {  	_ =	shalt  }
tec
execute0_lowered:
.L_overlay_start_1:
0x0: {  	(tag) =	ssettag $0x1  }
0x1: {  	s1 =	rddreg [dreg:$0x1]  }
0x2: {  	s0 =	rddreg [dreg:$0x2];
	s5 =	simm.s32 $0x0;
	v4 =	vlaneseq.u32  }
0x3: {  	[smem:$0x7FF] =	sst s5;
	v0 =	vshrl.u32 v4, $0x3  }
0x4: {  	s11 =	rddreg [dreg:$0x3];
	v45 =	vand.u32 $0x7, v4;
	v4 =	vor.u32 $0x8, v4;
	_ =	strace $0x80000047;
	[tilespmem:$0x1FDE0] =	vst v0  }
0x5: {  	v6 =	vmul.u32 $0x8, v0;
	[tilespmem:$0x1FE00] =	vst v4  }
0x6: {  	v7 =	vmul.u32 $0x10, v45;
	[tilespmem:$0x1FFA0] =	vst v45  }
0x7: {  	[tilespmem:$0x1FDF0] =	vst v6  }
0x8: {  	v1 =	vor.u32 $0x1400, v7;
	[tilespmem:$0x1FF80] =	vst v7  }
0x9: {  	v4 =	vor.u32 $0x1403, v7;
	[tilespmem:$0x1FE10] =	vst v1  }
0xa: {  	v3 =	vor.u32 $0x1404, v7;
	[tilespmem:$0x1FE30] =	vst v4  }
0xb: {  	v5 =	vmul.u32 $0x80, v0;
	v0 =	vor.u32 $0x1402, v7;
	[tilespmem:$0x1FE40] =	vst v3  }
0xc: {  	s10 =	stileid.u32;
	v20 =	vor.u32 $0xC, v7;
	[tilespmem:$0x1FED0] =	vst v0  }
0xd: {  	s2 =	srdreg.scid;
	s4 =	smul.u32 $0x15400, s10;
	v21 =	vor.u32 $0xD, v7;
	[tilespmem:$0x1FEE0] =	vst v20  }
0xe: {  	s2 =	sand.u32 $0x1, s2;
	s29 =	smul.u32 $0x55000, s10;
	v22 =	vor.u32 $0xE, v7;
	[tilespmem:$0x1FEF0] =	vst v21  }
0xf: {  	s28 =	simm.s32 $0x7C00;
	s3 =	smul.u32 $0x154000, s2;
	v15 =	vor.u32 $0x8, v7;
	[tilespmem:$0x1FF00] =	vst v22  }
0x10: {  	s30 =	simm.s32 $0x0;
	s6 =	sadd.s32 $0xC400, s0;
	s7 =	sadd.s32 $0x2600, s0;
	v17 =	vor.u32 $0x9, v7;
	[tilespmem:$0x1FF10] =	vst v15  }
0x11: {  	s8 =	sadd.s32 $0x6B200, s0;
	s3 =	sadd.s32 s4, s3;
	s4 =	sshrl.u32 s29, $0x2;
	v18 =	vor.u32 $0xA, v7;
	[tilespmem:$0x1FF20] =	vst v17  }
0x12: {  	s31 =	ssub.s32 $0x2, s2;
	s2 =	sshll.u32 s2, $0x4;
	v19 =	vor.u32 $0xB, v7;
	s12 =	sadd.s32 s4, s11;
	[tilespmem:$0x1FF30] =	vst v18  }
0x13: {  	s9 =	sshrl.u32 s31, $0x1;
	v11 =	vor.u32 $0x4, v7;
	[tilespmem:$0x1FF40] =	vst v19;
	s4 =	sadd.s32 $0x2800, s12;
	[dreg:$0x5] =	wrdreg s12  }
0x14: {  	s2 =	sor.u32 s10, s2;
	v12 =	vor.u32 $0x5, v7;
	[tilespmem:$0x1FF50] =	vst v11;
	s13 =	sadd.s32 $0x5000, s12;
	[dreg:$0x6] =	wrdreg s4  }
0x15: {  	s10 =	simm.s32 $0x2;
	v13 =	vor.u32 $0x6, v7;
	[tilespmem:$0x1FF60] =	vst v12;
	s14 =	sadd.s32 $0x7800, s12;
	[dreg:$0x7] =	wrdreg s13  }
0x16: {  	s2 =	smul.u32 $0x2710, s2;
	v8 =	vor.u32 $0x1, v7;
	[tilespmem:$0x1FF70] =	vst v13;
	s15 =	sadd.s32 $0xA000, s12;
	[dreg:$0x8] =	wrdreg s14  }
0x17: {  	v23 =	vor.u32 $0xF, v7;
	s3 =	sshrl.u32 s3, $0x3;
	[tilespmem:$0x1FF90] =	vst v8;
	s16 =	sadd.s32 $0xC800, s12;
	[dreg:$0x9] =	wrdreg s15  }
0x18: {  	v6 =	vor.u32 $0x1400, v5;
	[tilespmem:$0x1FFB0] =	vst v23;
	s0 =	sadd.s32 s3, s0;
	s17 =	sadd.s32 $0xF000, s12;
	[dreg:$0xa] =	wrdreg s16  }
0x19: {  	v14 =	vor.u32 $0x7, v7;
	[tilespmem:$0x1FFC0] =	vst v6;
	s3 =	ssub.s32 s31, s9;
	s19 =	sadd.s32 $0x11800, s12;
	[dreg:$0xb] =	wrdreg s17  }
0x1a: {  	v10 =	vor.u32 $0x3, v7;
	[tilespmem:$0x1FFD0] =	vst v14;
	s18 =	sadd.s32 $0x28, s2;
	s25 =	sadd.s32 $0x50, s2;
	[dreg:$0xc] =	wrdreg s19  }
0x1b: {  	v9 =	vor.u32 $0x2, v7;
	[tilespmem:$0x1FFE0] =	vst v10;
	s20 =	sshrl.u32 s2, $0x3;
	s26 =	sadd.s32 s8, s2;
	[dreg:$0x11] =	wrdreg s25  }
0x1c: {  	v1 =	vor.u32 $0x1401, v7;
	[tilespmem:$0x1FFF0] =	vst v9;
	s2 =	sadd.s32 $0x78, s2;
	s31 =	sadd.s32 $0x14000, s12;
	[dreg:$0x13] =	wrdreg s26  }
0x1d: {  	v4 =	vor.u32 $0x1405, v7;
	[tilespmem:$0x1FE20] =	vst v1;
	s21 =	sshrl.u32 s18, $0x3;
	s22 =	sadd.s32 s6, s20;
	[dreg:$0x14] =	wrdreg s2  }
0x1e: {  	v2 =	vimm.f32 $0.0e+00;
	vm0 =	vmmov $0xffff;
	[tilespmem:$0x1FE50] =	vst v4;
	v4 =	vor.u32 $0x1406, v7;
	s9 =	sadd.s32 s7, s20;
	s4 =	sadd.s32 s8, s18;
	[dreg:$0x17] =	wrdreg s31  }
0x1f: {  	v49 =	vimm.s32 $0x3;
	v50 =	vimm.s32 $0x8;
	s0 =	sadd.s32 $0x16200, s0;
	s29 =	smax.u32 s3, $0x1;
	[tilespmem:$0x1FE60] =	vst v4;
	v4 =	vor.u32 $0x1407, v7;
	[dreg:$0xd] =	wrdreg s22  }
0x20: {  	v44 =	vimm.s32 $0x7;
	v29 =	vimm.s32 $0x0;
	s13 =	simm.s32 $0x7;
	s3 =	simm.s32 $0x280;
	[dreg:$0xe] =	wrdreg s9;
	[tilespmem:$0x1FE70] =	vst v4;
	v4 =	vor.u32 $0x1408, v7  }
0x21: {  	v39 =	vimm.s32 $0x1;
	v30 =	vimm.s32 $0x2;
	s17 =	simm.s32 $0x3;
	s18 =	simm.s32 $0x200;
	[dreg:$0x12] =	wrdreg s4;
	[tilespmem:$0x1FE80] =	vst v4;
	v4 =	vor.u32 $0x1409, v7  }
0x22: {  	v31 =	vimm.s32 $0x4;
	v37 =	vimm.s32 $0x5;
	s25 =	simm.s32 $0x5;
	s26 =	simm.s32 $0x6;
	[dreg:$0x15] =	wrdreg s0;
	[tilespmem:$0x1FE90] =	vst v4;
	v4 =	vor.u32 $0x140A, v7  }
0x23: {  	v40 =	vimm.s32 $0x6;
	v42 =	vimm.s32 $0x9;
	s8 =	simm.s32 $0x4;
	s23 =	sadd.s32 s6, s21;
	[dreg:$0x16] =	wrdreg s29;
	[tilespmem:$0x1FEA0] =	vst v4;
	v4 =	vor.u32 $0x140B, v7  }
0x24: {  	v32 =	vimm.s32 $0xA;
	v33 =	vimm.s32 $0xB;
	s2 =	simm.s32 $0x0;
	s24 =	sadd.s32 s7, s21;
	[dreg:$0xf] =	wrdreg s23;
	[tilespmem:$0x1FEB0] =	vst v4;
	v4 =	vor.u32 $0x140C, v7  }
0x25: {  	v34 =	vimm.s32 $0xC;
	v41 =	vimm.s32 $0xD;
	v43 =	vimm.s32 $0xE;
	v3 =	vmovc v7;
	s9 =	simm.s32 $0x2A80;
	[dreg:$0x10] =	wrdreg s24;
	s24 =	simm.s32 $0x50;
	[tilespmem:$0x1FEC0] =	vst v4  }
.LBB2_1:
0x26: {  	s0 =	sand.u32 $0xFE00, s5  }
0x27: {  	[dreg:$0x18] =	wrdreg s2;
	s31 =	sand.u32 $0x70, s5;
	s4 =	sshrl.u32 s0, $0x2  }
0x28: {  	s2 =	simm.s32 $0x0;
	s0 =	simm.s32 $0x40;
	s4 =	sor.u32 s31, s4  }
.LBB2_2:
0x29: {  	p0 =	sne.s32 s0, $0x9FC0  }
0x2a: {  	[tilespmem:s4+$0x7C00] =	vst v2;
	s2 =	sadd.s32 $0x10, s2;
	s4 =	smov.u32 s0;
	s0 =	sadd.s32 $0x40, s0  }
.Ltmp0:
0x2b: {  	(pc) =	sbr.rel @p0 .LBB2_2-.Ltmp0, $4  }
0x2c: {  	_ = 	snop  }
0x2d: {  	s4 =	sand.u32 $0xFE00, s4  }
0x2e: {  	s11 =	sand.u32 $0x70, s2;
	s4 =	sshrl.u32 s4, $0x2  }
0x2f: {  	s4 =	sor.u32 s11, s4  }
0x30: {  	[tilespmem:s4+$0x7C00] =	vst v2  }
0x31: {  	[spmem:s12] =	stream.linear.scatter [tilespmem:s28], [sflag:$0x7], $0x2800, $0x38;
	[tilespmem:$0x1F800] =	vst v63  }
0x32: {  	_ =	swait.ge [sflag:s13], $0x2800  }
0x33: {  	[sflag:s13] =	ssyncset.done $0x0  }
0x34: {  	s0 =	rddreg [dreg:$0x6];
	[sflag:s13] =	ssyncadd.s32 $0xFFFFD800  }
0x35: {  	[spmem:s0] =	stream.linear.scatter [tilespmem:s28], [sflag:$0x7], $0x2800, $0x38;
	[tilespmem:$0x1F800] =	vst v63  }
0x36: {  	_ =	swait.ge [sflag:s13], $0x2800  }
0x37: {  	[sflag:s13] =	ssyncset.done $0x0  }
0x38: {  	s20 =	rddreg [dreg:$0x7];
	[sflag:s13] =	ssyncadd.s32 $0xFFFFD800  }
0x39: {  	[spmem:s20] =	stream.linear.scatter [tilespmem:s28], [sflag:$0x7], $0x2800, $0x38;
	[tilespmem:$0x1F800] =	vst v63  }
0x3a: {  	_ =	swait.ge [sflag:s13], $0x2800  }
0x3b: {  	[sflag:s13] =	ssyncset.done $0x0  }
0x3c: {  	s21 =	rddreg [dreg:$0x8];
	[sflag:s13] =	ssyncadd.s32 $0xFFFFD800  }
0x3d: {  	[spmem:s21] =	stream.linear.scatter [tilespmem:s28], [sflag:$0x7], $0x2800, $0x38;
	[tilespmem:$0x1F800] =	vst v63  }
0x3e: {  	_ =	swait.ge [sflag:s13], $0x2800  }
0x3f: {  	[sflag:s13] =	ssyncset.done $0x0  }
0x40: {  	s22 =	rddreg [dreg:$0x9];
	[sflag:s13] =	ssyncadd.s32 $0xFFFFD800  }
0x41: {  	[spmem:s22] =	stream.linear.scatter [tilespmem:s28], [sflag:$0x7], $0x2800, $0x38;
	[tilespmem:$0x1F800] =	vst v63  }
0x42: {  	_ =	swait.ge [sflag:s13], $0x2800  }
0x43: {  	[sflag:s13] =	ssyncset.done $0x0  }
0x44: {  	s23 =	rddreg [dreg:$0xa];
	[sflag:s13] =	ssyncadd.s32 $0xFFFFD800  }
0x45: {  	[spmem:s23] =	stream.linear.scatter [tilespmem:s28], [sflag:$0x7], $0x2800, $0x38;
	[tilespmem:$0x1F800] =	vst v63  }
0x46: {  	_ =	swait.ge [sflag:s13], $0x2800  }
0x47: {  	[sflag:s13] =	ssyncset.done $0x0  }
0x48: {  	s31 =	rddreg [dreg:$0xb];
	[sflag:s13] =	ssyncadd.s32 $0xFFFFD800  }
0x49: {  	[spmem:s31] =	stream.linear.scatter [tilespmem:s28], [sflag:$0x7], $0x2800, $0x38;
	[tilespmem:$0x1F800] =	vst v63  }
0x4a: {  	_ =	swait.ge [sflag:s13], $0x2800  }
0x4b: {  	[sflag:s13] =	ssyncset.done $0x0  }
0x4c: {  	s2 =	rddreg [dreg:$0xc];
	[sflag:s13] =	ssyncadd.s32 $0xFFFFD800  }
0x4d: {  	[spmem:s2] =	stream.linear.scatter [tilespmem:s28], [sflag:$0x7], $0x2800, $0x38;
	[tilespmem:$0x1F800] =	vst v63  }
0x4e: {  	_ =	swait.ge [sflag:s13], $0x2800  }
0x4f: {  	[sflag:s13] =	ssyncset.done $0x0  }
0x50: {  	s4 =	rddreg [dreg:$0x17];
	[sflag:s13] =	ssyncadd.s32 $0xFFFFD800  }
0x51: {  	[spmem:s4] =	stream.linear.scatter [tilespmem:s28], [sflag:$0x7], $0x1400, $0x38;
	[tilespmem:$0x1F800] =	vst v63  }
0x52: {  	_ =	swait.ge [sflag:s13], $0x1400  }
0x53: {  	[sflag:s13] =	ssyncset.done $0x0  }
0x54: {  	[sflag:s13] =	ssyncadd.s32 $0xFFFFEC00  }
0x55: {  	[bflag:$0x0] =	sbarrier.arrive $0xFFFF  }
0x56: {  	s11 =	rddreg [dreg:$0xd]  }
0x57: {  	[tilespmem:s30], [sflag:$0x1] =	stream.linear.gather [hbm4b:s11+s30], $0x28, $0x38;
	[tilespmem:$0x1F800] =	vst v63  }
0x58: {  	s2 =	simm.s32 $0x100;
	s12 =	rddreg [dreg:$0xe]  }
0x59: {  	[tilespmem:s2], [sflag:$0x1] =	stream.linear.gather [hbm4b:s12+s30], $0x28, $0x38;
	[tilespmem:$0x1F800] =	vst v63  }
0x5a: {  	s14 =	simm.s32 $0x80;
	s13 =	rddreg [dreg:$0xf]  }
0x5b: {  	[tilespmem:s14], [sflag:$0x2] =	stream.linear.gather [hbm4b:s13+s30], $0x28, $0x38;
	[tilespmem:$0x1F800] =	vst v63  }
0x5c: {  	s16 =	simm.s32 $0x180;
	s19 =	simm.s32 $0x1;
	s15 =	rddreg [dreg:$0x10]  }
0x5d: {  	[tilespmem:s16], [sflag:$0x2] =	stream.linear.gather [hbm4b:s15+s30], $0x28, $0x38;
	[tilespmem:$0x1F800] =	vst v63  }
0x5e: {  	_ =	swait.ge [sflag:s19], $0x28  }
0x5f: {  	[sflag:s19] =	ssyncset.done $0x0  }
0x60: {  	[sflag:s19] =	ssyncadd.s32 $0xFFFFFFD8  }
0x61: {  	_ =	swait.ge [sflag:s19], $0x28  }
0x62: {  	[sflag:s19] =	ssyncset.done $0x0  }
0x63: {  	[sflag:s19] =	ssyncadd.s32 $0xFFFFFFD8  }
0x64: {  	s20 =	simm.s32 $0x28;
	s0 =	rddreg [dreg:$0x0]  }
0x65: {  	[tilespmem:s3], [sflag:$0x3] =	stream.indirect.gather [hbm4b:s0+s20], $0x80, s30, s20, $0xb8;
	[tilespmem:$0x1F800] =	vst v63  }
0x66: {  	v4 =	vld [tilespmem:$0x100];
	_ =	sdelay $0x3  }
0x67: {  	v7 =	vld [tilespmem:$0x1FDF0]  }
0x68: {  	v16 =	vld [tilespmem:$0x1FE00];
	v5 =	vshll.u32 v4, $0x1  }
0x69: {  	v4 =	vand.u32 $0x7, v4;
	v5 =	vand.u32 $0xFFFFFFF0, v5  }
0x6a: {  	v4 =	vor.u32 v4, v5  }
0x6b: {  	v5 =	vperm.xlane v4, v45;
	_ =	sdelay $0x1  }
0x6c: {  	v4 =	vperm.xlane v4, v16;
	v5 =	vadd.s32 v7, v5;
	_ =	sdelay $0x1  }
0x6d: {  	v4 =	vadd.s32 v7, v4;
	_ =	sdelay $0x2  }
0x6e: {  	[tilespmem:s9], [sflag:$0x3] =	stream.indirect_vreg.gather [hbm4b:s1+s30], $0x80, v5, vm0, $0xb8;
	[tilespmem:$0x1F800] =	vst v63  }
0x6f: {  	s21 =	simm.s32 $0x3280  }
0x70: {  	[tilespmem:s21], [sflag:$0x3] =	stream.indirect_vreg.gather [hbm4b:s1+s30], $0x80, v4, vm0, $0xb8;
	[tilespmem:$0x1F800] =	vst v63  }
0x71: {  	v4 =	vld [tilespmem:$0x110];
	_ =	sdelay $0x4  }
0x72: {  	v5 =	vshll.u32 v4, $0x1  }
0x73: {  	v4 =	vand.u32 $0x7, v4;
	v5 =	vand.u32 $0xFFFFFFF0, v5  }
0x74: {  	v4 =	vor.u32 v4, v5  }
0x75: {  	v5 =	vperm.xlane v4, v45;
	_ =	sdelay $0x1  }
0x76: {  	v4 =	vperm.xlane v4, v16;
	v5 =	vadd.s32 v7, v5;
	_ =	sdelay $0x1  }
0x77: {  	v4 =	vadd.s32 v7, v4;
	_ =	sdelay $0x1  }
0x78: {  	s22 =	simm.s32 $0x3A80  }
0x79: {  	[tilespmem:s22], [sflag:$0x3] =	stream.indirect_vreg.gather [hbm4b:s1+s30], $0x80, v5, vm0, $0xb8;
	[tilespmem:$0x1F800] =	vst v63  }
0x7a: {  	s23 =	simm.s32 $0x4280  }
0x7b: {  	[tilespmem:s23], [sflag:$0x3] =	stream.indirect_vreg.gather [hbm4b:s1+s30], $0x80, v4, vm0, $0xb8;
	[tilespmem:$0x1F800] =	vst v63  }
0x7c: {  	v4 =	vld.msk [tilespmem:$0x120], $0xff;
	_ =	sdelay $0x4  }
0x7d: {  	v5 =	vshll.u32 v4, $0x1  }
0x7e: {  	v4 =	vand.u32 $0x7, v4;
	v5 =	vand.u32 $0xFFFFFFF0, v5  }
0x7f: {  	v4 =	vor.u32 v4, v5  }
0x80: {  	v4 =	vperm.xlane v4, v45;
	_ =	sdelay $0x1  }
0x81: {  	v4 =	vadd.s32 v7, v4;
	_ =	sdelay $0x3  }
0x82: {  	s29 =	simm.s32 $0x0;
	s31 =	simm.s32 $0x4A80  }
0x83: {  	[tilespmem:s31], [sflag:$0x3] =	stream.indirect_vreg.gather [hbm4b:s1+s30], $0x80, v4, vm0, $0xb8;
	[tilespmem:$0x1F800] =	vst v63  }
.LBB2_4:
0x84: {  	_ =	swait.ge [sflag:s10], $0x28  }
0x85: {  	[sflag:s10] =	ssyncset.done $0x0  }
0x86: {  	[sflag:s10] =	ssyncadd.s32 $0xFFFFFFD8  }
0x87: {  	_ =	swait.ge [sflag:s10], $0x28  }
0x88: {  	[sflag:s10] =	ssyncset.done $0x0  }
0x89: {  	s2 =	simm.s32 $0x80;
	[sflag:s10] =	ssyncadd.s32 $0xFFFFFFD8  }
0x8a: {  	s4 =	simm.s32 $0x28;
	s11 =	simm.s32 $0x1680;
	s0 =	rddreg [dreg:$0x0]  }
0x8b: {  	[tilespmem:s11], [sflag:$0x4] =	stream.indirect.gather [hbm4b:s0+s4], $0x80, s2, s4, $0xb8;
	[tilespmem:$0x1F800] =	vst v63  }
0x8c: {  	v4 =	vld [tilespmem:$0x180];
	_ =	sdelay $0x3  }
0x8d: {  	v7 =	vld [tilespmem:$0x1FDF0]  }
0x8e: {  	v16 =	vld [tilespmem:$0x1FE00];
	v5 =	vshll.u32 v4, $0x1  }
0x8f: {  	v4 =	vand.u32 $0x7, v4;
	v5 =	vand.u32 $0xFFFFFFF0, v5  }
0x90: {  	v4 =	vor.u32 v4, v5  }
0x91: {  	v5 =	vperm.xlane v4, v45;
	_ =	sdelay $0x1  }
0x92: {  	v4 =	vperm.xlane v4, v16;
	v5 =	vadd.s32 v7, v5;
	_ =	sdelay $0x1  }
0x93: {  	v4 =	vadd.s32 v7, v4;
	_ =	sdelay $0x1  }
0x94: {  	s2 =	simm.s32 $0x5280  }
0x95: {  	[tilespmem:s2], [sflag:$0x4] =	stream.indirect_vreg.gather [hbm4b:s1+s5], $0x80, v5, vm0, $0xb8;
	[tilespmem:$0x1F800] =	vst v63  }
0x96: {  	s4 =	simm.s32 $0x5A80  }
0x97: {  	[tilespmem:s4], [sflag:$0x4] =	stream.indirect_vreg.gather [hbm4b:s1+s5], $0x80, v4, vm0, $0xb8;
	[tilespmem:$0x1F800] =	vst v63  }
0x98: {  	v4 =	vld [tilespmem:$0x190];
	_ =	sdelay $0x4  }
0x99: {  	v5 =	vshll.u32 v4, $0x1  }
0x9a: {  	v4 =	vand.u32 $0x7, v4;
	v5 =	vand.u32 $0xFFFFFFF0, v5  }
0x9b: {  	v4 =	vor.u32 v4, v5  }
0x9c: {  	v5 =	vperm.xlane v4, v45;
	_ =	sdelay $0x1  }
0x9d: {  	v4 =	vperm.xlane v4, v16;
	v5 =	vadd.s32 v7, v5;
	_ =	sdelay $0x1  }
0x9e: {  	v4 =	vadd.s32 v7, v4;
	_ =	sdelay $0x1  }
0x9f: {  	s11 =	simm.s32 $0x6280  }
0xa0: {  	[tilespmem:s11], [sflag:$0x4] =	stream.indirect_vreg.gather [hbm4b:s1+s5], $0x80, v5, vm0, $0xb8;
	[tilespmem:$0x1F800] =	vst v63  }
0xa1: {  	s12 =	simm.s32 $0x6A80  }
0xa2: {  	[tilespmem:s12], [sflag:$0x4] =	stream.indirect_vreg.gather [hbm4b:s1+s5], $0x80, v4, vm0, $0xb8;
	[tilespmem:$0x1F800] =	vst v63  }
0xa3: {  	v4 =	vld.msk [tilespmem:$0x1A0], $0xff;
	_ =	sdelay $0x4  }
0xa4: {  	v5 =	vshll.u32 v4, $0x1  }
0xa5: {  	v4 =	vand.u32 $0x7, v4;
	v5 =	vand.u32 $0xFFFFFFF0, v5  }
0xa6: {  	v4 =	vor.u32 v4, v5  }
0xa7: {  	v4 =	vperm.xlane v4, v45;
	_ =	sdelay $0x1  }
0xa8: {  	v4 =	vadd.s32 v7, v4;
	_ =	sdelay $0x2  }
0xa9: {  	p0 =	seq.s32 s29, $0x0  }
0xaa: {  	s13 =	simm.s32 $0x7280;
	s0 =	simm.s32 @!p0 $0x5  }
0xab: {  	[tilespmem:s13], [sflag:$0x4] =	stream.indirect_vreg.gather [hbm4b:s1+s5], $0x80, v4, vm0, $0xb8;
	[tilespmem:$0x1F800] =	vst v63  }
0xac: {  	_ =	swait.ge @!p0 [sflag:s0], $0x140  }
0xad: {  	[sflag:s0] =	ssyncset.done @!p0 $0x0  }
0xae: {  	[sflag:s0] =	ssyncadd.s32 @!p0 $0xFFFFFEC0;
	s0 =	simm.s32 @!p0 $0x6  }
0xaf: {  	_ =	swait.ge @!p0 [sflag:s0], $0x2800  }
0xb0: {  	[sflag:s0] =	ssyncset.done @!p0 $0x0  }
0xb1: {  	[sflag:s0] =	ssyncadd.s32 @!p0 $0xFFFFD800  }
0xb2: {  	_ =	swait.ge [sflag:s17], $0x1400  }
0xb3: {  	[sflag:s17] =	ssyncset.done $0x0  }
0xb4: {  	p0 =	seq.s32 s29, $0x7C;
	[sflag:s17] =	ssyncadd.s32 $0xFFFFEC00  }
0xb5: {  	s0 =	smul.u32 @!p0 $0x50, s29;
	_ =	swait.ge [sflag:s17], $0x2800  }
0xb6: {  	s2 =	rddreg [dreg:$0x11]  }
0xb7: {  	s0 =	sadd.s32 @!p0 s0, s2  }
0xb8: {  	[sflag:s17] =	ssyncset.done $0x0;
	s0 =	sshrl.u32 @!p0 s0, $0x3  }
0xb9: {  	s4 =	simm.s32 @!p0 $0x0;
	[sflag:s17] =	ssyncadd.s32 $0xFFFFD800;
	s2 =	sadd.s32 @!p0 s6, s0  }
0xba: {  	[tilespmem:s4], [sflag:$0x1] =	stream.linear.gather @!p0 [hbm4b:s2+s4], $0x28, $0x38;
	[tilespmem:$0x1F800] =	vst v63  }
0xbb: {  	s0 =	sadd.s32 @!p0 s7, s0;
	s2 =	simm.s32 @!p0 $0x100  }
0xbc: {  	[tilespmem:s2], [sflag:$0x1] =	stream.linear.gather @!p0 [hbm4b:s0+s4], $0x28, $0x38;
	[tilespmem:$0x1F800] =	vst v63  }
0xbd: {  	v5 =	vld [tilespmem:$0x0]  }
0xbe: {  	v7 =	vld [tilespmem:$0x10]  }
0xbf: {  	v0 =	vld [tilespmem:$0x1FDE0]  }
0xc0: {  	v16 =	vld [tilespmem:$0x18];
	_ =	sdelay $0x1  }
0xc1: {  	v24 =	vshrl.u32 v5, $0x4;
	[tilespmem:$0x200] =	vst v5  }
0xc2: {  	[tilespmem:$0x210] =	vst v7;
	v5 =	vadd.s32 $0x2800, v24  }
0xc3: {  	v35 =	vor.u32 s30, v0;
	[tilespmem:$0x228] =	vst v5;
	v5 =	vshrl.u32 v7, $0x4  }
0xc4: {  	v24 =	vshll.u32 v35, $0x7;
	[tilespmem:$0x218] =	vst v16;
	v5 =	vadd.s32 $0x2800, v5  }
0xc5: {  	[tilespmem:$0x238] =	vst v5;
	v5 =	vshrl.u32 v16, $0x4;
	v16 =	vor.u32 v15, v24;
	_ =	sdelay $0x2  }
0xc6: {  	v25 =	vor.u32 v20, v24;
	v5 =	vadd.s32 $0x2800, v5  }
0xc7: {  	v7 =	vor.u32 v21, v24;
	[tilespmem:$0x240] =	vst v5  }
0xc8: {  	v26 =	vor.u32 v22, v24;
	v4 =	vld.idx.msk [tilespmem:v16+s3+$0x0], $0xffff  }
0xc9: {  	v5 =	vor.u32 v17, v24;
	_ =	sdelay $0x1  }
0xca: {  	v47 =	vld.idx.msk [tilespmem:v25+s3+$0x0], $0xffff  }
0xcb: {  	v48 =	vld.idx.msk [tilespmem:v7+s3+$0x0], $0xffff  }
0xcc: {  	v1 =	vld.idx.msk [tilespmem:v26+s3+$0x0], $0xffff;
	[tilespmem:$0x1FC40] =	vst v4  }
0xcd: {  	v4 =	vld.idx.msk [tilespmem:v5+s3+$0x0], $0xffff  }
0xce: {  	v51 =	vor.u32 v11, v24;
	_ =	sdelay $0x3  }
0xcf: {  	v27 =	vor.u32 v18, v24;
	[tilespmem:$0x1FC50] =	vst v4  }
0xd0: {  	v28 =	vor.u32 v19, v24;
	v4 =	vld.idx.msk [tilespmem:v51+s3+$0x0], $0xffff  }
0xd1: {  	v52 =	vor.u32 v12, v24;
	_ =	sdelay $0x2  }
0xd2: {  	v38 =	vld.idx.msk [tilespmem:v27+s3+$0x0], $0xffff  }
0xd3: {  	v46 =	vld.idx.msk [tilespmem:v28+s3+$0x0], $0xffff;
	[tilespmem:$0x1FC60] =	vst v4  }
0xd4: {  	v4 =	vld.idx.msk [tilespmem:v52+s3+$0x0], $0xffff  }
0xd5: {  	v54 =	vor.u32 v13, v24;
	_ =	sdelay $0x2  }
0xd6: {  	v36 =	vmov s30  }
0xd7: {  	v57 =	vshll.u32 v36, $0x8;
	[tilespmem:$0x1FC70] =	vst v4  }
0xd8: {  	v57 =	vand.u32 $0x3800, v57;
	v59 =	vand.u32 $0x380, v24;
	v4 =	vld.idx.msk [tilespmem:v54+s3+$0x0], $0xffff  }
0xd9: {  	v55 =	vor.u32 v3, v24;
	v57 =	vor.u32 v57, v59  }
0xda: {  	v61 =	vor.u32 v21, v57  }
0xdb: {  	v56 =	vor.u32 v8, v24  }
0xdc: {  	v58 =	vor.u32 v9, v24  }
0xdd: {  	v51 =	vor.u32 v10, v24;
	[tilespmem:$0x1FC80] =	vst v4  }
0xde: {  	v63 =	vor.u32 v15, v57;
	v55 =	vld.idx.msk [tilespmem:v55+s3+$0x0], $0xffff  }
0xdf: {  	v61 =	vld.idx.msk [tilespmem:v61+s9+$0x0], $0xffff  }
0xe0: {  	v60 =	vor.u32 v20, v57;
	v56 =	vld.idx.msk [tilespmem:v56+s3+$0x0], $0xffff  }
0xe1: {  	v62 =	vor.u32 v22, v57;
	v58 =	vld.idx.msk [tilespmem:v58+s3+$0x0], $0xffff  }
0xe2: {  	v7 =	vor.u32 v12, v57;
	v59 =	vld.idx.msk [tilespmem:v51+s3+$0x0], $0xffff  }
0xe3: {  	v4 =	vor.u32 v17, v57;
	v63 =	vld.idx.msk [tilespmem:v63+s9+$0x0], $0xffff  }
0xe4: {  	v61 =	vmul.f32 v61, v48;
	v48 =	vld [tilespmem:$0x1FC40]  }
0xe5: {  	v5 =	vor.u32 v11, v57;
	v60 =	vld.idx.msk [tilespmem:v60+s9+$0x0], $0xffff  }
0xe6: {  	v16 =	vor.u32 v13, v57;
	v62 =	vld.idx.msk [tilespmem:v62+s9+$0x0], $0xffff  }
0xe7: {  	v25 =	vor.u32 v3, v57;
	v51 =	vld.idx.msk [tilespmem:v7+s9+$0x0], $0xffff  }
0xe8: {  	v7 =	vor.u32 v10, v57;
	v52 =	vld.idx.msk [tilespmem:v4+s9+$0x0], $0xffff  }
0xe9: {  	v63 =	vmul.f32 v63, v48;
	v48 =	vld [tilespmem:$0x1FC50]  }
0xea: {  	v53 =	vld.idx.msk [tilespmem:v5+s9+$0x0], $0xffff;
	v5 =	vor.u32 v9, v57  }
0xeb: {  	v54 =	vld.idx.msk [tilespmem:v16+s9+$0x0], $0xffff;
	v16 =	vor.u32 v14, v24  }
0xec: {  	v28 =	vld.idx.msk [tilespmem:v25+s9+$0x0], $0xffff;
	v4 =	vor.u32 v8, v57  }
0xed: {  	v7 =	vld.idx.msk [tilespmem:v7+s9+$0x0], $0xffff  }
0xee: {  	v52 =	vmul.f32 v52, v48;
	v48 =	vld [tilespmem:$0x1FC60]  }
0xef: {  	v25 =	vor.u32 v14, v57;
	v5 =	vld.idx.msk [tilespmem:v5+s9+$0x0], $0xffff  }
0xf0: {  	v26 =	vor.u32 v18, v57;
	v16 =	vld.idx.msk [tilespmem:v16+s3+$0x0], $0xffff  }
0xf1: {  	v27 =	vld.idx.msk [tilespmem:v4+s9+$0x0], $0xffff;
	v4 =	vor.u32 v19, v57  }
0xf2: {  	v24 =	vor.u32 v23, v24;
	v7 =	vmul.f32 v7, v59;
	v59 =	vld [tilespmem:$0x1FC80]  }
0xf3: {  	v57 =	vor.u32 v23, v57;
	v53 =	vmul.f32 v53, v48;
	v48 =	vld [tilespmem:$0x1FC70]  }
0xf4: {  	v25 =	vld.idx.msk [tilespmem:v25+s9+$0x0], $0xffff  }
0xf5: {  	v26 =	vld.idx.msk [tilespmem:v26+s9+$0x0], $0xffff;
	v28 =	vmul.f32 v28, v55  }
0xf6: {  	v5 =	vmul.f32 v5, v58;
	v4 =	vld.idx.msk [tilespmem:v4+s9+$0x0], $0xffff  }
0xf7: {  	v60 =	vmul.f32 v60, v47;
	v24 =	vld.idx.msk [tilespmem:v24+s3+$0x0], $0xffff;
	v28 =	vadd.f32 $0.0e+00, v28;
	v27 =	vmul.f32 v27, v56  }
0xf8: {  	v5 =	vadd.f32 $0.0e+00, v5;
	v54 =	vmul.f32 v54, v59;
	v51 =	vmul.f32 v51, v48;
	v48 =	vld.idx.msk [tilespmem:v57+s9+$0x0], $0xffff  }
0xf9: {  	v16 =	vmul.f32 v25, v16;
	v7 =	vadd.f32 $0.0e+00, v7;
	v27 =	vadd.f32 $0.0e+00, v27  }
0xfa: {  	v25 =	vmul.f32 v26, v38;
	v5 =	vadd.f32 v54, v5;
	v26 =	vadd.f32 v53, v28  }
0xfb: {  	v7 =	vadd.f32 v16, v7;
	v4 =	vmul.f32 v4, v46;
	v27 =	vadd.f32 v51, v27  }
0xfc: {  	v16 =	vmul.f32 v62, v1;
	v5 =	vadd.f32 v25, v5;
	v26 =	vadd.f32 v63, v26  }
0xfd: {  	v4 =	vadd.f32 v4, v7;
	v27 =	vadd.f32 v52, v27;
	v24 =	vmul.f32 v48, v24  }
0xfe: {  	v5 =	vadd.f32 v16, v5;
	v7 =	vadd.f32 v60, v26  }
0xff: {  	v25 =	vadd.f32 v61, v27;
	v4 =	vadd.f32 v24, v4;
	_ =	sdelay $0x1  }
0x100: {  	v7 =	vadd.f32 v25, v7;
	v4 =	vadd.f32 v4, v5;
	_ =	sdelay $0x1  }
0x101: {  	v4 =	vadd.f32 v4, v7  }
0x102: {  	s14 =	simm.s32 $0x7A80  }
0x103: {  	s15 =	simm.s32 $0x2;
	s11 =	simm.s32 $0x0;
	[tilespmem:s14+$0x0] =	vst v4  }
0x104: {  	v1 =	vor.u32 s15, v0;
	[tilespmem:s11+$0x9000] =	vst v2  }
0x105: {  	v5 =	vshll.u32 v1, $0x7;
	[tilespmem:s11+$0x9080] =	vst v2  }
0x106: {  	v7 =	vor.u32 v20, v5;
	[tilespmem:s11+$0x9010] =	vst v2  }
0x107: {  	v24 =	vor.u32 v22, v5;
	[tilespmem:s11+$0x9090] =	vst v2  }
0x108: {  	[tilespmem:s11+$0x9020] =	vst v2  }
0x109: {  	[tilespmem:s11+$0x90A0] =	vst v2  }
0x10a: {  	[tilespmem:s11+$0x9030] =	vst v2  }
0x10b: {  	[tilespmem:s11+$0x90B0] =	vst v2;
	v47 =	vld.idx.msk [tilespmem:v7+s3+$0x0], $0xffff  }
0x10c: {  	v16 =	vor.u32 v21, v5;
	[tilespmem:s11+$0x9040] =	vst v2;
	v7 =	vld.idx.msk [tilespmem:v24+s3+$0x0], $0xffff  }
0x10d: {  	v25 =	vor.u32 v15, v5;
	[tilespmem:s11+$0x90C0] =	vst v2  }
0x10e: {  	[tilespmem:s11+$0x9050] =	vst v2  }
0x10f: {  	[tilespmem:s11+$0x90D0] =	vst v2  }
0x110: {  	[tilespmem:s11+$0x9060] =	vst v2  }
0x111: {  	v48 =	vld.idx.msk [tilespmem:v16+s3+$0x0], $0xffff;
	[tilespmem:$0x1FC90] =	vst v7  }
0x112: {  	v7 =	vld.idx.msk [tilespmem:v25+s3+$0x0], $0xffff  }
0x113: {  	v26 =	vor.u32 v17, v5;
	_ =	sdelay $0x2  }
0x114: {  	[tilespmem:s11+$0x90E0] =	vst v2  }
0x115: {  	[tilespmem:$0x1FCA0] =	vst v7  }
0x116: {  	v7 =	vld.idx.msk [tilespmem:v26+s3+$0x0], $0xffff  }
0x117: {  	v51 =	vor.u32 v11, v5;
	_ =	sdelay $0x2  }
0x118: {  	v27 =	vor.u32 v18, v5;
	[tilespmem:s11+$0x9070] =	vst v2  }
0x119: {  	v28 =	vor.u32 v19, v5;
	[tilespmem:$0x1FCB0] =	vst v7  }
0x11a: {  	v7 =	vld.idx.msk [tilespmem:v51+s3+$0x0], $0xffff  }
0x11b: {  	v53 =	vor.u32 v12, v5;
	_ =	sdelay $0x1  }
0x11c: {  	v38 =	vld.idx.msk [tilespmem:v27+s3+$0x0], $0xffff  }
0x11d: {  	v4 =	vmul.f32 $1.442695020e+00, v4;
	[tilespmem:s11+$0x90F0] =	vst v2;
	v46 =	vld.idx.msk [tilespmem:v28+s3+$0x0], $0xffff  }
0x11e: {  	v56 =	vld.idx.msk [tilespmem:v35+s18+$0x0], $0xffff;
	[tilespmem:$0x1FCC0] =	vst v7  }
0x11f: {  	(erf) = vpow2.f32 v4;
	v4 =	vld.idx.msk [tilespmem:v53+s3+$0x0], $0xffff  }
0x120: {  	v54 =	vor.u32 v13, v5;
	_ =	sdelay $0x3  }
0x121: {  	[tilespmem:$0x1FCD0] =	vst v4  }
0x122: {  	v4 =	vld.idx.msk [tilespmem:v54+s3+$0x0], $0xffff  }
0x123: {  	v57 =	vor.u32 v3, v5;
	_ =	sdelay $0x3  }
0x124: {  	[tilespmem:$0x1FD10] =	vst v4  }
0x125: {  	v4 =	vld.idx.msk [tilespmem:v57+s3+$0x0], $0xffff  }
0x126: {  	v58 =	vor.u32 v8, v5;
	_ =	sdelay $0x3  }
0x127: {  	[tilespmem:$0x1FCE0] =	vst v4  }
0x128: {  	v4 =	vld.idx.msk [tilespmem:v58+s3+$0x0], $0xffff  }
0x129: {  	v60 =	vor.u32 v9, v5;
	_ =	sdelay $0x2  }
0x12a: {  	v35 =	vmov s15  }
0x12b: {  	v36 =	vshll.u32 v36, $0x7;
	v63 =	vand.u32 $0x380, v5;
	v55 =	vshll.u32 v35, $0x8;
	[tilespmem:$0x1FCF0] =	vst v4  }
0x12c: {  	v51 =	vor.u32 v10, v5;
	v62 =	vand.u32 $0x3800, v55;
	v56 =	vshll.u32 v56, $0x3;
	v7 =	vld.idx.msk [tilespmem:v60+s3+$0x0], $0xffff  }
0x12d: {  	v53 =	vor.u32 v62, v63;
	v62 =	vadd.s32 v6, v36;
	v56 =	vand.u32 $0x78, v56  }
0x12e: {  	v56 =	vor.u32 v62, v56;
	v4 =	vor.u32 v22, v53  }
0x12f: {  	v56 =	vor.u32 v45, v56;
	_ =	sdelay $0x1  }
0x130: {  	[tilespmem:$0x1FD00] =	vst v7  }
0x131: {  	s16 =	simm.s32 $0x0;
	s19 =	sand.u32 $0x3800, s30;
	v61 =	vld.idx.msk [tilespmem:v51+s3+$0x0], $0xffff  }
0x132: {  	s20 =	sand.u32 $0x300, s16;
	s21 =	sadd.s32 $0x2A80, s19;
	v58 =	vld.idx.msk [tilespmem:v4+s9+$0x0], $0xffff;
	v4 =	vor.u32 v12, v53;
	v51 =	vpop (erf)  }
0x133: {  	s2 =	sadd.s32 s20, s21;
	[tilespmem:v56+s28+$0x0] =	vst.idx.msk $0xffff, v51  }
0x134: {  	v25 =	vld [tilespmem:s2+$0x400];
	_ =	sdelay $0x2  }
0x135: {  	v57 =	vld.idx.msk [tilespmem:v4+s9+$0x0], $0xffff;
	v4 =	vperm.xlane v51, v29;
	_ =	sdelay $0x1  }
0x136: {  	v4 =	vmul.f32 v25, v4;
	_ =	sdelay $0x1  }
0x137: {  	v36 =	vor.u32 v15, v53;
	[tilespmem:s11+$0x7C00] =	vst v4  }
0x138: {  	v4 =	vld [tilespmem:$0x1FC90];
	_ =	sdelay $0x1  }
0x139: {  	v59 =	vor.u32 v20, v53  }
0x13a: {  	v52 =	vor.u32 v21, v53  }
0x13b: {  	v26 =	vor.u32 v17, v53;
	v62 =	vld.idx.msk [tilespmem:v36+s9+$0x0], $0xffff  }
0x13c: {  	v58 =	vmul.f32 v58, v4;
	v4 =	vld [tilespmem:$0x1FCA0]  }
0x13d: {  	v24 =	vor.u32 v11, v53  }
0x13e: {  	v60 =	vld.idx.msk [tilespmem:v59+s9+$0x0], $0xffff  }
0x13f: {  	v63 =	vld.idx.msk [tilespmem:v52+s9+$0x0], $0xffff  }
0x140: {  	v16 =	vor.u32 v13, v53;
	v54 =	vld.idx.msk [tilespmem:v26+s9+$0x0], $0xffff  }
0x141: {  	v62 =	vmul.f32 v62, v4;
	v4 =	vld [tilespmem:$0x1FCB0]  }
0x142: {  	v36 =	vld.idx.msk [tilespmem:v24+s9+$0x0], $0xffff;
	v24 =	vor.u32 v9, v53;
	_ =	sdelay $0x1  }
0x143: {  	v7 =	vor.u32 v8, v53  }
0x144: {  	v59 =	vld.idx.msk [tilespmem:v16+s9+$0x0], $0xffff;
	v60 =	vmul.f32 v60, v47  }
0x145: {  	v16 =	vor.u32 v10, v53;
	v47 =	vmul.f32 v63, v48;
	v63 =	vmul.f32 v54, v4;
	v4 =	vld [tilespmem:$0x1FCC0]  }
0x146: {  	v56 =	vor.u32 v3, v53;
	v28 =	vld.idx.msk [tilespmem:v24+s9+$0x0], $0xffff  }
0x147: {  	v24 =	vld [tilespmem:s2+$0x410]  }
0x148: {  	v52 =	vld.idx.msk [tilespmem:v7+s9+$0x0], $0xffff  }
0x149: {  	v55 =	vld [tilespmem:$0x1FCD0]  }
0x14a: {  	v26 =	vor.u32 v14, v5;
	v16 =	vld.idx.msk [tilespmem:v16+s9+$0x0], $0xffff;
	v54 =	vmul.f32 v36, v4;
	v4 =	vperm.xlane v51, v39  }
0x14b: {  	v56 =	vld.idx.msk [tilespmem:v56+s9+$0x0], $0xffff;
	v25 =	vor.u32 v14, v53  }
0x14c: {  	v4 =	vmul.f32 v24, v4;
	v24 =	vld [tilespmem:$0x1FD00]  }
0x14d: {  	v27 =	vor.u32 v19, v53;
	v48 =	vld [tilespmem:$0x1FCE0]  }
0x14e: {  	v7 =	vor.u32 v18, v53;
	v55 =	vmul.f32 v57, v55;
	v57 =	vld [tilespmem:$0x1FCF0]  }
0x14f: {  	v5 =	vor.u32 v23, v5;
	v26 =	vld.idx.msk [tilespmem:v26+s3+$0x0], $0xffff  }
0x150: {  	v53 =	vor.u32 v23, v53;
	v25 =	vld.idx.msk [tilespmem:v25+s9+$0x0], $0xffff  }
0x151: {  	v24 =	vmul.f32 v28, v24;
	v28 =	vld [tilespmem:$0x1FD10]  }
0x152: {  	v27 =	vld.idx.msk [tilespmem:v27+s9+$0x0], $0xffff;
	v16 =	vmul.f32 v16, v61  }
0x153: {  	v7 =	vld.idx.msk [tilespmem:v7+s9+$0x0], $0xffff;
	v56 =	vmul.f32 v56, v48;
	v52 =	vmul.f32 v52, v57  }
0x154: {  	v5 =	vld.idx.msk [tilespmem:v5+s3+$0x0], $0xffff;
	v16 =	vadd.f32 $0.0e+00, v16  }
0x155: {  	v53 =	vld.idx.msk [tilespmem:v53+s9+$0x0], $0xffff;
	v56 =	vadd.f32 $0.0e+00, v56;
	v52 =	vadd.f32 $0.0e+00, v52;
	[tilespmem:s11+$0x7C10] =	vst v4  }
0x156: {  	v4 =	vadd.f32 $0.0e+00, v24;
	v24 =	vmul.f32 v25, v26;
	v25 =	vld [tilespmem:s2+$0x420];
	v28 =	vmul.f32 v59, v28  }
0x157: {  	v27 =	vmul.f32 v27, v46;
	v52 =	vadd.f32 v55, v52;
	v26 =	vadd.f32 v54, v56  }
0x158: {  	v7 =	vmul.f32 v7, v38;
	v16 =	vadd.f32 v24, v16;
	v4 =	vadd.f32 v28, v4  }
0x159: {  	v24 =	vadd.f32 v62, v26;
	v26 =	vadd.f32 v63, v52;
	v28 =	vperm.xlane v51, v30  }
0x15a: {  	v5 =	vmul.f32 v53, v5;
	v4 =	vadd.f32 v7, v4;
	v7 =	vadd.f32 v27, v16  }
0x15b: {  	v16 =	vadd.f32 v60, v24;
	v24 =	vadd.f32 v47, v26;
	v25 =	vmul.f32 v25, v28  }
0x15c: {  	v4 =	vadd.f32 v58, v4;
	v5 =	vadd.f32 v5, v7  }
0x15d: {  	[tilespmem:s11+$0x7C20] =	vst v25  }
0x15e: {  	v7 =	vadd.f32 v24, v16;
	v4 =	vadd.f32 v5, v4;
	v5 =	vld [tilespmem:s2+$0x430]  }
0x15f: {  	s15 =	simm.s32 $0x4  }
0x160: {  	v53 =	vor.u32 s15, v0;
	v55 =	vadd.f32 v4, v7  }
0x161: {  	s14 =	simm.s32 $0x7A90;
	v16 =	vperm.xlane v51, v49;
	v7 =	vshll.u32 v53, $0x7  }
0x162: {  	s12 =	simm.s32 $0x100;
	v28 =	vor.u32 v18, v7;
	[tilespmem:s14+$0x0] =	vst v55  }
0x163: {  	v26 =	vor.u32 v15, v7;
	[tilespmem:s12+$0x9000] =	vst v2;
	v5 =	vmul.f32 v5, v16  }
0x164: {  	v24 =	vor.u32 v20, v7;
	[tilespmem:s12+$0x9080] =	vst v2  }
0x165: {  	v25 =	vor.u32 v21, v7;
	[tilespmem:s11+$0x7C30] =	vst v5  }
0x166: {  	v16 =	vor.u32 v22, v7;
	[tilespmem:s12+$0x9010] =	vst v2;
	v27 =	vld [tilespmem:s2+$0x440]  }
0x167: {  	[tilespmem:s12+$0x9090] =	vst v2;
	v5 =	vor.u32 v17, v7;
	v4 =	vld.idx.msk [tilespmem:v28+s3+$0x0], $0xffff  }
0x168: {  	[tilespmem:s12+$0x9020] =	vst v2;
	v36 =	vld.idx.msk [tilespmem:v26+s3+$0x0], $0xffff;
	v26 =	vor.u32 v11, v7  }
0x169: {  	[tilespmem:s12+$0x90A0] =	vst v2;
	v46 =	vld.idx.msk [tilespmem:v24+s3+$0x0], $0xffff  }
0x16a: {  	[tilespmem:s12+$0x9030] =	vst v2;
	v38 =	vld.idx.msk [tilespmem:v25+s3+$0x0], $0xffff  }
0x16b: {  	[tilespmem:s12+$0x90B0] =	vst v2;
	v0 =	vld.idx.msk [tilespmem:v16+s3+$0x0], $0xffff  }
0x16c: {  	v48 =	vor.u32 v19, v7;
	v47 =	vld.idx.msk [tilespmem:v5+s3+$0x0], $0xffff;
	[tilespmem:$0x1FD40] =	vst v4  }
0x16d: {  	v58 =	vperm.xlane v51, v31;
	v4 =	vld.idx.msk [tilespmem:v26+s3+$0x0], $0xffff  }
0x16e: {  	v5 =	vor.u32 v12, v7  }
0x16f: {  	v27 =	vmul.f32 v27, v58;
	[tilespmem:s12+$0x9040] =	vst v2  }
0x170: {  	[tilespmem:s12+$0x90C0] =	vst v2  }
0x171: {  	v48 =	vld.idx.msk [tilespmem:v48+s3+$0x0], $0xffff;
	[tilespmem:s11+$0x7C40] =	vst v27  }
0x172: {  	v52 =	vld [tilespmem:s2+$0x450];
	[tilespmem:$0x1FD70] =	vst v4  }
0x173: {  	v4 =	vld.idx.msk [tilespmem:v5+s3+$0x0], $0xffff  }
0x174: {  	v57 =	vor.u32 v13, v7;
	_ =	sdelay $0x2  }
0x175: {  	[tilespmem:s12+$0x9050] =	vst v2  }
0x176: {  	[tilespmem:$0x1FD90] =	vst v4  }
0x177: {  	v4 =	vld.idx.msk [tilespmem:v57+s3+$0x0], $0xffff  }
0x178: {  	v58 =	vor.u32 v3, v7;
	_ =	sdelay $0x2  }
0x179: {  	[tilespmem:s12+$0x90D0] =	vst v2  }
0x17a: {  	[tilespmem:$0x1FDA0] =	vst v4  }
0x17b: {  	v4 =	vld.idx.msk [tilespmem:v58+s3+$0x0], $0xffff  }
0x17c: {  	v27 =	vor.u32 v8, v7;
	_ =	sdelay $0x1  }
0x17d: {  	v54 =	vmov s15  }
0x17e: {  	v59 =	vshll.u32 v54, $0x8;
	[tilespmem:s12+$0x9060] =	vst v2  }
0x17f: {  	v56 =	vand.u32 $0x380, v7;
	v5 =	vand.u32 $0x3800, v59;
	[tilespmem:$0x1FDB0] =	vst v4  }
0x180: {  	v61 =	vor.u32 v5, v56;
	v5 =	vld.idx.msk [tilespmem:v27+s3+$0x0], $0xffff  }
0x181: {  	v26 =	vor.u32 v9, v7;
	_ =	sdelay $0x2  }
0x182: {  	[tilespmem:s12+$0x90E0] =	vst v2  }
0x183: {  	[tilespmem:$0x1FDC0] =	vst v5  }
0x184: {  	v5 =	vld.idx.msk [tilespmem:v26+s3+$0x0], $0xffff;
	_ =	sdelay $0x2  }
0x185: {  	v4 =	vor.u32 v10, v7  }
0x186: {  	[tilespmem:s12+$0x9070] =	vst v2;
	v26 =	vor.u32 v21, v61  }
0x187: {  	[tilespmem:$0x1FDD0] =	vst v5  }
0x188: {  	[tilespmem:s12+$0x90F0] =	vst v2  }
0x189: {  	v24 =	vld.idx.msk [tilespmem:v1+s18+$0x0], $0xffff  }
0x18a: {  	v16 =	vor.u32 v20, v61;
	v1 =	vld.idx.msk [tilespmem:v4+s3+$0x0], $0xffff  }
0x18b: {  	v59 =	vperm.xlane v51, v37;
	v4 =	vld.idx.msk [tilespmem:v26+s9+$0x0], $0xffff  }
0x18c: {  	v27 =	vor.u32 v17, v61  }
0x18d: {  	v52 =	vmul.f32 v52, v59;
	_ =	sdelay $0x1  }
0x18e: {  	[tilespmem:s11+$0x7C50] =	vst v52;
	v62 =	vld.idx.msk [tilespmem:v16+s9+$0x0], $0xffff  }
0x18f: {  	v56 =	vor.u32 v22, v61;
	v25 =	vld [tilespmem:s2+$0x460];
	[tilespmem:$0x1FD20] =	vst v4  }
0x190: {  	v52 =	vor.u32 v15, v61;
	v27 =	vld.idx.msk [tilespmem:v27+s9+$0x0], $0xffff  }
0x191: {  	v16 =	vor.u32 v18, v61;
	_ =	sdelay $0x2  }
0x192: {  	v57 =	vld.idx.msk [tilespmem:v56+s9+$0x0], $0xffff  }
0x193: {  	v4 =	vshll.u32 v35, $0x7;
	v35 =	vld.idx.msk [tilespmem:v52+s9+$0x0], $0xffff;
	[tilespmem:$0x1FD30] =	vst v27  }
0x194: {  	v16 =	vld.idx.msk [tilespmem:v16+s9+$0x0], $0xffff  }
0x195: {  	v63 =	vor.u32 v19, v61;
	_ =	sdelay $0x1  }
0x196: {  	v24 =	vshll.u32 v24, $0x3  }
0x197: {  	v4 =	vadd.s32 v6, v4;
	v24 =	vand.u32 $0x78, v24  }
0x198: {  	v4 =	vor.u32 v4, v24;
	[tilespmem:$0x1FD50] =	vst v16  }
0x199: {  	v55 =	vmul.f32 $1.442695020e+00, v55;
	v5 =	vperm.xlane v51, v40;
	v16 =	vor.u32 v45, v4;
	v4 =	vld.idx.msk [tilespmem:v63+s9+$0x0], $0xffff  }
0x19a: {  	v26 =	vor.u32 v11, v61  }
0x19b: {  	(erf) = vpow2.f32 v55;
	v5 =	vmul.f32 v25, v5;
	_ =	sdelay $0x1  }
0x19c: {  	[tilespmem:s11+$0x7C60] =	vst v5  }
0x19d: {  	v5 =	vld [tilespmem:s2+$0x470];
	[tilespmem:$0x1FD60] =	vst v4  }
0x19e: {  	v4 =	vld.idx.msk [tilespmem:v26+s9+$0x0], $0xffff;
	_ =	sdelay $0x4  }
0x19f: {  	v52 =	vpop (erf);
	[tilespmem:$0x1FD80] =	vst v4;
	v4 =	vperm.xlane v51, v44  }
0x1a0: {  	v26 =	vor.u32 v8, v61;
	[tilespmem:v16+s28+$0x0] =	vst.idx.msk $0xffff, v52  }
0x1a1: {  	v4 =	vmul.f32 v5, v4;
	v5 =	vld [tilespmem:$0x1FD20];
	_ =	sdelay $0x1  }
0x1a2: {  	v24 =	vor.u32 v13, v61  }
0x1a3: {  	v27 =	vor.u32 v3, v61  }
0x1a4: {  	v58 =	vld.idx.msk [tilespmem:v26+s9+$0x0], $0xffff;
	[tilespmem:s11+$0x7C70] =	vst v4  }
0x1a5: {  	v26 =	vmul.f32 v5, v38;
	v5 =	vmul.f32 v57, v0;
	v0 =	vld [tilespmem:$0x1FD30];
	_ =	sdelay $0x1  }
0x1a6: {  	v25 =	vor.u32 v12, v61;
	v60 =	vld.idx.msk [tilespmem:v24+s9+$0x0], $0xffff  }
0x1a7: {  	v59 =	vld.idx.msk [tilespmem:v27+s9+$0x0], $0xffff  }
0x1a8: {  	s2 =	simm.s32 $0x200;
	v24 =	vmul.f32 v62, v46;
	v62 =	vor.u32 v14, v7;
	v27 =	vor.u32 v23, v7;
	v7 =	vld [tilespmem:$0x1FD50]  }
0x1a9: {  	s22 =	simm.s32 $0x100;
	s13 =	sand.u32 $0x3800, s2;
	v38 =	vmul.f32 v0, v47;
	v0 =	vld [tilespmem:$0x1FD40]  }
0x1aa: {  	s4 =	sand.u32 $0x300, s22;
	s16 =	sadd.s32 $0x2A80, s13  }
0x1ab: {  	s31 =	sadd.s32 s4, s16;
	v63 =	vld.idx.msk [tilespmem:v25+s9+$0x0], $0xffff  }
0x1ac: {  	v28 =	vor.u32 v10, v61;
	v25 =	vld [tilespmem:s31+$0x400];
	_ =	sdelay $0x1  }
0x1ad: {  	v36 =	vmul.f32 v35, v36;
	v35 =	vmul.f32 v7, v0;
	v0 =	vld [tilespmem:$0x1FD60]  }
0x1ae: {  	v4 =	vperm.xlane v52, v29  }
0x1af: {  	v29 =	vld [tilespmem:$0x1FD80]  }
0x1b0: {  	v7 =	vmul.f32 v25, v4;
	v25 =	vld.idx.msk [tilespmem:v28+s9+$0x0], $0xffff  }
0x1b1: {  	v55 =	vor.u32 v9, v61;
	v46 =	vor.u32 v14, v61;
	v28 =	vor.u32 v23, v61;
	v61 =	vld.idx.msk [tilespmem:v62+s3+$0x0], $0xffff  }
0x1b2: {  	v62 =	vmul.f32 v0, v48;
	v0 =	vld [tilespmem:$0x1FD70];
	_ =	sdelay $0x4  }
0x1b3: {  	v57 =	vmul.f32 v29, v0;
	v0 =	vld [tilespmem:$0x1FD90];
	_ =	sdelay $0x3  }
0x1b4: {  	[tilespmem:s12+$0x7C00] =	vst v7  }
0x1b5: {  	v63 =	vmul.f32 v63, v0;
	v0 =	vld [tilespmem:$0x1FDA0];
	_ =	sdelay $0x4  }
0x1b6: {  	v56 =	vmul.f32 v60, v0;
	v0 =	vld [tilespmem:$0x1FDB0];
	_ =	sdelay $0x4  }
0x1b7: {  	s23 =	simm.s32 $0x80;
	v59 =	vmul.f32 v59, v0;
	v0 =	vld [tilespmem:$0x1FDC0]  }
0x1b8: {  	s4 =	sand.u32 $0x380, s23  }
0x1b9: {  	s13 =	sadd.s32 s4, s21  }
0x1ba: {  	v16 =	vld [tilespmem:s13+$0x400]  }
0x1bb: {  	v55 =	vld.idx.msk [tilespmem:v55+s9+$0x0], $0xffff  }
0x1bc: {  	v58 =	vmul.f32 v58, v0;
	v0 =	vld [tilespmem:$0x1FDD0]  }
0x1bd: {  	v4 =	vperm.xlane v51, v50;
	v7 =	vld.idx.msk [tilespmem:v46+s9+$0x0], $0xffff;
	_ =	sdelay $0x1  }
0x1be: {  	v4 =	vmul.f32 v16, v4;
	v16 =	vld [tilespmem:s31+$0x410]  }
0x1bf: {  	v28 =	vld.idx.msk [tilespmem:v28+s9+$0x0], $0xffff;
	v25 =	vmul.f32 v25, v1  }
0x1c0: {  	v47 =	vperm.xlane v52, v39;
	v60 =	vld.idx.msk [tilespmem:v27+s3+$0x0], $0xffff;
	[tilespmem:s11+$0x7C80] =	vst v4;
	v4 =	vadd.f32 $0.0e+00, v59;
	v27 =	vmul.f32 v55, v0  }
0x1c1: {  	v25 =	vadd.f32 $0.0e+00, v25;
	v7 =	vmul.f32 v7, v61;
	v48 =	vld [tilespmem:s13+$0x410];
	v46 =	vadd.f32 $0.0e+00, v58  }
0x1c2: {  	v4 =	vadd.f32 v57, v4;
	v27 =	vadd.f32 $0.0e+00, v27  }
0x1c3: {  	v16 =	vmul.f32 v16, v47;
	v7 =	vadd.f32 v7, v25;
	v55 =	vadd.f32 v63, v46  }
0x1c4: {  	v25 =	vadd.f32 v36, v4;
	v63 =	vperm.xlane v51, v42;
	v56 =	vadd.f32 v56, v27  }
0x1c5: {  	s20 =	simm.s32 $0x800;
	[tilespmem:s12+$0x7C10] =	vst v16;
	v4 =	vmul.f32 v28, v60;
	v0 =	vimm.s32 $0x0;
	v27 =	vadd.f32 v38, v55  }
0x1c6: {  	s0 =	simm.s32 $0x180;
	s4 =	simm.s32 $0x180;
	s21 =	simm.s32 $0xC00;
	v16 =	vld [tilespmem:s31+$0x420];
	v55 =	vadd.f32 v62, v7;
	v7 =	vmul.f32 v48, v63;
	v28 =	vadd.f32 v35, v56  }
.LBB2_5:
0x1c7: {  	v1 =	vld [tilespmem:$0x1FDE0];
	_ =	sdelay $0x2  }
0x1c8: {  	v24 =	vadd.f32 v24, v25;
	v25 =	vadd.f32 v26, v27  }
0x1c9: {  	s15 =	sadd.s32 $0x2, s15;
	v5 =	vadd.f32 v5, v28;
	v4 =	vadd.f32 v4, v55;
	[tilespmem:s11+$0x7C90] =	vst v7  }
0x1ca: {  	v7 =	vperm.xlane v52, v30;
	v27 =	vld [tilespmem:s13+$0x420];
	v26 =	vor.u32 s15, v1  }
0x1cb: {  	v24 =	vadd.f32 v25, v24;
	v4 =	vadd.f32 v4, v5;
	v55 =	vshll.u32 v26, $0x7  }
0x1cc: {  	v7 =	vmul.f32 v16, v7;
	v5 =	vor.u32 v20, v55  }
0x1cd: {  	v24 =	vadd.f32 v4, v24;
	v4 =	vperm.xlane v51, v32  }
0x1ce: {  	s14 =	sadd.s32 $0x10, s14;
	[tilespmem:s12+$0x7C20] =	vst v7  }
0x1cf: {  	s22 =	sshra.s32 s20, $0x2;
	v16 =	vor.u32 v21, v55;
	[tilespmem:s14+$0x0] =	vst v24;
	v4 =	vmul.f32 v27, v4  }
0x1d0: {  	v7 =	vor.u32 v22, v55;
	v25 =	vld [tilespmem:s31+$0x430];
	[tilespmem:s22+$0x9000] =	vst v2  }
0x1d1: {  	v27 =	vor.u32 v15, v55;
	v57 =	vld.idx.msk [tilespmem:v5+s3+$0x0], $0xffff;
	[tilespmem:s11+$0x7CA0] =	vst v4  }
0x1d2: {  	v28 =	vor.u32 v17, v55;
	[tilespmem:s22+$0x9080] =	vst v2  }
0x1d3: {  	v4 =	vperm.xlane v52, v49;
	v60 =	vld [tilespmem:s13+$0x430]  }
0x1d4: {  	v59 =	vld.idx.msk [tilespmem:v16+s3+$0x0], $0xffff;
	[tilespmem:s22+$0x9010] =	vst v2  }
0x1d5: {  	v61 =	vor.u32 v18, v55;
	v4 =	vmul.f32 v25, v4;
	v5 =	vld.idx.msk [tilespmem:v7+s3+$0x0], $0xffff;
	[tilespmem:s22+$0x9090] =	vst v2  }
0x1d6: {  	v16 =	vor.u32 v19, v55;
	v56 =	vld.idx.msk [tilespmem:v27+s3+$0x0], $0xffff;
	[tilespmem:s22+$0x9020] =	vst v2  }
0x1d7: {  	v7 =	vperm.xlane v51, v33;
	v58 =	vld.idx.msk [tilespmem:v28+s3+$0x0], $0xffff;
	[tilespmem:s12+$0x7C30] =	vst v4  }
0x1d8: {  	[tilespmem:s22+$0x90A0] =	vst v2  }
0x1d9: {  	v25 =	vor.u32 v11, v55;
	v28 =	vld [tilespmem:s31+$0x440];
	v7 =	vmul.f32 v60, v7  }
0x1da: {  	v27 =	vor.u32 v12, v55;
	v4 =	vld.idx.msk [tilespmem:v61+s3+$0x0], $0xffff;
	[tilespmem:s22+$0x9030] =	vst v2  }
0x1db: {  	v62 =	vor.u32 v13, v55;
	v60 =	vld.idx.msk [tilespmem:v16+s3+$0x0], $0xffff;
	[tilespmem:s11+$0x7CB0] =	vst v7  }
0x1dc: {  	v63 =	vor.u32 v3, v55;
	[tilespmem:s22+$0x90B0] =	vst v2  }
0x1dd: {  	v16 =	vperm.xlane v52, v31;
	v29 =	vld [tilespmem:s13+$0x440]  }
0x1de: {  	v61 =	vld.idx.msk [tilespmem:v25+s3+$0x0], $0xffff;
	[tilespmem:s22+$0x9040] =	vst v2  }
0x1df: {  	v31 =	vor.u32 v8, v55;
	v7 =	vld.idx.msk [tilespmem:v27+s3+$0x0], $0xffff;
	[tilespmem:s22+$0x90C0] =	vst v2;
	v27 =	vmul.f32 v28, v16  }
0x1e0: {  	v30 =	vmov s15;
	v42 =	vor.u32 v9, v55;
	v62 =	vld.idx.msk [tilespmem:v62+s3+$0x0], $0xffff;
	[tilespmem:s22+$0x9050] =	vst v2  }
0x1e1: {  	v46 =	vperm.xlane v51, v34;
	v25 =	vshll.u32 v30, $0x8;
	v16 =	vld.idx.msk [tilespmem:v63+s3+$0x0], $0xffff;
	[tilespmem:s12+$0x7C40] =	vst v27  }
0x1e2: {  	v25 =	vand.u32 $0x3800, v25;
	v28 =	vand.u32 $0x380, v55;
	[tilespmem:s22+$0x90D0] =	vst v2  }
0x1e3: {  	v47 =	vor.u32 v10, v55;
	v28 =	vor.u32 v25, v28;
	v36 =	vld [tilespmem:s31+$0x450];
	v27 =	vmul.f32 v29, v46  }
0x1e4: {  	v35 =	vor.u32 v20, v28;
	v25 =	vld.idx.msk [tilespmem:v31+s3+$0x0], $0xffff;
	[tilespmem:s22+$0x9060] =	vst v2  }
0x1e5: {  	v63 =	vld.idx.msk [tilespmem:v42+s3+$0x0], $0xffff;
	[tilespmem:s11+$0x7CC0] =	vst v27  }
0x1e6: {  	v29 =	vor.u32 v21, v28;
	[tilespmem:s22+$0x90E0] =	vst v2  }
0x1e7: {  	v31 =	vperm.xlane v52, v37;
	v48 =	vld [tilespmem:s13+$0x450]  }
0x1e8: {  	v42 =	vor.u32 v22, v28;
	v27 =	vld.idx.msk [tilespmem:v47+s3+$0x0], $0xffff;
	[tilespmem:s22+$0x9070] =	vst v2  }
0x1e9: {  	v46 =	vor.u32 v15, v28;
	v35 =	vld.idx.msk [tilespmem:v35+s9+$0x0], $0xffff;
	[tilespmem:s22+$0x90F0] =	vst v2;
	v31 =	vmul.f32 v36, v31  }
0x1ea: {  	v47 =	vperm.xlane v51, v41;
	v36 =	vld.idx.msk [tilespmem:v53+s18+$0x0], $0xffff  }
0x1eb: {  	v53 =	vmov v26;
	v26 =	vor.u32 v17, v28;
	v29 =	vld.idx.msk [tilespmem:v29+s9+$0x0], $0xffff;
	[tilespmem:s12+$0x7C50] =	vst v31  }
0x1ec: {  	v24 =	vmul.f32 $1.442695020e+00, v24;
	v31 =	vor.u32 v18, v28;
	v38 =	vld [tilespmem:s31+$0x460];
	v32 =	vmul.f32 v48, v47  }
0x1ed: {  	v37 =	vor.u32 v19, v28;
	v33 =	vld.idx.msk [tilespmem:v42+s9+$0x0], $0xffff  }
0x1ee: {  	(erf) = vpow2.f32 v24;
	v39 =	vor.u32 v11, v28;
	v34 =	vld.idx.msk [tilespmem:v46+s9+$0x0], $0xffff;
	[tilespmem:s11+$0x7CD0] =	vst v32  }
0x1ef: {  	v24 =	vshll.u32 v54, $0x7;
	v48 =	vperm.xlane v52, v40;
	v46 =	vld [tilespmem:s13+$0x460]  }
0x1f0: {  	v54 =	vmovc v30;
	v24 =	vadd.s32 v6, v24;
	v30 =	vor.u32 v12, v28;
	v41 =	vld.idx.msk [tilespmem:v26+s9+$0x0], $0xffff;
	v26 =	vshll.u32 v36, $0x3  }
0x1f1: {  	v47 =	vor.u32 v13, v28;
	v31 =	vld.idx.msk [tilespmem:v31+s9+$0x0], $0xffff;
	v26 =	vand.u32 $0x78, v26;
	v32 =	vmul.f32 v38, v48  }
0x1f2: {  	v37 =	vld.idx.msk [tilespmem:v37+s9+$0x0], $0xffff;
	v24 =	vor.u32 v24, v26;
	v26 =	vperm.xlane v51, v43  }
0x1f3: {  	v39 =	vld.idx.msk [tilespmem:v39+s9+$0x0], $0xffff;
	v38 =	vor.u32 v3, v28;
	v24 =	vor.u32 v45, v24;
	[tilespmem:s12+$0x7C60] =	vst v32  }
0x1f4: {  	v32 =	vld [tilespmem:s31+$0x470];
	v26 =	vmul.f32 v46, v26  }
0x1f5: {  	s2 =	sadd.s32 $0x200, s2;
	s4 =	sadd.s32 $0x100, s4;
	v1 =	vmov v6;
	v48 =	vor.u32 v8, v28;
	v30 =	vld.idx.msk [tilespmem:v30+s9+$0x0], $0xffff  }
0x1f6: {  	s23 =	sadd.s32 $0xFFFFFF80, s4;
	v6 =	vmov v45;
	v42 =	vor.u32 v9, v28;
	v5 =	vmul.f32 v33, v5;
	v36 =	vld.idx.msk [tilespmem:v47+s9+$0x0], $0xffff;
	s31 =	sand.u32 $0x3800, s2;
	[tilespmem:s11+$0x7CE0] =	vst v26  }
0x1f7: {  	s23 =	sand.u32 $0x300, s23;
	v34 =	vmul.f32 v34, v56;
	v43 =	vpop (erf);
	v45 =	vor.u32 v10, v28;
	s19 =	sadd.s32 $0x2A80, s31;
	v26 =	vperm.xlane v52, v44;
	v44 =	vld [tilespmem:s13+$0x470]  }
0x1f8: {  	v46 =	vor.u32 v14, v55;
	v55 =	vor.u32 v23, v55;
	s31 =	sadd.s32 s23, s19;
	v38 =	vld.idx.msk [tilespmem:v38+s9+$0x0], $0xffff;
	[tilespmem:v24+s28+$0x0] =	vst.idx.msk $0xffff, v43  }
0x1f9: {  	v41 =	vmul.f32 v41, v58;
	v47 =	vld [tilespmem:s31+$0x400];
	v32 =	vmul.f32 v32, v26;
	v26 =	vimm.s32 $0xF  }
0x1fa: {  	s23 =	sand.u32 $0x380, s0;
	v24 =	vmul.f32 v35, v57;
	v40 =	vld.idx.msk [tilespmem:v48+s9+$0x0], $0xffff;
	v48 =	vor.u32 v14, v28;
	v57 =	vperm.xlane v51, v26  }
0x1fb: {  	v31 =	vmul.f32 v31, v4;
	s13 =	sadd.s32 s23, s16;
	v42 =	vld.idx.msk [tilespmem:v42+s9+$0x0], $0xffff;
	v26 =	vmul.f32 v29, v59;
	[tilespmem:s12+$0x7C70] =	vst v32  }
0x1fc: {  	v29 =	vperm.xlane v43, v0;
	v32 =	vld [tilespmem:s13+$0x400];
	v59 =	vmul.f32 v44, v57  }
0x1fd: {  	v56 =	vmul.f32 v37, v60;
	v39 =	vmul.f32 v39, v61;
	v28 =	vor.u32 v23, v28;
	v35 =	vld.idx.msk [tilespmem:v45+s9+$0x0], $0xffff  }
0x1fe: {  	v33 =	vimm.s32 $0xB;
	v7 =	vmul.f32 v30, v7;
	v51 =	vmovc v52;
	v46 =	vld.idx.msk [tilespmem:v46+s3+$0x0], $0xffff;
	v4 =	vmul.f32 v47, v29;
	[tilespmem:s11+$0x7CF0] =	vst v59  }
0x1ff: {  	v52 =	vmovc v43;
	v43 =	vimm.s32 $0xE;
	v44 =	vimm.s32 $0x7;
	v57 =	vperm.xlane v51, v50;
	s11 =	smov.u32 s12;
	s12 =	smov.u32 s22;
	v29 =	vld.idx.msk [tilespmem:v48+s9+$0x0], $0xffff  }
0x200: {  	v16 =	vmul.f32 v38, v16;
	v38 =	vimm.s32 $0x1;
	v25 =	vmul.f32 v40, v25;
	v30 =	vld.idx.msk [tilespmem:v55+s3+$0x0], $0xffff;
	[tilespmem:s12+$0x7C00] =	vst v4  }
0x201: {  	v40 =	vimm.s32 $0x6;
	v60 =	vperm.xlane v52, v38;
	v59 =	vmul.f32 v42, v63;
	v58 =	vld [tilespmem:s31+$0x410]  }
0x202: {  	v16 =	vadd.f32 $0.0e+00, v16;
	v25 =	vadd.f32 $0.0e+00, v25;
	v32 =	vmul.f32 v32, v57;
	v28 =	vld.idx.msk [tilespmem:v28+s9+$0x0], $0xffff  }
0x203: {  	v4 =	vmul.f32 v36, v62;
	v27 =	vmul.f32 v35, v27;
	v37 =	vadd.f32 $0.0e+00, v59  }
0x204: {  	v42 =	vimm.s32 $0x9;
	v16 =	vadd.f32 v39, v16;
	v7 =	vadd.f32 v7, v25;
	[tilespmem:s11+$0x7C80] =	vst v32  }
0x205: {  	p1 =	sne.s32 s21, $0x4C00;
	v63 =	vperm.xlane v51, v42;
	v27 =	vadd.f32 $0.0e+00, v27;
	v62 =	vadd.f32 v4, v37;
	v61 =	vld [tilespmem:s13+$0x410]  }
.Ltmp1:
0x206: {  	v25 =	vadd.f32 v34, v16;
	v34 =	vimm.s32 $0xC;
	v29 =	vmul.f32 v29, v46;
	(pc) =	sbr.rel @p1 .LBB2_5-.Ltmp1, $4  }
0x207: {  	v37 =	vimm.s32 $0x5;
	v32 =	vmul.f32 v58, v60;
	v4 =	vmul.f32 v28, v30  }
0x208: {  	v30 =	vimm.s32 $0x2;
	v28 =	vadd.f32 v31, v62;
	v29 =	vadd.f32 v29, v27  }
0x209: {  	s20 =	smov.u32 s21;
	v31 =	vimm.s32 $0x4;
	v27 =	vadd.f32 v41, v7;
	v41 =	vimm.s32 $0xD;
	[tilespmem:s12+$0x7C10] =	vst v32  }
0x20a: {  	s21 =	sadd.s32 $0x400, s21;
	s0 =	smov.u32 s4;
	s16 =	smov.u32 s19;
	v45 =	vmovc v6;
	v6 =	vmovc v1;
	v32 =	vimm.s32 $0xA;
	v55 =	vadd.f32 v56, v29;
	v16 =	vld [tilespmem:s31+$0x420];
	v7 =	vmul.f32 v61, v63  }
0x20b: {  	v24 =	vadd.f32 v24, v25;
	v25 =	vadd.f32 v26, v27  }
0x20c: {  	v5 =	vadd.f32 v5, v28;
	v4 =	vadd.f32 v4, v55;
	_ =	sdelay $0x1  }
0x20d: {  	v24 =	vadd.f32 v25, v24;
	v4 =	vadd.f32 v4, v5;
	_ =	sdelay $0x1  }
0x20e: {  	v4 =	vadd.f32 v4, v24  }
0x20f: {  	s14 =	sadd.s32 $0x10, s14  }
0x210: {  	s21 =	sshra.s32 s20, $0x2;
	[tilespmem:s14+$0x0] =	vst v4  }
0x211: {  	[tilespmem:s21+$0x9000] =	vst v2  }
0x212: {  	[tilespmem:s21+$0x9080] =	vst v2  }
0x213: {  	[tilespmem:s21+$0x9010] =	vst v2  }
0x214: {  	[tilespmem:s21+$0x9090] =	vst v2  }
0x215: {  	[tilespmem:s21+$0x9020] =	vst v2  }
0x216: {  	[tilespmem:s21+$0x90A0] =	vst v2  }
0x217: {  	[tilespmem:s21+$0x9030] =	vst v2  }
0x218: {  	[tilespmem:s21+$0x90B0] =	vst v2  }
0x219: {  	[tilespmem:s21+$0x9040] =	vst v2  }
0x21a: {  	[tilespmem:s21+$0x90C0] =	vst v2  }
0x21b: {  	[tilespmem:s21+$0x9050] =	vst v2  }
0x21c: {  	[tilespmem:s21+$0x90D0] =	vst v2  }
0x21d: {  	[tilespmem:s21+$0x9060] =	vst v2  }
0x21e: {  	[tilespmem:s21+$0x90E0] =	vst v2  }
0x21f: {  	[tilespmem:s21+$0x9070] =	vst v2  }
0x220: {  	[tilespmem:s21+$0x90F0] =	vst v2  }
0x221: {  	v5 =	vld.idx.msk [tilespmem:v53+s18+$0x0], $0xffff  }
0x222: {  	v4 =	vmul.f32 $1.442695020e+00, v4;
	_ =	sdelay $0x1  }
0x223: {  	(erf) = vpow2.f32 v4;
	_ =	sdelay $0x1  }
0x224: {  	v4 =	vshll.u32 v54, $0x7;
	v5 =	vshll.u32 v5, $0x3  }
0x225: {  	v4 =	vadd.s32 v6, v4;
	v5 =	vand.u32 $0x78, v5  }
0x226: {  	v4 =	vor.u32 v4, v5  }
0x227: {  	v5 =	vor.u32 v45, v4;
	_ =	sdelay $0x1  }
0x228: {  	s15 =	sadd.s32 $0x200, s2;
	s22 =	sadd.s32 $0x100, s4  }
0x229: {  	s4 =	sadd.s32 $0xFFFFFF80, s22;
	s15 =	sand.u32 $0x3800, s15  }
0x22a: {  	s19 =	sand.u32 $0x300, s4;
	s23 =	sadd.s32 $0x2A80, s15;
	v4 =	vpop (erf)  }
0x22b: {  	s15 =	sadd.s32 s19, s23;
	[tilespmem:v5+s28+$0x0] =	vst.idx.msk $0xffff, v4  }
0x22c: {  	v5 =	vld [tilespmem:s15+$0x400];
	_ =	sdelay $0x1  }
0x22d: {  	v0 =	vimm.s32 $0x0  }
0x22e: {  	v24 =	vperm.xlane v4, v0;
	_ =	sdelay $0x1  }
0x22f: {  	v5 =	vmul.f32 v5, v24;
	_ =	sdelay $0x1  }
0x230: {  	[tilespmem:s21+$0x7C00] =	vst v5  }
0x231: {  	v5 =	vld [tilespmem:s15+$0x410];
	_ =	sdelay $0x2  }
0x232: {  	v24 =	vperm.xlane v4, v38;
	_ =	sdelay $0x1  }
0x233: {  	v5 =	vmul.f32 v5, v24;
	_ =	sdelay $0x1  }
0x234: {  	[tilespmem:s21+$0x7C10] =	vst v5  }
0x235: {  	v5 =	vld [tilespmem:s15+$0x420];
	_ =	sdelay $0x1  }
0x236: {  	v24 =	vperm.xlane v52, v30  }
0x237: {  	v25 =	vperm.xlane v4, v30  }
0x238: {  	v16 =	vmul.f32 v16, v24  }
0x239: {  	v5 =	vmul.f32 v5, v25  }
0x23a: {  	[tilespmem:s12+$0x7C20] =	vst v16  }
0x23b: {  	v16 =	vld [tilespmem:s31+$0x430];
	[tilespmem:s21+$0x7C20] =	vst v5  }
0x23c: {  	v5 =	vld [tilespmem:s15+$0x430];
	_ =	sdelay $0x1  }
0x23d: {  	v24 =	vperm.xlane v52, v49  }
0x23e: {  	v25 =	vperm.xlane v4, v49  }
0x23f: {  	v16 =	vmul.f32 v16, v24  }
0x240: {  	v5 =	vmul.f32 v5, v25  }
0x241: {  	[tilespmem:s12+$0x7C30] =	vst v16  }
0x242: {  	v16 =	vld [tilespmem:s31+$0x440];
	[tilespmem:s21+$0x7C30] =	vst v5  }
0x243: {  	v5 =	vld [tilespmem:s15+$0x440];
	_ =	sdelay $0x1  }
0x244: {  	v24 =	vperm.xlane v52, v31  }
0x245: {  	v25 =	vperm.xlane v4, v31  }
0x246: {  	v16 =	vmul.f32 v16, v24  }
0x247: {  	v5 =	vmul.f32 v5, v25  }
0x248: {  	[tilespmem:s12+$0x7C40] =	vst v16  }
0x249: {  	v16 =	vld [tilespmem:s31+$0x450];
	[tilespmem:s21+$0x7C40] =	vst v5  }
0x24a: {  	v5 =	vld [tilespmem:s15+$0x450];
	_ =	sdelay $0x1  }
0x24b: {  	v24 =	vperm.xlane v52, v37  }
0x24c: {  	v25 =	vperm.xlane v4, v37  }
0x24d: {  	v16 =	vmul.f32 v16, v24  }
0x24e: {  	v5 =	vmul.f32 v5, v25  }
0x24f: {  	[tilespmem:s12+$0x7C50] =	vst v16  }
0x250: {  	v16 =	vld [tilespmem:s31+$0x460];
	[tilespmem:s21+$0x7C50] =	vst v5  }
0x251: {  	v5 =	vld [tilespmem:s15+$0x460];
	_ =	sdelay $0x1  }
0x252: {  	v24 =	vperm.xlane v52, v40  }
0x253: {  	v25 =	vperm.xlane v4, v40  }
0x254: {  	v16 =	vmul.f32 v16, v24  }
0x255: {  	v5 =	vmul.f32 v5, v25  }
0x256: {  	[tilespmem:s12+$0x7C60] =	vst v16  }
0x257: {  	v16 =	vld [tilespmem:s31+$0x470];
	[tilespmem:s21+$0x7C60] =	vst v5  }
0x258: {  	v5 =	vld [tilespmem:s15+$0x470];
	_ =	sdelay $0x1  }
0x259: {  	v24 =	vperm.xlane v52, v44  }
0x25a: {  	v25 =	vperm.xlane v4, v44  }
0x25b: {  	v16 =	vmul.f32 v16, v24  }
0x25c: {  	s0 =	sand.u32 $0x380, s0;
	v5 =	vmul.f32 v5, v25  }
0x25d: {  	s0 =	sadd.s32 s0, s16;
	s2 =	sand.u32 $0x380, s22;
	[tilespmem:s12+$0x7C70] =	vst v16  }
0x25e: {  	s2 =	sadd.s32 s2, s23;
	v16 =	vld [tilespmem:s0+$0x400];
	[tilespmem:s21+$0x7C70] =	vst v5  }
0x25f: {  	v5 =	vld [tilespmem:s2+$0x400];
	_ =	sdelay $0x1  }
0x260: {  	v24 =	vperm.xlane v52, v50  }
0x261: {  	v25 =	vperm.xlane v4, v50  }
0x262: {  	v16 =	vmul.f32 v16, v24  }
0x263: {  	v5 =	vmul.f32 v5, v25  }
0x264: {  	[tilespmem:s12+$0x7C80] =	vst v16  }
0x265: {  	v16 =	vld [tilespmem:s0+$0x410];
	[tilespmem:s21+$0x7C80] =	vst v5  }
0x266: {  	v5 =	vld [tilespmem:s2+$0x410];
	_ =	sdelay $0x1  }
0x267: {  	v24 =	vperm.xlane v52, v42  }
0x268: {  	v25 =	vperm.xlane v4, v42  }
0x269: {  	v16 =	vmul.f32 v16, v24  }
0x26a: {  	[tilespmem:s11+$0x7C90] =	vst v7;
	v5 =	vmul.f32 v5, v25  }
0x26b: {  	v7 =	vld [tilespmem:s13+$0x420];
	[tilespmem:s12+$0x7C90] =	vst v16  }
0x26c: {  	v16 =	vld [tilespmem:s0+$0x420];
	[tilespmem:s21+$0x7C90] =	vst v5  }
0x26d: {  	v5 =	vld [tilespmem:s2+$0x420]  }
0x26e: {  	v24 =	vperm.xlane v51, v32  }
0x26f: {  	v25 =	vperm.xlane v52, v32  }
0x270: {  	v7 =	vmul.f32 v7, v24;
	v24 =	vperm.xlane v4, v32  }
0x271: {  	v16 =	vmul.f32 v16, v25  }
0x272: {  	[tilespmem:s11+$0x7CA0] =	vst v7;
	v5 =	vmul.f32 v5, v24  }
0x273: {  	v7 =	vld [tilespmem:s13+$0x430];
	[tilespmem:s12+$0x7CA0] =	vst v16  }
0x274: {  	v16 =	vld [tilespmem:s0+$0x430];
	[tilespmem:s21+$0x7CA0] =	vst v5  }
0x275: {  	v5 =	vld [tilespmem:s2+$0x430]  }
0x276: {  	v24 =	vperm.xlane v51, v33  }
0x277: {  	v25 =	vperm.xlane v52, v33  }
0x278: {  	v7 =	vmul.f32 v7, v24;
	v24 =	vperm.xlane v4, v33  }
0x279: {  	v16 =	vmul.f32 v16, v25  }
0x27a: {  	[tilespmem:s11+$0x7CB0] =	vst v7;
	v5 =	vmul.f32 v5, v24  }
0x27b: {  	[tilespmem:s12+$0x7CB0] =	vst v16;
	v7 =	vld [tilespmem:s13+$0x440]  }
0x27c: {  	v16 =	vld [tilespmem:s0+$0x440];
	[tilespmem:s21+$0x7CB0] =	vst v5  }
0x27d: {  	v5 =	vld [tilespmem:s2+$0x440]  }
0x27e: {  	v24 =	vperm.xlane v51, v34  }
0x27f: {  	v25 =	vperm.xlane v52, v34  }
0x280: {  	v7 =	vmul.f32 v7, v24;
	v24 =	vperm.xlane v4, v34  }
0x281: {  	v16 =	vmul.f32 v16, v25  }
0x282: {  	[tilespmem:s11+$0x7CC0] =	vst v7;
	v5 =	vmul.f32 v5, v24  }
0x283: {  	[tilespmem:s12+$0x7CC0] =	vst v16;
	v7 =	vld [tilespmem:s13+$0x450]  }
0x284: {  	v16 =	vld [tilespmem:s0+$0x450];
	[tilespmem:s21+$0x7CC0] =	vst v5  }
0x285: {  	v5 =	vld [tilespmem:s2+$0x450]  }
0x286: {  	v24 =	vperm.xlane v51, v41  }
0x287: {  	v25 =	vperm.xlane v52, v41  }
0x288: {  	v7 =	vmul.f32 v7, v24;
	v24 =	vperm.xlane v4, v41  }
0x289: {  	v16 =	vmul.f32 v16, v25  }
0x28a: {  	[tilespmem:s11+$0x7CD0] =	vst v7;
	v5 =	vmul.f32 v5, v24  }
0x28b: {  	[tilespmem:s12+$0x7CD0] =	vst v16;
	v7 =	vld [tilespmem:s13+$0x460]  }
0x28c: {  	v16 =	vld [tilespmem:s0+$0x460];
	[tilespmem:s21+$0x7CD0] =	vst v5  }
0x28d: {  	v5 =	vld [tilespmem:s2+$0x460]  }
0x28e: {  	v24 =	vperm.xlane v51, v43  }
0x28f: {  	v25 =	vperm.xlane v52, v43  }
0x290: {  	v7 =	vmul.f32 v7, v24;
	v24 =	vperm.xlane v4, v43  }
0x291: {  	v16 =	vmul.f32 v16, v25  }
0x292: {  	[tilespmem:s11+$0x7CE0] =	vst v7;
	v5 =	vmul.f32 v5, v24  }
0x293: {  	[tilespmem:s12+$0x7CE0] =	vst v16;
	v7 =	vld [tilespmem:s13+$0x470]  }
0x294: {  	v16 =	vld [tilespmem:s0+$0x470];
	[tilespmem:s21+$0x7CE0] =	vst v5  }
0x295: {  	v26 =	vimm.s32 $0xF;
	v5 =	vld [tilespmem:s2+$0x470]  }
0x296: {  	v24 =	vperm.xlane v51, v26  }
0x297: {  	v25 =	vperm.xlane v52, v26  }
0x298: {  	v4 =	vperm.xlane v4, v26;
	v7 =	vmul.f32 v7, v24  }
0x299: {  	v16 =	vmul.f32 v16, v25  }
0x29a: {  	[tilespmem:s11+$0x7CF0] =	vst v7;
	v4 =	vmul.f32 v5, v4  }
0x29b: {  	[tilespmem:s12+$0x7CF0] =	vst v16  }
0x29c: {  	s11 =	smul.u32 $0x50, s29;
	[tilespmem:s21+$0x7CF0] =	vst v4  }
0x29d: {  	s12 =	rddreg [dreg:$0x13]  }
0x29e: {  	s13 =	simm.s32 $0x7A80;
	s0 =	sadd.s32 s11, s12  }
0x29f: {  	[hbm4b:s0+s5] =	stream.linear.scatter [tilespmem:s13], [sflag:$0x5], $0x140, $0x38;
	[tilespmem:$0x1F800] =	vst v63  }
0x2a0: {  	s14 =	rddreg [dreg:$0x3];
	s0 =	simm.s32 @!p0 $0x1  }
0x2a1: {  	[spmem:s14] =	stream.indirect.scatter.add.f32 [tilespmem:s28], [sflag:$0x6], $0x80, s18, s24, $0xb8;
	[tilespmem:$0x1F800] =	vst v63  }
0x2a2: {  	_ =	swait.ge @!p0 [sflag:s0], $0x28  }
0x2a3: {  	[sflag:s0] =	ssyncset.done @!p0 $0x0  }
0x2a4: {  	[sflag:s0] =	ssyncadd.s32 @!p0 $0xFFFFFFD8  }
0x2a5: {  	_ =	swait.ge @!p0 [sflag:s0], $0x28  }
0x2a6: {  	[sflag:s0] =	ssyncset.done @!p0 $0x0  }
0x2a7: {  	s4 =	simm.s32 @!p0 $0x280;
	[sflag:s0] =	ssyncadd.s32 @!p0 $0xFFFFFFD8  }
0x2a8: {  	s2 =	simm.s32 @!p0 $0x28;
	s0 =	simm.s32 @!p0 $0x0;
	s12 =	rddreg [dreg:$0x0]  }
0x2a9: {  	[tilespmem:s4], [sflag:$0x3] =	stream.indirect.gather @!p0 [hbm4b:s12+s2], $0x80, s0, s2, $0xb8;
	[tilespmem:$0x1F800] =	vst v63  }
0x2aa: {  	v4 =	vld @!p0 [tilespmem:$0x100];
	_ =	sdelay $0x4  }
0x2ab: {  	v5 =	vshll.u32 @!p0 v4, $0x1  }
0x2ac: {  	v7 =	vlaneseq.u32 @!p0;
	v4 =	vand.u32 @!p0 $0x7, v4;
	v5 =	vand.u32 @!p0 $0xFFFFFFF0, v5  }
0x2ad: {  	v16 =	vshrl.u32 @!p0 v7, $0x3;
	v4 =	vor.u32 @!p0 v4, v5;
	v5 =	vand.u32 @!p0 $0x7, v7  }
0x2ae: {  	v16 =	vmul.u32 @!p0 $0x8, v16;
	v24 =	vperm.xlane @!p0 v4, v5  }
0x2af: {  	v7 =	vor.u32 @!p0 $0x8, v7  }
0x2b0: {  	v4 =	vperm.xlane @!p0 v4, v7;
	v24 =	vadd.s32 @!p0 v16, v24;
	_ =	sdelay $0x1  }
0x2b1: {  	v4 =	vadd.s32 @!p0 v16, v4;
	_ =	sdelay $0x1  }
0x2b2: {  	vm1 =	vmmov @!p0 $0xffff;
	s2 =	simm.s32 @!p0 $0x2A80  }
0x2b3: {  	[tilespmem:s2], [sflag:$0x3] =	stream.indirect_vreg.gather @!p0 [hbm4b:s1+s0], $0x80, v24, vm1, $0xb8;
	[tilespmem:$0x1F800] =	vst v63  }
0x2b4: {  	s2 =	simm.s32 @!p0 $0x3280  }
0x2b5: {  	[tilespmem:s2], [sflag:$0x3] =	stream.indirect_vreg.gather @!p0 [hbm4b:s1+s0], $0x80, v4, vm1, $0xb8;
	[tilespmem:$0x1F800] =	vst v63  }
0x2b6: {  	v4 =	vld @!p0 [tilespmem:$0x110];
	_ =	sdelay $0x4  }
0x2b7: {  	v24 =	vshll.u32 @!p0 v4, $0x1  }
0x2b8: {  	v4 =	vand.u32 @!p0 $0x7, v4;
	v24 =	vand.u32 @!p0 $0xFFFFFFF0, v24  }
0x2b9: {  	v4 =	vor.u32 @!p0 v4, v24  }
0x2ba: {  	v24 =	vperm.xlane @!p0 v4, v5;
	_ =	sdelay $0x1  }
0x2bb: {  	v4 =	vperm.xlane @!p0 v4, v7;
	v24 =	vadd.s32 @!p0 v16, v24;
	_ =	sdelay $0x1  }
0x2bc: {  	v4 =	vadd.s32 @!p0 v16, v4;
	_ =	sdelay $0x1  }
0x2bd: {  	s2 =	simm.s32 @!p0 $0x3A80  }
0x2be: {  	[tilespmem:s2], [sflag:$0x3] =	stream.indirect_vreg.gather @!p0 [hbm4b:s1+s0], $0x80, v24, vm1, $0xb8;
	[tilespmem:$0x1F800] =	vst v63  }
0x2bf: {  	s2 =	simm.s32 @!p0 $0x4280  }
0x2c0: {  	[tilespmem:s2], [sflag:$0x3] =	stream.indirect_vreg.gather @!p0 [hbm4b:s1+s0], $0x80, v4, vm1, $0xb8;
	[tilespmem:$0x1F800] =	vst v63  }
0x2c1: {  	v4 =	vld.msk @!p0 [tilespmem:$0x120], $0xff;
	_ =	sdelay $0x4  }
0x2c2: {  	v7 =	vshll.u32 @!p0 v4, $0x1  }
0x2c3: {  	v4 =	vand.u32 @!p0 $0x7, v4;
	v7 =	vand.u32 @!p0 $0xFFFFFFF0, v7  }
0x2c4: {  	v4 =	vor.u32 @!p0 v4, v7  }
0x2c5: {  	v4 =	vperm.xlane @!p0 v4, v5;
	_ =	sdelay $0x1  }
0x2c6: {  	v4 =	vadd.s32 @!p0 v16, v4;
	_ =	sdelay $0x3  }
0x2c7: {  	s2 =	simm.s32 @!p0 $0x4A80  }
0x2c8: {  	[tilespmem:s2], [sflag:$0x3] =	stream.indirect_vreg.gather @!p0 [hbm4b:s1+s0], $0x80, v4, vm1, $0xb8;
	[tilespmem:$0x1F800] =	vst v63  }
0x2c9: {  	_ =	swait.ge [sflag:s25], $0x140  }
0x2ca: {  	[sflag:s25] =	ssyncset.done $0x0  }
0x2cb: {  	[sflag:s25] =	ssyncadd.s32 $0xFFFFFEC0  }
0x2cc: {  	_ =	swait.ge [sflag:s26], $0x2800  }
0x2cd: {  	[sflag:s26] =	ssyncset.done $0x0  }
0x2ce: {  	[sflag:s26] =	ssyncadd.s32 $0xFFFFD800  }
0x2cf: {  	_ =	swait.ge [sflag:s8], $0x1400  }
0x2d0: {  	[sflag:s8] =	ssyncset.done $0x0  }
0x2d1: {  	[sflag:s8] =	ssyncadd.s32 $0xFFFFEC00  }
0x2d2: {  	_ =	swait.ge [sflag:s8], $0x2800  }
0x2d3: {  	s2 =	rddreg [dreg:$0x14]  }
0x2d4: {  	s2 =	sadd.s32 @!p0 s11, s2  }
0x2d5: {  	[sflag:s8] =	ssyncset.done $0x0;
	s2 =	sshrl.u32 @!p0 s2, $0x3  }
0x2d6: {  	s12 =	simm.s32 @!p0 $0x80;
	[sflag:s8] =	ssyncadd.s32 $0xFFFFD800;
	s4 =	sadd.s32 @!p0 s6, s2  }
0x2d7: {  	[tilespmem:s12], [sflag:$0x2] =	stream.linear.gather @!p0 [hbm4b:s4+s0], $0x28, $0x38;
	[tilespmem:$0x1F800] =	vst v63  }
0x2d8: {  	s2 =	sadd.s32 @!p0 s7, s2;
	s4 =	simm.s32 @!p0 $0x180  }
0x2d9: {  	v0 =	vld [tilespmem:$0x1FDE0];
	[tilespmem:s4], [sflag:$0x2] =	stream.linear.gather @!p0 [hbm4b:s2+s0], $0x28, $0x38  }
0x2da: {  	v4 =	vld [tilespmem:$0x80]  }
0x2db: {  	v55 =	vmov v10;
	v10 =	vld [tilespmem:$0x1FEA0]  }
0x2dc: {  	v5 =	vld [tilespmem:$0x90]  }
0x2dd: {  	s15 =	simm.s32 $0x0;
	v41 =	vmovc v15;
	v15 =	vmovc v20;
	v20 =	vmov v21;
	v21 =	vmov v11;
	v51 =	vor.u32 $0x140D, v3;
	v11 =	vld [tilespmem:$0x1FEB0]  }
0x2de: {  	[tilespmem:$0x1FC20] =	vst v51;
	v1 =	vor.u32 s15, v0;
	v7 =	vld [tilespmem:$0x98]  }
0x2df: {  	v44 =	vmov v12;
	v12 =	vld [tilespmem:$0x1FE40];
	[tilespmem:$0x1FC10] =	vst v1;
	v16 =	vshrl.u32 v4, $0x4  }
0x2e0: {  	[tilespmem:$0x200] =	vst v4;
	v4 =	vadd.s32 $0x2800, v16;
	v16 =	vshll.u32 v1, $0x7;
	v1 =	vld [tilespmem:$0x1FEC0]  }
0x2e1: {  	v53 =	vmov v6;
	v6 =	vld [tilespmem:$0x1FE20];
	[tilespmem:$0x228] =	vst v4;
	v4 =	vshrl.u32 v5, $0x4  }
0x2e2: {  	[tilespmem:$0x210] =	vst v5;
	v5 =	vadd.s32 v51, v16;
	v4 =	vadd.s32 $0x2800, v4  }
0x2e3: {  	v61 =	vmov v14;
	v14 =	vld [tilespmem:$0x1FED0];
	v26 =	vadd.s32 v10, v16;
	[tilespmem:$0x238] =	vst v4;
	v4 =	vshrl.u32 v7, $0x4  }
0x2e4: {  	v63 =	vld [tilespmem:$0x1FE80];
	[tilespmem:$0x218] =	vst v7;
	v27 =	vadd.s32 v11, v16;
	v4 =	vadd.s32 $0x2800, v4  }
0x2e5: {  	v62 =	vld [tilespmem:$0x1FE90];
	v28 =	vadd.s32 v12, v16;
	v24 =	vadd.s32 v1, v16;
	v1 =	vor.u32 $0x140E, v3;
	[tilespmem:$0x240] =	vst v4  }
0x2e6: {  	v60 =	vmov s15;
	v10 =	vmov v3;
	v48 =	vadd.s32 v6, v16;
	v3 =	vld [tilespmem:$0x1FE60];
	[tilespmem:$0x1FC00] =	vst v1  }
0x2e7: {  	v47 =	vshll.u32 v60, $0x8;
	v5 =	vld.idx.msk [tilespmem:v5+s3+$0x0], $0xffff  }
0x2e8: {  	v33 =	vand.u32 $0x3800, v47;
	v35 =	vand.u32 $0x380, v16;
	v36 =	vadd.s32 v14, v16;
	v26 =	vld.idx.msk [tilespmem:v26+s3+$0x0], $0xffff  }
0x2e9: {  	v33 =	vor.u32 v35, v33;
	v7 =	vadd.s32 v63, v16;
	v27 =	vld.idx.msk [tilespmem:v27+s3+$0x0], $0xffff  }
0x2ea: {  	v33 =	vadd.s32 $0x2800, v33;
	v28 =	vld.idx.msk [tilespmem:v28+s3+$0x0], $0xffff  }
0x2eb: {  	v54 =	vor.u32 v15, v33;
	v34 =	vld.idx.msk [tilespmem:v48+s3+$0x0], $0xffff  }
0x2ec: {  	v56 =	vor.u32 v20, v33;
	v45 =	vadd.s32 v3, v16;
	v3 =	vmov v0;
	v0 =	vld [tilespmem:$0x1FE30]  }
0x2ed: {  	v57 =	vor.u32 v41, v33;
	v36 =	vld.idx.msk [tilespmem:v36+s3+$0x0], $0xffff  }
0x2ee: {  	v47 =	vor.u32 v9, v33;
	v7 =	vld.idx.msk [tilespmem:v7+s3+$0x0], $0xffff  }
0x2ef: {  	v4 =	vadd.s32 v62, v16;
	v25 =	vadd.s32 v1, v16;
	v1 =	vmovc v22;
	v22 =	vmov v13;
	v13 =	vld [tilespmem:$0x1FE50]  }
0x2f0: {  	v37 =	vld.idx.msk [tilespmem:v54+s9+$0x0], $0xffff  }
0x2f1: {  	v38 =	vld.idx.msk [tilespmem:v56+s9+$0x0], $0xffff;
	v52 =	vadd.s32 v0, v16  }
0x2f2: {  	v40 =	vld.idx.msk [tilespmem:v57+s9+$0x0], $0xffff  }
0x2f3: {  	v42 =	vmov v17;
	v47 =	vld.idx.msk [tilespmem:v47+s9+$0x0], $0xffff  }
0x2f4: {  	v48 =	vor.u32 v42, v33;
	v30 =	vld.idx.msk [tilespmem:v4+s3+$0x0], $0xffff  }
0x2f5: {  	v39 =	vor.u32 v1, v33;
	v4 =	vld [tilespmem:$0x1FE10]  }
0x2f6: {  	v35 =	vld.idx.msk [tilespmem:v52+s3+$0x0], $0xffff;
	v52 =	vor.u32 v21, v33  }
0x2f7: {  	v24 =	vld.idx.msk [tilespmem:v24+s3+$0x0], $0xffff  }
0x2f8: {  	v54 =	vor.u32 v44, v33;
	v25 =	vld.idx.msk [tilespmem:v25+s3+$0x0], $0xffff  }
0x2f9: {  	v17 =	vmov v41;
	v41 =	vld.idx.msk [tilespmem:v48+s9+$0x0], $0xffff  }
0x2fa: {  	v39 =	vld.idx.msk [tilespmem:v39+s9+$0x0], $0xffff;
	v46 =	vadd.s32 v4, v16  }
0x2fb: {  	v59 =	vmov v19;
	v19 =	vmov v42;
	v56 =	vor.u32 v22, v33;
	v42 =	vld.idx.msk [tilespmem:v52+s9+$0x0], $0xffff  }
0x2fc: {  	v57 =	vor.u32 v10, v33;
	v52 =	vld [tilespmem:$0x1FE70]  }
0x2fd: {  	v48 =	vor.u32 v55, v33;
	v43 =	vld.idx.msk [tilespmem:v54+s9+$0x0], $0xffff  }
0x2fe: {  	v29 =	vadd.s32 v13, v16;
	v31 =	vld.idx.msk [tilespmem:v45+s3+$0x0], $0xffff  }
0x2ff: {  	v32 =	vld.idx.msk [tilespmem:v46+s3+$0x0], $0xffff;
	v46 =	vor.u32 v8, v33  }
0x300: {  	v21 =	vmov v44;
	v44 =	vld.idx.msk [tilespmem:v56+s9+$0x0], $0xffff;
	v56 =	vor.u32 v61, v33  }
0x301: {  	v58 =	vmovc v18;
	v18 =	vmov v23;
	v23 =	vmov v55;
	v45 =	vld.idx.msk [tilespmem:v57+s9+$0x0], $0xffff;
	v55 =	vadd.s32 v52, v16  }
0x302: {  	v57 =	vor.u32 v58, v33;
	v48 =	vld.idx.msk [tilespmem:v48+s9+$0x0], $0xffff  }
0x303: {  	v0 =	vmov v58;
	v58 =	vor.u32 v59, v33;
	v29 =	vld.idx.msk [tilespmem:v29+s3+$0x0], $0xffff  }
0x304: {  	v8 =	vor.u32 $0x140F, v10;
	v33 =	vor.u32 v18, v33;
	v46 =	vld.idx.msk [tilespmem:v46+s9+$0x0], $0xffff  }
0x305: {  	v5 =	vmul.f32 v38, v5;
	v56 =	vld.idx.msk [tilespmem:v56+s9+$0x0], $0xffff;
	v16 =	vadd.s32 v8, v16  }
0x306: {  	v7 =	vmul.f32 v40, v7;
	v36 =	vmul.f32 v47, v36;
	v55 =	vld.idx.msk [tilespmem:v55+s3+$0x0], $0xffff  }
0x307: {  	v24 =	vmul.f32 v37, v24;
	v30 =	vmul.f32 v41, v30;
	v57 =	vld.idx.msk [tilespmem:v57+s9+$0x0], $0xffff  }
0x308: {  	v58 =	vld.idx.msk [tilespmem:v58+s9+$0x0], $0xffff;
	v29 =	vmul.f32 v43, v29;
	v32 =	vmul.f32 v45, v32  }
0x309: {  	v36 =	vadd.f32 $0.0e+00, v36;
	v35 =	vmul.f32 v48, v35;
	v33 =	vld.idx.msk [tilespmem:v33+s9+$0x0], $0xffff;
	v34 =	vmul.f32 v46, v34  }
0x30a: {  	v31 =	vmul.f32 v44, v31;
	v32 =	vadd.f32 $0.0e+00, v32;
	v28 =	vmul.f32 v42, v28;
	v16 =	vld.idx.msk [tilespmem:v16+s3+$0x0], $0xffff  }
0x30b: {  	v35 =	vadd.f32 $0.0e+00, v35;
	v34 =	vadd.f32 $0.0e+00, v34;
	v37 =	vmul.f32 v56, v55  }
0x30c: {  	v26 =	vmul.f32 v57, v26;
	v31 =	vadd.f32 v31, v36;
	v28 =	vadd.f32 v28, v32  }
0x30d: {  	v27 =	vmul.f32 v58, v27;
	v29 =	vadd.f32 v29, v34;
	v38 =	vadd.f32 v37, v35  }
0x30e: {  	v25 =	vmul.f32 v39, v25;
	v26 =	vadd.f32 v26, v31;
	v7 =	vadd.f32 v7, v28  }
0x30f: {  	v28 =	vadd.f32 v30, v29;
	v16 =	vmul.f32 v33, v16;
	v27 =	vadd.f32 v27, v38  }
0x310: {  	v7 =	vadd.f32 v24, v7;
	v24 =	vadd.f32 v25, v26  }
0x311: {  	v5 =	vadd.f32 v5, v28;
	v16 =	vadd.f32 v16, v27;
	_ =	sdelay $0x1  }
0x312: {  	v5 =	vadd.f32 v5, v7;
	v7 =	vadd.f32 v16, v24;
	_ =	sdelay $0x1  }
0x313: {  	v5 =	vadd.f32 v7, v5  }
0x314: {  	s16 =	simm.s32 $0x7A80  }
0x315: {  	s12 =	simm.s32 $0x0;
	[tilespmem:s16+$0x0] =	vst v5  }
0x316: {  	s19 =	simm.s32 $0x2;
	[tilespmem:s12+$0x9000] =	vst v2  }
0x317: {  	v7 =	vor.u32 s19, v3;
	[tilespmem:s12+$0x9080] =	vst v2  }
0x318: {  	[tilespmem:$0x1FC30] =	vst v7  }
0x319: {  	[tilespmem:s12+$0x9010] =	vst v2  }
0x31a: {  	[tilespmem:s12+$0x9090] =	vst v2  }
0x31b: {  	v55 =	vld [tilespmem:$0x1FEC0];
	[tilespmem:s12+$0x9020] =	vst v2  }
0x31c: {  	v7 =	vshll.u32 v7, $0x7;
	[tilespmem:s12+$0x90A0] =	vst v2  }
0x31d: {  	v24 =	vadd.s32 v51, v7;
	v51 =	vld [tilespmem:$0x1FC00];
	[tilespmem:s12+$0x9030] =	vst v2  }
0x31e: {  	[tilespmem:s12+$0x90B0] =	vst v2  }
0x31f: {  	[tilespmem:s12+$0x9040] =	vst v2  }
0x320: {  	v3 =	vld [tilespmem:$0x1FEA0];
	[tilespmem:s12+$0x90C0] =	vst v2  }
0x321: {  	[tilespmem:s12+$0x9050] =	vst v2  }
0x322: {  	v26 =	vadd.s32 v63, v7;
	[tilespmem:s12+$0x90D0] =	vst v2  }
0x323: {  	[tilespmem:s12+$0x9060] =	vst v2  }
0x324: {  	v27 =	vadd.s32 v62, v7;
	[tilespmem:s12+$0x90E0] =	vst v2  }
0x325: {  	v29 =	vadd.s32 v11, v7;
	v40 =	vadd.s32 v12, v7;
	v11 =	vld [tilespmem:$0x1FE60]  }
0x326: {  	v41 =	vadd.s32 v13, v7;
	[tilespmem:s12+$0x9070] =	vst v2;
	v24 =	vld.idx.msk [tilespmem:v24+s3+$0x0], $0xffff  }
0x327: {  	[tilespmem:s12+$0x90F0] =	vst v2;
	v26 =	vld.idx.msk [tilespmem:v26+s3+$0x0], $0xffff  }
0x328: {  	v43 =	vadd.s32 v4, v7;
	v4 =	vld [tilespmem:$0x1FC10]  }
0x329: {  	v58 =	vmov s19;
	v48 =	vadd.s32 v6, v7;
	v27 =	vld.idx.msk [tilespmem:v27+s3+$0x0], $0xffff  }
0x32a: {  	v47 =	vshll.u32 v58, $0x8;
	v44 =	vadd.s32 v14, v7;
	v30 =	vld.idx.msk [tilespmem:v40+s3+$0x0], $0xffff  }
0x32b: {  	v34 =	vand.u32 $0x3800, v47;
	v5 =	vmul.f32 $1.442695020e+00, v5;
	v56 =	vand.u32 $0x380, v7;
	v31 =	vld.idx.msk [tilespmem:v41+s3+$0x0], $0xffff  }
0x32c: {  	v54 =	vmov v18;
	v34 =	vor.u32 v56, v34;
	v18 =	vld [tilespmem:$0x1FE30]  }
0x32d: {  	(erf) = vpow2.f32 v5;
	v34 =	vadd.s32 $0x2800, v34;
	v5 =	vld.idx.msk [tilespmem:v43+s3+$0x0], $0xffff  }
0x32e: {  	v47 =	vor.u32 v20, v34;
	v35 =	vld.idx.msk [tilespmem:v48+s3+$0x0], $0xffff  }
0x32f: {  	v56 =	vor.u32 v1, v34;
	v38 =	vld.idx.msk [tilespmem:v44+s3+$0x0], $0xffff  }
0x330: {  	v48 =	vor.u32 v0, v34;
	v57 =	vld.idx.msk [tilespmem:v4+s18+$0x0], $0xffff  }
0x331: {  	v13 =	vld [tilespmem:$0x1FF50];
	v16 =	vadd.s32 v55, v7  }
0x332: {  	v0 =	vld [tilespmem:$0x1FFA0];
	v25 =	vadd.s32 v51, v7  }
0x333: {  	v28 =	vadd.s32 v3, v7;
	v33 =	vld.idx.msk [tilespmem:v47+s9+$0x0], $0xffff  }
0x334: {  	v40 =	vld.idx.msk [tilespmem:v56+s9+$0x0], $0xffff;
	v42 =	vadd.s32 v11, v7  }
0x335: {  	v45 =	vadd.s32 v18, v7;
	v39 =	vld.idx.msk [tilespmem:v48+s9+$0x0], $0xffff;
	v4 =	vshll.u32 v60, $0x7;
	v37 =	vshll.u32 v57, $0x3  }
0x336: {  	v56 =	vor.u32 v13, v34;
	v16 =	vld.idx.msk [tilespmem:v16+s3+$0x0], $0xffff;
	v4 =	vadd.s32 v53, v4;
	v37 =	vand.u32 $0x78, v37  }
0x337: {  	v48 =	vor.u32 v9, v34;
	v25 =	vld.idx.msk [tilespmem:v25+s3+$0x0], $0xffff;
	v4 =	vor.u32 v4, v37  }
0x338: {  	v28 =	vld.idx.msk [tilespmem:v28+s3+$0x0], $0xffff;
	v60 =	vor.u32 v19, v34;
	v4 =	vor.u32 v0, v4  }
0x339: {  	v32 =	vld.idx.msk [tilespmem:v42+s3+$0x0], $0xffff  }
0x33a: {  	v36 =	vld.idx.msk [tilespmem:v45+s3+$0x0], $0xffff;
	v57 =	vor.u32 v17, v34  }
0x33b: {  	v46 =	vor.u32 v15, v34;
	v43 =	vld.idx.msk [tilespmem:v56+s9+$0x0], $0xffff  }
0x33c: {  	v53 =	vpop (erf);
	v48 =	vld.idx.msk [tilespmem:v48+s9+$0x0], $0xffff  }
0x33d: {  	v42 =	vld.idx.msk [tilespmem:v60+s9+$0x0], $0xffff;
	[tilespmem:v4+s28+$0x0] =	vst.idx.msk $0xffff, v53  }
0x33e: {  	s20 =	simm.s32 $0x0;
	s0 =	sand.u32 $0x3800, s15;
	v12 =	vmov v14;
	v45 =	vor.u32 v22, v34;
	v14 =	vld [tilespmem:$0x1FF90]  }
0x33f: {  	s2 =	sand.u32 $0x300, s20;
	s0 =	sadd.s32 $0x5680, s0;
	v59 =	vmov v10;
	v41 =	vld.idx.msk [tilespmem:v57+s9+$0x0], $0xffff;
	v57 =	vor.u32 v21, v34  }
0x340: {  	s2 =	sadd.s32 s2, s0;
	v60 =	vor.u32 v59, v34;
	v37 =	vld.idx.msk [tilespmem:v46+s9+$0x0], $0xffff  }
0x341: {  	v59 =	vadd.s32 v52, v7;
	v52 =	vor.u32 v61, v34;
	v47 =	vld [tilespmem:s2+$0x0]  }
0x342: {  	v56 =	vor.u32 v23, v34;
	v9 =	vld [tilespmem:$0x1FF40]  }
0x343: {  	v10 =	vmov v8;
	v8 =	vimm.s32 $0x0;
	v45 =	vld.idx.msk [tilespmem:v45+s9+$0x0], $0xffff;
	v4 =	vor.u32 v14, v34  }
0x344: {  	v44 =	vld.idx.msk [tilespmem:v57+s9+$0x0], $0xffff;
	v57 =	vperm.xlane v53, v8  }
0x345: {  	v46 =	vld.idx.msk [tilespmem:v60+s9+$0x0], $0xffff  }
0x346: {  	v52 =	vld.idx.msk [tilespmem:v52+s9+$0x0], $0xffff;
	v47 =	vmul.f32 v47, v57  }
0x347: {  	v16 =	vmul.f32 v37, v16;
	v37 =	vld.idx.msk [tilespmem:v56+s9+$0x0], $0xffff;
	v57 =	vor.u32 v9, v34  }
0x348: {  	v24 =	vmul.f32 v33, v24;
	v33 =	vor.u32 v54, v34;
	[tilespmem:s12+$0x7C00] =	vst v47;
	v4 =	vld.idx.msk [tilespmem:v4+s9+$0x0], $0xffff  }
0x349: {  	v25 =	vmul.f32 v40, v25;
	v7 =	vadd.s32 v10, v7;
	v28 =	vmul.f32 v39, v28;
	v61 =	vld [tilespmem:s2+$0x10]  }
0x34a: {  	v30 =	vmul.f32 v43, v30;
	v0 =	vimm.s32 $0x1;
	v27 =	vmul.f32 v42, v27;
	v47 =	vld.idx.msk [tilespmem:v59+s3+$0x0], $0xffff  }
0x34b: {  	v29 =	vld.idx.msk [tilespmem:v29+s3+$0x0], $0xffff;
	v56 =	vperm.xlane v53, v0;
	v5 =	vmul.f32 v46, v5  }
0x34c: {  	v36 =	vmul.f32 v37, v36;
	v54 =	vld.idx.msk [tilespmem:v57+s9+$0x0], $0xffff;
	v57 =	vmul.f32 v48, v38  }
0x34d: {  	v33 =	vld.idx.msk [tilespmem:v33+s9+$0x0], $0xffff;
	v32 =	vmul.f32 v45, v32;
	v5 =	vadd.f32 $0.0e+00, v5;
	v4 =	vmul.f32 v4, v35  }
0x34e: {  	v7 =	vld.idx.msk [tilespmem:v7+s3+$0x0], $0xffff;
	v36 =	vadd.f32 $0.0e+00, v36;
	v34 =	vmul.f32 v61, v56;
	v35 =	vadd.f32 $0.0e+00, v57  }
0x34f: {  	v31 =	vmul.f32 v44, v31;
	v59 =	vmul.f32 v52, v47;
	v4 =	vadd.f32 $0.0e+00, v4  }
0x350: {  	v26 =	vmul.f32 v41, v26;
	v5 =	vadd.f32 v30, v5;
	[tilespmem:s12+$0x7C10] =	vst v34;
	v61 =	vadd.f32 v32, v35  }
0x351: {  	v38 =	vadd.f32 v59, v36;
	v29 =	vmul.f32 v54, v29;
	v60 =	vld [tilespmem:s2+$0x20];
	v4 =	vadd.f32 v31, v4  }
0x352: {  	v0 =	vimm.s32 $0x2;
	v5 =	vadd.f32 v26, v5;
	v26 =	vadd.f32 v28, v61  }
0x353: {  	v7 =	vmul.f32 v33, v7;
	v4 =	vadd.f32 v27, v4;
	v27 =	vadd.f32 v29, v38  }
0x354: {  	v5 =	vadd.f32 v16, v5;
	v28 =	vperm.xlane v53, v0;
	v16 =	vadd.f32 v25, v26  }
0x355: {  	v4 =	vadd.f32 v24, v4;
	v7 =	vadd.f32 v7, v27  }
0x356: {  	v24 =	vmul.f32 v60, v28  }
0x357: {  	v4 =	vadd.f32 v4, v5;
	v5 =	vadd.f32 v7, v16  }
0x358: {  	[tilespmem:s12+$0x7C20] =	vst v24  }
0x359: {  	v7 =	vld [tilespmem:s2+$0x30];
	v4 =	vadd.f32 v5, v4  }
0x35a: {  	s15 =	simm.s32 $0x7A90;
	v0 =	vld [tilespmem:$0x1FDE0]  }
0x35b: {  	s13 =	simm.s32 $0x100;
	[tilespmem:s15+$0x0] =	vst v4  }
0x35c: {  	v24 =	vperm.xlane v53, v49;
	v1 =	vld [tilespmem:$0x1FC20];
	[tilespmem:s13+$0x9000] =	vst v2  }
0x35d: {  	[tilespmem:s13+$0x9080] =	vst v2  }
0x35e: {  	s16 =	simm.s32 $0x4;
	[tilespmem:s13+$0x9010] =	vst v2;
	v7 =	vmul.f32 v7, v24  }
0x35f: {  	[tilespmem:s13+$0x9090] =	vst v2;
	v56 =	vor.u32 s16, v0  }
0x360: {  	v16 =	vshll.u32 v56, $0x7;
	[tilespmem:s12+$0x7C30] =	vst v7  }
0x361: {  	v20 =	vmov v3;
	v7 =	vadd.s32 v3, v16;
	v3 =	vld [tilespmem:$0x1FEB0];
	_ =	sdelay $0x3  }
0x362: {  	[tilespmem:s13+$0x9020] =	vst v2  }
0x363: {  	v21 =	vmov v3;
	v29 =	vadd.s32 v3, v16;
	v3 =	vld [tilespmem:$0x1FE40];
	_ =	sdelay $0x3  }
0x364: {  	[tilespmem:s13+$0x90A0] =	vst v2  }
0x365: {  	[tilespmem:s13+$0x9030] =	vst v2;
	v22 =	vmov v3;
	v39 =	vadd.s32 v3, v16;
	v3 =	vimm.s32 $0x4  }
0x366: {  	v40 =	vperm.xlane v53, v3;
	v3 =	vld [tilespmem:$0x1FE50];
	_ =	sdelay $0x2  }
0x367: {  	[tilespmem:s13+$0x90B0] =	vst v2  }
0x368: {  	v28 =	vld [tilespmem:s2+$0x40];
	[tilespmem:s13+$0x9040] =	vst v2  }
0x369: {  	v15 =	vmov v3;
	v41 =	vadd.s32 v3, v16;
	v3 =	vld [tilespmem:$0x1FE10];
	_ =	sdelay $0x3  }
0x36a: {  	v28 =	vmul.f32 v28, v40;
	[tilespmem:s13+$0x90C0] =	vst v2  }
0x36b: {  	v19 =	vmov v3;
	v43 =	vadd.s32 v3, v16;
	v3 =	vld [tilespmem:$0x1FE20]  }
0x36c: {  	[tilespmem:s12+$0x7C40] =	vst v28  }
0x36d: {  	[tilespmem:s13+$0x9050] =	vst v2  }
0x36e: {  	[tilespmem:s13+$0x90D0] =	vst v2  }
0x36f: {  	[tilespmem:s13+$0x9060] =	vst v2  }
0x370: {  	v17 =	vmovc v11;
	v42 =	vadd.s32 v11, v16;
	[tilespmem:s13+$0x90E0] =	vst v2;
	v11 =	vmovc v3;
	v44 =	vadd.s32 v3, v16;
	v3 =	vimm.s32 $0x5  }
0x371: {  	v57 =	vmov s16;
	v52 =	vperm.xlane v53, v3;
	v3 =	vld [tilespmem:$0x1FEE0]  }
0x372: {  	v28 =	vshll.u32 v57, $0x8  }
0x373: {  	v47 =	vand.u32 $0x380, v16;
	v28 =	vand.u32 $0x3800, v28  }
0x374: {  	v28 =	vor.u32 v47, v28  }
0x375: {  	v28 =	vadd.s32 $0x2800, v28;
	[tilespmem:s13+$0x9070] =	vst v2  }
0x376: {  	v8 =	vmovc v0;
	v0 =	vmov v55;
	v5 =	vadd.s32 v55, v16;
	v55 =	vor.u32 v3, v28;
	v3 =	vld [tilespmem:$0x1FEF0];
	_ =	sdelay $0x3  }
0x377: {  	[tilespmem:s13+$0x90F0] =	vst v2  }
0x378: {  	v59 =	vor.u32 v3, v28;
	v3 =	vld [tilespmem:$0x1FF00];
	_ =	sdelay $0x4  }
0x379: {  	v60 =	vor.u32 v3, v28;
	v3 =	vld [tilespmem:$0x1FC30];
	_ =	sdelay $0x5  }
0x37a: {  	v46 =	vld [tilespmem:s2+$0x50];
	_ =	sdelay $0x1  }
0x37b: {  	v61 =	vld.idx.msk [tilespmem:v3+s18+$0x0], $0xffff  }
0x37c: {  	v3 =	vld [tilespmem:$0x1FF10];
	_ =	sdelay $0x1  }
0x37d: {  	v26 =	vadd.s32 v51, v16;
	v36 =	vmul.f32 v46, v52  }
0x37e: {  	v24 =	vadd.s32 v63, v16  }
0x37f: {  	v27 =	vadd.s32 v62, v16;
	[tilespmem:s12+$0x7C50] =	vst v36  }
0x380: {  	v54 =	vmovc v1;
	v25 =	vadd.s32 v1, v16;
	v1 =	vmov v62;
	v62 =	vor.u32 v3, v28;
	v3 =	vld [tilespmem:$0x1FF20]  }
0x381: {  	v5 =	vld.idx.msk [tilespmem:v5+s3+$0x0], $0xffff  }
0x382: {  	v45 =	vadd.s32 v12, v16;
	v26 =	vld.idx.msk [tilespmem:v26+s3+$0x0], $0xffff  }
0x383: {  	v24 =	vld.idx.msk [tilespmem:v24+s3+$0x0], $0xffff  }
0x384: {  	v27 =	vld.idx.msk [tilespmem:v27+s3+$0x0], $0xffff  }
0x385: {  	v6 =	vmov v51;
	v51 =	vmov v63;
	v63 =	vor.u32 v3, v28;
	v3 =	vld [tilespmem:$0x1FF30]  }
0x386: {  	v7 =	vld.idx.msk [tilespmem:v7+s3+$0x0], $0xffff  }
0x387: {  	v35 =	vld.idx.msk [tilespmem:v45+s3+$0x0], $0xffff  }
0x388: {  	v40 =	vor.u32 v9, v28;
	v9 =	vld [tilespmem:$0x1FFC0]  }
0x389: {  	v4 =	vmul.f32 $1.442695020e+00, v4;
	v30 =	vld.idx.msk [tilespmem:v39+s3+$0x0], $0xffff  }
0x38a: {  	v48 =	vadd.s32 v18, v16;
	v39 =	vld.idx.msk [tilespmem:v55+s9+$0x0], $0xffff;
	v55 =	vor.u32 v3, v28;
	v3 =	vimm.s32 $0x6  }
0x38b: {  	(erf) = vpow2.f32 v4;
	v4 =	vld.idx.msk [tilespmem:v59+s9+$0x0], $0xffff  }
0x38c: {  	v59 =	vshll.u32 v58, $0x7;
	v38 =	vld.idx.msk [tilespmem:v60+s9+$0x0], $0xffff  }
0x38d: {  	v45 =	vadd.s32 v9, v59;
	v60 =	vperm.xlane v53, v3;
	v3 =	vmov v9;
	v9 =	vld [tilespmem:$0x1FF60]  }
0x38e: {  	v33 =	vld.idx.msk [tilespmem:v42+s3+$0x0], $0xffff  }
0x38f: {  	v37 =	vld.idx.msk [tilespmem:v48+s3+$0x0], $0xffff  }
0x390: {  	v25 =	vld.idx.msk [tilespmem:v25+s3+$0x0], $0xffff  }
0x391: {  	v42 =	vld.idx.msk [tilespmem:v62+s9+$0x0], $0xffff  }
0x392: {  	v62 =	vor.u32 v9, v28;
	v9 =	vld [tilespmem:$0x1FF70]  }
0x393: {  	v52 =	vld [tilespmem:s2+$0x60]  }
0x394: {  	v29 =	vld.idx.msk [tilespmem:v29+s3+$0x0], $0xffff  }
0x395: {  	v32 =	vld.idx.msk [tilespmem:v41+s3+$0x0], $0xffff;
	v41 =	vshll.u32 v61, $0x3;
	v61 =	vor.u32 v13, v28  }
0x396: {  	v36 =	vld.idx.msk [tilespmem:v63+s9+$0x0], $0xffff  }
0x397: {  	v63 =	vor.u32 v9, v28;
	v9 =	vld [tilespmem:$0x1FFA0]  }
0x398: {  	v31 =	vld.idx.msk [tilespmem:v43+s3+$0x0], $0xffff;
	v43 =	vmul.f32 v52, v60  }
0x399: {  	v34 =	vld.idx.msk [tilespmem:v44+s3+$0x0], $0xffff  }
0x39a: {  	v41 =	vand.u32 $0x78, v41;
	v47 =	vld.idx.msk [tilespmem:v61+s9+$0x0], $0xffff;
	[tilespmem:s12+$0x7C60] =	vst v43  }
0x39b: {  	v23 =	vmov v10;
	v58 =	vor.u32 v14, v28;
	v41 =	vor.u32 v45, v41;
	v10 =	vld [tilespmem:$0x1FFF0]  }
0x39c: {  	v52 =	vmov v9;
	v41 =	vor.u32 v9, v41;
	v9 =	vld [tilespmem:$0x1FF80]  }
0x39d: {  	v44 =	vld.idx.msk [tilespmem:v55+s9+$0x0], $0xffff  }
0x39e: {  	v46 =	vld [tilespmem:s2+$0x70]  }
0x39f: {  	v45 =	vld.idx.msk [tilespmem:v63+s9+$0x0], $0xffff  }
0x3a0: {  	v55 =	vpop (erf);
	v63 =	vld.idx.msk [tilespmem:v58+s9+$0x0], $0xffff  }
0x3a1: {  	s4 =	simm.s32 $0x200;
	v59 =	vor.u32 v10, v28;
	v43 =	vor.u32 v9, v28;
	v9 =	vmovc v10;
	v10 =	vimm.s32 $0x7;
	[tilespmem:v41+s28+$0x0] =	vst.idx.msk $0xffff, v55  }
0x3a2: {  	s21 =	simm.s32 $0x100;
	s22 =	sand.u32 $0x3800, s4;
	v60 =	vperm.xlane v53, v10;
	v13 =	vld [tilespmem:$0x1FFE0]  }
0x3a3: {  	s31 =	sadd.s32 $0x5680, s22;
	s2 =	sand.u32 $0x300, s21;
	v14 =	vld [tilespmem:$0x1FE70]  }
0x3a4: {  	s2 =	sadd.s32 s2, s31;
	v58 =	vmul.f32 v39, v5;
	v5 =	vld [tilespmem:$0x1FFD0];
	v46 =	vmul.f32 v46, v60  }
0x3a5: {  	v61 =	vld [tilespmem:s2+$0x0]  }
0x3a6: {  	v60 =	vmul.f32 v4, v25;
	v4 =	vld.idx.msk [tilespmem:v59+s9+$0x0], $0xffff;
	[tilespmem:s12+$0x7C70] =	vst v46  }
0x3a7: {  	v41 =	vor.u32 v13, v28;
	v59 =	vld [tilespmem:$0x1FFB0]  }
0x3a8: {  	s23 =	simm.s32 $0x80;
	v48 =	vld.idx.msk [tilespmem:v62+s9+$0x0], $0xffff;
	v62 =	vadd.s32 v14, v16  }
0x3a9: {  	s14 =	sand.u32 $0x380, s23;
	v40 =	vld.idx.msk [tilespmem:v40+s9+$0x0], $0xffff;
	v10 =	vmovc v13;
	v13 =	vmovc v14;
	v14 =	vmov v5;
	v39 =	vor.u32 v5, v28;
	v5 =	vimm.s32 $0x0  }
0x3aa: {  	s14 =	sadd.s32 s14, s0;
	v43 =	vld.idx.msk [tilespmem:v43+s9+$0x0], $0xffff;
	v25 =	vperm.xlane v55, v5  }
0x3ab: {  	v34 =	vmul.f32 v63, v34;
	v16 =	vadd.s32 v23, v16;
	v5 =	vmul.f32 v38, v26;
	v26 =	vld [tilespmem:s14+$0x0]  }
0x3ac: {  	v25 =	vmul.f32 v61, v25;
	v46 =	vld.idx.msk [tilespmem:v41+s9+$0x0], $0xffff;
	v28 =	vor.u32 v59, v28  }
0x3ad: {  	v24 =	vmul.f32 v42, v24;
	v32 =	vmul.f32 v48, v32;
	v34 =	vadd.f32 $0.0e+00, v34;
	v61 =	vld.idx.msk [tilespmem:v62+s3+$0x0], $0xffff  }
0x3ae: {  	v42 =	vimm.s32 $0x1;
	v27 =	vmul.f32 v36, v27;
	v33 =	vmul.f32 v45, v33;
	[tilespmem:s13+$0x7C00] =	vst v25;
	v25 =	vld.idx.msk [tilespmem:v39+s9+$0x0], $0xffff  }
0x3af: {  	v12 =	vmovc v18;
	v45 =	vperm.xlane v55, v42;
	v48 =	vadd.f32 v32, v34;
	v31 =	vmul.f32 v43, v31;
	v43 =	vld [tilespmem:s2+$0x10]  }
0x3b0: {  	v18 =	vmovc v23;
	v4 =	vmul.f32 v4, v35;
	v23 =	vmov v59;
	v59 =	vmul.f32 v44, v7;
	v44 =	vld.idx.msk [tilespmem:v16+s3+$0x0], $0xffff  }
0x3b1: {  	v27 =	vadd.f32 v27, v48;
	v62 =	vperm.xlane v53, v50;
	v28 =	vld.idx.msk [tilespmem:v28+s9+$0x0], $0xffff;
	v16 =	vmul.f32 v46, v37  }
0x3b2: {  	v4 =	vadd.f32 $0.0e+00, v4;
	v7 =	vmul.f32 v47, v30;
	v31 =	vadd.f32 $0.0e+00, v31  }
0x3b3: {  	v26 =	vmul.f32 v26, v62;
	v25 =	vmul.f32 v25, v61;
	v47 =	vadd.f32 $0.0e+00, v16  }
0x3b4: {  	v7 =	vadd.f32 v7, v31;
	v46 =	vimm.s32 $0x9;
	v50 =	vmul.f32 v43, v45  }
0x3b5: {  	s20 =	simm.s32 $0x180;
	[tilespmem:s12+$0x7C80] =	vst v26;
	v61 =	vmul.f32 v40, v29;
	v16 =	vadd.f32 v33, v4;
	v26 =	vadd.f32 v25, v47  }
0x3b6: {  	s22 =	simm.s32 $0xC00;
	s0 =	simm.s32 $0x180;
	s21 =	simm.s32 $0x800;
	v4 =	vld [tilespmem:s14+$0x10];
	[tilespmem:s13+$0x7C10] =	vst v50;
	v25 =	vadd.f32 v24, v7;
	v7 =	vperm.xlane v53, v46;
	v24 =	vmul.f32 v28, v44  }
.LBB2_7:
0x3b7: {  	_ =	sdelay $0x1  }
0x3b8: {  	v16 =	vadd.f32 v59, v16;
	v26 =	vadd.f32 v61, v26;
	_ =	sdelay $0x1  }
0x3b9: {  	v28 =	vld [tilespmem:s2+$0x20];
	s16 =	sadd.s32 $0x2, s16;
	v5 =	vadd.f32 v5, v16;
	v16 =	vadd.f32 v24, v26;
	v4 =	vmul.f32 v4, v7  }
0x3ba: {  	v29 =	vor.u32 s16, v8;
	v7 =	vadd.f32 v58, v25;
	v25 =	vadd.f32 v60, v27  }
0x3bb: {  	v58 =	vshll.u32 v29, $0x7;
	[tilespmem:s12+$0x7C90] =	vst v4;
	v4 =	vimm.s32 $0x2  }
0x3bc: {  	v5 =	vadd.f32 v16, v5;
	v7 =	vadd.f32 v25, v7;
	v4 =	vperm.xlane v55, v4;
	v24 =	vld [tilespmem:s14+$0x20]  }
0x3bd: {  	v16 =	vadd.s32 v0, v58  }
0x3be: {  	v30 =	vadd.f32 v5, v7;
	v5 =	vimm.s32 $0xA;
	v4 =	vmul.f32 v28, v4  }
0x3bf: {  	v5 =	vperm.xlane v53, v5  }
0x3c0: {  	s15 =	sadd.s32 $0x10, s15;
	[tilespmem:s13+$0x7C20] =	vst v4  }
0x3c1: {  	s23 =	sshra.s32 s21, $0x2;
	v7 =	vadd.s32 v54, v58;
	[tilespmem:s15+$0x0] =	vst v30;
	v5 =	vmul.f32 v24, v5  }
0x3c2: {  	v4 =	vadd.s32 v6, v58;
	v25 =	vld [tilespmem:s2+$0x30];
	[tilespmem:s23+$0x9000] =	vst v2  }
0x3c3: {  	v24 =	vadd.s32 v51, v58;
	v60 =	vld.idx.msk [tilespmem:v16+s3+$0x0], $0xffff;
	[tilespmem:s12+$0x7CA0] =	vst v5  }
0x3c4: {  	v26 =	vadd.s32 v1, v58;
	[tilespmem:s23+$0x9080] =	vst v2  }
0x3c5: {  	v16 =	vperm.xlane v55, v49;
	v27 =	vld [tilespmem:s14+$0x30]  }
0x3c6: {  	v62 =	vld.idx.msk [tilespmem:v7+s3+$0x0], $0xffff;
	[tilespmem:s23+$0x9010] =	vst v2  }
0x3c7: {  	v28 =	vadd.s32 v20, v58;
	v5 =	vld.idx.msk [tilespmem:v4+s3+$0x0], $0xffff;
	[tilespmem:s23+$0x9090] =	vst v2;
	v4 =	vmul.f32 v25, v16  }
0x3c8: {  	v7 =	vadd.s32 v21, v58;
	v59 =	vld.idx.msk [tilespmem:v24+s3+$0x0], $0xffff;
	[tilespmem:s23+$0x9020] =	vst v2  }
0x3c9: {  	v61 =	vld.idx.msk [tilespmem:v26+s3+$0x0], $0xffff;
	[tilespmem:s13+$0x7C30] =	vst v4  }
0x3ca: {  	[tilespmem:s23+$0x90A0] =	vst v2  }
0x3cb: {  	v16 =	vimm.s32 $0xB;
	v26 =	vld [tilespmem:s2+$0x40]  }
0x3cc: {  	v16 =	vperm.xlane v53, v16;
	v4 =	vld.idx.msk [tilespmem:v28+s3+$0x0], $0xffff;
	[tilespmem:s23+$0x9030] =	vst v2  }
0x3cd: {  	v63 =	vld.idx.msk [tilespmem:v7+s3+$0x0], $0xffff;
	v7 =	vimm.s32 $0x4  }
0x3ce: {  	v24 =	vadd.s32 v22, v58;
	v16 =	vmul.f32 v27, v16;
	v32 =	vperm.xlane v55, v7;
	v7 =	vld [tilespmem:$0x1FED0]  }
0x3cf: {  	v44 =	vld [tilespmem:$0x1FEF0];
	v25 =	vadd.s32 v15, v58  }
0x3d0: {  	v38 =	vld [tilespmem:$0x1FF00];
	v27 =	vadd.s32 v17, v58;
	[tilespmem:s12+$0x7CB0] =	vst v16  }
0x3d1: {  	v39 =	vld [tilespmem:$0x1FF10];
	v28 =	vadd.s32 v19, v58;
	[tilespmem:s23+$0x90B0] =	vst v2  }
0x3d2: {  	v31 =	vmov s16;
	v33 =	vld [tilespmem:s14+$0x40]  }
0x3d3: {  	v16 =	vshll.u32 v31, $0x8;
	v35 =	vadd.s32 v7, v58;
	v7 =	vld.idx.msk [tilespmem:v24+s3+$0x0], $0xffff;
	[tilespmem:s23+$0x9040] =	vst v2  }
0x3d4: {  	v36 =	vand.u32 $0x380, v58;
	v24 =	vand.u32 $0x3800, v16;
	v16 =	vld.idx.msk [tilespmem:v25+s3+$0x0], $0xffff;
	[tilespmem:s23+$0x90C0] =	vst v2  }
0x3d5: {  	v26 =	vmul.f32 v26, v32;
	v42 =	vor.u32 v36, v24;
	v24 =	vimm.s32 $0xC;
	v25 =	vld.idx.msk [tilespmem:v27+s3+$0x0], $0xffff;
	[tilespmem:s23+$0x9050] =	vst v2  }
0x3d6: {  	v27 =	vperm.xlane v53, v24;
	v24 =	vld.idx.msk [tilespmem:v28+s3+$0x0], $0xffff  }
0x3d7: {  	v34 =	vadd.s32 v11, v58;
	[tilespmem:s13+$0x7C40] =	vst v26;
	v26 =	vld [tilespmem:$0x1FEE0]  }
0x3d8: {  	v48 =	vld [tilespmem:$0x1FF30]  }
0x3d9: {  	v49 =	vld [tilespmem:$0x1FF40]  }
0x3da: {  	v32 =	vadd.s32 $0x2800, v42;
	v42 =	vld [tilespmem:$0x1FF50];
	[tilespmem:s23+$0x90D0] =	vst v2  }
0x3db: {  	v28 =	vadd.s32 v12, v58;
	v33 =	vmul.f32 v33, v27;
	v37 =	vld [tilespmem:s2+$0x50]  }
0x3dc: {  	v43 =	vor.u32 v26, v32;
	v26 =	vld.idx.msk [tilespmem:v34+s3+$0x0], $0xffff;
	[tilespmem:s23+$0x9060] =	vst v2  }
0x3dd: {  	v27 =	vld.idx.msk [tilespmem:v35+s3+$0x0], $0xffff;
	[tilespmem:s12+$0x7CC0] =	vst v33  }
0x3de: {  	v34 =	vor.u32 v44, v32;
	v44 =	vld [tilespmem:$0x1FF70];
	[tilespmem:s23+$0x90E0] =	vst v2  }
0x3df: {  	v46 =	vld [tilespmem:s14+$0x50]  }
0x3e0: {  	v45 =	vimm.s32 $0x5;
	v28 =	vld.idx.msk [tilespmem:v28+s3+$0x0], $0xffff;
	[tilespmem:s23+$0x9070] =	vst v2  }
0x3e1: {  	v33 =	vperm.xlane v55, v45;
	v36 =	vld.idx.msk [tilespmem:v43+s9+$0x0], $0xffff;
	[tilespmem:s23+$0x90F0] =	vst v2  }
0x3e2: {  	v38 =	vor.u32 v38, v32;
	v47 =	vld.idx.msk [tilespmem:v56+s18+$0x0], $0xffff  }
0x3e3: {  	v33 =	vmul.f32 v37, v33;
	v56 =	vmov v29;
	v29 =	vld [tilespmem:$0x1FF20]  }
0x3e4: {  	v39 =	vor.u32 v39, v32;
	v34 =	vld.idx.msk [tilespmem:v34+s9+$0x0], $0xffff  }
0x3e5: {  	v40 =	vimm.s32 $0xD;
	[tilespmem:s13+$0x7C50] =	vst v33;
	v33 =	vor.u32 v48, v32;
	v48 =	vld [tilespmem:$0x1FF80]  }
0x3e6: {  	v40 =	vperm.xlane v53, v40;
	v41 =	vld [tilespmem:s2+$0x60]  }
0x3e7: {  	v38 =	vld.idx.msk [tilespmem:v38+s9+$0x0], $0xffff  }
0x3e8: {  	v30 =	vmul.f32 $1.442695020e+00, v30;
	v42 =	vor.u32 v42, v32;
	v35 =	vmul.f32 v46, v40;
	v46 =	vld [tilespmem:$0x1FF60]  }
0x3e9: {  	v50 =	vshll.u32 v57, $0x7;
	v39 =	vld.idx.msk [tilespmem:v39+s9+$0x0], $0xffff;
	v40 =	vor.u32 v49, v32  }
0x3ea: {  	(erf) = vpow2.f32 v30;
	v45 =	vimm.s32 $0x6;
	v49 =	vld [tilespmem:$0x1FF90];
	[tilespmem:s12+$0x7CD0] =	vst v35;
	v29 =	vor.u32 v29, v32  }
0x3eb: {  	v30 =	vadd.s32 v3, v50;
	v35 =	vperm.xlane v55, v45;
	v43 =	vld [tilespmem:s14+$0x60]  }
0x3ec: {  	v44 =	vor.u32 v44, v32;
	v37 =	vshll.u32 v47, $0x3;
	v33 =	vld.idx.msk [tilespmem:v33+s9+$0x0], $0xffff;
	v47 =	vimm.s32 $0xE  }
0x3ed: {  	v57 =	vmovc v31;
	v42 =	vld.idx.msk [tilespmem:v42+s9+$0x0], $0xffff;
	v37 =	vand.u32 $0x78, v37;
	v35 =	vmul.f32 v41, v35;
	v31 =	vor.u32 v46, v32  }
0x3ee: {  	v40 =	vld.idx.msk [tilespmem:v40+s9+$0x0], $0xffff;
	v30 =	vor.u32 v30, v37;
	v37 =	vperm.xlane v53, v47  }
0x3ef: {  	v41 =	vor.u32 v48, v32;
	v30 =	vor.u32 v52, v30;
	v29 =	vld.idx.msk [tilespmem:v29+s9+$0x0], $0xffff;
	[tilespmem:s13+$0x7C60] =	vst v35  }
0x3f0: {  	v46 =	vmul.f32 v43, v37;
	v35 =	vld [tilespmem:s2+$0x70]  }
0x3f1: {  	s4 =	sadd.s32 $0x200, s4;
	s20 =	sadd.s32 $0x100, s20;
	v45 =	vor.u32 v9, v32;
	v44 =	vld.idx.msk [tilespmem:v44+s9+$0x0], $0xffff  }
0x3f2: {  	s19 =	sand.u32 $0x3800, s4;
	v50 =	vimm.s32 $0x7;
	v43 =	vor.u32 v49, v32;
	s2 =	sadd.s32 $0xFFFFFF80, s20;
	v31 =	vld.idx.msk [tilespmem:v31+s9+$0x0], $0xffff;
	[tilespmem:s12+$0x7CE0] =	vst v46  }
0x3f3: {  	s19 =	sadd.s32 $0x5680, s19;
	v48 =	vor.u32 v10, v32;
	v37 =	vpop (erf);
	s2 =	sand.u32 $0x300, s2;
	v46 =	vperm.xlane v55, v50;
	v47 =	vld [tilespmem:s14+$0x70]  }
0x3f4: {  	v49 =	vadd.s32 v18, v58;
	v41 =	vld.idx.msk [tilespmem:v41+s9+$0x0], $0xffff;
	[tilespmem:v30+s28+$0x0] =	vst.idx.msk $0xffff, v37;
	s2 =	sadd.s32 s2, s19;
	v30 =	vadd.s32 v13, v58  }
0x3f5: {  	v58 =	vmul.f32 v36, v60;
	v60 =	vimm.s32 $0xF;
	v50 =	vld [tilespmem:s2+$0x0];
	v35 =	vmul.f32 v35, v46  }
0x3f6: {  	v5 =	vmul.f32 v38, v5;
	s14 =	sand.u32 $0x380, s0;
	v36 =	vperm.xlane v53, v60;
	v45 =	vld.idx.msk [tilespmem:v45+s9+$0x0], $0xffff;
	v46 =	vor.u32 v14, v32  }
0x3f7: {  	v38 =	vimm.s32 $0x0;
	v7 =	vmul.f32 v42, v7;
	v60 =	vmul.f32 v34, v62;
	s14 =	sadd.s32 s14, s31;
	v43 =	vld.idx.msk [tilespmem:v43+s9+$0x0], $0xffff;
	[tilespmem:s13+$0x7C70] =	vst v35  }
0x3f8: {  	v34 =	vperm.xlane v37, v38;
	v36 =	vmul.f32 v47, v36;
	v35 =	vld [tilespmem:s14+$0x0]  }
0x3f9: {  	v53 =	vmovc v55;
	v55 =	vmov v37;
	v38 =	vmul.f32 v39, v59;
	v59 =	vmul.f32 v33, v4;
	v37 =	vld.idx.msk [tilespmem:v48+s9+$0x0], $0xffff  }
0x3fa: {  	v32 =	vor.u32 v23, v32;
	v30 =	vld.idx.msk [tilespmem:v30+s3+$0x0], $0xffff;
	v4 =	vmul.f32 v50, v34;
	[tilespmem:s12+$0x7CF0] =	vst v36  }
0x3fb: {  	v39 =	vimm.s32 $0x1;
	v29 =	vmul.f32 v29, v61;
	v61 =	vmul.f32 v40, v63;
	s12 =	smov.u32 s13;
	s13 =	smov.u32 s23;
	v33 =	vld.idx.msk [tilespmem:v46+s9+$0x0], $0xffff  }
0x3fc: {  	v62 =	vperm.xlane v55, v39;
	v25 =	vmul.f32 v44, v25;
	v47 =	vld.idx.msk [tilespmem:v49+s3+$0x0], $0xffff;
	[tilespmem:s13+$0x7C00] =	vst v4  }
0x3fd: {  	v42 =	vimm.s32 $0x9;
	v24 =	vmul.f32 v41, v24;
	v26 =	vmul.f32 v43, v26;
	v36 =	vld [tilespmem:s2+$0x10]  }
0x3fe: {  	v16 =	vmul.f32 v31, v16;
	v50 =	vimm.s32 $0x8;
	v27 =	vmul.f32 v45, v27  }
0x3ff: {  	p0 =	sne.s32 s22, $0x4C00;
	v24 =	vadd.f32 $0.0e+00, v24;
	v46 =	vperm.xlane v53, v50;
	v32 =	vld.idx.msk [tilespmem:v32+s9+$0x0], $0xffff;
	v26 =	vadd.f32 $0.0e+00, v26  }
.Ltmp2:
0x400: {  	v49 =	vimm.s32 $0x3;
	v27 =	vadd.f32 $0.0e+00, v27;
	v28 =	vmul.f32 v37, v28;
	(pc) =	sbr.rel @p0 .LBB2_7-.Ltmp2, $4  }
0x401: {  	v24 =	vadd.f32 v7, v24;
	v4 =	vmul.f32 v35, v46;
	v63 =	vadd.f32 v16, v26  }
0x402: {  	v28 =	vadd.f32 $0.0e+00, v28;
	v30 =	vmul.f32 v33, v30;
	v34 =	vmul.f32 v36, v62  }
0x403: {  	s21 =	smov.u32 s22;
	v7 =	vperm.xlane v53, v42;
	v16 =	vadd.f32 v25, v27;
	v25 =	vadd.f32 v38, v24;
	[tilespmem:s12+$0x7C80] =	vst v4  }
0x404: {  	s22 =	sadd.s32 $0x400, s22;
	s0 =	smov.u32 s20;
	s31 =	smov.u32 s19;
	v27 =	vadd.f32 v29, v63;
	v4 =	vld [tilespmem:s14+$0x10];
	v24 =	vmul.f32 v32, v47;
	v26 =	vadd.f32 v30, v28;
	[tilespmem:s13+$0x7C10] =	vst v34  }
0x405: {  	_ = 	snop  }
0x406: {  	v16 =	vadd.f32 v59, v16;
	v26 =	vadd.f32 v61, v26  }
0x407: {  	v25 =	vadd.f32 v58, v25;
	v27 =	vadd.f32 v60, v27  }
0x408: {  	v5 =	vadd.f32 v5, v16;
	v16 =	vadd.f32 v24, v26;
	_ =	sdelay $0x1  }
0x409: {  	v48 =	vadd.f32 v27, v25;
	v5 =	vadd.f32 v16, v5;
	_ =	sdelay $0x1  }
0x40a: {  	v5 =	vadd.f32 v5, v48  }
0x40b: {  	s15 =	sadd.s32 $0x10, s15  }
0x40c: {  	s23 =	sshra.s32 s21, $0x2;
	[tilespmem:s15+$0x0] =	vst v5  }
0x40d: {  	[tilespmem:s23+$0x9000] =	vst v2  }
0x40e: {  	[tilespmem:s23+$0x9080] =	vst v2  }
0x40f: {  	[tilespmem:s23+$0x9010] =	vst v2  }
0x410: {  	[tilespmem:s23+$0x9090] =	vst v2  }
0x411: {  	[tilespmem:s23+$0x9020] =	vst v2  }
0x412: {  	[tilespmem:s23+$0x90A0] =	vst v2  }
0x413: {  	[tilespmem:s23+$0x9030] =	vst v2  }
0x414: {  	[tilespmem:s23+$0x90B0] =	vst v2  }
0x415: {  	[tilespmem:s23+$0x9040] =	vst v2  }
0x416: {  	[tilespmem:s23+$0x90C0] =	vst v2  }
0x417: {  	[tilespmem:s23+$0x9050] =	vst v2  }
0x418: {  	[tilespmem:s23+$0x90D0] =	vst v2  }
0x419: {  	[tilespmem:s23+$0x9060] =	vst v2  }
0x41a: {  	[tilespmem:s23+$0x90E0] =	vst v2  }
0x41b: {  	[tilespmem:s23+$0x9070] =	vst v2  }
0x41c: {  	[tilespmem:s23+$0x90F0] =	vst v2  }
0x41d: {  	v16 =	vld.idx.msk [tilespmem:v56+s18+$0x0], $0xffff  }
0x41e: {  	v5 =	vmul.f32 $1.442695020e+00, v5;
	_ =	sdelay $0x1  }
0x41f: {  	(erf) = vpow2.f32 v5;
	_ =	sdelay $0x1  }
0x420: {  	v5 =	vshll.u32 v57, $0x7;
	v16 =	vshll.u32 v16, $0x3  }
0x421: {  	v5 =	vadd.s32 v3, v5;
	v16 =	vand.u32 $0x78, v16  }
0x422: {  	v5 =	vor.u32 v5, v16  }
0x423: {  	v16 =	vor.u32 v52, v5;
	_ =	sdelay $0x1  }
0x424: {  	s16 =	sadd.s32 $0x200, s4;
	s20 =	sadd.s32 $0x100, s20  }
0x425: {  	s19 =	sadd.s32 $0xFFFFFF80, s20;
	s16 =	sand.u32 $0x3800, s16  }
0x426: {  	s19 =	sand.u32 $0x300, s19;
	s16 =	sadd.s32 $0x5680, s16;
	v5 =	vpop (erf)  }
0x427: {  	s19 =	sadd.s32 s19, s16;
	[tilespmem:v16+s28+$0x0] =	vst.idx.msk $0xffff, v5  }
0x428: {  	v16 =	vld [tilespmem:s19+$0x0];
	_ =	sdelay $0x1  }
0x429: {  	v0 =	vimm.s32 $0x0  }
0x42a: {  	v51 =	vperm.xlane v5, v0;
	_ =	sdelay $0x1  }
0x42b: {  	v16 =	vmul.f32 v16, v51;
	_ =	sdelay $0x1  }
0x42c: {  	[tilespmem:s23+$0x7C00] =	vst v16  }
0x42d: {  	v16 =	vld [tilespmem:s19+$0x10];
	_ =	sdelay $0x2  }
0x42e: {  	v54 =	vperm.xlane v5, v39;
	_ =	sdelay $0x1  }
0x42f: {  	v16 =	vmul.f32 v16, v54;
	_ =	sdelay $0x1  }
0x430: {  	v56 =	vld [tilespmem:s2+$0x20];
	[tilespmem:s23+$0x7C10] =	vst v16  }
0x431: {  	v16 =	vld [tilespmem:s19+$0x20]  }
0x432: {  	v0 =	vimm.s32 $0x2  }
0x433: {  	v57 =	vperm.xlane v55, v0  }
0x434: {  	v58 =	vperm.xlane v5, v0  }
0x435: {  	v24 =	vmul.f32 v56, v57  }
0x436: {  	v16 =	vmul.f32 v16, v58  }
0x437: {  	[tilespmem:s13+$0x7C20] =	vst v24  }
0x438: {  	v24 =	vld [tilespmem:s2+$0x30];
	[tilespmem:s23+$0x7C20] =	vst v16  }
0x439: {  	v16 =	vld [tilespmem:s19+$0x30];
	_ =	sdelay $0x1  }
0x43a: {  	v59 =	vperm.xlane v55, v49  }
0x43b: {  	v60 =	vperm.xlane v5, v49  }
0x43c: {  	v24 =	vmul.f32 v24, v59  }
0x43d: {  	v16 =	vmul.f32 v16, v60  }
0x43e: {  	[tilespmem:s13+$0x7C30] =	vst v24  }
0x43f: {  	v24 =	vld [tilespmem:s2+$0x40];
	[tilespmem:s23+$0x7C30] =	vst v16  }
0x440: {  	v16 =	vld [tilespmem:s19+$0x40]  }
0x441: {  	v0 =	vimm.s32 $0x4  }
0x442: {  	v61 =	vperm.xlane v55, v0  }
0x443: {  	v62 =	vperm.xlane v5, v0  }
0x444: {  	v24 =	vmul.f32 v24, v61  }
0x445: {  	v16 =	vmul.f32 v16, v62  }
0x446: {  	[tilespmem:s13+$0x7C40] =	vst v24  }
0x447: {  	v24 =	vld [tilespmem:s2+$0x50];
	[tilespmem:s23+$0x7C40] =	vst v16  }
0x448: {  	v16 =	vld [tilespmem:s19+$0x50]  }
0x449: {  	v0 =	vimm.s32 $0x5  }
0x44a: {  	v63 =	vperm.xlane v55, v0  }
0x44b: {  	v32 =	vperm.xlane v5, v0  }
0x44c: {  	v24 =	vmul.f32 v24, v63  }
0x44d: {  	v16 =	vmul.f32 v16, v32  }
0x44e: {  	[tilespmem:s13+$0x7C50] =	vst v24  }
0x44f: {  	v24 =	vld [tilespmem:s2+$0x60];
	[tilespmem:s23+$0x7C50] =	vst v16  }
0x450: {  	v16 =	vld [tilespmem:s19+$0x60]  }
0x451: {  	v0 =	vimm.s32 $0x6  }
0x452: {  	v33 =	vperm.xlane v55, v0  }
0x453: {  	v34 =	vperm.xlane v5, v0  }
0x454: {  	v24 =	vmul.f32 v24, v33  }
0x455: {  	v16 =	vmul.f32 v16, v34  }
0x456: {  	[tilespmem:s13+$0x7C60] =	vst v24  }
0x457: {  	v24 =	vld [tilespmem:s2+$0x70];
	[tilespmem:s23+$0x7C60] =	vst v16  }
0x458: {  	v16 =	vld [tilespmem:s19+$0x70]  }
0x459: {  	v0 =	vimm.s32 $0x7  }
0x45a: {  	v35 =	vperm.xlane v55, v0  }
0x45b: {  	v36 =	vperm.xlane v5, v0  }
0x45c: {  	v24 =	vmul.f32 v24, v35  }
0x45d: {  	s0 =	sand.u32 $0x380, s0;
	v16 =	vmul.f32 v16, v36  }
0x45e: {  	s0 =	sadd.s32 s0, s31;
	s21 =	sand.u32 $0x380, s20;
	[tilespmem:s13+$0x7C70] =	vst v24  }
0x45f: {  	s2 =	sadd.s32 s21, s16;
	v24 =	vld [tilespmem:s0+$0x0];
	[tilespmem:s23+$0x7C70] =	vst v16  }
0x460: {  	v16 =	vld [tilespmem:s2+$0x0];
	_ =	sdelay $0x1  }
0x461: {  	v37 =	vperm.xlane v55, v50  }
0x462: {  	v38 =	vperm.xlane v5, v50  }
0x463: {  	v24 =	vmul.f32 v24, v37  }
0x464: {  	v16 =	vmul.f32 v16, v38  }
0x465: {  	[tilespmem:s13+$0x7C80] =	vst v24  }
0x466: {  	v24 =	vld [tilespmem:s0+$0x10];
	[tilespmem:s23+$0x7C80] =	vst v16  }
0x467: {  	v16 =	vld [tilespmem:s2+$0x10];
	_ =	sdelay $0x1  }
0x468: {  	v40 =	vperm.xlane v55, v42  }
0x469: {  	v4 =	vmul.f32 v4, v7;
	v7 =	vperm.xlane v5, v42  }
0x46a: {  	v24 =	vmul.f32 v24, v40  }
0x46b: {  	[tilespmem:s12+$0x7C90] =	vst v4;
	v4 =	vmul.f32 v16, v7  }
0x46c: {  	[tilespmem:s13+$0x7C90] =	vst v24;
	v7 =	vld [tilespmem:s14+$0x20]  }
0x46d: {  	v16 =	vld [tilespmem:s0+$0x20];
	[tilespmem:s23+$0x7C90] =	vst v4  }
0x46e: {  	v0 =	vimm.s32 $0xA;
	v4 =	vld [tilespmem:s2+$0x20]  }
0x46f: {  	v41 =	vperm.xlane v53, v0  }
0x470: {  	v43 =	vperm.xlane v55, v0  }
0x471: {  	v44 =	vperm.xlane v5, v0;
	v7 =	vmul.f32 v7, v41  }
0x472: {  	v16 =	vmul.f32 v16, v43  }
0x473: {  	[tilespmem:s12+$0x7CA0] =	vst v7;
	v4 =	vmul.f32 v4, v44  }
0x474: {  	[tilespmem:s13+$0x7CA0] =	vst v16;
	v7 =	vld [tilespmem:s14+$0x30]  }
0x475: {  	v16 =	vld [tilespmem:s0+$0x30];
	[tilespmem:s23+$0x7CA0] =	vst v4  }
0x476: {  	v0 =	vimm.s32 $0xB;
	v4 =	vld [tilespmem:s2+$0x30]  }
0x477: {  	v45 =	vperm.xlane v53, v0  }
0x478: {  	v46 =	vperm.xlane v55, v0  }
0x479: {  	v47 =	vperm.xlane v5, v0;
	v7 =	vmul.f32 v7, v45  }
0x47a: {  	v16 =	vmul.f32 v16, v46  }
0x47b: {  	[tilespmem:s12+$0x7CB0] =	vst v7;
	v4 =	vmul.f32 v4, v47  }
0x47c: {  	[tilespmem:s13+$0x7CB0] =	vst v16;
	v7 =	vld [tilespmem:s14+$0x40]  }
0x47d: {  	v16 =	vld [tilespmem:s0+$0x40];
	[tilespmem:s23+$0x7CB0] =	vst v4  }
0x47e: {  	v0 =	vimm.s32 $0xC;
	v4 =	vld [tilespmem:s2+$0x40]  }
0x47f: {  	v48 =	vperm.xlane v53, v0  }
0x480: {  	v51 =	vperm.xlane v55, v0  }
0x481: {  	v54 =	vperm.xlane v5, v0;
	v7 =	vmul.f32 v7, v48  }
0x482: {  	v16 =	vmul.f32 v16, v51  }
0x483: {  	[tilespmem:s12+$0x7CC0] =	vst v7;
	v4 =	vmul.f32 v4, v54  }
0x484: {  	[tilespmem:s13+$0x7CC0] =	vst v16;
	v7 =	vld [tilespmem:s14+$0x50]  }
0x485: {  	v16 =	vld [tilespmem:s0+$0x50];
	[tilespmem:s23+$0x7CC0] =	vst v4  }
0x486: {  	v0 =	vimm.s32 $0xD;
	v4 =	vld [tilespmem:s2+$0x50]  }
0x487: {  	v56 =	vperm.xlane v53, v0  }
0x488: {  	v57 =	vperm.xlane v55, v0  }
0x489: {  	v58 =	vperm.xlane v5, v0;
	v7 =	vmul.f32 v7, v56  }
0x48a: {  	v16 =	vmul.f32 v16, v57  }
0x48b: {  	[tilespmem:s12+$0x7CD0] =	vst v7;
	v4 =	vmul.f32 v4, v58  }
0x48c: {  	[tilespmem:s13+$0x7CD0] =	vst v16;
	v7 =	vld [tilespmem:s14+$0x60]  }
0x48d: {  	v16 =	vld [tilespmem:s0+$0x60];
	[tilespmem:s23+$0x7CD0] =	vst v4  }
0x48e: {  	v0 =	vimm.s32 $0xE;
	v4 =	vld [tilespmem:s2+$0x60]  }
0x48f: {  	v59 =	vperm.xlane v53, v0  }
0x490: {  	v60 =	vperm.xlane v55, v0  }
0x491: {  	v61 =	vperm.xlane v5, v0;
	v7 =	vmul.f32 v7, v59  }
0x492: {  	v16 =	vmul.f32 v16, v60  }
0x493: {  	[tilespmem:s12+$0x7CE0] =	vst v7;
	v4 =	vmul.f32 v4, v61  }
0x494: {  	[tilespmem:s13+$0x7CE0] =	vst v16;
	v7 =	vld [tilespmem:s14+$0x70]  }
0x495: {  	v16 =	vld [tilespmem:s0+$0x70];
	[tilespmem:s23+$0x7CE0] =	vst v4  }
0x496: {  	v0 =	vimm.s32 $0xF;
	v4 =	vld [tilespmem:s2+$0x70]  }
0x497: {  	v62 =	vperm.xlane v53, v0  }
0x498: {  	v63 =	vperm.xlane v55, v0  }
0x499: {  	v5 =	vperm.xlane v5, v0;
	v7 =	vmul.f32 v7, v62  }
0x49a: {  	v16 =	vmul.f32 v16, v63  }
0x49b: {  	[tilespmem:s12+$0x7CF0] =	vst v7;
	v4 =	vmul.f32 v4, v5  }
0x49c: {  	[tilespmem:s13+$0x7CF0] =	vst v16  }
0x49d: {  	[tilespmem:s23+$0x7CF0] =	vst v4  }
0x49e: {  	v6 =	vmov v3;
	v3 =	vld [tilespmem:$0x1FF80]  }
0x49f: {  	v8 =	vld [tilespmem:$0x1FF90]  }
0x4a0: {  	v11 =	vld [tilespmem:$0x1FF50]  }
0x4a1: {  	v12 =	vld [tilespmem:$0x1FF60]  }
0x4a2: {  	v13 =	vld [tilespmem:$0x1FF70]  }
0x4a3: {  	s29 =	sadd.s32 $0x1, s29;
	v15 =	vld [tilespmem:$0x1FF10]  }
0x4a4: {  	p0 =	sne.s32 s29, $0x7D;
	v17 =	vld [tilespmem:$0x1FF20]  }
.Ltmp3:
0x4a5: {  	s22 =	rddreg [dreg:$0x12];
	v18 =	vld [tilespmem:$0x1FF30];
	(pc) =	sbr.rel @p0 .LBB2_4-.Ltmp3, $4  }
0x4a6: {  	v29 =	vimm.s32 $0x0;
	v30 =	vimm.s32 $0x2;
	s23 =	simm.s32 $0x7A80;
	v19 =	vld [tilespmem:$0x1FF40];
	s0 =	sadd.s32 s11, s22  }
0x4a7: {  	v31 =	vimm.s32 $0x4;
	v33 =	vimm.s32 $0xB;
	v32 =	vimm.s32 $0xA;
	v20 =	vld [tilespmem:$0x1FEE0];
	[hbm4b:s0+s5] =	stream.linear.scatter [tilespmem:s23], [sflag:$0x5], $0x140, $0x38  }
0x4a8: {  	s31 =	rddreg [dreg:$0x3];
	v37 =	vimm.s32 $0x5;
	v34 =	vimm.s32 $0xC;
	v40 =	vimm.s32 $0x6;
	v21 =	vld [tilespmem:$0x1FEF0]  }
0x4a9: {  	v41 =	vimm.s32 $0xD;
	v43 =	vimm.s32 $0xE;
	v44 =	vimm.s32 $0x7;
	v45 =	vmovc v52;
	v22 =	vld [tilespmem:$0x1FF00];
	[spmem:s31] =	stream.indirect.scatter.add.f32 [tilespmem:s28], [sflag:$0x6], $0x80, s18, s24, $0xb8  }
0x4aa: {  	_ =	swait.ge [sflag:s25], $0x140  }
0x4ab: {  	[sflag:s25] =	ssyncset.done $0x0  }
0x4ac: {  	[sflag:s25] =	ssyncadd.s32 $0xFFFFFEC0  }
0x4ad: {  	_ =	swait.ge [sflag:s26], $0x2800  }
0x4ae: {  	[sflag:s26] =	ssyncset.done $0x0  }
0x4af: {  	[sflag:s26] =	ssyncadd.s32 $0xFFFFD800  }
0x4b0: {  	s0 =	stileid.u32;
	[bflag:$0x0] =	sbarrier.arrive $0xFFFF  }
0x4b1: {  	s13 =	simm.s32 $0x7;
	s0 =	sshll.u32 s0, $0x6;
	s12 =	rddreg [dreg:$0x5]  }
0x4b2: {  	s0 =	sor.u32 $0x1C07, s0;
	s4 =	rddreg [dreg:$0x15];
	s2 =	sshrl.u32 s12, $0x3  }
0x4b3: {  	[hbm:s4], [sflag:s0] =	dma.local [spmem:s2], $0x2A80  }
0x4b4: {  	_ =	swait.ge [sflag:s13], $0x2A80  }
0x4b5: {  	s29 =	rddreg [dreg:$0x18]  }
0x4b6: {  	s31 =	rddreg [dreg:$0x16];
	s2 =	sadd.s32 $0x1, s29  }
0x4b7: {  	p0 =	sne.s32 s2, s31  }
.Ltmp4:
0x4b8: {  	_ = 	snop;
	(pc) =	sbr.rel @p0 .LBB2_1-.Ltmp4, $3  }
0x4b9: {  	_ =	sdelay $0x1  }
0x4ba: {  	[sflag:s13] =	ssyncset.done $0x0  }
0x4bb: {  	[sflag:s13] =	ssyncadd.s32 $0xFFFFD580  }
0x4bc: {  	_ =	sfence.sel $0x180000  }
0x4bd: {  	[bflag:$0x0] =	sbarrier.arrive $0xFFFF  }
0x4be: {  	_ =	strace $0x90000047  }
0x4bf: {  	s0 =	stileid.u32;
	[bflag:$0x2] =	sbarrier.arrive $0xFFFF  }
0x4c0: {  	p0 =	sne.s32 s0, $0x0;
	s0 =	rddreg [dreg:$0x4]  }
0x4c1: {  	s0 =	sadd.s32 @!p0 $0x100000, s0  }
0x4c2: {  	[sflag:s0] =	ssyncadd.tile.s32 @!p0 $0x1;
	_ =	shalt  }
.Lfunc_end2:
_tile_overlayer_lowered:
.L_overlay_start_2:
0x4c3: {  	(tag) =	ssettag $0x2  }
0x4c4: {  	s0 =	rddreg [dreg:$0x0];
	s2 =	stileid.u32  }
0x4c5: {  	s1 =	rddreg [dreg:$0x1];
	p0 =	sne.s32 s2, $0x0  }
0x4c6: {  	s3 =	rddreg [dreg:$0x2];
	[bflag:$0x3] =	sbarrier.arrive $0xFFFF;
	s2 =	simm.s32 @!p0 $0x1C07  }
0x4c7: {  	[timem:s3], [sflag:s2] =	dma.local @!p0 [hbm:s0], s1  }
0x4c8: {  	s0 =	simm.s32 @!p0 $0x7  }
0x4c9: {  	_ =	swait.ge @!p0 [sflag:s0], s1  }
0x4ca: {  	s1 =	ssub.s32 @!p0 $0x0, s1;
	[sflag:s0] =	ssyncset.done @!p0 $0x0  }
0x4cb: {  	[sflag:s0] =	ssyncadd.s32 @!p0 s1  }
0x4cc: {  	[bflag:$0x3] =	sbarrier.arrive $0xFFFF  }
0x4cd: {  	_ =	shalt  }

</sc_bundles>
